<compile_context>
chip_gen: v7x
topology: tpu7x:2x2x1
jax: 0.10.2.dev20260603
libtpu: 0.0.44.dev20260713+nightly
codegen_flags: <defaults>
</compile_context>

<pallas_src>
import jax
import jax.numpy as jnp
from jax import lax
from jax.experimental import pallas as pl
from jax.experimental.pallas import tpu as pltpu
from jax.experimental.pallas import tpu_sc as plsc

_TOTAL = 1_000_000
_HIDDEN = 64
_WINDOW = 128
_BATCH = 4096
_L = 16
_NC, _NS = 2, 16
_NW = _NC * _NS
_BPW = _BATCH // _NW
_NBUF = 4
_NGRP = _BPW // _NBUF
_FETCH = 2 * _WINDOW
_WBUF = _FETCH + _L
_NCHUNK = 9
_TAILW = 2 * _WINDOW
_TAILBASE = _TOTAL - _TAILW
_MAINMAX = ((_TOTAL - _FETCH) // _WINDOW) * _WINDOW


def _sc_body(mu_hbm, sigma_hbm, table_hbm, tail_hbm, out_hbm, start_hbm,
             mu_v, sig_v, start_v, sal_v, center_v, nd_v, t_v, res_v,
             win0, win1, win2, win3, sem0, sem1, sem2, sem3):
    wins = [win0, win1, win2, win3]
    sems = [sem0, sem1, sem2, sem3]

    wid = lax.axis_index("s") * _NC + lax.axis_index("c")
    base = wid * _BPW

    pltpu.sync_copy(mu_hbm.at[pl.ds(base, _BPW)], mu_v)
    pltpu.sync_copy(sigma_hbm.at[pl.ds(base, _BPW)], sig_v)

    iota_i = lax.iota(jnp.int32, _L)
    zeros = jnp.zeros((_L,), jnp.float32)

    for c in range(_BPW // _L):
        sl = pl.ds(c * _L, _L)
        m = mu_v[sl]
        center = m * jnp.float32(_TOTAL - 1)
        sf = jnp.clip(center - jnp.float32(_WINDOW // 2),
                      jnp.float32(0.0), jnp.float32(_TOTAL - _WINDOW))
        si = sf.astype(jnp.int32)
        start_v[sl] = si
        salm = si & jnp.int32(~127)
        sal = jnp.where(salm > jnp.int32(_MAINMAX), jnp.int32(_TAILBASE), salm)
        sal_v[sl] = sal
        center_v[sl] = center
        sgp = sig_v[sl] + jnp.float32(1e-6)
        nd_v[sl] = jnp.float32(-0.5) / (sgp * sgp)

    pltpu.sync_copy(start_v.at[pl.ds(0, _BPW)], start_hbm.at[pl.ds(base, _BPW)])

    def issue(b, r):
        sal = sal_v[pl.ds(b, _L)][0]
        is_tail = sal == jnp.int32(_TAILBASE)

        @pl.when(jnp.logical_not(is_tail))
        def _():
            s_al = pl.multiple_of(sal, 128)
            pltpu.async_copy(table_hbm.at[:, pl.ds(s_al, _FETCH)],
                             wins[r].at[:, pl.ds(0, _FETCH)], sems[r])

        @pl.when(is_tail)
        def _():
            pltpu.async_copy(tail_hbm, wins[r].at[:, pl.ds(0, _FETCH)],
                             sems[r])

    for r in range(_NBUF):
        issue(r, r)

    for w in wins:
        for d in range(_HIDDEN):
            w[d, pl.ds(_WBUF - _L, _L)] = zeros

    def do_window(b, r):
        pltpu.make_async_copy(tail_hbm, wins[r].at[:, pl.ds(0, _FETCH)],
                              sems[r]).wait()
        sal = sal_v[pl.ds(b, _L)][0]
        si = start_v[pl.ds(b, _L)][0]
        ce = center_v[pl.ds(b, _L)][0]
        nd = nd_v[pl.ds(b, _L)][0]
        coff = (si - sal) & jnp.int32(~15)

        pb_b = jnp.broadcast_to(sal + coff, (_L,))

        ws = []
        ssum = None
        for c in range(_NCHUNK):
            pi = pb_b + (iota_i + jnp.int32(c * _L))
            d = pi.astype(jnp.float32) - ce
            w = jnp.exp(d * d * nd)
            if c == _NCHUNK - 1:
                w = jnp.where(pi < jnp.broadcast_to(si + jnp.int32(_WINDOW),
                                                    (_L,)),
                              w, jnp.float32(0.0))
            ws.append(w)
            ssum = w if ssum is None else ssum + w
        wsum = jnp.sum(ssum)
        rv = jnp.float32(1.0) / (jnp.broadcast_to(wsum, (_L,)) +
                                 jnp.float32(1e-6))

        win = wins[r]

        @plsc.parallel_loop(0, _HIDDEN, unroll=4)
        def _(d):
            p = [ws[c] * win[d, pl.ds(coff + c * _L, _L)]
                 for c in range(_NCHUNK)]
            t = ((((p[0] + p[1]) + (p[2] + p[3])) +
                  ((p[4] + p[5]) + (p[6] + p[7]))) + p[8])
            t_v[d, :] = t

        @plsc.parallel_loop(0, _HIDDEN // _L, unroll=4)
        def _(k):
            rows = iota_i + k * _L
            g = [plsc.load_gather(t_v,
                                  [rows, jnp.broadcast_to(jnp.int32(l), (_L,))])
                 for l in range(_L)]
            s0 = (g[0] + g[1]) + (g[2] + g[3])
            s1 = (g[4] + g[5]) + (g[6] + g[7])
            s2 = (g[8] + g[9]) + (g[10] + g[11])
            s3 = (g[12] + g[13]) + (g[14] + g[15])
            acc = (s0 + s1) + (s2 + s3)
            res_v[b, pl.ds(k * _L, _L)] = acc * rv

    def group(g, carry):
        for r in range(_NBUF):
            b = g * _NBUF + r
            do_window(b, r)

            @pl.when(g < _NGRP - 1)
            def _():
                issue(b + _NBUF, r)

        return carry

    lax.fori_loop(0, _NGRP, group, 0)

    pltpu.sync_copy(res_v, out_hbm.at[pl.ds(base, _BPW)])


@jax.jit
def _run(mu, sigma, params_t, tail):
    mesh = plsc.VectorSubcoreMesh(core_axis_name="c", subcore_axis_name="s",
                                  num_cores=_NC, num_subcores=_NS)
    f = pl.kernel(
        _sc_body,
        out_type=(
            jax.ShapeDtypeStruct((_BATCH, _HIDDEN), jnp.float32),
            jax.ShapeDtypeStruct((_BATCH,), jnp.int32),
        ),
        mesh=mesh,
        compiler_params=pltpu.CompilerParams(needs_layout_passes=False),
        scratch_types=[
            pltpu.VMEM((_BPW,), jnp.float32),
            pltpu.VMEM((_BPW,), jnp.float32),
            pltpu.VMEM((_BPW + _L,), jnp.int32),
            pltpu.VMEM((_BPW + _L,), jnp.int32),
            pltpu.VMEM((_BPW + _L,), jnp.float32),
            pltpu.VMEM((_BPW + _L,), jnp.float32),
            pltpu.VMEM((_HIDDEN, _L), jnp.float32),
            pltpu.VMEM((_BPW, _HIDDEN), jnp.float32),
            pltpu.VMEM((_HIDDEN, _WBUF), jnp.float32),
            pltpu.VMEM((_HIDDEN, _WBUF), jnp.float32),
            pltpu.VMEM((_HIDDEN, _WBUF), jnp.float32),
            pltpu.VMEM((_HIDDEN, _WBUF), jnp.float32),
            pltpu.SemaphoreType.DMA,
            pltpu.SemaphoreType.DMA,
            pltpu.SemaphoreType.DMA,
            pltpu.SemaphoreType.DMA,
        ],
    )
    return f(mu, sigma, params_t, tail)


def kernel(mu, sigma, params_storage):
    pt = params_storage.T
    tail = lax.slice(pt, (0, _TAILBASE), (_HIDDEN, _TOTAL))
    return _run(mu, sigma, pt, tail)

# --- scband reference (transcript-rebuilt; emitter-appended) ---
"""Pipeline reference for scband-coordinate-massive-pool-17600775979583 (READ-ONLY COPY).

The authoritative reference and input builder live on the scoring server;
editing this copy changes nothing except your own understanding.
"""

import jax, jax.numpy as jnp
import numpy as np

TOTAL = 1000000
HIDDEN = 64
WINDOW = 128
BATCH = 4096


def setup_inputs(seed: int = 0) -> dict:
    key = jax.random.key(seed)
    k1, k2, k3 = jax.random.split(key, 3)
    mu = jax.random.uniform(k1, (BATCH,), dtype=jnp.float32)
    sigma = jax.random.uniform(k2, (BATCH,), dtype=jnp.float32)
    # learned parameter: nn.initializers.normal() default stddev = 0.01
    params_storage = jax.random.normal(k3, (TOTAL, HIDDEN), dtype=jnp.float32) * 0.01
    return {"mu": mu, "sigma": sigma, "params_storage": params_storage}


def reference(mu, sigma, params_storage):
    Total, D = params_storage.shape
    W = WINDOW
    center_idx = mu * (Total - 1)
    start_indices = jnp.clip(center_idx - W // 2, 0, Total - W).astype(jnp.int32)

    def slice_fn(start):
        return jax.lax.dynamic_slice(params_storage, (start, jnp.zeros((), start.dtype)), (W, D))

    selected = jax.vmap(slice_fn)(start_indices)
    relative_indices = jnp.arange(W)[None, :] + start_indices[:, None]
    distances = relative_indices - center_idx[:, None]
    weights = jnp.exp(-distances ** 2 / (2 * (sigma[:, None] + 1e-06) ** 2))
    weights = weights / (jnp.sum(weights, axis=-1, keepdims=True) + 1e-06)
    aggregated = jnp.einsum('bw,bwd->bd', weights, selected)
    return (aggregated, start_indices)

if __name__ == "__main__":
    import jax
    _d = setup_inputs()
    print(jax.jit(kernel)(*tuple(_d.values())))

</pallas_src>

<mosaic_0001>
#map = affine_map<(d0, d1) -> (0)>
#map1 = affine_map<(d0, d1) -> (0, 0)>
module attributes {stable_mosaic.version = 14 : i64} {
  func.func @_sc_body(%arg0: i32, %arg1: i32, %arg2: memref<4096xf32, #tpu.memory_space<hbm>>, %arg3: memref<4096xf32, #tpu.memory_space<hbm>>, %arg4: memref<64x1000000xf32, #tpu.memory_space<hbm>>, %arg5: memref<64x256xf32, #tpu.memory_space<hbm>>, %arg6: memref<4096x64xf32, #tpu.memory_space<hbm>>, %arg7: memref<4096xi32, #tpu.memory_space<hbm>>, %arg8: memref<128xf32, #tpu.memory_space<vmem>>, %arg9: memref<128xf32, #tpu.memory_space<vmem>>, %arg10: memref<144xi32, #tpu.memory_space<vmem>>, %arg11: memref<144xi32, #tpu.memory_space<vmem>>, %arg12: memref<144xf32, #tpu.memory_space<vmem>>, %arg13: memref<144xf32, #tpu.memory_space<vmem>>, %arg14: memref<64x16xf32, #tpu.memory_space<vmem>>, %arg15: memref<128x64xf32, #tpu.memory_space<vmem>>, %arg16: memref<64x272xf32, #tpu.memory_space<vmem>>, %arg17: memref<64x272xf32, #tpu.memory_space<vmem>>, %arg18: memref<64x272xf32, #tpu.memory_space<vmem>>, %arg19: memref<64x272xf32, #tpu.memory_space<vmem>>, %arg20: memref<!tpu.dma_semaphore, #tpu.memory_space<semaphore_mem>>, %arg21: memref<!tpu.dma_semaphore, #tpu.memory_space<semaphore_mem>>, %arg22: memref<!tpu.dma_semaphore, #tpu.memory_space<semaphore_mem>>, %arg23: memref<!tpu.dma_semaphore, #tpu.memory_space<semaphore_mem>>) attributes {dimension_semantics = [#tpu.dimension_semantics<core_parallel>, #tpu.dimension_semantics<subcore_parallel>], iteration_bounds = array<i64: 2, 16>, scalar_prefetch = 0 : i64, scratch_operands = 16 : i64, tpu.core_type = #tpu.core_type<sc_vector_subcore>, window_params = [{transform_indices = #map}, {transform_indices = #map}, {transform_indices = #map1}, {transform_indices = #map1}, {transform_indices = #map1}, {transform_indices = #map}]} {
    %mul3A = arith.constant 2 : i32
    %mul3A_0 = arith.muli %arg1, %mul3A : i32
    %add3A = arith.addi %mul3A_0, %arg0 : i32
    %mul3A_1 = arith.constant 128 : i32
    %mul3A_2 = arith.muli %add3A, %mul3A_1 : i32
    "tpu.region"() ({
      %run_scoped3A = tpu.sem_alloc : memref<!tpu.dma_semaphore, #tpu.memory_space<semaphore_mem>>
      %dma_start3A = tpu.memref_slice %arg2[%mul3A_2] : memref<4096xf32, #tpu.memory_space<hbm>> -> memref<128xf32, #tpu.memory_space<hbm>>
      %dma_start3A_1401 = tpu.memref_slice %arg2[%mul3A_2] : memref<4096xf32, #tpu.memory_space<hbm>> -> memref<128xf32, #tpu.memory_space<hbm>>
      tpu.enqueue_dma source(%dma_start3A_1401 : memref<128xf32, #tpu.memory_space<hbm>>) target(%arg8 : memref<128xf32, #tpu.memory_space<vmem>>) target_semaphore(%run_scoped3A : memref<!tpu.dma_semaphore, #tpu.memory_space<semaphore_mem>>)
      %dma_wait3A = tpu.memref_slice %arg2[%mul3A_2] : memref<4096xf32, #tpu.memory_space<hbm>> -> memref<128xf32, #tpu.memory_space<hbm>>
      %dma_wait3A_1402 = tpu.memref_slice %arg2[%mul3A_2] : memref<4096xf32, #tpu.memory_space<hbm>> -> memref<128xf32, #tpu.memory_space<hbm>>
      tpu.wait_dma2 semaphore(%run_scoped3A : memref<!tpu.dma_semaphore, #tpu.memory_space<semaphore_mem>>) src(%dma_wait3A_1402 : memref<128xf32, #tpu.memory_space<hbm>>) dst(%arg8 : memref<128xf32, #tpu.memory_space<vmem>>)
      tpu.yield
    }) : () -> ()
    "tpu.region"() ({
      %run_scoped3A = tpu.sem_alloc : memref<!tpu.dma_semaphore, #tpu.memory_space<semaphore_mem>>
      %dma_start3A = tpu.memref_slice %arg3[%mul3A_2] : memref<4096xf32, #tpu.memory_space<hbm>> -> memref<128xf32, #tpu.memory_space<hbm>>
      %dma_start3A_1401 = tpu.memref_slice %arg3[%mul3A_2] : memref<4096xf32, #tpu.memory_space<hbm>> -> memref<128xf32, #tpu.memory_space<hbm>>
      tpu.enqueue_dma source(%dma_start3A_1401 : memref<128xf32, #tpu.memory_space<hbm>>) target(%arg9 : memref<128xf32, #tpu.memory_space<vmem>>) target_semaphore(%run_scoped3A : memref<!tpu.dma_semaphore, #tpu.memory_space<semaphore_mem>>)
      %dma_wait3A = tpu.memref_slice %arg3[%mul3A_2] : memref<4096xf32, #tpu.memory_space<hbm>> -> memref<128xf32, #tpu.memory_space<hbm>>
      %dma_wait3A_1402 = tpu.memref_slice %arg3[%mul3A_2] : memref<4096xf32, #tpu.memory_space<hbm>> -> memref<128xf32, #tpu.memory_space<hbm>>
      tpu.wait_dma2 semaphore(%run_scoped3A : memref<!tpu.dma_semaphore, #tpu.memory_space<semaphore_mem>>) src(%dma_wait3A_1402 : memref<128xf32, #tpu.memory_space<hbm>>) dst(%arg9 : memref<128xf32, #tpu.memory_space<vmem>>)
      tpu.yield
    }) : () -> ()
    %iota3A = tpu.iota {dimensions = array<i32: 0>} : vector<16xi32>
    %broadcast_in_dim3A = arith.constant 0.000000e+00 : f32
    %broadcast_in_dim3A_3 = vector.broadcast %broadcast_in_dim3A : f32 to vector<16xf32>
    %get3A = arith.constant 0 : index
    %get3A_4 = tpu.vector_load %arg8[%get3A] {strides = array<i32>} : memref<128xf32, #tpu.memory_space<vmem>>, vector<16xf32>,
    %mul3A_5 = arith.constant 9.999990e+05 : f32
    %mul3A_6 = vector.broadcast %mul3A_5 : f32 to vector<16xf32>
    %mul3A_7 = arith.mulf %get3A_4, %mul3A_6 : vector<16xf32>
    %sub3A = arith.constant 6.400000e+01 : f32
    %sub3A_8 = vector.broadcast %sub3A : f32 to vector<16xf32>
    %sub3A_9 = arith.subf %mul3A_7, %sub3A_8 : vector<16xf32>
    %jit3A = arith.constant 0.000000e+00 : f32
    %jit3A_10 = arith.constant 9.998720e+05 : f32
    %max3A = vector.broadcast %jit3A : f32 to vector<16xf32>
    %max3A_11 = arith.maximumf %max3A, %sub3A_9 : vector<16xf32>
    %min3A = vector.broadcast %jit3A_10 : f32 to vector<16xf32>
    %min3A_12 = arith.minimumf %min3A, %max3A_11 : vector<16xf32>
    %convert_element_type3A = arith.fptosi %min3A_12 : vector<16xf32> to vector<16xi32>
    %swap3A = arith.constant 0 : index
    %swap3A_13 = tpu.vector_load %arg10[%swap3A] {strides = array<i32>} : memref<144xi32, #tpu.memory_space<vmem>>, vector<16xi32>,
    tpu.vector_store %arg10[%swap3A], %convert_element_type3A {strides = array<i32>} : memref<144xi32, #tpu.memory_space<vmem>>, vector<16xi32>,
    %and3A = arith.constant -128 : i32
    %and3A_14 = vector.broadcast %and3A : i32 to vector<16xi32>
    %and3A_15 = arith.andi %convert_element_type3A, %and3A_14 : vector<16xi32>
    %gt3A = arith.constant 999680 : i32
    %gt3A_16 = vector.broadcast %gt3A : i32 to vector<16xi32>
    %gt3A_17 = arith.cmpi sgt, %and3A_15, %gt3A_16 : vector<16xi32>
    %jit3A_18 = arith.constant 999744 : i32
    %broadcast_in_dim3A_19 = vector.broadcast %jit3A_18 : i32 to vector<16xi32>
    %select_n3A = arith.select %gt3A_17, %broadcast_in_dim3A_19, %and3A_15 : vector<16xi1>, vector<16xi32>
    %swap3A_20 = arith.constant 0 : index
    %swap3A_21 = tpu.vector_load %arg11[%swap3A_20] {strides = array<i32>} : memref<144xi32, #tpu.memory_space<vmem>>, vector<16xi32>,
    tpu.vector_store %arg11[%swap3A_20], %select_n3A {strides = array<i32>} : memref<144xi32, #tpu.memory_space<vmem>>, vector<16xi32>,
    %swap3A_22 = arith.constant 0 : index
    %swap3A_23 = tpu.vector_load %arg12[%swap3A_22] {strides = array<i32>} : memref<144xf32, #tpu.memory_space<vmem>>, vector<16xf32>,
    tpu.vector_store %arg12[%swap3A_22], %mul3A_7 {strides = array<i32>} : memref<144xf32, #tpu.memory_space<vmem>>, vector<16xf32>,
    %get3A_24 = arith.constant 0 : index
    %get3A_25 = tpu.vector_load %arg9[%get3A_24] {strides = array<i32>} : memref<128xf32, #tpu.memory_space<vmem>>, vector<16xf32>,
    %add3A_26 = arith.constant 9.99999997E-7 : f32
    %add3A_27 = vector.broadcast %add3A_26 : f32 to vector<16xf32>
    %add3A_28 = arith.addf %get3A_25, %add3A_27 : vector<16xf32>
    %mul3A_29 = arith.mulf %add3A_28, %add3A_28 : vector<16xf32>
    %div3A = arith.constant -5.000000e-01 : f32
    %div3A_30 = vector.broadcast %div3A : f32 to vector<16xf32>
    %div3A_31 = arith.divf %div3A_30, %mul3A_29 : vector<16xf32>
    %swap3A_32 = arith.constant 0 : index
    %swap3A_33 = tpu.vector_load %arg13[%swap3A_32] {strides = array<i32>} : memref<144xf32, #tpu.memory_space<vmem>>, vector<16xf32>,
    tpu.vector_store %arg13[%swap3A_32], %div3A_31 {strides = array<i32>} : memref<144xf32, #tpu.memory_space<vmem>>, vector<16xf32>,
    %get3A_34 = arith.constant 16 : index
    %get3A_35 = tpu.vector_load %arg8[%get3A_34] {strides = array<i32>} : memref<128xf32, #tpu.memory_space<vmem>>, vector<16xf32>,
    %mul3A_36 = arith.constant 9.999990e+05 : f32
    %mul3A_37 = vector.broadcast %mul3A_36 : f32 to vector<16xf32>
    %mul3A_38 = arith.mulf %get3A_35, %mul3A_37 : vector<16xf32>
    %sub3A_39 = arith.constant 6.400000e+01 : f32
    %sub3A_40 = vector.broadcast %sub3A_39 : f32 to vector<16xf32>
    %sub3A_41 = arith.subf %mul3A_38, %sub3A_40 : vector<16xf32>
    %jit3A_42 = arith.constant 0.000000e+00 : f32
    %jit3A_43 = arith.constant 9.998720e+05 : f32
    %max3A_44 = vector.broadcast %jit3A_42 : f32 to vector<16xf32>
    %max3A_45 = arith.maximumf %max3A_44, %sub3A_41 : vector<16xf32>
    %min3A_46 = vector.broadcast %jit3A_43 : f32 to vector<16xf32>
    %min3A_47 = arith.minimumf %min3A_46, %max3A_45 : vector<16xf32>
    %convert_element_type3A_48 = arith.fptosi %min3A_47 : vector<16xf32> to vector<16xi32>
    %swap3A_49 = arith.constant 16 : index
    %swap3A_50 = tpu.vector_load %arg10[%swap3A_49] {strides = array<i32>} : memref<144xi32, #tpu.memory_space<vmem>>, vector<16xi32>,
    tpu.vector_store %arg10[%swap3A_49], %convert_element_type3A_48 {strides = array<i32>} : memref<144xi32, #tpu.memory_space<vmem>>, vector<16xi32>,
    %and3A_51 = arith.constant -128 : i32
    %and3A_52 = vector.broadcast %and3A_51 : i32 to vector<16xi32>
    %and3A_53 = arith.andi %convert_element_type3A_48, %and3A_52 : vector<16xi32>
    %gt3A_54 = arith.constant 999680 : i32
    %gt3A_55 = vector.broadcast %gt3A_54 : i32 to vector<16xi32>
    %gt3A_56 = arith.cmpi sgt, %and3A_53, %gt3A_55 : vector<16xi32>
    %jit3A_57 = arith.constant 999744 : i32
    %broadcast_in_dim3A_58 = vector.broadcast %jit3A_57 : i32 to vector<16xi32>
    %select_n3A_59 = arith.select %gt3A_56, %broadcast_in_dim3A_58, %and3A_53 : vector<16xi1>, vector<16xi32>
    %swap3A_60 = arith.constant 16 : index
    %swap3A_61 = tpu.vector_load %arg11[%swap3A_60] {strides = array<i32>} : memref<144xi32, #tpu.memory_space<vmem>>, vector<16xi32>,
    tpu.vector_store %arg11[%swap3A_60], %select_n3A_59 {strides = array<i32>} : memref<144xi32, #tpu.memory_space<vmem>>, vector<16xi32>,
    %swap3A_62 = arith.constant 16 : index
    %swap3A_63 = tpu.vector_load %arg12[%swap3A_62] {strides = array<i32>} : memref<144xf32, #tpu.memory_space<vmem>>, vector<16xf32>,
    tpu.vector_store %arg12[%swap3A_62], %mul3A_38 {strides = array<i32>} : memref<144xf32, #tpu.memory_space<vmem>>, vector<16xf32>,
    %get3A_64 = arith.constant 16 : index
    %get3A_65 = tpu.vector_load %arg9[%get3A_64] {strides = array<i32>} : memref<128xf32, #tpu.memory_space<vmem>>, vector<16xf32>,
    %add3A_66 = arith.constant 9.99999997E-7 : f32
    %add3A_67 = vector.broadcast %add3A_66 : f32 to vector<16xf32>
    %add3A_68 = arith.addf %get3A_65, %add3A_67 : vector<16xf32>
    %mul3A_69 = arith.mulf %add3A_68, %add3A_68 : vector<16xf32>
    %div3A_70 = arith.constant -5.000000e-01 : f32
    %div3A_71 = vector.broadcast %div3A_70 : f32 to vector<16xf32>
    %div3A_72 = arith.divf %div3A_71, %mul3A_69 : vector<16xf32>
    %swap3A_73 = arith.constant 16 : index
    %swap3A_74 = tpu.vector_load %arg13[%swap3A_73] {strides = array<i32>} : memref<144xf32, #tpu.memory_space<vmem>>, vector<16xf32>,
    tpu.vector_store %arg13[%swap3A_73], %div3A_72 {strides = array<i32>} : memref<144xf32, #tpu.memory_space<vmem>>, vector<16xf32>,
    %get3A_75 = arith.constant 32 : index
    %get3A_76 = tpu.vector_load %arg8[%get3A_75] {strides = array<i32>} : memref<128xf32, #tpu.memory_space<vmem>>, vector<16xf32>,
    %mul3A_77 = arith.constant 9.999990e+05 : f32
    %mul3A_78 = vector.broadcast %mul3A_77 : f32 to vector<16xf32>
    %mul3A_79 = arith.mulf %get3A_76, %mul3A_78 : vector<16xf32>
    %sub3A_80 = arith.constant 6.400000e+01 : f32
    %sub3A_81 = vector.broadcast %sub3A_80 : f32 to vector<16xf32>
    %sub3A_82 = arith.subf %mul3A_79, %sub3A_81 : vector<16xf32>
    %jit3A_83 = arith.constant 0.000000e+00 : f32
    %jit3A_84 = arith.constant 9.998720e+05 : f32
    %max3A_85 = vector.broadcast %jit3A_83 : f32 to vector<16xf32>
    %max3A_86 = arith.maximumf %max3A_85, %sub3A_82 : vector<16xf32>
    %min3A_87 = vector.broadcast %jit3A_84 : f32 to vector<16xf32>
    %min3A_88 = arith.minimumf %min3A_87, %max3A_86 : vector<16xf32>
    %convert_element_type3A_89 = arith.fptosi %min3A_88 : vector<16xf32> to vector<16xi32>
    %swap3A_90 = arith.constant 32 : index
    %swap3A_91 = tpu.vector_load %arg10[%swap3A_90] {strides = array<i32>} : memref<144xi32, #tpu.memory_space<vmem>>, vector<16xi32>,
    tpu.vector_store %arg10[%swap3A_90], %convert_element_type3A_89 {strides = array<i32>} : memref<144xi32, #tpu.memory_space<vmem>>, vector<16xi32>,
    %and3A_92 = arith.constant -128 : i32
    %and3A_93 = vector.broadcast %and3A_92 : i32 to vector<16xi32>
    %and3A_94 = arith.andi %convert_element_type3A_89, %and3A_93 : vector<16xi32>
    %gt3A_95 = arith.constant 999680 : i32
    %gt3A_96 = vector.broadcast %gt3A_95 : i32 to vector<16xi32>
    %gt3A_97 = arith.cmpi sgt, %and3A_94, %gt3A_96 : vector<16xi32>
    %jit3A_98 = arith.constant 999744 : i32
    %broadcast_in_dim3A_99 = vector.broadcast %jit3A_98 : i32 to vector<16xi32>
    %select_n3A_100 = arith.select %gt3A_97, %broadcast_in_dim3A_99, %and3A_94 : vector<16xi1>, vector<16xi32>
    %swap3A_101 = arith.constant 32 : index
    %swap3A_102 = tpu.vector_load %arg11[%swap3A_101] {strides = array<i32>} : memref<144xi32, #tpu.memory_space<vmem>>, vector<16xi32>,
    tpu.vector_store %arg11[%swap3A_101], %select_n3A_100 {strides = array<i32>} : memref<144xi32, #tpu.memory_space<vmem>>, vector<16xi32>,
    %swap3A_103 = arith.constant 32 : index
    %swap3A_104 = tpu.vector_load %arg12[%swap3A_103] {strides = array<i32>} : memref<144xf32, #tpu.memory_space<vmem>>, vector<16xf32>,
    tpu.vector_store %arg12[%swap3A_103], %mul3A_79 {strides = array<i32>} : memref<144xf32, #tpu.memory_space<vmem>>, vector<16xf32>,
    %get3A_105 = arith.constant 32 : index
    %get3A_106 = tpu.vector_load %arg9[%get3A_105] {strides = array<i32>} : memref<128xf32, #tpu.memory_space<vmem>>, vector<16xf32>,
    %add3A_107 = arith.constant 9.99999997E-7 : f32
    %add3A_108 = vector.broadcast %add3A_107 : f32 to vector<16xf32>
    %add3A_109 = arith.addf %get3A_106, %add3A_108 : vector<16xf32>
    %mul3A_110 = arith.mulf %add3A_109, %add3A_109 : vector<16xf32>
    %div3A_111 = arith.constant -5.000000e-01 : f32
    %div3A_112 = vector.broadcast %div3A_111 : f32 to vector<16xf32>
    %div3A_113 = arith.divf %div3A_112, %mul3A_110 : vector<16xf32>
    %swap3A_114 = arith.constant 32 : index
    %swap3A_115 = tpu.vector_load %arg13[%swap3A_114] {strides = array<i32>} : memref<144xf32, #tpu.memory_space<vmem>>, vector<16xf32>,
    tpu.vector_store %arg13[%swap3A_114], %div3A_113 {strides = array<i32>} : memref<144xf32, #tpu.memory_space<vmem>>, vector<16xf32>,
    %get3A_116 = arith.constant 48 : index
    %get3A_117 = tpu.vector_load %arg8[%get3A_116] {strides = array<i32>} : memref<128xf32, #tpu.memory_space<vmem>>, vector<16xf32>,
    %mul3A_118 = arith.constant 9.999990e+05 : f32
    %mul3A_119 = vector.broadcast %mul3A_118 : f32 to vector<16xf32>
    %mul3A_120 = arith.mulf %get3A_117, %mul3A_119 : vector<16xf32>
    %sub3A_121 = arith.constant 6.400000e+01 : f32
    %sub3A_122 = vector.broadcast %sub3A_121 : f32 to vector<16xf32>
    %sub3A_123 = arith.subf %mul3A_120, %sub3A_122 : vector<16xf32>
    %jit3A_124 = arith.constant 0.000000e+00 : f32
    %jit3A_125 = arith.constant 9.998720e+05 : f32
    %max3A_126 = vector.broadcast %jit3A_124 : f32 to vector<16xf32>
    %max3A_127 = arith.maximumf %max3A_126, %sub3A_123 : vector<16xf32>
    %min3A_128 = vector.broadcast %jit3A_125 : f32 to vector<16xf32>
    %min3A_129 = arith.minimumf %min3A_128, %max3A_127 : vector<16xf32>
    %convert_element_type3A_130 = arith.fptosi %min3A_129 : vector<16xf32> to vector<16xi32>
    %swap3A_131 = arith.constant 48 : index
    %swap3A_132 = tpu.vector_load %arg10[%swap3A_131] {strides = array<i32>} : memref<144xi32, #tpu.memory_space<vmem>>, vector<16xi32>,
    tpu.vector_store %arg10[%swap3A_131], %convert_element_type3A_130 {strides = array<i32>} : memref<144xi32, #tpu.memory_space<vmem>>, vector<16xi32>,
    %and3A_133 = arith.constant -128 : i32
    %and3A_134 = vector.broadcast %and3A_133 : i32 to vector<16xi32>
    %and3A_135 = arith.andi %convert_element_type3A_130, %and3A_134 : vector<16xi32>
    %gt3A_136 = arith.constant 999680 : i32
    %gt3A_137 = vector.broadcast %gt3A_136 : i32 to vector<16xi32>
    %gt3A_138 = arith.cmpi sgt, %and3A_135, %gt3A_137 : vector<16xi32>
    %jit3A_139 = arith.constant 999744 : i32
    %broadcast_in_dim3A_140 = vector.broadcast %jit3A_139 : i32 to vector<16xi32>
    %select_n3A_141 = arith.select %gt3A_138, %broadcast_in_dim3A_140, %and3A_135 : vector<16xi1>, vector<16xi32>
    %swap3A_142 = arith.constant 48 : index
    %swap3A_143 = tpu.vector_load %arg11[%swap3A_142] {strides = array<i32>} : memref<144xi32, #tpu.memory_space<vmem>>, vector<16xi32>,
    tpu.vector_store %arg11[%swap3A_142], %select_n3A_141 {strides = array<i32>} : memref<144xi32, #tpu.memory_space<vmem>>, vector<16xi32>,
    %swap3A_144 = arith.constant 48 : index
    %swap3A_145 = tpu.vector_load %arg12[%swap3A_144] {strides = array<i32>} : memref<144xf32, #tpu.memory_space<vmem>>, vector<16xf32>,
    tpu.vector_store %arg12[%swap3A_144], %mul3A_120 {strides = array<i32>} : memref<144xf32, #tpu.memory_space<vmem>>, vector<16xf32>,
    %get3A_146 = arith.constant 48 : index
    %get3A_147 = tpu.vector_load %arg9[%get3A_146] {strides = array<i32>} : memref<128xf32, #tpu.memory_space<vmem>>, vector<16xf32>,
    %add3A_148 = arith.constant 9.99999997E-7 : f32
    %add3A_149 = vector.broadcast %add3A_148 : f32 to vector<16xf32>
    %add3A_150 = arith.addf %get3A_147, %add3A_149 : vector<16xf32>
    %mul3A_151 = arith.mulf %add3A_150, %add3A_150 : vector<16xf32>
    %div3A_152 = arith.constant -5.000000e-01 : f32
    %div3A_153 = vector.broadcast %div3A_152 : f32 to vector<16xf32>
    %div3A_154 = arith.divf %div3A_153, %mul3A_151 : vector<16xf32>
    %swap3A_155 = arith.constant 48 : index
    %swap3A_156 = tpu.vector_load %arg13[%swap3A_155] {strides = array<i32>} : memref<144xf32, #tpu.memory_space<vmem>>, vector<16xf32>,
    tpu.vector_store %arg13[%swap3A_155], %div3A_154 {strides = array<i32>} : memref<144xf32, #tpu.memory_space<vmem>>, vector<16xf32>,
    %get3A_157 = arith.constant 64 : index
    %get3A_158 = tpu.vector_load %arg8[%get3A_157] {strides = array<i32>} : memref<128xf32, #tpu.memory_space<vmem>>, vector<16xf32>,
    %mul3A_159 = arith.constant 9.999990e+05 : f32
    %mul3A_160 = vector.broadcast %mul3A_159 : f32 to vector<16xf32>
    %mul3A_161 = arith.mulf %get3A_158, %mul3A_160 : vector<16xf32>
    %sub3A_162 = arith.constant 6.400000e+01 : f32
    %sub3A_163 = vector.broadcast %sub3A_162 : f32 to vector<16xf32>
    %sub3A_164 = arith.subf %mul3A_161, %sub3A_163 : vector<16xf32>
    %jit3A_165 = arith.constant 0.000000e+00 : f32
    %jit3A_166 = arith.constant 9.998720e+05 : f32
    %max3A_167 = vector.broadcast %jit3A_165 : f32 to vector<16xf32>
    %max3A_168 = arith.maximumf %max3A_167, %sub3A_164 : vector<16xf32>
    %min3A_169 = vector.broadcast %jit3A_166 : f32 to vector<16xf32>
    %min3A_170 = arith.minimumf %min3A_169, %max3A_168 : vector<16xf32>
    %convert_element_type3A_171 = arith.fptosi %min3A_170 : vector<16xf32> to vector<16xi32>
    %swap3A_172 = arith.constant 64 : index
    %swap3A_173 = tpu.vector_load %arg10[%swap3A_172] {strides = array<i32>} : memref<144xi32, #tpu.memory_space<vmem>>, vector<16xi32>,
    tpu.vector_store %arg10[%swap3A_172], %convert_element_type3A_171 {strides = array<i32>} : memref<144xi32, #tpu.memory_space<vmem>>, vector<16xi32>,
    %and3A_174 = arith.constant -128 : i32
    %and3A_175 = vector.broadcast %and3A_174 : i32 to vector<16xi32>
    %and3A_176 = arith.andi %convert_element_type3A_171, %and3A_175 : vector<16xi32>
    %gt3A_177 = arith.constant 999680 : i32
    %gt3A_178 = vector.broadcast %gt3A_177 : i32 to vector<16xi32>
    %gt3A_179 = arith.cmpi sgt, %and3A_176, %gt3A_178 : vector<16xi32>
    %jit3A_180 = arith.constant 999744 : i32
    %broadcast_in_dim3A_181 = vector.broadcast %jit3A_180 : i32 to vector<16xi32>
    %select_n3A_182 = arith.select %gt3A_179, %broadcast_in_dim3A_181, %and3A_176 : vector<16xi1>, vector<16xi32>
    %swap3A_183 = arith.constant 64 : index
    %swap3A_184 = tpu.vector_load %arg11[%swap3A_183] {strides = array<i32>} : memref<144xi32, #tpu.memory_space<vmem>>, vector<16xi32>,
    tpu.vector_store %arg11[%swap3A_183], %select_n3A_182 {strides = array<i32>} : memref<144xi32, #tpu.memory_space<vmem>>, vector<16xi32>,
    %swap3A_185 = arith.constant 64 : index
    %swap3A_186 = tpu.vector_load %arg12[%swap3A_185] {strides = array<i32>} : memref<144xf32, #tpu.memory_space<vmem>>, vector<16xf32>,
    tpu.vector_store %arg12[%swap3A_185], %mul3A_161 {strides = array<i32>} : memref<144xf32, #tpu.memory_space<vmem>>, vector<16xf32>,
    %get3A_187 = arith.constant 64 : index
    %get3A_188 = tpu.vector_load %arg9[%get3A_187] {strides = array<i32>} : memref<128xf32, #tpu.memory_space<vmem>>, vector<16xf32>,
    %add3A_189 = arith.constant 9.99999997E-7 : f32
    %add3A_190 = vector.broadcast %add3A_189 : f32 to vector<16xf32>
    %add3A_191 = arith.addf %get3A_188, %add3A_190 : vector<16xf32>
    %mul3A_192 = arith.mulf %add3A_191, %add3A_191 : vector<16xf32>
    %div3A_193 = arith.constant -5.000000e-01 : f32
    %div3A_194 = vector.broadcast %div3A_193 : f32 to vector<16xf32>
    %div3A_195 = arith.divf %div3A_194, %mul3A_192 : vector<16xf32>
    %swap3A_196 = arith.constant 64 : index
    %swap3A_197 = tpu.vector_load %arg13[%swap3A_196] {strides = array<i32>} : memref<144xf32, #tpu.memory_space<vmem>>, vector<16xf32>,
    tpu.vector_store %arg13[%swap3A_196], %div3A_195 {strides = array<i32>} : memref<144xf32, #tpu.memory_space<vmem>>, vector<16xf32>,
    %get3A_198 = arith.constant 80 : index
    %get3A_199 = tpu.vector_load %arg8[%get3A_198] {strides = array<i32>} : memref<128xf32, #tpu.memory_space<vmem>>, vector<16xf32>,
    %mul3A_200 = arith.constant 9.999990e+05 : f32
    %mul3A_201 = vector.broadcast %mul3A_200 : f32 to vector<16xf32>
    %mul3A_202 = arith.mulf %get3A_199, %mul3A_201 : vector<16xf32>
    %sub3A_203 = arith.constant 6.400000e+01 : f32
    %sub3A_204 = vector.broadcast %sub3A_203 : f32 to vector<16xf32>
    %sub3A_205 = arith.subf %mul3A_202, %sub3A_204 : vector<16xf32>
    %jit3A_206 = arith.constant 0.000000e+00 : f32
    %jit3A_207 = arith.constant 9.998720e+05 : f32
    %max3A_208 = vector.broadcast %jit3A_206 : f32 to vector<16xf32>
    %max3A_209 = arith.maximumf %max3A_208, %sub3A_205 : vector<16xf32>
    %min3A_210 = vector.broadcast %jit3A_207 : f32 to vector<16xf32>
    %min3A_211 = arith.minimumf %min3A_210, %max3A_209 : vector<16xf32>
    %convert_element_type3A_212 = arith.fptosi %min3A_211 : vector<16xf32> to vector<16xi32>
    %swap3A_213 = arith.constant 80 : index
    %swap3A_214 = tpu.vector_load %arg10[%swap3A_213] {strides = array<i32>} : memref<144xi32, #tpu.memory_space<vmem>>, vector<16xi32>,
    tpu.vector_store %arg10[%swap3A_213], %convert_element_type3A_212 {strides = array<i32>} : memref<144xi32, #tpu.memory_space<vmem>>, vector<16xi32>,
    %and3A_215 = arith.constant -128 : i32
    %and3A_216 = vector.broadcast %and3A_215 : i32 to vector<16xi32>
    %and3A_217 = arith.andi %convert_element_type3A_212, %and3A_216 : vector<16xi32>
    %gt3A_218 = arith.constant 999680 : i32
    %gt3A_219 = vector.broadcast %gt3A_218 : i32 to vector<16xi32>
    %gt3A_220 = arith.cmpi sgt, %and3A_217, %gt3A_219 : vector<16xi32>
    %jit3A_221 = arith.constant 999744 : i32
    %broadcast_in_dim3A_222 = vector.broadcast %jit3A_221 : i32 to vector<16xi32>
    %select_n3A_223 = arith.select %gt3A_220, %broadcast_in_dim3A_222, %and3A_217 : vector<16xi1>, vector<16xi32>
    %swap3A_224 = arith.constant 80 : index
    %swap3A_225 = tpu.vector_load %arg11[%swap3A_224] {strides = array<i32>} : memref<144xi32, #tpu.memory_space<vmem>>, vector<16xi32>,
    tpu.vector_store %arg11[%swap3A_224], %select_n3A_223 {strides = array<i32>} : memref<144xi32, #tpu.memory_space<vmem>>, vector<16xi32>,
    %swap3A_226 = arith.constant 80 : index
    %swap3A_227 = tpu.vector_load %arg12[%swap3A_226] {strides = array<i32>} : memref<144xf32, #tpu.memory_space<vmem>>, vector<16xf32>,
    tpu.vector_store %arg12[%swap3A_226], %mul3A_202 {strides = array<i32>} : memref<144xf32, #tpu.memory_space<vmem>>, vector<16xf32>,
    %get3A_228 = arith.constant 80 : index
    %get3A_229 = tpu.vector_load %arg9[%get3A_228] {strides = array<i32>} : memref<128xf32, #tpu.memory_space<vmem>>, vector<16xf32>,
    %add3A_230 = arith.constant 9.99999997E-7 : f32
    %add3A_231 = vector.broadcast %add3A_230 : f32 to vector<16xf32>
    %add3A_232 = arith.addf %get3A_229, %add3A_231 : vector<16xf32>
    %mul3A_233 = arith.mulf %add3A_232, %add3A_232 : vector<16xf32>
    %div3A_234 = arith.constant -5.000000e-01 : f32
    %div3A_235 = vector.broadcast %div3A_234 : f32 to vector<16xf32>
    %div3A_236 = arith.divf %div3A_235, %mul3A_233 : vector<16xf32>
    %swap3A_237 = arith.constant 80 : index
    %swap3A_238 = tpu.vector_load %arg13[%swap3A_237] {strides = array<i32>} : memref<144xf32, #tpu.memory_space<vmem>>, vector<16xf32>,
    tpu.vector_store %arg13[%swap3A_237], %div3A_236 {strides = array<i32>} : memref<144xf32, #tpu.memory_space<vmem>>, vector<16xf32>,
    %get3A_239 = arith.constant 96 : index
    %get3A_240 = tpu.vector_load %arg8[%get3A_239] {strides = array<i32>} : memref<128xf32, #tpu.memory_space<vmem>>, vector<16xf32>,
    %mul3A_241 = arith.constant 9.999990e+05 : f32
    %mul3A_242 = vector.broadcast %mul3A_241 : f32 to vector<16xf32>
    %mul3A_243 = arith.mulf %get3A_240, %mul3A_242 : vector<16xf32>
    %sub3A_244 = arith.constant 6.400000e+01 : f32
    %sub3A_245 = vector.broadcast %sub3A_244 : f32 to vector<16xf32>
    %sub3A_246 = arith.subf %mul3A_243, %sub3A_245 : vector<16xf32>
    %jit3A_247 = arith.constant 0.000000e+00 : f32
    %jit3A_248 = arith.constant 9.998720e+05 : f32
    %max3A_249 = vector.broadcast %jit3A_247 : f32 to vector<16xf32>
    %max3A_250 = arith.maximumf %max3A_249, %sub3A_246 : vector<16xf32>
    %min3A_251 = vector.broadcast %jit3A_248 : f32 to vector<16xf32>
    %min3A_252 = arith.minimumf %min3A_251, %max3A_250 : vector<16xf32>
    %convert_element_type3A_253 = arith.fptosi %min3A_252 : vector<16xf32> to vector<16xi32>
    %swap3A_254 = arith.constant 96 : index
    %swap3A_255 = tpu.vector_load %arg10[%swap3A_254] {strides = array<i32>} : memref<144xi32, #tpu.memory_space<vmem>>, vector<16xi32>,
    tpu.vector_store %arg10[%swap3A_254], %convert_element_type3A_253 {strides = array<i32>} : memref<144xi32, #tpu.memory_space<vmem>>, vector<16xi32>,
    %and3A_256 = arith.constant -128 : i32
    %and3A_257 = vector.broadcast %and3A_256 : i32 to vector<16xi32>
    %and3A_258 = arith.andi %convert_element_type3A_253, %and3A_257 : vector<16xi32>
    %gt3A_259 = arith.constant 999680 : i32
    %gt3A_260 = vector.broadcast %gt3A_259 : i32 to vector<16xi32>
    %gt3A_261 = arith.cmpi sgt, %and3A_258, %gt3A_260 : vector<16xi32>
    %jit3A_262 = arith.constant 999744 : i32
    %broadcast_in_dim3A_263 = vector.broadcast %jit3A_262 : i32 to vector<16xi32>
    %select_n3A_264 = arith.select %gt3A_261, %broadcast_in_dim3A_263, %and3A_258 : vector<16xi1>, vector<16xi32>
    %swap3A_265 = arith.constant 96 : index
    %swap3A_266 = tpu.vector_load %arg11[%swap3A_265] {strides = array<i32>} : memref<144xi32, #tpu.memory_space<vmem>>, vector<16xi32>,
    tpu.vector_store %arg11[%swap3A_265], %select_n3A_264 {strides = array<i32>} : memref<144xi32, #tpu.memory_space<vmem>>, vector<16xi32>,
    %swap3A_267 = arith.constant 96 : index
    %swap3A_268 = tpu.vector_load %arg12[%swap3A_267] {strides = array<i32>} : memref<144xf32, #tpu.memory_space<vmem>>, vector<16xf32>,
    tpu.vector_store %arg12[%swap3A_267], %mul3A_243 {strides = array<i32>} : memref<144xf32, #tpu.memory_space<vmem>>, vector<16xf32>,
    %get3A_269 = arith.constant 96 : index
    %get3A_270 = tpu.vector_load %arg9[%get3A_269] {strides = array<i32>} : memref<128xf32, #tpu.memory_space<vmem>>, vector<16xf32>,
    %add3A_271 = arith.constant 9.99999997E-7 : f32
    %add3A_272 = vector.broadcast %add3A_271 : f32 to vector<16xf32>
    %add3A_273 = arith.addf %get3A_270, %add3A_272 : vector<16xf32>
    %mul3A_274 = arith.mulf %add3A_273, %add3A_273 : vector<16xf32>
    %div3A_275 = arith.constant -5.000000e-01 : f32
    %div3A_276 = vector.broadcast %div3A_275 : f32 to vector<16xf32>
    %div3A_277 = arith.divf %div3A_276, %mul3A_274 : vector<16xf32>
    %swap3A_278 = arith.constant 96 : index
    %swap3A_279 = tpu.vector_load %arg13[%swap3A_278] {strides = array<i32>} : memref<144xf32, #tpu.memory_space<vmem>>, vector<16xf32>,
    tpu.vector_store %arg13[%swap3A_278], %div3A_277 {strides = array<i32>} : memref<144xf32, #tpu.memory_space<vmem>>, vector<16xf32>,
    %get3A_280 = arith.constant 112 : index
    %get3A_281 = tpu.vector_load %arg8[%get3A_280] {strides = array<i32>} : memref<128xf32, #tpu.memory_space<vmem>>, vector<16xf32>,
    %mul3A_282 = arith.constant 9.999990e+05 : f32
    %mul3A_283 = vector.broadcast %mul3A_282 : f32 to vector<16xf32>
    %mul3A_284 = arith.mulf %get3A_281, %mul3A_283 : vector<16xf32>
    %sub3A_285 = arith.constant 6.400000e+01 : f32
    %sub3A_286 = vector.broadcast %sub3A_285 : f32 to vector<16xf32>
    %sub3A_287 = arith.subf %mul3A_284, %sub3A_286 : vector<16xf32>
    %jit3A_288 = arith.constant 0.000000e+00 : f32
    %jit3A_289 = arith.constant 9.998720e+05 : f32
    %max3A_290 = vector.broadcast %jit3A_288 : f32 to vector<16xf32>
    %max3A_291 = arith.maximumf %max3A_290, %sub3A_287 : vector<16xf32>
    %min3A_292 = vector.broadcast %jit3A_289 : f32 to vector<16xf32>
    %min3A_293 = arith.minimumf %min3A_292, %max3A_291 : vector<16xf32>
    %convert_element_type3A_294 = arith.fptosi %min3A_293 : vector<16xf32> to vector<16xi32>
    %swap3A_295 = arith.constant 112 : index
    %swap3A_296 = tpu.vector_load %arg10[%swap3A_295] {strides = array<i32>} : memref<144xi32, #tpu.memory_space<vmem>>, vector<16xi32>,
    tpu.vector_store %arg10[%swap3A_295], %convert_element_type3A_294 {strides = array<i32>} : memref<144xi32, #tpu.memory_space<vmem>>, vector<16xi32>,
    %and3A_297 = arith.constant -128 : i32
    %and3A_298 = vector.broadcast %and3A_297 : i32 to vector<16xi32>
    %and3A_299 = arith.andi %convert_element_type3A_294, %and3A_298 : vector<16xi32>
    %gt3A_300 = arith.constant 999680 : i32
    %gt3A_301 = vector.broadcast %gt3A_300 : i32 to vector<16xi32>
    %gt3A_302 = arith.cmpi sgt, %and3A_299, %gt3A_301 : vector<16xi32>
    %jit3A_303 = arith.constant 999744 : i32
    %broadcast_in_dim3A_304 = vector.broadcast %jit3A_303 : i32 to vector<16xi32>
    %select_n3A_305 = arith.select %gt3A_302, %broadcast_in_dim3A_304, %and3A_299 : vector<16xi1>, vector<16xi32>
    %swap3A_306 = arith.constant 112 : index
    %swap3A_307 = tpu.vector_load %arg11[%swap3A_306] {strides = array<i32>} : memref<144xi32, #tpu.memory_space<vmem>>, vector<16xi32>,
    tpu.vector_store %arg11[%swap3A_306], %select_n3A_305 {strides = array<i32>} : memref<144xi32, #tpu.memory_space<vmem>>, vector<16xi32>,
    %swap3A_308 = arith.constant 112 : index
    %swap3A_309 = tpu.vector_load %arg12[%swap3A_308] {strides = array<i32>} : memref<144xf32, #tpu.memory_space<vmem>>, vector<16xf32>,
    tpu.vector_store %arg12[%swap3A_308], %mul3A_284 {strides = array<i32>} : memref<144xf32, #tpu.memory_space<vmem>>, vector<16xf32>,
    %get3A_310 = arith.constant 112 : index
    %get3A_311 = tpu.vector_load %arg9[%get3A_310] {strides = array<i32>} : memref<128xf32, #tpu.memory_space<vmem>>, vector<16xf32>,
    %add3A_312 = arith.constant 9.99999997E-7 : f32
    %add3A_313 = vector.broadcast %add3A_312 : f32 to vector<16xf32>
    %add3A_314 = arith.addf %get3A_311, %add3A_313 : vector<16xf32>
    %mul3A_315 = arith.mulf %add3A_314, %add3A_314 : vector<16xf32>
    %div3A_316 = arith.constant -5.000000e-01 : f32
    %div3A_317 = vector.broadcast %div3A_316 : f32 to vector<16xf32>
    %div3A_318 = arith.divf %div3A_317, %mul3A_315 : vector<16xf32>
    %swap3A_319 = arith.constant 112 : index
    %swap3A_320 = tpu.vector_load %arg13[%swap3A_319] {strides = array<i32>} : memref<144xf32, #tpu.memory_space<vmem>>, vector<16xf32>,
    tpu.vector_store %arg13[%swap3A_319], %div3A_318 {strides = array<i32>} : memref<144xf32, #tpu.memory_space<vmem>>, vector<16xf32>,
    "tpu.region"() ({
      %run_scoped3A = tpu.sem_alloc : memref<!tpu.dma_semaphore, #tpu.memory_space<semaphore_mem>>
      %dma_start3A = arith.constant 0 : i32
      %dma_start3A_1401 = tpu.memref_slice %arg10[%dma_start3A] : memref<144xi32, #tpu.memory_space<vmem>> -> memref<128xi32, #tpu.memory_space<vmem>>
      %dma_start3A_1402 = tpu.memref_slice %arg7[%mul3A_2] : memref<4096xi32, #tpu.memory_space<hbm>> -> memref<128xi32, #tpu.memory_space<hbm>>
      %dma_start3A_1403 = tpu.memref_slice %arg7[%mul3A_2] : memref<4096xi32, #tpu.memory_space<hbm>> -> memref<128xi32, #tpu.memory_space<hbm>>
      %dma_start3A_1404 = arith.constant 0 : i32
      %dma_start3A_1405 = tpu.memref_slice %arg10[%dma_start3A_1404] : memref<144xi32, #tpu.memory_space<vmem>> -> memref<128xi32, #tpu.memory_space<vmem>>
      tpu.enqueue_dma source(%dma_start3A_1405 : memref<128xi32, #tpu.memory_space<vmem>>) target(%dma_start3A_1403 : memref<128xi32, #tpu.memory_space<hbm>>) target_semaphore(%run_scoped3A : memref<!tpu.dma_semaphore, #tpu.memory_space<semaphore_mem>>)
      %dma_wait3A = arith.constant 0 : i32
      %dma_wait3A_1406 = tpu.memref_slice %arg10[%dma_wait3A] : memref<144xi32, #tpu.memory_space<vmem>> -> memref<128xi32, #tpu.memory_space<vmem>>
      %dma_wait3A_1407 = tpu.memref_slice %arg7[%mul3A_2] : memref<4096xi32, #tpu.memory_space<hbm>> -> memref<128xi32, #tpu.memory_space<hbm>>
      %dma_wait3A_1408 = tpu.memref_slice %arg7[%mul3A_2] : memref<4096xi32, #tpu.memory_space<hbm>> -> memref<128xi32, #tpu.memory_space<hbm>>
      %dma_wait3A_1409 = arith.constant 0 : i32
      %dma_wait3A_1410 = tpu.memref_slice %arg10[%dma_wait3A_1409] : memref<144xi32, #tpu.memory_space<vmem>> -> memref<128xi32, #tpu.memory_space<vmem>>
      tpu.wait_dma2 semaphore(%run_scoped3A : memref<!tpu.dma_semaphore, #tpu.memory_space<semaphore_mem>>) src(%dma_wait3A_1410 : memref<128xi32, #tpu.memory_space<vmem>>) dst(%dma_wait3A_1408 : memref<128xi32, #tpu.memory_space<hbm>>)
      tpu.yield
    }) : () -> ()
    %get3A_321 = arith.constant 0 : index
    %get3A_322 = tpu.vector_load %arg11[%get3A_321] {strides = array<i32>} : memref<144xi32, #tpu.memory_space<vmem>>, vector<16xi32>,
    %slice3A = vector.extract_strided_slice %get3A_322 {offsets = [0], sizes = [1], strides = [1]} : vector<16xi32> to vector<1xi32>
    %squeeze3A = vector.extract %slice3A[0] : i32 from vector<1xi32>
    %eq3A = arith.constant 999744 : i32
    %eq3A_323 = arith.cmpi eq, %squeeze3A, %eq3A : i32
    %not3A = arith.constant true
    %not3A_324 = arith.xori %eq3A_323, %not3A : i1
    %convert_element_type3A_325 = arith.extui %not3A_324 : i1 to i32
    %cond3A = arith.constant 0 : i32
    %cond3A_326 = arith.cmpi ne, %convert_element_type3A_325, %cond3A : i32
    scf.if %cond3A_326 {
      %multiple_of3A = tpu.assume_multiple %squeeze3A, 128 : i32
      %dma_start3A = arith.constant 0 : i32
      %dma_start3A_1401 = arith.constant 0 : i32
      %dma_start3A_1402 = tpu.memref_slice %arg16[%dma_start3A, %dma_start3A_1401] : memref<64x272xf32, #tpu.memory_space<vmem>> -> memref<64x256xf32, #tpu.memory_space<vmem>>
      %dma_start3A_1403 = arith.constant 0 : i32
      %dma_start3A_1404 = tpu.memref_slice %arg4[%dma_start3A_1403, %multiple_of3A] : memref<64x1000000xf32, #tpu.memory_space<hbm>> -> memref<64x256xf32, #tpu.memory_space<hbm>>
      %dma_start3A_1405 = arith.constant 0 : i32
      %dma_start3A_1406 = arith.constant 0 : i32
      %dma_start3A_1407 = tpu.memref_slice %arg16[%dma_start3A_1405, %dma_start3A_1406] : memref<64x272xf32, #tpu.memory_space<vmem>> -> memref<64x256xf32, #tpu.memory_space<vmem>>
      %dma_start3A_1408 = arith.constant 0 : i32
      %dma_start3A_1409 = tpu.memref_slice %arg4[%dma_start3A_1408, %multiple_of3A] : memref<64x1000000xf32, #tpu.memory_space<hbm>> -> memref<64x256xf32, #tpu.memory_space<hbm>>
      tpu.enqueue_dma source(%dma_start3A_1409 : memref<64x256xf32, #tpu.memory_space<hbm>>) target(%dma_start3A_1407 : memref<64x256xf32, #tpu.memory_space<vmem>>) target_semaphore(%arg20 : memref<!tpu.dma_semaphore, #tpu.memory_space<semaphore_mem>>)
    } else {
    }
    %convert_element_type3A_327 = arith.extui %eq3A_323 : i1 to i32
    %cond3A_328 = arith.constant 0 : i32
    %cond3A_329 = arith.cmpi ne, %convert_element_type3A_327, %cond3A_328 : i32
    scf.if %cond3A_329 {
      %dma_start3A = arith.constant 0 : i32
      %dma_start3A_1401 = arith.constant 0 : i32
      %dma_start3A_1402 = tpu.memref_slice %arg16[%dma_start3A, %dma_start3A_1401] : memref<64x272xf32, #tpu.memory_space<vmem>> -> memref<64x256xf32, #tpu.memory_space<vmem>>
      %dma_start3A_1403 = arith.constant 0 : i32
      %dma_start3A_1404 = arith.constant 0 : i32
      %dma_start3A_1405 = tpu.memref_slice %arg16[%dma_start3A_1403, %dma_start3A_1404] : memref<64x272xf32, #tpu.memory_space<vmem>> -> memref<64x256xf32, #tpu.memory_space<vmem>>
      tpu.enqueue_dma source(%arg5 : memref<64x256xf32, #tpu.memory_space<hbm>>) target(%dma_start3A_1405 : memref<64x256xf32, #tpu.memory_space<vmem>>) target_semaphore(%arg20 : memref<!tpu.dma_semaphore, #tpu.memory_space<semaphore_mem>>)
    } else {
    }
    %get3A_330 = arith.constant 1 : index
    %get3A_331 = tpu.vector_load %arg11[%get3A_330] {strides = array<i32>} : memref<144xi32, #tpu.memory_space<vmem>>, vector<16xi32>,
    %slice3A_332 = vector.extract_strided_slice %get3A_331 {offsets = [0], sizes = [1], strides = [1]} : vector<16xi32> to vector<1xi32>
    %squeeze3A_333 = vector.extract %slice3A_332[0] : i32 from vector<1xi32>
    %eq3A_334 = arith.constant 999744 : i32
    %eq3A_335 = arith.cmpi eq, %squeeze3A_333, %eq3A_334 : i32
    %not3A_336 = arith.constant true
    %not3A_337 = arith.xori %eq3A_335, %not3A_336 : i1
    %convert_element_type3A_338 = arith.extui %not3A_337 : i1 to i32
    %cond3A_339 = arith.constant 0 : i32
    %cond3A_340 = arith.cmpi ne, %convert_element_type3A_338, %cond3A_339 : i32
    scf.if %cond3A_340 {
      %multiple_of3A = tpu.assume_multiple %squeeze3A_333, 128 : i32
      %dma_start3A = arith.constant 0 : i32
      %dma_start3A_1401 = arith.constant 0 : i32
      %dma_start3A_1402 = tpu.memref_slice %arg17[%dma_start3A, %dma_start3A_1401] : memref<64x272xf32, #tpu.memory_space<vmem>> -> memref<64x256xf32, #tpu.memory_space<vmem>>
      %dma_start3A_1403 = arith.constant 0 : i32
      %dma_start3A_1404 = tpu.memref_slice %arg4[%dma_start3A_1403, %multiple_of3A] : memref<64x1000000xf32, #tpu.memory_space<hbm>> -> memref<64x256xf32, #tpu.memory_space<hbm>>
      %dma_start3A_1405 = arith.constant 0 : i32
      %dma_start3A_1406 = arith.constant 0 : i32
      %dma_start3A_1407 = tpu.memref_slice %arg17[%dma_start3A_1405, %dma_start3A_1406] : memref<64x272xf32, #tpu.memory_space<vmem>> -> memref<64x256xf32, #tpu.memory_space<vmem>>
      %dma_start3A_1408 = arith.constant 0 : i32
      %dma_start3A_1409 = tpu.memref_slice %arg4[%dma_start3A_1408, %multiple_of3A] : memref<64x1000000xf32, #tpu.memory_space<hbm>> -> memref<64x256xf32, #tpu.memory_space<hbm>>
      tpu.enqueue_dma source(%dma_start3A_1409 : memref<64x256xf32, #tpu.memory_space<hbm>>) target(%dma_start3A_1407 : memref<64x256xf32, #tpu.memory_space<vmem>>) target_semaphore(%arg21 : memref<!tpu.dma_semaphore, #tpu.memory_space<semaphore_mem>>)
    } else {
    }
    %convert_element_type3A_341 = arith.extui %eq3A_335 : i1 to i32
    %cond3A_342 = arith.constant 0 : i32
    %cond3A_343 = arith.cmpi ne, %convert_element_type3A_341, %cond3A_342 : i32
    scf.if %cond3A_343 {
      %dma_start3A = arith.constant 0 : i32
      %dma_start3A_1401 = arith.constant 0 : i32
      %dma_start3A_1402 = tpu.memref_slice %arg17[%dma_start3A, %dma_start3A_1401] : memref<64x272xf32, #tpu.memory_space<vmem>> -> memref<64x256xf32, #tpu.memory_space<vmem>>
      %dma_start3A_1403 = arith.constant 0 : i32
      %dma_start3A_1404 = arith.constant 0 : i32
      %dma_start3A_1405 = tpu.memref_slice %arg17[%dma_start3A_1403, %dma_start3A_1404] : memref<64x272xf32, #tpu.memory_space<vmem>> -> memref<64x256xf32, #tpu.memory_space<vmem>>
      tpu.enqueue_dma source(%arg5 : memref<64x256xf32, #tpu.memory_space<hbm>>) target(%dma_start3A_1405 : memref<64x256xf32, #tpu.memory_space<vmem>>) target_semaphore(%arg21 : memref<!tpu.dma_semaphore, #tpu.memory_space<semaphore_mem>>)
    } else {
    }
    %get3A_344 = arith.constant 2 : index
    %get3A_345 = tpu.vector_load %arg11[%get3A_344] {strides = array<i32>} : memref<144xi32, #tpu.memory_space<vmem>>, vector<16xi32>,
    %slice3A_346 = vector.extract_strided_slice %get3A_345 {offsets = [0], sizes = [1], strides = [1]} : vector<16xi32> to vector<1xi32>
    %squeeze3A_347 = vector.extract %slice3A_346[0] : i32 from vector<1xi32>
    %eq3A_348 = arith.constant 999744 : i32
    %eq3A_349 = arith.cmpi eq, %squeeze3A_347, %eq3A_348 : i32
    %not3A_350 = arith.constant true
    %not3A_351 = arith.xori %eq3A_349, %not3A_350 : i1
    %convert_element_type3A_352 = arith.extui %not3A_351 : i1 to i32
    %cond3A_353 = arith.constant 0 : i32
    %cond3A_354 = arith.cmpi ne, %convert_element_type3A_352, %cond3A_353 : i32
    scf.if %cond3A_354 {
      %multiple_of3A = tpu.assume_multiple %squeeze3A_347, 128 : i32
      %dma_start3A = arith.constant 0 : i32
      %dma_start3A_1401 = arith.constant 0 : i32
      %dma_start3A_1402 = tpu.memref_slice %arg18[%dma_start3A, %dma_start3A_1401] : memref<64x272xf32, #tpu.memory_space<vmem>> -> memref<64x256xf32, #tpu.memory_space<vmem>>
      %dma_start3A_1403 = arith.constant 0 : i32
      %dma_start3A_1404 = tpu.memref_slice %arg4[%dma_start3A_1403, %multiple_of3A] : memref<64x1000000xf32, #tpu.memory_space<hbm>> -> memref<64x256xf32, #tpu.memory_space<hbm>>
      %dma_start3A_1405 = arith.constant 0 : i32
      %dma_start3A_1406 = arith.constant 0 : i32
      %dma_start3A_1407 = tpu.memref_slice %arg18[%dma_start3A_1405, %dma_start3A_1406] : memref<64x272xf32, #tpu.memory_space<vmem>> -> memref<64x256xf32, #tpu.memory_space<vmem>>
      %dma_start3A_1408 = arith.constant 0 : i32
      %dma_start3A_1409 = tpu.memref_slice %arg4[%dma_start3A_1408, %multiple_of3A] : memref<64x1000000xf32, #tpu.memory_space<hbm>> -> memref<64x256xf32, #tpu.memory_space<hbm>>
      tpu.enqueue_dma source(%dma_start3A_1409 : memref<64x256xf32, #tpu.memory_space<hbm>>) target(%dma_start3A_1407 : memref<64x256xf32, #tpu.memory_space<vmem>>) target_semaphore(%arg22 : memref<!tpu.dma_semaphore, #tpu.memory_space<semaphore_mem>>)
    } else {
    }
    %convert_element_type3A_355 = arith.extui %eq3A_349 : i1 to i32
    %cond3A_356 = arith.constant 0 : i32
    %cond3A_357 = arith.cmpi ne, %convert_element_type3A_355, %cond3A_356 : i32
    scf.if %cond3A_357 {
      %dma_start3A = arith.constant 0 : i32
      %dma_start3A_1401 = arith.constant 0 : i32
      %dma_start3A_1402 = tpu.memref_slice %arg18[%dma_start3A, %dma_start3A_1401] : memref<64x272xf32, #tpu.memory_space<vmem>> -> memref<64x256xf32, #tpu.memory_space<vmem>>
      %dma_start3A_1403 = arith.constant 0 : i32
      %dma_start3A_1404 = arith.constant 0 : i32
      %dma_start3A_1405 = tpu.memref_slice %arg18[%dma_start3A_1403, %dma_start3A_1404] : memref<64x272xf32, #tpu.memory_space<vmem>> -> memref<64x256xf32, #tpu.memory_space<vmem>>
      tpu.enqueue_dma source(%arg5 : memref<64x256xf32, #tpu.memory_space<hbm>>) target(%dma_start3A_1405 : memref<64x256xf32, #tpu.memory_space<vmem>>) target_semaphore(%arg22 : memref<!tpu.dma_semaphore, #tpu.memory_space<semaphore_mem>>)
    } else {
    }
    %get3A_358 = arith.constant 3 : index
    %get3A_359 = tpu.vector_load %arg11[%get3A_358] {strides = array<i32>} : memref<144xi32, #tpu.memory_space<vmem>>, vector<16xi32>,
    %slice3A_360 = vector.extract_strided_slice %get3A_359 {offsets = [0], sizes = [1], strides = [1]} : vector<16xi32> to vector<1xi32>
    %squeeze3A_361 = vector.extract %slice3A_360[0] : i32 from vector<1xi32>
    %eq3A_362 = arith.constant 999744 : i32
    %eq3A_363 = arith.cmpi eq, %squeeze3A_361, %eq3A_362 : i32
    %not3A_364 = arith.constant true
    %not3A_365 = arith.xori %eq3A_363, %not3A_364 : i1
    %convert_element_type3A_366 = arith.extui %not3A_365 : i1 to i32
    %cond3A_367 = arith.constant 0 : i32
    %cond3A_368 = arith.cmpi ne, %convert_element_type3A_366, %cond3A_367 : i32
    scf.if %cond3A_368 {
      %multiple_of3A = tpu.assume_multiple %squeeze3A_361, 128 : i32
      %dma_start3A = arith.constant 0 : i32
      %dma_start3A_1401 = arith.constant 0 : i32
      %dma_start3A_1402 = tpu.memref_slice %arg19[%dma_start3A, %dma_start3A_1401] : memref<64x272xf32, #tpu.memory_space<vmem>> -> memref<64x256xf32, #tpu.memory_space<vmem>>
      %dma_start3A_1403 = arith.constant 0 : i32
      %dma_start3A_1404 = tpu.memref_slice %arg4[%dma_start3A_1403, %multiple_of3A] : memref<64x1000000xf32, #tpu.memory_space<hbm>> -> memref<64x256xf32, #tpu.memory_space<hbm>>
      %dma_start3A_1405 = arith.constant 0 : i32
      %dma_start3A_1406 = arith.constant 0 : i32
      %dma_start3A_1407 = tpu.memref_slice %arg19[%dma_start3A_1405, %dma_start3A_1406] : memref<64x272xf32, #tpu.memory_space<vmem>> -> memref<64x256xf32, #tpu.memory_space<vmem>>
      %dma_start3A_1408 = arith.constant 0 : i32
      %dma_start3A_1409 = tpu.memref_slice %arg4[%dma_start3A_1408, %multiple_of3A] : memref<64x1000000xf32, #tpu.memory_space<hbm>> -> memref<64x256xf32, #tpu.memory_space<hbm>>
      tpu.enqueue_dma source(%dma_start3A_1409 : memref<64x256xf32, #tpu.memory_space<hbm>>) target(%dma_start3A_1407 : memref<64x256xf32, #tpu.memory_space<vmem>>) target_semaphore(%arg23 : memref<!tpu.dma_semaphore, #tpu.memory_space<semaphore_mem>>)
    } else {
    }
    %convert_element_type3A_369 = arith.extui %eq3A_363 : i1 to i32
    %cond3A_370 = arith.constant 0 : i32
    %cond3A_371 = arith.cmpi ne, %convert_element_type3A_369, %cond3A_370 : i32
    scf.if %cond3A_371 {
      %dma_start3A = arith.constant 0 : i32
      %dma_start3A_1401 = arith.constant 0 : i32
      %dma_start3A_1402 = tpu.memref_slice %arg19[%dma_start3A, %dma_start3A_1401] : memref<64x272xf32, #tpu.memory_space<vmem>> -> memref<64x256xf32, #tpu.memory_space<vmem>>
      %dma_start3A_1403 = arith.constant 0 : i32
      %dma_start3A_1404 = arith.constant 0 : i32
      %dma_start3A_1405 = tpu.memref_slice %arg19[%dma_start3A_1403, %dma_start3A_1404] : memref<64x272xf32, #tpu.memory_space<vmem>> -> memref<64x256xf32, #tpu.memory_space<vmem>>
      tpu.enqueue_dma source(%arg5 : memref<64x256xf32, #tpu.memory_space<hbm>>) target(%dma_start3A_1405 : memref<64x256xf32, #tpu.memory_space<vmem>>) target_semaphore(%arg23 : memref<!tpu.dma_semaphore, #tpu.memory_space<semaphore_mem>>)
    } else {
    }
    %swap3A_372 = arith.constant 0 : i32
    %swap3A_373 = arith.index_cast %swap3A_372 : i32 to index
    %swap3A_374 = arith.constant 256 : index
    %swap3A_375 = tpu.vector_load %arg16[%swap3A_373, %swap3A_374] {strides = array<i32>} : memref<64x272xf32, #tpu.memory_space<vmem>>, vector<16xf32>,
    tpu.vector_store %arg16[%swap3A_373, %swap3A_374], %broadcast_in_dim3A_3 {strides = array<i32>} : memref<64x272xf32, #tpu.memory_space<vmem>>, vector<16xf32>,
    %swap3A_376 = arith.constant 1 : i32
    %swap3A_377 = arith.index_cast %swap3A_376 : i32 to index
    %swap3A_378 = arith.constant 256 : index
    %swap3A_379 = tpu.vector_load %arg16[%swap3A_377, %swap3A_378] {strides = array<i32>} : memref<64x272xf32, #tpu.memory_space<vmem>>, vector<16xf32>,
    tpu.vector_store %arg16[%swap3A_377, %swap3A_378], %broadcast_in_dim3A_3 {strides = array<i32>} : memref<64x272xf32, #tpu.memory_space<vmem>>, vector<16xf32>,
    %swap3A_380 = arith.constant 2 : i32
    %swap3A_381 = arith.index_cast %swap3A_380 : i32 to index
    %swap3A_382 = arith.constant 256 : index
    %swap3A_383 = tpu.vector_load %arg16[%swap3A_381, %swap3A_382] {strides = array<i32>} : memref<64x272xf32, #tpu.memory_space<vmem>>, vector<16xf32>,
    tpu.vector_store %arg16[%swap3A_381, %swap3A_382], %broadcast_in_dim3A_3 {strides = array<i32>} : memref<64x272xf32, #tpu.memory_space<vmem>>, vector<16xf32>,
    %swap3A_384 = arith.constant 3 : i32
    %swap3A_385 = arith.index_cast %swap3A_384 : i32 to index
    %swap3A_386 = arith.constant 256 : index
    %swap3A_387 = tpu.vector_load %arg16[%swap3A_385, %swap3A_386] {strides = array<i32>} : memref<64x272xf32, #tpu.memory_space<vmem>>, vector<16xf32>,
    tpu.vector_store %arg16[%swap3A_385, %swap3A_386], %broadcast_in_dim3A_3 {strides = array<i32>} : memref<64x272xf32, #tpu.memory_space<vmem>>, vector<16xf32>,
    %swap3A_388 = arith.constant 4 : i32
    %swap3A_389 = arith.index_cast %swap3A_388 : i32 to index
    %swap3A_390 = arith.constant 256 : index
    %swap3A_391 = tpu.vector_load %arg16[%swap3A_389, %swap3A_390] {strides = array<i32>} : memref<64x272xf32, #tpu.memory_space<vmem>>, vector<16xf32>,
    tpu.vector_store %arg16[%swap3A_389, %swap3A_390], %broadcast_in_dim3A_3 {strides = array<i32>} : memref<64x272xf32, #tpu.memory_space<vmem>>, vector<16xf32>,
    %swap3A_392 = arith.constant 5 : i32
    %swap3A_393 = arith.index_cast %swap3A_392 : i32 to index
    %swap3A_394 = arith.constant 256 : index
    %swap3A_395 = tpu.vector_load %arg16[%swap3A_393, %swap3A_394] {strides = array<i32>} : memref<64x272xf32, #tpu.memory_space<vmem>>, vector<16xf32>,
    tpu.vector_store %arg16[%swap3A_393, %swap3A_394], %broadcast_in_dim3A_3 {strides = array<i32>} : memref<64x272xf32, #tpu.memory_space<vmem>>, vector<16xf32>,
    %swap3A_396 = arith.constant 6 : i32
    %swap3A_397 = arith.index_cast %swap3A_396 : i32 to index
    %swap3A_398 = arith.constant 256 : index
    %swap3A_399 = tpu.vector_load %arg16[%swap3A_397, %swap3A_398] {strides = array<i32>} : memref<64x272xf32, #tpu.memory_space<vmem>>, vector<16xf32>,
    tpu.vector_store %arg16[%swap3A_397, %swap3A_398], %broadcast_in_dim3A_3 {strides = array<i32>} : memref<64x272xf32, #tpu.memory_space<vmem>>, vector<16xf32>,
    %swap3A_400 = arith.constant 7 : i32
    %swap3A_401 = arith.index_cast %swap3A_400 : i32 to index
    %swap3A_402 = arith.constant 256 : index
    %swap3A_403 = tpu.vector_load %arg16[%swap3A_401, %swap3A_402] {strides = array<i32>} : memref<64x272xf32, #tpu.memory_space<vmem>>, vector<16xf32>,
    tpu.vector_store %arg16[%swap3A_401, %swap3A_402], %broadcast_in_dim3A_3 {strides = array<i32>} : memref<64x272xf32, #tpu.memory_space<vmem>>, vector<16xf32>,
    %swap3A_404 = arith.constant 8 : i32
    %swap3A_405 = arith.index_cast %swap3A_404 : i32 to index
    %swap3A_406 = arith.constant 256 : index
    %swap3A_407 = tpu.vector_load %arg16[%swap3A_405, %swap3A_406] {strides = array<i32>} : memref<64x272xf32, #tpu.memory_space<vmem>>, vector<16xf32>,
    tpu.vector_store %arg16[%swap3A_405, %swap3A_406], %broadcast_in_dim3A_3 {strides = array<i32>} : memref<64x272xf32, #tpu.memory_space<vmem>>, vector<16xf32>,
    %swap3A_408 = arith.constant 9 : i32
    %swap3A_409 = arith.index_cast %swap3A_408 : i32 to index
    %swap3A_410 = arith.constant 256 : index
    %swap3A_411 = tpu.vector_load %arg16[%swap3A_409, %swap3A_410] {strides = array<i32>} : memref<64x272xf32, #tpu.memory_space<vmem>>, vector<16xf32>,
    tpu.vector_store %arg16[%swap3A_409, %swap3A_410], %broadcast_in_dim3A_3 {strides = array<i32>} : memref<64x272xf32, #tpu.memory_space<vmem>>, vector<16xf32>,
    %swap3A_412 = arith.constant 10 : i32
    %swap3A_413 = arith.index_cast %swap3A_412 : i32 to index
    %swap3A_414 = arith.constant 256 : index
    %swap3A_415 = tpu.vector_load %arg16[%swap3A_413, %swap3A_414] {strides = array<i32>} : memref<64x272xf32, #tpu.memory_space<vmem>>, vector<16xf32>,
    tpu.vector_store %arg16[%swap3A_413, %swap3A_414], %broadcast_in_dim3A_3 {strides = array<i32>} : memref<64x272xf32, #tpu.memory_space<vmem>>, vector<16xf32>,
    %swap3A_416 = arith.constant 11 : i32
    %swap3A_417 = arith.index_cast %swap3A_416 : i32 to index
    %swap3A_418 = arith.constant 256 : index
    %swap3A_419 = tpu.vector_load %arg16[%swap3A_417, %swap3A_418] {strides = array<i32>} : memref<64x272xf32, #tpu.memory_space<vmem>>, vector<16xf32>,
    tpu.vector_store %arg16[%swap3A_417, %swap3A_418], %broadcast_in_dim3A_3 {strides = array<i32>} : memref<64x272xf32, #tpu.memory_space<vmem>>, vector<16xf32>,
    %swap3A_420 = arith.constant 12 : i32
    %swap3A_421 = arith.index_cast %swap3A_420 : i32 to index
    %swap3A_422 = arith.constant 256 : index
    %swap3A_423 = tpu.vector_load %arg16[%swap3A_421, %swap3A_422] {strides = array<i32>} : memref<64x272xf32, #tpu.memory_space<vmem>>, vector<16xf32>,
    tpu.vector_store %arg16[%swap3A_421, %swap3A_422], %broadcast_in_dim3A_3 {strides = array<i32>} : memref<64x272xf32, #tpu.memory_space<vmem>>, vector<16xf32>,
    %swap3A_424 = arith.constant 13 : i32
    %swap3A_425 = arith.index_cast %swap3A_424 : i32 to index
    %swap3A_426 = arith.constant 256 : index
    %swap3A_427 = tpu.vector_load %arg16[%swap3A_425, %swap3A_426] {strides = array<i32>} : memref<64x272xf32, #tpu.memory_space<vmem>>, vector<16xf32>,
    tpu.vector_store %arg16[%swap3A_425, %swap3A_426], %broadcast_in_dim3A_3 {strides = array<i32>} : memref<64x272xf32, #tpu.memory_space<vmem>>, vector<16xf32>,
    %swap3A_428 = arith.constant 14 : i32
    %swap3A_429 = arith.index_cast %swap3A_428 : i32 to index
    %swap3A_430 = arith.constant 256 : index
    %swap3A_431 = tpu.vector_load %arg16[%swap3A_429, %swap3A_430] {strides = array<i32>} : memref<64x272xf32, #tpu.memory_space<vmem>>, vector<16xf32>,
    tpu.vector_store %arg16[%swap3A_429, %swap3A_430], %broadcast_in_dim3A_3 {strides = array<i32>} : memref<64x272xf32, #tpu.memory_space<vmem>>, vector<16xf32>,
    %swap3A_432 = arith.constant 15 : i32
    %swap3A_433 = arith.index_cast %swap3A_432 : i32 to index
    %swap3A_434 = arith.constant 256 : index
    %swap3A_435 = tpu.vector_load %arg16[%swap3A_433, %swap3A_434] {strides = array<i32>} : memref<64x272xf32, #tpu.memory_space<vmem>>, vector<16xf32>,
    tpu.vector_store %arg16[%swap3A_433, %swap3A_434], %broadcast_in_dim3A_3 {strides = array<i32>} : memref<64x272xf32, #tpu.memory_space<vmem>>, vector<16xf32>,
    %swap3A_436 = arith.constant 16 : i32
    %swap3A_437 = arith.index_cast %swap3A_436 : i32 to index
    %swap3A_438 = arith.constant 256 : index
    %swap3A_439 = tpu.vector_load %arg16[%swap3A_437, %swap3A_438] {strides = array<i32>} : memref<64x272xf32, #tpu.memory_space<vmem>>, vector<16xf32>,
    tpu.vector_store %arg16[%swap3A_437, %swap3A_438], %broadcast_in_dim3A_3 {strides = array<i32>} : memref<64x272xf32, #tpu.memory_space<vmem>>, vector<16xf32>,
    %swap3A_440 = arith.constant 17 : i32
    %swap3A_441 = arith.index_cast %swap3A_440 : i32 to index
    %swap3A_442 = arith.constant 256 : index
    %swap3A_443 = tpu.vector_load %arg16[%swap3A_441, %swap3A_442] {strides = array<i32>} : memref<64x272xf32, #tpu.memory_space<vmem>>, vector<16xf32>,
    tpu.vector_store %arg16[%swap3A_441, %swap3A_442], %broadcast_in_dim3A_3 {strides = array<i32>} : memref<64x272xf32, #tpu.memory_space<vmem>>, vector<16xf32>,
    %swap3A_444 = arith.constant 18 : i32
    %swap3A_445 = arith.index_cast %swap3A_444 : i32 to index
    %swap3A_446 = arith.constant 256 : index
    %swap3A_447 = tpu.vector_load %arg16[%swap3A_445, %swap3A_446] {strides = array<i32>} : memref<64x272xf32, #tpu.memory_space<vmem>>, vector<16xf32>,
    tpu.vector_store %arg16[%swap3A_445, %swap3A_446], %broadcast_in_dim3A_3 {strides = array<i32>} : memref<64x272xf32, #tpu.memory_space<vmem>>, vector<16xf32>,
    %swap3A_448 = arith.constant 19 : i32
    %swap3A_449 = arith.index_cast %swap3A_448 : i32 to index
    %swap3A_450 = arith.constant 256 : index
    %swap3A_451 = tpu.vector_load %arg16[%swap3A_449, %swap3A_450] {strides = array<i32>} : memref<64x272xf32, #tpu.memory_space<vmem>>, vector<16xf32>,
    tpu.vector_store %arg16[%swap3A_449, %swap3A_450], %broadcast_in_dim3A_3 {strides = array<i32>} : memref<64x272xf32, #tpu.memory_space<vmem>>, vector<16xf32>,
    %swap3A_452 = arith.constant 20 : i32
    %swap3A_453 = arith.index_cast %swap3A_452 : i32 to index
    %swap3A_454 = arith.constant 256 : index
    %swap3A_455 = tpu.vector_load %arg16[%swap3A_453, %swap3A_454] {strides = array<i32>} : memref<64x272xf32, #tpu.memory_space<vmem>>, vector<16xf32>,
    tpu.vector_store %arg16[%swap3A_453, %swap3A_454], %broadcast_in_dim3A_3 {strides = array<i32>} : memref<64x272xf32, #tpu.memory_space<vmem>>, vector<16xf32>,
    %swap3A_456 = arith.constant 21 : i32
    %swap3A_457 = arith.index_cast %swap3A_456 : i32 to index
    %swap3A_458 = arith.constant 256 : index
    %swap3A_459 = tpu.vector_load %arg16[%swap3A_457, %swap3A_458] {strides = array<i32>} : memref<64x272xf32, #tpu.memory_space<vmem>>, vector<16xf32>,
    tpu.vector_store %arg16[%swap3A_457, %swap3A_458], %broadcast_in_dim3A_3 {strides = array<i32>} : memref<64x272xf32, #tpu.memory_space<vmem>>, vector<16xf32>,
    %swap3A_460 = arith.constant 22 : i32
    %swap3A_461 = arith.index_cast %swap3A_460 : i32 to index
    %swap3A_462 = arith.constant 256 : index
    %swap3A_463 = tpu.vector_load %arg16[%swap3A_461, %swap3A_462] {strides = array<i32>} : memref<64x272xf32, #tpu.memory_space<vmem>>, vector<16xf32>,
    tpu.vector_store %arg16[%swap3A_461, %swap3A_462], %broadcast_in_dim3A_3 {strides = array<i32>} : memref<64x272xf32, #tpu.memory_space<vmem>>, vector<16xf32>,
    %swap3A_464 = arith.constant 23 : i32
    %swap3A_465 = arith.index_cast %swap3A_464 : i32 to index
    %swap3A_466 = arith.constant 256 : index
    %swap3A_467 = tpu.vector_load %arg16[%swap3A_465, %swap3A_466] {strides = array<i32>} : memref<64x272xf32, #tpu.memory_space<vmem>>, vector<16xf32>,
    tpu.vector_store %arg16[%swap3A_465, %swap3A_466], %broadcast_in_dim3A_3 {strides = array<i32>} : memref<64x272xf32, #tpu.memory_space<vmem>>, vector<16xf32>,
    %swap3A_468 = arith.constant 24 : i32
    %swap3A_469 = arith.index_cast %swap3A_468 : i32 to index
    %swap3A_470 = arith.constant 256 : index
    %swap3A_471 = tpu.vector_load %arg16[%swap3A_469, %swap3A_470] {strides = array<i32>} : memref<64x272xf32, #tpu.memory_space<vmem>>, vector<16xf32>,
    tpu.vector_store %arg16[%swap3A_469, %swap3A_470], %broadcast_in_dim3A_3 {strides = array<i32>} : memref<64x272xf32, #tpu.memory_space<vmem>>, vector<16xf32>,
    %swap3A_472 = arith.constant 25 : i32
    %swap3A_473 = arith.index_cast %swap3A_472 : i32 to index
    %swap3A_474 = arith.constant 256 : index
    %swap3A_475 = tpu.vector_load %arg16[%swap3A_473, %swap3A_474] {strides = array<i32>} : memref<64x272xf32, #tpu.memory_space<vmem>>, vector<16xf32>,
    tpu.vector_store %arg16[%swap3A_473, %swap3A_474], %broadcast_in_dim3A_3 {strides = array<i32>} : memref<64x272xf32, #tpu.memory_space<vmem>>, vector<16xf32>,
    %swap3A_476 = arith.constant 26 : i32
    %swap3A_477 = arith.index_cast %swap3A_476 : i32 to index
    %swap3A_478 = arith.constant 256 : index
    %swap3A_479 = tpu.vector_load %arg16[%swap3A_477, %swap3A_478] {strides = array<i32>} : memref<64x272xf32, #tpu.memory_space<vmem>>, vector<16xf32>,
    tpu.vector_store %arg16[%swap3A_477, %swap3A_478], %broadcast_in_dim3A_3 {strides = array<i32>} : memref<64x272xf32, #tpu.memory_space<vmem>>, vector<16xf32>,
    %swap3A_480 = arith.constant 27 : i32
    %swap3A_481 = arith.index_cast %swap3A_480 : i32 to index
    %swap3A_482 = arith.constant 256 : index
    %swap3A_483 = tpu.vector_load %arg16[%swap3A_481, %swap3A_482] {strides = array<i32>} : memref<64x272xf32, #tpu.memory_space<vmem>>, vector<16xf32>,
    tpu.vector_store %arg16[%swap3A_481, %swap3A_482], %broadcast_in_dim3A_3 {strides = array<i32>} : memref<64x272xf32, #tpu.memory_space<vmem>>, vector<16xf32>,
    %swap3A_484 = arith.constant 28 : i32
    %swap3A_485 = arith.index_cast %swap3A_484 : i32 to index
    %swap3A_486 = arith.constant 256 : index
    %swap3A_487 = tpu.vector_load %arg16[%swap3A_485, %swap3A_486] {strides = array<i32>} : memref<64x272xf32, #tpu.memory_space<vmem>>, vector<16xf32>,
    tpu.vector_store %arg16[%swap3A_485, %swap3A_486], %broadcast_in_dim3A_3 {strides = array<i32>} : memref<64x272xf32, #tpu.memory_space<vmem>>, vector<16xf32>,
    %swap3A_488 = arith.constant 29 : i32
    %swap3A_489 = arith.index_cast %swap3A_488 : i32 to index
    %swap3A_490 = arith.constant 256 : index
    %swap3A_491 = tpu.vector_load %arg16[%swap3A_489, %swap3A_490] {strides = array<i32>} : memref<64x272xf32, #tpu.memory_space<vmem>>, vector<16xf32>,
    tpu.vector_store %arg16[%swap3A_489, %swap3A_490], %broadcast_in_dim3A_3 {strides = array<i32>} : memref<64x272xf32, #tpu.memory_space<vmem>>, vector<16xf32>,
    %swap3A_492 = arith.constant 30 : i32
    %swap3A_493 = arith.index_cast %swap3A_492 : i32 to index
    %swap3A_494 = arith.constant 256 : index
    %swap3A_495 = tpu.vector_load %arg16[%swap3A_493, %swap3A_494] {strides = array<i32>} : memref<64x272xf32, #tpu.memory_space<vmem>>, vector<16xf32>,
    tpu.vector_store %arg16[%swap3A_493, %swap3A_494], %broadcast_in_dim3A_3 {strides = array<i32>} : memref<64x272xf32, #tpu.memory_space<vmem>>, vector<16xf32>,
    %swap3A_496 = arith.constant 31 : i32
    %swap3A_497 = arith.index_cast %swap3A_496 : i32 to index
    %swap3A_498 = arith.constant 256 : index
    %swap3A_499 = tpu.vector_load %arg16[%swap3A_497, %swap3A_498] {strides = array<i32>} : memref<64x272xf32, #tpu.memory_space<vmem>>, vector<16xf32>,
    tpu.vector_store %arg16[%swap3A_497, %swap3A_498], %broadcast_in_dim3A_3 {strides = array<i32>} : memref<64x272xf32, #tpu.memory_space<vmem>>, vector<16xf32>,
    %swap3A_500 = arith.constant 32 : i32
    %swap3A_501 = arith.index_cast %swap3A_500 : i32 to index
    %swap3A_502 = arith.constant 256 : index
    %swap3A_503 = tpu.vector_load %arg16[%swap3A_501, %swap3A_502] {strides = array<i32>} : memref<64x272xf32, #tpu.memory_space<vmem>>, vector<16xf32>,
    tpu.vector_store %arg16[%swap3A_501, %swap3A_502], %broadcast_in_dim3A_3 {strides = array<i32>} : memref<64x272xf32, #tpu.memory_space<vmem>>, vector<16xf32>,
    %swap3A_504 = arith.constant 33 : i32
    %swap3A_505 = arith.index_cast %swap3A_504 : i32 to index
    %swap3A_506 = arith.constant 256 : index
    %swap3A_507 = tpu.vector_load %arg16[%swap3A_505, %swap3A_506] {strides = array<i32>} : memref<64x272xf32, #tpu.memory_space<vmem>>, vector<16xf32>,
    tpu.vector_store %arg16[%swap3A_505, %swap3A_506], %broadcast_in_dim3A_3 {strides = array<i32>} : memref<64x272xf32, #tpu.memory_space<vmem>>, vector<16xf32>,
    %swap3A_508 = arith.constant 34 : i32
    %swap3A_509 = arith.index_cast %swap3A_508 : i32 to index
    %swap3A_510 = arith.constant 256 : index
    %swap3A_511 = tpu.vector_load %arg16[%swap3A_509, %swap3A_510] {strides = array<i32>} : memref<64x272xf32, #tpu.memory_space<vmem>>, vector<16xf32>,
    tpu.vector_store %arg16[%swap3A_509, %swap3A_510], %broadcast_in_dim3A_3 {strides = array<i32>} : memref<64x272xf32, #tpu.memory_space<vmem>>, vector<16xf32>,
    %swap3A_512 = arith.constant 35 : i32
    %swap3A_513 = arith.index_cast %swap3A_512 : i32 to index
    %swap3A_514 = arith.constant 256 : index
    %swap3A_515 = tpu.vector_load %arg16[%swap3A_513, %swap3A_514] {strides = array<i32>} : memref<64x272xf32, #tpu.memory_space<vmem>>, vector<16xf32>,
    tpu.vector_store %arg16[%swap3A_513, %swap3A_514], %broadcast_in_dim3A_3 {strides = array<i32>} : memref<64x272xf32, #tpu.memory_space<vmem>>, vector<16xf32>,
    %swap3A_516 = arith.constant 36 : i32
    %swap3A_517 = arith.index_cast %swap3A_516 : i32 to index
    %swap3A_518 = arith.constant 256 : index
    %swap3A_519 = tpu.vector_load %arg16[%swap3A_517, %swap3A_518] {strides = array<i32>} : memref<64x272xf32, #tpu.memory_space<vmem>>, vector<16xf32>,
    tpu.vector_store %arg16[%swap3A_517, %swap3A_518], %broadcast_in_dim3A_3 {strides = array<i32>} : memref<64x272xf32, #tpu.memory_space<vmem>>, vector<16xf32>,
    %swap3A_520 = arith.constant 37 : i32
    %swap3A_521 = arith.index_cast %swap3A_520 : i32 to index
    %swap3A_522 = arith.constant 256 : index
    %swap3A_523 = tpu.vector_load %arg16[%swap3A_521, %swap3A_522] {strides = array<i32>} : memref<64x272xf32, #tpu.memory_space<vmem>>, vector<16xf32>,
    tpu.vector_store %arg16[%swap3A_521, %swap3A_522], %broadcast_in_dim3A_3 {strides = array<i32>} : memref<64x272xf32, #tpu.memory_space<vmem>>, vector<16xf32>,
    %swap3A_524 = arith.constant 38 : i32
    %swap3A_525 = arith.index_cast %swap3A_524 : i32 to index
    %swap3A_526 = arith.constant 256 : index
    %swap3A_527 = tpu.vector_load %arg16[%swap3A_525, %swap3A_526] {strides = array<i32>} : memref<64x272xf32, #tpu.memory_space<vmem>>, vector<16xf32>,
    tpu.vector_store %arg16[%swap3A_525, %swap3A_526], %broadcast_in_dim3A_3 {strides = array<i32>} : memref<64x272xf32, #tpu.memory_space<vmem>>, vector<16xf32>,
    %swap3A_528 = arith.constant 39 : i32
    %swap3A_529 = arith.index_cast %swap3A_528 : i32 to index
    %swap3A_530 = arith.constant 256 : index
    %swap3A_531 = tpu.vector_load %arg16[%swap3A_529, %swap3A_530] {strides = array<i32>} : memref<64x272xf32, #tpu.memory_space<vmem>>, vector<16xf32>,
    tpu.vector_store %arg16[%swap3A_529, %swap3A_530], %broadcast_in_dim3A_3 {strides = array<i32>} : memref<64x272xf32, #tpu.memory_space<vmem>>, vector<16xf32>,
    %swap3A_532 = arith.constant 40 : i32
    %swap3A_533 = arith.index_cast %swap3A_532 : i32 to index
    %swap3A_534 = arith.constant 256 : index
    %swap3A_535 = tpu.vector_load %arg16[%swap3A_533, %swap3A_534] {strides = array<i32>} : memref<64x272xf32, #tpu.memory_space<vmem>>, vector<16xf32>,
    tpu.vector_store %arg16[%swap3A_533, %swap3A_534], %broadcast_in_dim3A_3 {strides = array<i32>} : memref<64x272xf32, #tpu.memory_space<vmem>>, vector<16xf32>,
    %swap3A_536 = arith.constant 41 : i32
    %swap3A_537 = arith.index_cast %swap3A_536 : i32 to index
    %swap3A_538 = arith.constant 256 : index
    %swap3A_539 = tpu.vector_load %arg16[%swap3A_537, %swap3A_538] {strides = array<i32>} : memref<64x272xf32, #tpu.memory_space<vmem>>, vector<16xf32>,
    tpu.vector_store %arg16[%swap3A_537, %swap3A_538], %broadcast_in_dim3A_3 {strides = array<i32>} : memref<64x272xf32, #tpu.memory_space<vmem>>, vector<16xf32>,
    %swap3A_540 = arith.constant 42 : i32
    %swap3A_541 = arith.index_cast %swap3A_540 : i32 to index
    %swap3A_542 = arith.constant 256 : index
    %swap3A_543 = tpu.vector_load %arg16[%swap3A_541, %swap3A_542] {strides = array<i32>} : memref<64x272xf32, #tpu.memory_space<vmem>>, vector<16xf32>,
    tpu.vector_store %arg16[%swap3A_541, %swap3A_542], %broadcast_in_dim3A_3 {strides = array<i32>} : memref<64x272xf32, #tpu.memory_space<vmem>>, vector<16xf32>,
    %swap3A_544 = arith.constant 43 : i32
    %swap3A_545 = arith.index_cast %swap3A_544 : i32 to index
    %swap3A_546 = arith.constant 256 : index
    %swap3A_547 = tpu.vector_load %arg16[%swap3A_545, %swap3A_546] {strides = array<i32>} : memref<64x272xf32, #tpu.memory_space<vmem>>, vector<16xf32>,
    tpu.vector_store %arg16[%swap3A_545, %swap3A_546], %broadcast_in_dim3A_3 {strides = array<i32>} : memref<64x272xf32, #tpu.memory_space<vmem>>, vector<16xf32>,
    %swap3A_548 = arith.constant 44 : i32
    %swap3A_549 = arith.index_cast %swap3A_548 : i32 to index
    %swap3A_550 = arith.constant 256 : index
    %swap3A_551 = tpu.vector_load %arg16[%swap3A_549, %swap3A_550] {strides = array<i32>} : memref<64x272xf32, #tpu.memory_space<vmem>>, vector<16xf32>,
    tpu.vector_store %arg16[%swap3A_549, %swap3A_550], %broadcast_in_dim3A_3 {strides = array<i32>} : memref<64x272xf32, #tpu.memory_space<vmem>>, vector<16xf32>,
    %swap3A_552 = arith.constant 45 : i32
    %swap3A_553 = arith.index_cast %swap3A_552 : i32 to index
    %swap3A_554 = arith.constant 256 : index
    %swap3A_555 = tpu.vector_load %arg16[%swap3A_553, %swap3A_554] {strides = array<i32>} : memref<64x272xf32, #tpu.memory_space<vmem>>, vector<16xf32>,
    tpu.vector_store %arg16[%swap3A_553, %swap3A_554], %broadcast_in_dim3A_3 {strides = array<i32>} : memref<64x272xf32, #tpu.memory_space<vmem>>, vector<16xf32>,
    %swap3A_556 = arith.constant 46 : i32
    %swap3A_557 = arith.index_cast %swap3A_556 : i32 to index
    %swap3A_558 = arith.constant 256 : index
    %swap3A_559 = tpu.vector_load %arg16[%swap3A_557, %swap3A_558] {strides = array<i32>} : memref<64x272xf32, #tpu.memory_space<vmem>>, vector<16xf32>,
    tpu.vector_store %arg16[%swap3A_557, %swap3A_558], %broadcast_in_dim3A_3 {strides = array<i32>} : memref<64x272xf32, #tpu.memory_space<vmem>>, vector<16xf32>,
    %swap3A_560 = arith.constant 47 : i32
    %swap3A_561 = arith.index_cast %swap3A_560 : i32 to index
    %swap3A_562 = arith.constant 256 : index
    %swap3A_563 = tpu.vector_load %arg16[%swap3A_561, %swap3A_562] {strides = array<i32>} : memref<64x272xf32, #tpu.memory_space<vmem>>, vector<16xf32>,
    tpu.vector_store %arg16[%swap3A_561, %swap3A_562], %broadcast_in_dim3A_3 {strides = array<i32>} : memref<64x272xf32, #tpu.memory_space<vmem>>, vector<16xf32>,
    %swap3A_564 = arith.constant 48 : i32
    %swap3A_565 = arith.index_cast %swap3A_564 : i32 to index
    %swap3A_566 = arith.constant 256 : index
    %swap3A_567 = tpu.vector_load %arg16[%swap3A_565, %swap3A_566] {strides = array<i32>} : memref<64x272xf32, #tpu.memory_space<vmem>>, vector<16xf32>,
    tpu.vector_store %arg16[%swap3A_565, %swap3A_566], %broadcast_in_dim3A_3 {strides = array<i32>} : memref<64x272xf32, #tpu.memory_space<vmem>>, vector<16xf32>,
    %swap3A_568 = arith.constant 49 : i32
    %swap3A_569 = arith.index_cast %swap3A_568 : i32 to index
    %swap3A_570 = arith.constant 256 : index
    %swap3A_571 = tpu.vector_load %arg16[%swap3A_569, %swap3A_570] {strides = array<i32>} : memref<64x272xf32, #tpu.memory_space<vmem>>, vector<16xf32>,
    tpu.vector_store %arg16[%swap3A_569, %swap3A_570], %broadcast_in_dim3A_3 {strides = array<i32>} : memref<64x272xf32, #tpu.memory_space<vmem>>, vector<16xf32>,
    %swap3A_572 = arith.constant 50 : i32
    %swap3A_573 = arith.index_cast %swap3A_572 : i32 to index
    %swap3A_574 = arith.constant 256 : index
    %swap3A_575 = tpu.vector_load %arg16[%swap3A_573, %swap3A_574] {strides = array<i32>} : memref<64x272xf32, #tpu.memory_space<vmem>>, vector<16xf32>,
    tpu.vector_store %arg16[%swap3A_573, %swap3A_574], %broadcast_in_dim3A_3 {strides = array<i32>} : memref<64x272xf32, #tpu.memory_space<vmem>>, vector<16xf32>,
    %swap3A_576 = arith.constant 51 : i32
    %swap3A_577 = arith.index_cast %swap3A_576 : i32 to index
    %swap3A_578 = arith.constant 256 : index
    %swap3A_579 = tpu.vector_load %arg16[%swap3A_577, %swap3A_578] {strides = array<i32>} : memref<64x272xf32, #tpu.memory_space<vmem>>, vector<16xf32>,
    tpu.vector_store %arg16[%swap3A_577, %swap3A_578], %broadcast_in_dim3A_3 {strides = array<i32>} : memref<64x272xf32, #tpu.memory_space<vmem>>, vector<16xf32>,
    %swap3A_580 = arith.constant 52 : i32
    %swap3A_581 = arith.index_cast %swap3A_580 : i32 to index
    %swap3A_582 = arith.constant 256 : index
    %swap3A_583 = tpu.vector_load %arg16[%swap3A_581, %swap3A_582] {strides = array<i32>} : memref<64x272xf32, #tpu.memory_space<vmem>>, vector<16xf32>,
    tpu.vector_store %arg16[%swap3A_581, %swap3A_582], %broadcast_in_dim3A_3 {strides = array<i32>} : memref<64x272xf32, #tpu.memory_space<vmem>>, vector<16xf32>,
    %swap3A_584 = arith.constant 53 : i32
    %swap3A_585 = arith.index_cast %swap3A_584 : i32 to index
    %swap3A_586 = arith.constant 256 : index
    %swap3A_587 = tpu.vector_load %arg16[%swap3A_585, %swap3A_586] {strides = array<i32>} : memref<64x272xf32, #tpu.memory_space<vmem>>, vector<16xf32>,
    tpu.vector_store %arg16[%swap3A_585, %swap3A_586], %broadcast_in_dim3A_3 {strides = array<i32>} : memref<64x272xf32, #tpu.memory_space<vmem>>, vector<16xf32>,
    %swap3A_588 = arith.constant 54 : i32
    %swap3A_589 = arith.index_cast %swap3A_588 : i32 to index
    %swap3A_590 = arith.constant 256 : index
    %swap3A_591 = tpu.vector_load %arg16[%swap3A_589, %swap3A_590] {strides = array<i32>} : memref<64x272xf32, #tpu.memory_space<vmem>>, vector<16xf32>,
    tpu.vector_store %arg16[%swap3A_589, %swap3A_590], %broadcast_in_dim3A_3 {strides = array<i32>} : memref<64x272xf32, #tpu.memory_space<vmem>>, vector<16xf32>,
    %swap3A_592 = arith.constant 55 : i32
    %swap3A_593 = arith.index_cast %swap3A_592 : i32 to index
    %swap3A_594 = arith.constant 256 : index
    %swap3A_595 = tpu.vector_load %arg16[%swap3A_593, %swap3A_594] {strides = array<i32>} : memref<64x272xf32, #tpu.memory_space<vmem>>, vector<16xf32>,
    tpu.vector_store %arg16[%swap3A_593, %swap3A_594], %broadcast_in_dim3A_3 {strides = array<i32>} : memref<64x272xf32, #tpu.memory_space<vmem>>, vector<16xf32>,
    %swap3A_596 = arith.constant 56 : i32
    %swap3A_597 = arith.index_cast %swap3A_596 : i32 to index
    %swap3A_598 = arith.constant 256 : index
    %swap3A_599 = tpu.vector_load %arg16[%swap3A_597, %swap3A_598] {strides = array<i32>} : memref<64x272xf32, #tpu.memory_space<vmem>>, vector<16xf32>,
    tpu.vector_store %arg16[%swap3A_597, %swap3A_598], %broadcast_in_dim3A_3 {strides = array<i32>} : memref<64x272xf32, #tpu.memory_space<vmem>>, vector<16xf32>,
    %swap3A_600 = arith.constant 57 : i32
    %swap3A_601 = arith.index_cast %swap3A_600 : i32 to index
    %swap3A_602 = arith.constant 256 : index
    %swap3A_603 = tpu.vector_load %arg16[%swap3A_601, %swap3A_602] {strides = array<i32>} : memref<64x272xf32, #tpu.memory_space<vmem>>, vector<16xf32>,
    tpu.vector_store %arg16[%swap3A_601, %swap3A_602], %broadcast_in_dim3A_3 {strides = array<i32>} : memref<64x272xf32, #tpu.memory_space<vmem>>, vector<16xf32>,
    %swap3A_604 = arith.constant 58 : i32
    %swap3A_605 = arith.index_cast %swap3A_604 : i32 to index
    %swap3A_606 = arith.constant 256 : index
    %swap3A_607 = tpu.vector_load %arg16[%swap3A_605, %swap3A_606] {strides = array<i32>} : memref<64x272xf32, #tpu.memory_space<vmem>>, vector<16xf32>,
    tpu.vector_store %arg16[%swap3A_605, %swap3A_606], %broadcast_in_dim3A_3 {strides = array<i32>} : memref<64x272xf32, #tpu.memory_space<vmem>>, vector<16xf32>,
    %swap3A_608 = arith.constant 59 : i32
    %swap3A_609 = arith.index_cast %swap3A_608 : i32 to index
    %swap3A_610 = arith.constant 256 : index
    %swap3A_611 = tpu.vector_load %arg16[%swap3A_609, %swap3A_610] {strides = array<i32>} : memref<64x272xf32, #tpu.memory_space<vmem>>, vector<16xf32>,
    tpu.vector_store %arg16[%swap3A_609, %swap3A_610], %broadcast_in_dim3A_3 {strides = array<i32>} : memref<64x272xf32, #tpu.memory_space<vmem>>, vector<16xf32>,
    %swap3A_612 = arith.constant 60 : i32
    %swap3A_613 = arith.index_cast %swap3A_612 : i32 to index
    %swap3A_614 = arith.constant 256 : index
    %swap3A_615 = tpu.vector_load %arg16[%swap3A_613, %swap3A_614] {strides = array<i32>} : memref<64x272xf32, #tpu.memory_space<vmem>>, vector<16xf32>,
    tpu.vector_store %arg16[%swap3A_613, %swap3A_614], %broadcast_in_dim3A_3 {strides = array<i32>} : memref<64x272xf32, #tpu.memory_space<vmem>>, vector<16xf32>,
    %swap3A_616 = arith.constant 61 : i32
    %swap3A_617 = arith.index_cast %swap3A_616 : i32 to index
    %swap3A_618 = arith.constant 256 : index
    %swap3A_619 = tpu.vector_load %arg16[%swap3A_617, %swap3A_618] {strides = array<i32>} : memref<64x272xf32, #tpu.memory_space<vmem>>, vector<16xf32>,
    tpu.vector_store %arg16[%swap3A_617, %swap3A_618], %broadcast_in_dim3A_3 {strides = array<i32>} : memref<64x272xf32, #tpu.memory_space<vmem>>, vector<16xf32>,
    %swap3A_620 = arith.constant 62 : i32
    %swap3A_621 = arith.index_cast %swap3A_620 : i32 to index
    %swap3A_622 = arith.constant 256 : index
    %swap3A_623 = tpu.vector_load %arg16[%swap3A_621, %swap3A_622] {strides = array<i32>} : memref<64x272xf32, #tpu.memory_space<vmem>>, vector<16xf32>,
    tpu.vector_store %arg16[%swap3A_621, %swap3A_622], %broadcast_in_dim3A_3 {strides = array<i32>} : memref<64x272xf32, #tpu.memory_space<vmem>>, vector<16xf32>,
    %swap3A_624 = arith.constant 63 : i32
    %swap3A_625 = arith.index_cast %swap3A_624 : i32 to index
    %swap3A_626 = arith.constant 256 : index
    %swap3A_627 = tpu.vector_load %arg16[%swap3A_625, %swap3A_626] {strides = array<i32>} : memref<64x272xf32, #tpu.memory_space<vmem>>, vector<16xf32>,
    tpu.vector_store %arg16[%swap3A_625, %swap3A_626], %broadcast_in_dim3A_3 {strides = array<i32>} : memref<64x272xf32, #tpu.memory_space<vmem>>, vector<16xf32>,
    %swap3A_628 = arith.constant 0 : i32
    %swap3A_629 = arith.index_cast %swap3A_628 : i32 to index
    %swap3A_630 = arith.constant 256 : index
    %swap3A_631 = tpu.vector_load %arg17[%swap3A_629, %swap3A_630] {strides = array<i32>} : memref<64x272xf32, #tpu.memory_space<vmem>>, vector<16xf32>,
    tpu.vector_store %arg17[%swap3A_629, %swap3A_630], %broadcast_in_dim3A_3 {strides = array<i32>} : memref<64x272xf32, #tpu.memory_space<vmem>>, vector<16xf32>,
    %swap3A_632 = arith.constant 1 : i32
    %swap3A_633 = arith.index_cast %swap3A_632 : i32 to index
    %swap3A_634 = arith.constant 256 : index
    %swap3A_635 = tpu.vector_load %arg17[%swap3A_633, %swap3A_634] {strides = array<i32>} : memref<64x272xf32, #tpu.memory_space<vmem>>, vector<16xf32>,
    tpu.vector_store %arg17[%swap3A_633, %swap3A_634], %broadcast_in_dim3A_3 {strides = array<i32>} : memref<64x272xf32, #tpu.memory_space<vmem>>, vector<16xf32>,
    %swap3A_636 = arith.constant 2 : i32
    %swap3A_637 = arith.index_cast %swap3A_636 : i32 to index
    %swap3A_638 = arith.constant 256 : index
    %swap3A_639 = tpu.vector_load %arg17[%swap3A_637, %swap3A_638] {strides = array<i32>} : memref<64x272xf32, #tpu.memory_space<vmem>>, vector<16xf32>,
    tpu.vector_store %arg17[%swap3A_637, %swap3A_638], %broadcast_in_dim3A_3 {strides = array<i32>} : memref<64x272xf32, #tpu.memory_space<vmem>>, vector<16xf32>,
    %swap3A_640 = arith.constant 3 : i32
    %swap3A_641 = arith.index_cast %swap3A_640 : i32 to index
    %swap3A_642 = arith.constant 256 : index
    %swap3A_643 = tpu.vector_load %arg17[%swap3A_641, %swap3A_642] {strides = array<i32>} : memref<64x272xf32, #tpu.memory_space<vmem>>, vector<16xf32>,
    tpu.vector_store %arg17[%swap3A_641, %swap3A_642], %broadcast_in_dim3A_3 {strides = array<i32>} : memref<64x272xf32, #tpu.memory_space<vmem>>, vector<16xf32>,
    %swap3A_644 = arith.constant 4 : i32
    %swap3A_645 = arith.index_cast %swap3A_644 : i32 to index
    %swap3A_646 = arith.constant 256 : index
    %swap3A_647 = tpu.vector_load %arg17[%swap3A_645, %swap3A_646] {strides = array<i32>} : memref<64x272xf32, #tpu.memory_space<vmem>>, vector<16xf32>,
    tpu.vector_store %arg17[%swap3A_645, %swap3A_646], %broadcast_in_dim3A_3 {strides = array<i32>} : memref<64x272xf32, #tpu.memory_space<vmem>>, vector<16xf32>,
    %swap3A_648 = arith.constant 5 : i32
    %swap3A_649 = arith.index_cast %swap3A_648 : i32 to index
    %swap3A_650 = arith.constant 256 : index
    %swap3A_651 = tpu.vector_load %arg17[%swap3A_649, %swap3A_650] {strides = array<i32>} : memref<64x272xf32, #tpu.memory_space<vmem>>, vector<16xf32>,
    tpu.vector_store %arg17[%swap3A_649, %swap3A_650], %broadcast_in_dim3A_3 {strides = array<i32>} : memref<64x272xf32, #tpu.memory_space<vmem>>, vector<16xf32>,
    %swap3A_652 = arith.constant 6 : i32
    %swap3A_653 = arith.index_cast %swap3A_652 : i32 to index
    %swap3A_654 = arith.constant 256 : index
    %swap3A_655 = tpu.vector_load %arg17[%swap3A_653, %swap3A_654] {strides = array<i32>} : memref<64x272xf32, #tpu.memory_space<vmem>>, vector<16xf32>,
    tpu.vector_store %arg17[%swap3A_653, %swap3A_654], %broadcast_in_dim3A_3 {strides = array<i32>} : memref<64x272xf32, #tpu.memory_space<vmem>>, vector<16xf32>,
    %swap3A_656 = arith.constant 7 : i32
    %swap3A_657 = arith.index_cast %swap3A_656 : i32 to index
    %swap3A_658 = arith.constant 256 : index
    %swap3A_659 = tpu.vector_load %arg17[%swap3A_657, %swap3A_658] {strides = array<i32>} : memref<64x272xf32, #tpu.memory_space<vmem>>, vector<16xf32>,
    tpu.vector_store %arg17[%swap3A_657, %swap3A_658], %broadcast_in_dim3A_3 {strides = array<i32>} : memref<64x272xf32, #tpu.memory_space<vmem>>, vector<16xf32>,
    %swap3A_660 = arith.constant 8 : i32
    %swap3A_661 = arith.index_cast %swap3A_660 : i32 to index
    %swap3A_662 = arith.constant 256 : index
    %swap3A_663 = tpu.vector_load %arg17[%swap3A_661, %swap3A_662] {strides = array<i32>} : memref<64x272xf32, #tpu.memory_space<vmem>>, vector<16xf32>,
    tpu.vector_store %arg17[%swap3A_661, %swap3A_662], %broadcast_in_dim3A_3 {strides = array<i32>} : memref<64x272xf32, #tpu.memory_space<vmem>>, vector<16xf32>,
    %swap3A_664 = arith.constant 9 : i32
    %swap3A_665 = arith.index_cast %swap3A_664 : i32 to index
    %swap3A_666 = arith.constant 256 : index
    %swap3A_667 = tpu.vector_load %arg17[%swap3A_665, %swap3A_666] {strides = array<i32>} : memref<64x272xf32, #tpu.memory_space<vmem>>, vector<16xf32>,
    tpu.vector_store %arg17[%swap3A_665, %swap3A_666], %broadcast_in_dim3A_3 {strides = array<i32>} : memref<64x272xf32, #tpu.memory_space<vmem>>, vector<16xf32>,
    %swap3A_668 = arith.constant 10 : i32
    %swap3A_669 = arith.index_cast %swap3A_668 : i32 to index
    %swap3A_670 = arith.constant 256 : index
    %swap3A_671 = tpu.vector_load %arg17[%swap3A_669, %swap3A_670] {strides = array<i32>} : memref<64x272xf32, #tpu.memory_space<vmem>>, vector<16xf32>,
    tpu.vector_store %arg17[%swap3A_669, %swap3A_670], %broadcast_in_dim3A_3 {strides = array<i32>} : memref<64x272xf32, #tpu.memory_space<vmem>>, vector<16xf32>,
    %swap3A_672 = arith.constant 11 : i32
    %swap3A_673 = arith.index_cast %swap3A_672 : i32 to index
    %swap3A_674 = arith.constant 256 : index
    %swap3A_675 = tpu.vector_load %arg17[%swap3A_673, %swap3A_674] {strides = array<i32>} : memref<64x272xf32, #tpu.memory_space<vmem>>, vector<16xf32>,
    tpu.vector_store %arg17[%swap3A_673, %swap3A_674], %broadcast_in_dim3A_3 {strides = array<i32>} : memref<64x272xf32, #tpu.memory_space<vmem>>, vector<16xf32>,
    %swap3A_676 = arith.constant 12 : i32
    %swap3A_677 = arith.index_cast %swap3A_676 : i32 to index
    %swap3A_678 = arith.constant 256 : index
    %swap3A_679 = tpu.vector_load %arg17[%swap3A_677, %swap3A_678] {strides = array<i32>} : memref<64x272xf32, #tpu.memory_space<vmem>>, vector<16xf32>,
    tpu.vector_store %arg17[%swap3A_677, %swap3A_678], %broadcast_in_dim3A_3 {strides = array<i32>} : memref<64x272xf32, #tpu.memory_space<vmem>>, vector<16xf32>,
    %swap3A_680 = arith.constant 13 : i32
    %swap3A_681 = arith.index_cast %swap3A_680 : i32 to index
    %swap3A_682 = arith.constant 256 : index
    %swap3A_683 = tpu.vector_load %arg17[%swap3A_681, %swap3A_682] {strides = array<i32>} : memref<64x272xf32, #tpu.memory_space<vmem>>, vector<16xf32>,
    tpu.vector_store %arg17[%swap3A_681, %swap3A_682], %broadcast_in_dim3A_3 {strides = array<i32>} : memref<64x272xf32, #tpu.memory_space<vmem>>, vector<16xf32>,
    %swap3A_684 = arith.constant 14 : i32
    %swap3A_685 = arith.index_cast %swap3A_684 : i32 to index
    %swap3A_686 = arith.constant 256 : index
    %swap3A_687 = tpu.vector_load %arg17[%swap3A_685, %swap3A_686] {strides = array<i32>} : memref<64x272xf32, #tpu.memory_space<vmem>>, vector<16xf32>,
    tpu.vector_store %arg17[%swap3A_685, %swap3A_686], %broadcast_in_dim3A_3 {strides = array<i32>} : memref<64x272xf32, #tpu.memory_space<vmem>>, vector<16xf32>,
    %swap3A_688 = arith.constant 15 : i32
    %swap3A_689 = arith.index_cast %swap3A_688 : i32 to index
    %swap3A_690 = arith.constant 256 : index
    %swap3A_691 = tpu.vector_load %arg17[%swap3A_689, %swap3A_690] {strides = array<i32>} : memref<64x272xf32, #tpu.memory_space<vmem>>, vector<16xf32>,
    tpu.vector_store %arg17[%swap3A_689, %swap3A_690], %broadcast_in_dim3A_3 {strides = array<i32>} : memref<64x272xf32, #tpu.memory_space<vmem>>, vector<16xf32>,
    %swap3A_692 = arith.constant 16 : i32
    %swap3A_693 = arith.index_cast %swap3A_692 : i32 to index
    %swap3A_694 = arith.constant 256 : index
    %swap3A_695 = tpu.vector_load %arg17[%swap3A_693, %swap3A_694] {strides = array<i32>} : memref<64x272xf32, #tpu.memory_space<vmem>>, vector<16xf32>,
    tpu.vector_store %arg17[%swap3A_693, %swap3A_694], %broadcast_in_dim3A_3 {strides = array<i32>} : memref<64x272xf32, #tpu.memory_space<vmem>>, vector<16xf32>,
    %swap3A_696 = arith.constant 17 : i32
    %swap3A_697 = arith.index_cast %swap3A_696 : i32 to index
    %swap3A_698 = arith.constant 256 : index
    %swap3A_699 = tpu.vector_load %arg17[%swap3A_697, %swap3A_698] {strides = array<i32>} : memref<64x272xf32, #tpu.memory_space<vmem>>, vector<16xf32>,
    tpu.vector_store %arg17[%swap3A_697, %swap3A_698], %broadcast_in_dim3A_3 {strides = array<i32>} : memref<64x272xf32, #tpu.memory_space<vmem>>, vector<16xf32>,
    %swap3A_700 = arith.constant 18 : i32
    %swap3A_701 = arith.index_cast %swap3A_700 : i32 to index
    %swap3A_702 = arith.constant 256 : index
    %swap3A_703 = tpu.vector_load %arg17[%swap3A_701, %swap3A_702] {strides = array<i32>} : memref<64x272xf32, #tpu.memory_space<vmem>>, vector<16xf32>,
    tpu.vector_store %arg17[%swap3A_701, %swap3A_702], %broadcast_in_dim3A_3 {strides = array<i32>} : memref<64x272xf32, #tpu.memory_space<vmem>>, vector<16xf32>,
    %swap3A_704 = arith.constant 19 : i32
    %swap3A_705 = arith.index_cast %swap3A_704 : i32 to index
    %swap3A_706 = arith.constant 256 : index
    %swap3A_707 = tpu.vector_load %arg17[%swap3A_705, %swap3A_706] {strides = array<i32>} : memref<64x272xf32, #tpu.memory_space<vmem>>, vector<16xf32>,
    tpu.vector_store %arg17[%swap3A_705, %swap3A_706], %broadcast_in_dim3A_3 {strides = array<i32>} : memref<64x272xf32, #tpu.memory_space<vmem>>, vector<16xf32>,
    %swap3A_708 = arith.constant 20 : i32
    %swap3A_709 = arith.index_cast %swap3A_708 : i32 to index
    %swap3A_710 = arith.constant 256 : index
    %swap3A_711 = tpu.vector_load %arg17[%swap3A_709, %swap3A_710] {strides = array<i32>} : memref<64x272xf32, #tpu.memory_space<vmem>>, vector<16xf32>,
    tpu.vector_store %arg17[%swap3A_709, %swap3A_710], %broadcast_in_dim3A_3 {strides = array<i32>} : memref<64x272xf32, #tpu.memory_space<vmem>>, vector<16xf32>,
    %swap3A_712 = arith.constant 21 : i32
    %swap3A_713 = arith.index_cast %swap3A_712 : i32 to index
    %swap3A_714 = arith.constant 256 : index
    %swap3A_715 = tpu.vector_load %arg17[%swap3A_713, %swap3A_714] {strides = array<i32>} : memref<64x272xf32, #tpu.memory_space<vmem>>, vector<16xf32>,
    tpu.vector_store %arg17[%swap3A_713, %swap3A_714], %broadcast_in_dim3A_3 {strides = array<i32>} : memref<64x272xf32, #tpu.memory_space<vmem>>, vector<16xf32>,
    %swap3A_716 = arith.constant 22 : i32
    %swap3A_717 = arith.index_cast %swap3A_716 : i32 to index
    %swap3A_718 = arith.constant 256 : index
    %swap3A_719 = tpu.vector_load %arg17[%swap3A_717, %swap3A_718] {strides = array<i32>} : memref<64x272xf32, #tpu.memory_space<vmem>>, vector<16xf32>,
    tpu.vector_store %arg17[%swap3A_717, %swap3A_718], %broadcast_in_dim3A_3 {strides = array<i32>} : memref<64x272xf32, #tpu.memory_space<vmem>>, vector<16xf32>,
    %swap3A_720 = arith.constant 23 : i32
    %swap3A_721 = arith.index_cast %swap3A_720 : i32 to index
    %swap3A_722 = arith.constant 256 : index
    %swap3A_723 = tpu.vector_load %arg17[%swap3A_721, %swap3A_722] {strides = array<i32>} : memref<64x272xf32, #tpu.memory_space<vmem>>, vector<16xf32>,
    tpu.vector_store %arg17[%swap3A_721, %swap3A_722], %broadcast_in_dim3A_3 {strides = array<i32>} : memref<64x272xf32, #tpu.memory_space<vmem>>, vector<16xf32>,
    %swap3A_724 = arith.constant 24 : i32
    %swap3A_725 = arith.index_cast %swap3A_724 : i32 to index
    %swap3A_726 = arith.constant 256 : index
    %swap3A_727 = tpu.vector_load %arg17[%swap3A_725, %swap3A_726] {strides = array<i32>} : memref<64x272xf32, #tpu.memory_space<vmem>>, vector<16xf32>,
    tpu.vector_store %arg17[%swap3A_725, %swap3A_726], %broadcast_in_dim3A_3 {strides = array<i32>} : memref<64x272xf32, #tpu.memory_space<vmem>>, vector<16xf32>,
    %swap3A_728 = arith.constant 25 : i32
    %swap3A_729 = arith.index_cast %swap3A_728 : i32 to index
    %swap3A_730 = arith.constant 256 : index
    %swap3A_731 = tpu.vector_load %arg17[%swap3A_729, %swap3A_730] {strides = array<i32>} : memref<64x272xf32, #tpu.memory_space<vmem>>, vector<16xf32>,
    tpu.vector_store %arg17[%swap3A_729, %swap3A_730], %broadcast_in_dim3A_3 {strides = array<i32>} : memref<64x272xf32, #tpu.memory_space<vmem>>, vector<16xf32>,
    %swap3A_732 = arith.constant 26 : i32
    %swap3A_733 = arith.index_cast %swap3A_732 : i32 to index
    %swap3A_734 = arith.constant 256 : index
    %swap3A_735 = tpu.vector_load %arg17[%swap3A_733, %swap3A_734] {strides = array<i32>} : memref<64x272xf32, #tpu.memory_space<vmem>>, vector<16xf32>,
    tpu.vector_store %arg17[%swap3A_733, %swap3A_734], %broadcast_in_dim3A_3 {strides = array<i32>} : memref<64x272xf32, #tpu.memory_space<vmem>>, vector<16xf32>,
    %swap3A_736 = arith.constant 27 : i32
    %swap3A_737 = arith.index_cast %swap3A_736 : i32 to index
    %swap3A_738 = arith.constant 256 : index
    %swap3A_739 = tpu.vector_load %arg17[%swap3A_737, %swap3A_738] {strides = array<i32>} : memref<64x272xf32, #tpu.memory_space<vmem>>, vector<16xf32>,
    tpu.vector_store %arg17[%swap3A_737, %swap3A_738], %broadcast_in_dim3A_3 {strides = array<i32>} : memref<64x272xf32, #tpu.memory_space<vmem>>, vector<16xf32>,
    %swap3A_740 = arith.constant 28 : i32
    %swap3A_741 = arith.index_cast %swap3A_740 : i32 to index
    %swap3A_742 = arith.constant 256 : index
    %swap3A_743 = tpu.vector_load %arg17[%swap3A_741, %swap3A_742] {strides = array<i32>} : memref<64x272xf32, #tpu.memory_space<vmem>>, vector<16xf32>,
    tpu.vector_store %arg17[%swap3A_741, %swap3A_742], %broadcast_in_dim3A_3 {strides = array<i32>} : memref<64x272xf32, #tpu.memory_space<vmem>>, vector<16xf32>,
    %swap3A_744 = arith.constant 29 : i32
    %swap3A_745 = arith.index_cast %swap3A_744 : i32 to index
    %swap3A_746 = arith.constant 256 : index
    %swap3A_747 = tpu.vector_load %arg17[%swap3A_745, %swap3A_746] {strides = array<i32>} : memref<64x272xf32, #tpu.memory_space<vmem>>, vector<16xf32>,
    tpu.vector_store %arg17[%swap3A_745, %swap3A_746], %broadcast_in_dim3A_3 {strides = array<i32>} : memref<64x272xf32, #tpu.memory_space<vmem>>, vector<16xf32>,
    %swap3A_748 = arith.constant 30 : i32
    %swap3A_749 = arith.index_cast %swap3A_748 : i32 to index
    %swap3A_750 = arith.constant 256 : index
    %swap3A_751 = tpu.vector_load %arg17[%swap3A_749, %swap3A_750] {strides = array<i32>} : memref<64x272xf32, #tpu.memory_space<vmem>>, vector<16xf32>,
    tpu.vector_store %arg17[%swap3A_749, %swap3A_750], %broadcast_in_dim3A_3 {strides = array<i32>} : memref<64x272xf32, #tpu.memory_space<vmem>>, vector<16xf32>,
    %swap3A_752 = arith.constant 31 : i32
    %swap3A_753 = arith.index_cast %swap3A_752 : i32 to index
    %swap3A_754 = arith.constant 256 : index
    %swap3A_755 = tpu.vector_load %arg17[%swap3A_753, %swap3A_754] {strides = array<i32>} : memref<64x272xf32, #tpu.memory_space<vmem>>, vector<16xf32>,
    tpu.vector_store %arg17[%swap3A_753, %swap3A_754], %broadcast_in_dim3A_3 {strides = array<i32>} : memref<64x272xf32, #tpu.memory_space<vmem>>, vector<16xf32>,
    %swap3A_756 = arith.constant 32 : i32
    %swap3A_757 = arith.index_cast %swap3A_756 : i32 to index
    %swap3A_758 = arith.constant 256 : index
    %swap3A_759 = tpu.vector_load %arg17[%swap3A_757, %swap3A_758] {strides = array<i32>} : memref<64x272xf32, #tpu.memory_space<vmem>>, vector<16xf32>,
    tpu.vector_store %arg17[%swap3A_757, %swap3A_758], %broadcast_in_dim3A_3 {strides = array<i32>} : memref<64x272xf32, #tpu.memory_space<vmem>>, vector<16xf32>,
    %swap3A_760 = arith.constant 33 : i32
    %swap3A_761 = arith.index_cast %swap3A_760 : i32 to index
    %swap3A_762 = arith.constant 256 : index
    %swap3A_763 = tpu.vector_load %arg17[%swap3A_761, %swap3A_762] {strides = array<i32>} : memref<64x272xf32, #tpu.memory_space<vmem>>, vector<16xf32>,
    tpu.vector_store %arg17[%swap3A_761, %swap3A_762], %broadcast_in_dim3A_3 {strides = array<i32>} : memref<64x272xf32, #tpu.memory_space<vmem>>, vector<16xf32>,
    %swap3A_764 = arith.constant 34 : i32
    %swap3A_765 = arith.index_cast %swap3A_764 : i32 to index
    %swap3A_766 = arith.constant 256 : index
    %swap3A_767 = tpu.vector_load %arg17[%swap3A_765, %swap3A_766] {strides = array<i32>} : memref<64x272xf32, #tpu.memory_space<vmem>>, vector<16xf32>,
    tpu.vector_store %arg17[%swap3A_765, %swap3A_766], %broadcast_in_dim3A_3 {strides = array<i32>} : memref<64x272xf32, #tpu.memory_space<vmem>>, vector<16xf32>,
    %swap3A_768 = arith.constant 35 : i32
    %swap3A_769 = arith.index_cast %swap3A_768 : i32 to index
    %swap3A_770 = arith.constant 256 : index
    %swap3A_771 = tpu.vector_load %arg17[%swap3A_769, %swap3A_770] {strides = array<i32>} : memref<64x272xf32, #tpu.memory_space<vmem>>, vector<16xf32>,
    tpu.vector_store %arg17[%swap3A_769, %swap3A_770], %broadcast_in_dim3A_3 {strides = array<i32>} : memref<64x272xf32, #tpu.memory_space<vmem>>, vector<16xf32>,
    %swap3A_772 = arith.constant 36 : i32
    %swap3A_773 = arith.index_cast %swap3A_772 : i32 to index
    %swap3A_774 = arith.constant 256 : index
    %swap3A_775 = tpu.vector_load %arg17[%swap3A_773, %swap3A_774] {strides = array<i32>} : memref<64x272xf32, #tpu.memory_space<vmem>>, vector<16xf32>,
    tpu.vector_store %arg17[%swap3A_773, %swap3A_774], %broadcast_in_dim3A_3 {strides = array<i32>} : memref<64x272xf32, #tpu.memory_space<vmem>>, vector<16xf32>,
    %swap3A_776 = arith.constant 37 : i32
    %swap3A_777 = arith.index_cast %swap3A_776 : i32 to index
    %swap3A_778 = arith.constant 256 : index
    %swap3A_779 = tpu.vector_load %arg17[%swap3A_777, %swap3A_778] {strides = array<i32>} : memref<64x272xf32, #tpu.memory_space<vmem>>, vector<16xf32>,
    tpu.vector_store %arg17[%swap3A_777, %swap3A_778], %broadcast_in_dim3A_3 {strides = array<i32>} : memref<64x272xf32, #tpu.memory_space<vmem>>, vector<16xf32>,
    %swap3A_780 = arith.constant 38 : i32
    %swap3A_781 = arith.index_cast %swap3A_780 : i32 to index
    %swap3A_782 = arith.constant 256 : index
    %swap3A_783 = tpu.vector_load %arg17[%swap3A_781, %swap3A_782] {strides = array<i32>} : memref<64x272xf32, #tpu.memory_space<vmem>>, vector<16xf32>,
    tpu.vector_store %arg17[%swap3A_781, %swap3A_782], %broadcast_in_dim3A_3 {strides = array<i32>} : memref<64x272xf32, #tpu.memory_space<vmem>>, vector<16xf32>,
    %swap3A_784 = arith.constant 39 : i32
    %swap3A_785 = arith.index_cast %swap3A_784 : i32 to index
    %swap3A_786 = arith.constant 256 : index
    %swap3A_787 = tpu.vector_load %arg17[%swap3A_785, %swap3A_786] {strides = array<i32>} : memref<64x272xf32, #tpu.memory_space<vmem>>, vector<16xf32>,
    tpu.vector_store %arg17[%swap3A_785, %swap3A_786], %broadcast_in_dim3A_3 {strides = array<i32>} : memref<64x272xf32, #tpu.memory_space<vmem>>, vector<16xf32>,
    %swap3A_788 = arith.constant 40 : i32
    %swap3A_789 = arith.index_cast %swap3A_788 : i32 to index
    %swap3A_790 = arith.constant 256 : index
    %swap3A_791 = tpu.vector_load %arg17[%swap3A_789, %swap3A_790] {strides = array<i32>} : memref<64x272xf32, #tpu.memory_space<vmem>>, vector<16xf32>,
    tpu.vector_store %arg17[%swap3A_789, %swap3A_790], %broadcast_in_dim3A_3 {strides = array<i32>} : memref<64x272xf32, #tpu.memory_space<vmem>>, vector<16xf32>,
    %swap3A_792 = arith.constant 41 : i32
    %swap3A_793 = arith.index_cast %swap3A_792 : i32 to index
    %swap3A_794 = arith.constant 256 : index
    %swap3A_795 = tpu.vector_load %arg17[%swap3A_793, %swap3A_794] {strides = array<i32>} : memref<64x272xf32, #tpu.memory_space<vmem>>, vector<16xf32>,
    tpu.vector_store %arg17[%swap3A_793, %swap3A_794], %broadcast_in_dim3A_3 {strides = array<i32>} : memref<64x272xf32, #tpu.memory_space<vmem>>, vector<16xf32>,
    %swap3A_796 = arith.constant 42 : i32
    %swap3A_797 = arith.index_cast %swap3A_796 : i32 to index
    %swap3A_798 = arith.constant 256 : index
    %swap3A_799 = tpu.vector_load %arg17[%swap3A_797, %swap3A_798] {strides = array<i32>} : memref<64x272xf32, #tpu.memory_space<vmem>>, vector<16xf32>,
    tpu.vector_store %arg17[%swap3A_797, %swap3A_798], %broadcast_in_dim3A_3 {strides = array<i32>} : memref<64x272xf32, #tpu.memory_space<vmem>>, vector<16xf32>,
    %swap3A_800 = arith.constant 43 : i32
    %swap3A_801 = arith.index_cast %swap3A_800 : i32 to index
    %swap3A_802 = arith.constant 256 : index
    %swap3A_803 = tpu.vector_load %arg17[%swap3A_801, %swap3A_802] {strides = array<i32>} : memref<64x272xf32, #tpu.memory_space<vmem>>, vector<16xf32>,
    tpu.vector_store %arg17[%swap3A_801, %swap3A_802], %broadcast_in_dim3A_3 {strides = array<i32>} : memref<64x272xf32, #tpu.memory_space<vmem>>, vector<16xf32>,
    %swap3A_804 = arith.constant 44 : i32
    %swap3A_805 = arith.index_cast %swap3A_804 : i32 to index
    %swap3A_806 = arith.constant 256 : index
    %swap3A_807 = tpu.vector_load %arg17[%swap3A_805, %swap3A_806] {strides = array<i32>} : memref<64x272xf32, #tpu.memory_space<vmem>>, vector<16xf32>,
    tpu.vector_store %arg17[%swap3A_805, %swap3A_806], %broadcast_in_dim3A_3 {strides = array<i32>} : memref<64x272xf32, #tpu.memory_space<vmem>>, vector<16xf32>,
    %swap3A_808 = arith.constant 45 : i32
    %swap3A_809 = arith.index_cast %swap3A_808 : i32 to index
    %swap3A_810 = arith.constant 256 : index
    %swap3A_811 = tpu.vector_load %arg17[%swap3A_809, %swap3A_810] {strides = array<i32>} : memref<64x272xf32, #tpu.memory_space<vmem>>, vector<16xf32>,
    tpu.vector_store %arg17[%swap3A_809, %swap3A_810], %broadcast_in_dim3A_3 {strides = array<i32>} : memref<64x272xf32, #tpu.memory_space<vmem>>, vector<16xf32>,
    %swap3A_812 = arith.constant 46 : i32
    %swap3A_813 = arith.index_cast %swap3A_812 : i32 to index
    %swap3A_814 = arith.constant 256 : index
    %swap3A_815 = tpu.vector_load %arg17[%swap3A_813, %swap3A_814] {strides = array<i32>} : memref<64x272xf32, #tpu.memory_space<vmem>>, vector<16xf32>,
    tpu.vector_store %arg17[%swap3A_813, %swap3A_814], %broadcast_in_dim3A_3 {strides = array<i32>} : memref<64x272xf32, #tpu.memory_space<vmem>>, vector<16xf32>,
    %swap3A_816 = arith.constant 47 : i32
    %swap3A_817 = arith.index_cast %swap3A_816 : i32 to index
    %swap3A_818 = arith.constant 256 : index
    %swap3A_819 = tpu.vector_load %arg17[%swap3A_817, %swap3A_818] {strides = array<i32>} : memref<64x272xf32, #tpu.memory_space<vmem>>, vector<16xf32>,
    tpu.vector_store %arg17[%swap3A_817, %swap3A_818], %broadcast_in_dim3A_3 {strides = array<i32>} : memref<64x272xf32, #tpu.memory_space<vmem>>, vector<16xf32>,
    %swap3A_820 = arith.constant 48 : i32
    %swap3A_821 = arith.index_cast %swap3A_820 : i32 to index
    %swap3A_822 = arith.constant 256 : index
    %swap3A_823 = tpu.vector_load %arg17[%swap3A_821, %swap3A_822] {strides = array<i32>} : memref<64x272xf32, #tpu.memory_space<vmem>>, vector<16xf32>,
    tpu.vector_store %arg17[%swap3A_821, %swap3A_822], %broadcast_in_dim3A_3 {strides = array<i32>} : memref<64x272xf32, #tpu.memory_space<vmem>>, vector<16xf32>,
    %swap3A_824 = arith.constant 49 : i32
    %swap3A_825 = arith.index_cast %swap3A_824 : i32 to index
    %swap3A_826 = arith.constant 256 : index
    %swap3A_827 = tpu.vector_load %arg17[%swap3A_825, %swap3A_826] {strides = array<i32>} : memref<64x272xf32, #tpu.memory_space<vmem>>, vector<16xf32>,
    tpu.vector_store %arg17[%swap3A_825, %swap3A_826], %broadcast_in_dim3A_3 {strides = array<i32>} : memref<64x272xf32, #tpu.memory_space<vmem>>, vector<16xf32>,
    %swap3A_828 = arith.constant 50 : i32
    %swap3A_829 = arith.index_cast %swap3A_828 : i32 to index
    %swap3A_830 = arith.constant 256 : index
    %swap3A_831 = tpu.vector_load %arg17[%swap3A_829, %swap3A_830] {strides = array<i32>} : memref<64x272xf32, #tpu.memory_space<vmem>>, vector<16xf32>,
    tpu.vector_store %arg17[%swap3A_829, %swap3A_830], %broadcast_in_dim3A_3 {strides = array<i32>} : memref<64x272xf32, #tpu.memory_space<vmem>>, vector<16xf32>,
    %swap3A_832 = arith.constant 51 : i32
    %swap3A_833 = arith.index_cast %swap3A_832 : i32 to index
    %swap3A_834 = arith.constant 256 : index
    %swap3A_835 = tpu.vector_load %arg17[%swap3A_833, %swap3A_834] {strides = array<i32>} : memref<64x272xf32, #tpu.memory_space<vmem>>, vector<16xf32>,
    tpu.vector_store %arg17[%swap3A_833, %swap3A_834], %broadcast_in_dim3A_3 {strides = array<i32>} : memref<64x272xf32, #tpu.memory_space<vmem>>, vector<16xf32>,
    %swap3A_836 = arith.constant 52 : i32
    %swap3A_837 = arith.index_cast %swap3A_836 : i32 to index
    %swap3A_838 = arith.constant 256 : index
    %swap3A_839 = tpu.vector_load %arg17[%swap3A_837, %swap3A_838] {strides = array<i32>} : memref<64x272xf32, #tpu.memory_space<vmem>>, vector<16xf32>,
    tpu.vector_store %arg17[%swap3A_837, %swap3A_838], %broadcast_in_dim3A_3 {strides = array<i32>} : memref<64x272xf32, #tpu.memory_space<vmem>>, vector<16xf32>,
    %swap3A_840 = arith.constant 53 : i32
    %swap3A_841 = arith.index_cast %swap3A_840 : i32 to index
    %swap3A_842 = arith.constant 256 : index
    %swap3A_843 = tpu.vector_load %arg17[%swap3A_841, %swap3A_842] {strides = array<i32>} : memref<64x272xf32, #tpu.memory_space<vmem>>, vector<16xf32>,
    tpu.vector_store %arg17[%swap3A_841, %swap3A_842], %broadcast_in_dim3A_3 {strides = array<i32>} : memref<64x272xf32, #tpu.memory_space<vmem>>, vector<16xf32>,
    %swap3A_844 = arith.constant 54 : i32
    %swap3A_845 = arith.index_cast %swap3A_844 : i32 to index
    %swap3A_846 = arith.constant 256 : index
    %swap3A_847 = tpu.vector_load %arg17[%swap3A_845, %swap3A_846] {strides = array<i32>} : memref<64x272xf32, #tpu.memory_space<vmem>>, vector<16xf32>,
    tpu.vector_store %arg17[%swap3A_845, %swap3A_846], %broadcast_in_dim3A_3 {strides = array<i32>} : memref<64x272xf32, #tpu.memory_space<vmem>>, vector<16xf32>,
    %swap3A_848 = arith.constant 55 : i32
    %swap3A_849 = arith.index_cast %swap3A_848 : i32 to index
    %swap3A_850 = arith.constant 256 : index
    %swap3A_851 = tpu.vector_load %arg17[%swap3A_849, %swap3A_850] {strides = array<i32>} : memref<64x272xf32, #tpu.memory_space<vmem>>, vector<16xf32>,
    tpu.vector_store %arg17[%swap3A_849, %swap3A_850], %broadcast_in_dim3A_3 {strides = array<i32>} : memref<64x272xf32, #tpu.memory_space<vmem>>, vector<16xf32>,
    %swap3A_852 = arith.constant 56 : i32
    %swap3A_853 = arith.index_cast %swap3A_852 : i32 to index
    %swap3A_854 = arith.constant 256 : index
    %swap3A_855 = tpu.vector_load %arg17[%swap3A_853, %swap3A_854] {strides = array<i32>} : memref<64x272xf32, #tpu.memory_space<vmem>>, vector<16xf32>,
    tpu.vector_store %arg17[%swap3A_853, %swap3A_854], %broadcast_in_dim3A_3 {strides = array<i32>} : memref<64x272xf32, #tpu.memory_space<vmem>>, vector<16xf32>,
    %swap3A_856 = arith.constant 57 : i32
    %swap3A_857 = arith.index_cast %swap3A_856 : i32 to index
    %swap3A_858 = arith.constant 256 : index
    %swap3A_859 = tpu.vector_load %arg17[%swap3A_857, %swap3A_858] {strides = array<i32>} : memref<64x272xf32, #tpu.memory_space<vmem>>, vector<16xf32>,
    tpu.vector_store %arg17[%swap3A_857, %swap3A_858], %broadcast_in_dim3A_3 {strides = array<i32>} : memref<64x272xf32, #tpu.memory_space<vmem>>, vector<16xf32>,
    %swap3A_860 = arith.constant 58 : i32
    %swap3A_861 = arith.index_cast %swap3A_860 : i32 to index
    %swap3A_862 = arith.constant 256 : index
    %swap3A_863 = tpu.vector_load %arg17[%swap3A_861, %swap3A_862] {strides = array<i32>} : memref<64x272xf32, #tpu.memory_space<vmem>>, vector<16xf32>,
    tpu.vector_store %arg17[%swap3A_861, %swap3A_862], %broadcast_in_dim3A_3 {strides = array<i32>} : memref<64x272xf32, #tpu.memory_space<vmem>>, vector<16xf32>,
    %swap3A_864 = arith.constant 59 : i32
    %swap3A_865 = arith.index_cast %swap3A_864 : i32 to index
    %swap3A_866 = arith.constant 256 : index
    %swap3A_867 = tpu.vector_load %arg17[%swap3A_865, %swap3A_866] {strides = array<i32>} : memref<64x272xf32, #tpu.memory_space<vmem>>, vector<16xf32>,
    tpu.vector_store %arg17[%swap3A_865, %swap3A_866], %broadcast_in_dim3A_3 {strides = array<i32>} : memref<64x272xf32, #tpu.memory_space<vmem>>, vector<16xf32>,
    %swap3A_868 = arith.constant 60 : i32
    %swap3A_869 = arith.index_cast %swap3A_868 : i32 to index
    %swap3A_870 = arith.constant 256 : index
    %swap3A_871 = tpu.vector_load %arg17[%swap3A_869, %swap3A_870] {strides = array<i32>} : memref<64x272xf32, #tpu.memory_space<vmem>>, vector<16xf32>,
    tpu.vector_store %arg17[%swap3A_869, %swap3A_870], %broadcast_in_dim3A_3 {strides = array<i32>} : memref<64x272xf32, #tpu.memory_space<vmem>>, vector<16xf32>,
    %swap3A_872 = arith.constant 61 : i32
    %swap3A_873 = arith.index_cast %swap3A_872 : i32 to index
    %swap3A_874 = arith.constant 256 : index
    %swap3A_875 = tpu.vector_load %arg17[%swap3A_873, %swap3A_874] {strides = array<i32>} : memref<64x272xf32, #tpu.memory_space<vmem>>, vector<16xf32>,
    tpu.vector_store %arg17[%swap3A_873, %swap3A_874], %broadcast_in_dim3A_3 {strides = array<i32>} : memref<64x272xf32, #tpu.memory_space<vmem>>, vector<16xf32>,
    %swap3A_876 = arith.constant 62 : i32
    %swap3A_877 = arith.index_cast %swap3A_876 : i32 to index
    %swap3A_878 = arith.constant 256 : index
    %swap3A_879 = tpu.vector_load %arg17[%swap3A_877, %swap3A_878] {strides = array<i32>} : memref<64x272xf32, #tpu.memory_space<vmem>>, vector<16xf32>,
    tpu.vector_store %arg17[%swap3A_877, %swap3A_878], %broadcast_in_dim3A_3 {strides = array<i32>} : memref<64x272xf32, #tpu.memory_space<vmem>>, vector<16xf32>,
    %swap3A_880 = arith.constant 63 : i32
    %swap3A_881 = arith.index_cast %swap3A_880 : i32 to index
    %swap3A_882 = arith.constant 256 : index
    %swap3A_883 = tpu.vector_load %arg17[%swap3A_881, %swap3A_882] {strides = array<i32>} : memref<64x272xf32, #tpu.memory_space<vmem>>, vector<16xf32>,
    tpu.vector_store %arg17[%swap3A_881, %swap3A_882], %broadcast_in_dim3A_3 {strides = array<i32>} : memref<64x272xf32, #tpu.memory_space<vmem>>, vector<16xf32>,
    %swap3A_884 = arith.constant 0 : i32
    %swap3A_885 = arith.index_cast %swap3A_884 : i32 to index
    %swap3A_886 = arith.constant 256 : index
    %swap3A_887 = tpu.vector_load %arg18[%swap3A_885, %swap3A_886] {strides = array<i32>} : memref<64x272xf32, #tpu.memory_space<vmem>>, vector<16xf32>,
    tpu.vector_store %arg18[%swap3A_885, %swap3A_886], %broadcast_in_dim3A_3 {strides = array<i32>} : memref<64x272xf32, #tpu.memory_space<vmem>>, vector<16xf32>,
    %swap3A_888 = arith.constant 1 : i32
    %swap3A_889 = arith.index_cast %swap3A_888 : i32 to index
    %swap3A_890 = arith.constant 256 : index
    %swap3A_891 = tpu.vector_load %arg18[%swap3A_889, %swap3A_890] {strides = array<i32>} : memref<64x272xf32, #tpu.memory_space<vmem>>, vector<16xf32>,
    tpu.vector_store %arg18[%swap3A_889, %swap3A_890], %broadcast_in_dim3A_3 {strides = array<i32>} : memref<64x272xf32, #tpu.memory_space<vmem>>, vector<16xf32>,
    %swap3A_892 = arith.constant 2 : i32
    %swap3A_893 = arith.index_cast %swap3A_892 : i32 to index
    %swap3A_894 = arith.constant 256 : index
    %swap3A_895 = tpu.vector_load %arg18[%swap3A_893, %swap3A_894] {strides = array<i32>} : memref<64x272xf32, #tpu.memory_space<vmem>>, vector<16xf32>,
    tpu.vector_store %arg18[%swap3A_893, %swap3A_894], %broadcast_in_dim3A_3 {strides = array<i32>} : memref<64x272xf32, #tpu.memory_space<vmem>>, vector<16xf32>,
    %swap3A_896 = arith.constant 3 : i32
    %swap3A_897 = arith.index_cast %swap3A_896 : i32 to index
    %swap3A_898 = arith.constant 256 : index
    %swap3A_899 = tpu.vector_load %arg18[%swap3A_897, %swap3A_898] {strides = array<i32>} : memref<64x272xf32, #tpu.memory_space<vmem>>, vector<16xf32>,
    tpu.vector_store %arg18[%swap3A_897, %swap3A_898], %broadcast_in_dim3A_3 {strides = array<i32>} : memref<64x272xf32, #tpu.memory_space<vmem>>, vector<16xf32>,
    %swap3A_900 = arith.constant 4 : i32
    %swap3A_901 = arith.index_cast %swap3A_900 : i32 to index
    %swap3A_902 = arith.constant 256 : index
    %swap3A_903 = tpu.vector_load %arg18[%swap3A_901, %swap3A_902] {strides = array<i32>} : memref<64x272xf32, #tpu.memory_space<vmem>>, vector<16xf32>,
    tpu.vector_store %arg18[%swap3A_901, %swap3A_902], %broadcast_in_dim3A_3 {strides = array<i32>} : memref<64x272xf32, #tpu.memory_space<vmem>>, vector<16xf32>,
    %swap3A_904 = arith.constant 5 : i32
    %swap3A_905 = arith.index_cast %swap3A_904 : i32 to index
    %swap3A_906 = arith.constant 256 : index
    %swap3A_907 = tpu.vector_load %arg18[%swap3A_905, %swap3A_906] {strides = array<i32>} : memref<64x272xf32, #tpu.memory_space<vmem>>, vector<16xf32>,
    tpu.vector_store %arg18[%swap3A_905, %swap3A_906], %broadcast_in_dim3A_3 {strides = array<i32>} : memref<64x272xf32, #tpu.memory_space<vmem>>, vector<16xf32>,
    %swap3A_908 = arith.constant 6 : i32
    %swap3A_909 = arith.index_cast %swap3A_908 : i32 to index
    %swap3A_910 = arith.constant 256 : index
    %swap3A_911 = tpu.vector_load %arg18[%swap3A_909, %swap3A_910] {strides = array<i32>} : memref<64x272xf32, #tpu.memory_space<vmem>>, vector<16xf32>,
    tpu.vector_store %arg18[%swap3A_909, %swap3A_910], %broadcast_in_dim3A_3 {strides = array<i32>} : memref<64x272xf32, #tpu.memory_space<vmem>>, vector<16xf32>,
    %swap3A_912 = arith.constant 7 : i32
    %swap3A_913 = arith.index_cast %swap3A_912 : i32 to index
    %swap3A_914 = arith.constant 256 : index
    %swap3A_915 = tpu.vector_load %arg18[%swap3A_913, %swap3A_914] {strides = array<i32>} : memref<64x272xf32, #tpu.memory_space<vmem>>, vector<16xf32>,
    tpu.vector_store %arg18[%swap3A_913, %swap3A_914], %broadcast_in_dim3A_3 {strides = array<i32>} : memref<64x272xf32, #tpu.memory_space<vmem>>, vector<16xf32>,
    %swap3A_916 = arith.constant 8 : i32
    %swap3A_917 = arith.index_cast %swap3A_916 : i32 to index
    %swap3A_918 = arith.constant 256 : index
    %swap3A_919 = tpu.vector_load %arg18[%swap3A_917, %swap3A_918] {strides = array<i32>} : memref<64x272xf32, #tpu.memory_space<vmem>>, vector<16xf32>,
    tpu.vector_store %arg18[%swap3A_917, %swap3A_918], %broadcast_in_dim3A_3 {strides = array<i32>} : memref<64x272xf32, #tpu.memory_space<vmem>>, vector<16xf32>,
    %swap3A_920 = arith.constant 9 : i32
    %swap3A_921 = arith.index_cast %swap3A_920 : i32 to index
    %swap3A_922 = arith.constant 256 : index
    %swap3A_923 = tpu.vector_load %arg18[%swap3A_921, %swap3A_922] {strides = array<i32>} : memref<64x272xf32, #tpu.memory_space<vmem>>, vector<16xf32>,
    tpu.vector_store %arg18[%swap3A_921, %swap3A_922], %broadcast_in_dim3A_3 {strides = array<i32>} : memref<64x272xf32, #tpu.memory_space<vmem>>, vector<16xf32>,
    %swap3A_924 = arith.constant 10 : i32
    %swap3A_925 = arith.index_cast %swap3A_924 : i32 to index
    %swap3A_926 = arith.constant 256 : index
    %swap3A_927 = tpu.vector_load %arg18[%swap3A_925, %swap3A_926] {strides = array<i32>} : memref<64x272xf32, #tpu.memory_space<vmem>>, vector<16xf32>,
    tpu.vector_store %arg18[%swap3A_925, %swap3A_926], %broadcast_in_dim3A_3 {strides = array<i32>} : memref<64x272xf32, #tpu.memory_space<vmem>>, vector<16xf32>,
    %swap3A_928 = arith.constant 11 : i32
    %swap3A_929 = arith.index_cast %swap3A_928 : i32 to index
    %swap3A_930 = arith.constant 256 : index
    %swap3A_931 = tpu.vector_load %arg18[%swap3A_929, %swap3A_930] {strides = array<i32>} : memref<64x272xf32, #tpu.memory_space<vmem>>, vector<16xf32>,
    tpu.vector_store %arg18[%swap3A_929, %swap3A_930], %broadcast_in_dim3A_3 {strides = array<i32>} : memref<64x272xf32, #tpu.memory_space<vmem>>, vector<16xf32>,
    %swap3A_932 = arith.constant 12 : i32
    %swap3A_933 = arith.index_cast %swap3A_932 : i32 to index
    %swap3A_934 = arith.constant 256 : index
    %swap3A_935 = tpu.vector_load %arg18[%swap3A_933, %swap3A_934] {strides = array<i32>} : memref<64x272xf32, #tpu.memory_space<vmem>>, vector<16xf32>,
    tpu.vector_store %arg18[%swap3A_933, %swap3A_934], %broadcast_in_dim3A_3 {strides = array<i32>} : memref<64x272xf32, #tpu.memory_space<vmem>>, vector<16xf32>,
    %swap3A_936 = arith.constant 13 : i32
    %swap3A_937 = arith.index_cast %swap3A_936 : i32 to index
    %swap3A_938 = arith.constant 256 : index
    %swap3A_939 = tpu.vector_load %arg18[%swap3A_937, %swap3A_938] {strides = array<i32>} : memref<64x272xf32, #tpu.memory_space<vmem>>, vector<16xf32>,
    tpu.vector_store %arg18[%swap3A_937, %swap3A_938], %broadcast_in_dim3A_3 {strides = array<i32>} : memref<64x272xf32, #tpu.memory_space<vmem>>, vector<16xf32>,
    %swap3A_940 = arith.constant 14 : i32
    %swap3A_941 = arith.index_cast %swap3A_940 : i32 to index
    %swap3A_942 = arith.constant 256 : index
    %swap3A_943 = tpu.vector_load %arg18[%swap3A_941, %swap3A_942] {strides = array<i32>} : memref<64x272xf32, #tpu.memory_space<vmem>>, vector<16xf32>,
    tpu.vector_store %arg18[%swap3A_941, %swap3A_942], %broadcast_in_dim3A_3 {strides = array<i32>} : memref<64x272xf32, #tpu.memory_space<vmem>>, vector<16xf32>,
    %swap3A_944 = arith.constant 15 : i32
    %swap3A_945 = arith.index_cast %swap3A_944 : i32 to index
    %swap3A_946 = arith.constant 256 : index
    %swap3A_947 = tpu.vector_load %arg18[%swap3A_945, %swap3A_946] {strides = array<i32>} : memref<64x272xf32, #tpu.memory_space<vmem>>, vector<16xf32>,
    tpu.vector_store %arg18[%swap3A_945, %swap3A_946], %broadcast_in_dim3A_3 {strides = array<i32>} : memref<64x272xf32, #tpu.memory_space<vmem>>, vector<16xf32>,
    %swap3A_948 = arith.constant 16 : i32
    %swap3A_949 = arith.index_cast %swap3A_948 : i32 to index
    %swap3A_950 = arith.constant 256 : index
    %swap3A_951 = tpu.vector_load %arg18[%swap3A_949, %swap3A_950] {strides = array<i32>} : memref<64x272xf32, #tpu.memory_space<vmem>>, vector<16xf32>,
    tpu.vector_store %arg18[%swap3A_949, %swap3A_950], %broadcast_in_dim3A_3 {strides = array<i32>} : memref<64x272xf32, #tpu.memory_space<vmem>>, vector<16xf32>,
    %swap3A_952 = arith.constant 17 : i32
    %swap3A_953 = arith.index_cast %swap3A_952 : i32 to index
    %swap3A_954 = arith.constant 256 : index
    %swap3A_955 = tpu.vector_load %arg18[%swap3A_953, %swap3A_954] {strides = array<i32>} : memref<64x272xf32, #tpu.memory_space<vmem>>, vector<16xf32>,
    tpu.vector_store %arg18[%swap3A_953, %swap3A_954], %broadcast_in_dim3A_3 {strides = array<i32>} : memref<64x272xf32, #tpu.memory_space<vmem>>, vector<16xf32>,
    %swap3A_956 = arith.constant 18 : i32
    %swap3A_957 = arith.index_cast %swap3A_956 : i32 to index
    %swap3A_958 = arith.constant 256 : index
    %swap3A_959 = tpu.vector_load %arg18[%swap3A_957, %swap3A_958] {strides = array<i32>} : memref<64x272xf32, #tpu.memory_space<vmem>>, vector<16xf32>,
    tpu.vector_store %arg18[%swap3A_957, %swap3A_958], %broadcast_in_dim3A_3 {strides = array<i32>} : memref<64x272xf32, #tpu.memory_space<vmem>>, vector<16xf32>,
    %swap3A_960 = arith.constant 19 : i32
    %swap3A_961 = arith.index_cast %swap3A_960 : i32 to index
    %swap3A_962 = arith.constant 256 : index
    %swap3A_963 = tpu.vector_load %arg18[%swap3A_961, %swap3A_962] {strides = array<i32>} : memref<64x272xf32, #tpu.memory_space<vmem>>, vector<16xf32>,
    tpu.vector_store %arg18[%swap3A_961, %swap3A_962], %broadcast_in_dim3A_3 {strides = array<i32>} : memref<64x272xf32, #tpu.memory_space<vmem>>, vector<16xf32>,
    %swap3A_964 = arith.constant 20 : i32
    %swap3A_965 = arith.index_cast %swap3A_964 : i32 to index
    %swap3A_966 = arith.constant 256 : index
    %swap3A_967 = tpu.vector_load %arg18[%swap3A_965, %swap3A_966] {strides = array<i32>} : memref<64x272xf32, #tpu.memory_space<vmem>>, vector<16xf32>,
    tpu.vector_store %arg18[%swap3A_965, %swap3A_966], %broadcast_in_dim3A_3 {strides = array<i32>} : memref<64x272xf32, #tpu.memory_space<vmem>>, vector<16xf32>,
    %swap3A_968 = arith.constant 21 : i32
    %swap3A_969 = arith.index_cast %swap3A_968 : i32 to index
    %swap3A_970 = arith.constant 256 : index
    %swap3A_971 = tpu.vector_load %arg18[%swap3A_969, %swap3A_970] {strides = array<i32>} : memref<64x272xf32, #tpu.memory_space<vmem>>, vector<16xf32>,
    tpu.vector_store %arg18[%swap3A_969, %swap3A_970], %broadcast_in_dim3A_3 {strides = array<i32>} : memref<64x272xf32, #tpu.memory_space<vmem>>, vector<16xf32>,
    %swap3A_972 = arith.constant 22 : i32
    %swap3A_973 = arith.index_cast %swap3A_972 : i32 to index
    %swap3A_974 = arith.constant 256 : index
    %swap3A_975 = tpu.vector_load %arg18[%swap3A_973, %swap3A_974] {strides = array<i32>} : memref<64x272xf32, #tpu.memory_space<vmem>>, vector<16xf32>,
    tpu.vector_store %arg18[%swap3A_973, %swap3A_974], %broadcast_in_dim3A_3 {strides = array<i32>} : memref<64x272xf32, #tpu.memory_space<vmem>>, vector<16xf32>,
    %swap3A_976 = arith.constant 23 : i32
    %swap3A_977 = arith.index_cast %swap3A_976 : i32 to index
    %swap3A_978 = arith.constant 256 : index
    %swap3A_979 = tpu.vector_load %arg18[%swap3A_977, %swap3A_978] {strides = array<i32>} : memref<64x272xf32, #tpu.memory_space<vmem>>, vector<16xf32>,
    tpu.vector_store %arg18[%swap3A_977, %swap3A_978], %broadcast_in_dim3A_3 {strides = array<i32>} : memref<64x272xf32, #tpu.memory_space<vmem>>, vector<16xf32>,
    %swap3A_980 = arith.constant 24 : i32
    %swap3A_981 = arith.index_cast %swap3A_980 : i32 to index
    %swap3A_982 = arith.constant 256 : index
    %swap3A_983 = tpu.vector_load %arg18[%swap3A_981, %swap3A_982] {strides = array<i32>} : memref<64x272xf32, #tpu.memory_space<vmem>>, vector<16xf32>,
    tpu.vector_store %arg18[%swap3A_981, %swap3A_982], %broadcast_in_dim3A_3 {strides = array<i32>} : memref<64x272xf32, #tpu.memory_space<vmem>>, vector<16xf32>,
    %swap3A_984 = arith.constant 25 : i32
    %swap3A_985 = arith.index_cast %swap3A_984 : i32 to index
    %swap3A_986 = arith.constant 256 : index
    %swap3A_987 = tpu.vector_load %arg18[%swap3A_985, %swap3A_986] {strides = array<i32>} : memref<64x272xf32, #tpu.memory_space<vmem>>, vector<16xf32>,
    tpu.vector_store %arg18[%swap3A_985, %swap3A_986], %broadcast_in_dim3A_3 {strides = array<i32>} : memref<64x272xf32, #tpu.memory_space<vmem>>, vector<16xf32>,
    %swap3A_988 = arith.constant 26 : i32
    %swap3A_989 = arith.index_cast %swap3A_988 : i32 to index
    %swap3A_990 = arith.constant 256 : index
    %swap3A_991 = tpu.vector_load %arg18[%swap3A_989, %swap3A_990] {strides = array<i32>} : memref<64x272xf32, #tpu.memory_space<vmem>>, vector<16xf32>,
    tpu.vector_store %arg18[%swap3A_989, %swap3A_990], %broadcast_in_dim3A_3 {strides = array<i32>} : memref<64x272xf32, #tpu.memory_space<vmem>>, vector<16xf32>,
    %swap3A_992 = arith.constant 27 : i32
    %swap3A_993 = arith.index_cast %swap3A_992 : i32 to index
    %swap3A_994 = arith.constant 256 : index
    %swap3A_995 = tpu.vector_load %arg18[%swap3A_993, %swap3A_994] {strides = array<i32>} : memref<64x272xf32, #tpu.memory_space<vmem>>, vector<16xf32>,
    tpu.vector_store %arg18[%swap3A_993, %swap3A_994], %broadcast_in_dim3A_3 {strides = array<i32>} : memref<64x272xf32, #tpu.memory_space<vmem>>, vector<16xf32>,
    %swap3A_996 = arith.constant 28 : i32
    %swap3A_997 = arith.index_cast %swap3A_996 : i32 to index
    %swap3A_998 = arith.constant 256 : index
    %swap3A_999 = tpu.vector_load %arg18[%swap3A_997, %swap3A_998] {strides = array<i32>} : memref<64x272xf32, #tpu.memory_space<vmem>>, vector<16xf32>,
    tpu.vector_store %arg18[%swap3A_997, %swap3A_998], %broadcast_in_dim3A_3 {strides = array<i32>} : memref<64x272xf32, #tpu.memory_space<vmem>>, vector<16xf32>,
    %swap3A_1000 = arith.constant 29 : i32
    %swap3A_1001 = arith.index_cast %swap3A_1000 : i32 to index
    %swap3A_1002 = arith.constant 256 : index
    %swap3A_1003 = tpu.vector_load %arg18[%swap3A_1001, %swap3A_1002] {strides = array<i32>} : memref<64x272xf32, #tpu.memory_space<vmem>>, vector<16xf32>,
    tpu.vector_store %arg18[%swap3A_1001, %swap3A_1002], %broadcast_in_dim3A_3 {strides = array<i32>} : memref<64x272xf32, #tpu.memory_space<vmem>>, vector<16xf32>,
    %swap3A_1004 = arith.constant 30 : i32
    %swap3A_1005 = arith.index_cast %swap3A_1004 : i32 to index
    %swap3A_1006 = arith.constant 256 : index
    %swap3A_1007 = tpu.vector_load %arg18[%swap3A_1005, %swap3A_1006] {strides = array<i32>} : memref<64x272xf32, #tpu.memory_space<vmem>>, vector<16xf32>,
    tpu.vector_store %arg18[%swap3A_1005, %swap3A_1006], %broadcast_in_dim3A_3 {strides = array<i32>} : memref<64x272xf32, #tpu.memory_space<vmem>>, vector<16xf32>,
    %swap3A_1008 = arith.constant 31 : i32
    %swap3A_1009 = arith.index_cast %swap3A_1008 : i32 to index
    %swap3A_1010 = arith.constant 256 : index
    %swap3A_1011 = tpu.vector_load %arg18[%swap3A_1009, %swap3A_1010] {strides = array<i32>} : memref<64x272xf32, #tpu.memory_space<vmem>>, vector<16xf32>,
    tpu.vector_store %arg18[%swap3A_1009, %swap3A_1010], %broadcast_in_dim3A_3 {strides = array<i32>} : memref<64x272xf32, #tpu.memory_space<vmem>>, vector<16xf32>,
    %swap3A_1012 = arith.constant 32 : i32
    %swap3A_1013 = arith.index_cast %swap3A_1012 : i32 to index
    %swap3A_1014 = arith.constant 256 : index
    %swap3A_1015 = tpu.vector_load %arg18[%swap3A_1013, %swap3A_1014] {strides = array<i32>} : memref<64x272xf32, #tpu.memory_space<vmem>>, vector<16xf32>,
    tpu.vector_store %arg18[%swap3A_1013, %swap3A_1014], %broadcast_in_dim3A_3 {strides = array<i32>} : memref<64x272xf32, #tpu.memory_space<vmem>>, vector<16xf32>,
    %swap3A_1016 = arith.constant 33 : i32
    %swap3A_1017 = arith.index_cast %swap3A_1016 : i32 to index
    %swap3A_1018 = arith.constant 256 : index
    %swap3A_1019 = tpu.vector_load %arg18[%swap3A_1017, %swap3A_1018] {strides = array<i32>} : memref<64x272xf32, #tpu.memory_space<vmem>>, vector<16xf32>,
    tpu.vector_store %arg18[%swap3A_1017, %swap3A_1018], %broadcast_in_dim3A_3 {strides = array<i32>} : memref<64x272xf32, #tpu.memory_space<vmem>>, vector<16xf32>,
    %swap3A_1020 = arith.constant 34 : i32
    %swap3A_1021 = arith.index_cast %swap3A_1020 : i32 to index
    %swap3A_1022 = arith.constant 256 : index
    %swap3A_1023 = tpu.vector_load %arg18[%swap3A_1021, %swap3A_1022] {strides = array<i32>} : memref<64x272xf32, #tpu.memory_space<vmem>>, vector<16xf32>,
    tpu.vector_store %arg18[%swap3A_1021, %swap3A_1022], %broadcast_in_dim3A_3 {strides = array<i32>} : memref<64x272xf32, #tpu.memory_space<vmem>>, vector<16xf32>,
    %swap3A_1024 = arith.constant 35 : i32
    %swap3A_1025 = arith.index_cast %swap3A_1024 : i32 to index
    %swap3A_1026 = arith.constant 256 : index
    %swap3A_1027 = tpu.vector_load %arg18[%swap3A_1025, %swap3A_1026] {strides = array<i32>} : memref<64x272xf32, #tpu.memory_space<vmem>>, vector<16xf32>,
    tpu.vector_store %arg18[%swap3A_1025, %swap3A_1026], %broadcast_in_dim3A_3 {strides = array<i32>} : memref<64x272xf32, #tpu.memory_space<vmem>>, vector<16xf32>,
    %swap3A_1028 = arith.constant 36 : i32
    %swap3A_1029 = arith.index_cast %swap3A_1028 : i32 to index
    %swap3A_1030 = arith.constant 256 : index
    %swap3A_1031 = tpu.vector_load %arg18[%swap3A_1029, %swap3A_1030] {strides = array<i32>} : memref<64x272xf32, #tpu.memory_space<vmem>>, vector<16xf32>,
    tpu.vector_store %arg18[%swap3A_1029, %swap3A_1030], %broadcast_in_dim3A_3 {strides = array<i32>} : memref<64x272xf32, #tpu.memory_space<vmem>>, vector<16xf32>,
    %swap3A_1032 = arith.constant 37 : i32
    %swap3A_1033 = arith.index_cast %swap3A_1032 : i32 to index
    %swap3A_1034 = arith.constant 256 : index
    %swap3A_1035 = tpu.vector_load %arg18[%swap3A_1033, %swap3A_1034] {strides = array<i32>} : memref<64x272xf32, #tpu.memory_space<vmem>>, vector<16xf32>,
    tpu.vector_store %arg18[%swap3A_1033, %swap3A_1034], %broadcast_in_dim3A_3 {strides = array<i32>} : memref<64x272xf32, #tpu.memory_space<vmem>>, vector<16xf32>,
    %swap3A_1036 = arith.constant 38 : i32
    %swap3A_1037 = arith.index_cast %swap3A_1036 : i32 to index
    %swap3A_1038 = arith.constant 256 : index
    %swap3A_1039 = tpu.vector_load %arg18[%swap3A_1037, %swap3A_1038] {strides = array<i32>} : memref<64x272xf32, #tpu.memory_space<vmem>>, vector<16xf32>,
    tpu.vector_store %arg18[%swap3A_1037, %swap3A_1038], %broadcast_in_dim3A_3 {strides = array<i32>} : memref<64x272xf32, #tpu.memory_space<vmem>>, vector<16xf32>,
    %swap3A_1040 = arith.constant 39 : i32
    %swap3A_1041 = arith.index_cast %swap3A_1040 : i32 to index
    %swap3A_1042 = arith.constant 256 : index
    %swap3A_1043 = tpu.vector_load %arg18[%swap3A_1041, %swap3A_1042] {strides = array<i32>} : memref<64x272xf32, #tpu.memory_space<vmem>>, vector<16xf32>,
    tpu.vector_store %arg18[%swap3A_1041, %swap3A_1042], %broadcast_in_dim3A_3 {strides = array<i32>} : memref<64x272xf32, #tpu.memory_space<vmem>>, vector<16xf32>,
    %swap3A_1044 = arith.constant 40 : i32
    %swap3A_1045 = arith.index_cast %swap3A_1044 : i32 to index
    %swap3A_1046 = arith.constant 256 : index
    %swap3A_1047 = tpu.vector_load %arg18[%swap3A_1045, %swap3A_1046] {strides = array<i32>} : memref<64x272xf32, #tpu.memory_space<vmem>>, vector<16xf32>,
    tpu.vector_store %arg18[%swap3A_1045, %swap3A_1046], %broadcast_in_dim3A_3 {strides = array<i32>} : memref<64x272xf32, #tpu.memory_space<vmem>>, vector<16xf32>,
    %swap3A_1048 = arith.constant 41 : i32
    %swap3A_1049 = arith.index_cast %swap3A_1048 : i32 to index
    %swap3A_1050 = arith.constant 256 : index
    %swap3A_1051 = tpu.vector_load %arg18[%swap3A_1049, %swap3A_1050] {strides = array<i32>} : memref<64x272xf32, #tpu.memory_space<vmem>>, vector<16xf32>,
    tpu.vector_store %arg18[%swap3A_1049, %swap3A_1050], %broadcast_in_dim3A_3 {strides = array<i32>} : memref<64x272xf32, #tpu.memory_space<vmem>>, vector<16xf32>,
    %swap3A_1052 = arith.constant 42 : i32
    %swap3A_1053 = arith.index_cast %swap3A_1052 : i32 to index
    %swap3A_1054 = arith.constant 256 : index
    %swap3A_1055 = tpu.vector_load %arg18[%swap3A_1053, %swap3A_1054] {strides = array<i32>} : memref<64x272xf32, #tpu.memory_space<vmem>>, vector<16xf32>,
    tpu.vector_store %arg18[%swap3A_1053, %swap3A_1054], %broadcast_in_dim3A_3 {strides = array<i32>} : memref<64x272xf32, #tpu.memory_space<vmem>>, vector<16xf32>,
    %swap3A_1056 = arith.constant 43 : i32
    %swap3A_1057 = arith.index_cast %swap3A_1056 : i32 to index
    %swap3A_1058 = arith.constant 256 : index
    %swap3A_1059 = tpu.vector_load %arg18[%swap3A_1057, %swap3A_1058] {strides = array<i32>} : memref<64x272xf32, #tpu.memory_space<vmem>>, vector<16xf32>,
    tpu.vector_store %arg18[%swap3A_1057, %swap3A_1058], %broadcast_in_dim3A_3 {strides = array<i32>} : memref<64x272xf32, #tpu.memory_space<vmem>>, vector<16xf32>,
    %swap3A_1060 = arith.constant 44 : i32
    %swap3A_1061 = arith.index_cast %swap3A_1060 : i32 to index
    %swap3A_1062 = arith.constant 256 : index
    %swap3A_1063 = tpu.vector_load %arg18[%swap3A_1061, %swap3A_1062] {strides = array<i32>} : memref<64x272xf32, #tpu.memory_space<vmem>>, vector<16xf32>,
    tpu.vector_store %arg18[%swap3A_1061, %swap3A_1062], %broadcast_in_dim3A_3 {strides = array<i32>} : memref<64x272xf32, #tpu.memory_space<vmem>>, vector<16xf32>,
    %swap3A_1064 = arith.constant 45 : i32
    %swap3A_1065 = arith.index_cast %swap3A_1064 : i32 to index
    %swap3A_1066 = arith.constant 256 : index
    %swap3A_1067 = tpu.vector_load %arg18[%swap3A_1065, %swap3A_1066] {strides = array<i32>} : memref<64x272xf32, #tpu.memory_space<vmem>>, vector<16xf32>,
    tpu.vector_store %arg18[%swap3A_1065, %swap3A_1066], %broadcast_in_dim3A_3 {strides = array<i32>} : memref<64x272xf32, #tpu.memory_space<vmem>>, vector<16xf32>,
    %swap3A_1068 = arith.constant 46 : i32
    %swap3A_1069 = arith.index_cast %swap3A_1068 : i32 to index
    %swap3A_1070 = arith.constant 256 : index
    %swap3A_1071 = tpu.vector_load %arg18[%swap3A_1069, %swap3A_1070] {strides = array<i32>} : memref<64x272xf32, #tpu.memory_space<vmem>>, vector<16xf32>,
    tpu.vector_store %arg18[%swap3A_1069, %swap3A_1070], %broadcast_in_dim3A_3 {strides = array<i32>} : memref<64x272xf32, #tpu.memory_space<vmem>>, vector<16xf32>,
    %swap3A_1072 = arith.constant 47 : i32
    %swap3A_1073 = arith.index_cast %swap3A_1072 : i32 to index
    %swap3A_1074 = arith.constant 256 : index
    %swap3A_1075 = tpu.vector_load %arg18[%swap3A_1073, %swap3A_1074] {strides = array<i32>} : memref<64x272xf32, #tpu.memory_space<vmem>>, vector<16xf32>,
    tpu.vector_store %arg18[%swap3A_1073, %swap3A_1074], %broadcast_in_dim3A_3 {strides = array<i32>} : memref<64x272xf32, #tpu.memory_space<vmem>>, vector<16xf32>,
    %swap3A_1076 = arith.constant 48 : i32
    %swap3A_1077 = arith.index_cast %swap3A_1076 : i32 to index
    %swap3A_1078 = arith.constant 256 : index
    %swap3A_1079 = tpu.vector_load %arg18[%swap3A_1077, %swap3A_1078] {strides = array<i32>} : memref<64x272xf32, #tpu.memory_space<vmem>>, vector<16xf32>,
    tpu.vector_store %arg18[%swap3A_1077, %swap3A_1078], %broadcast_in_dim3A_3 {strides = array<i32>} : memref<64x272xf32, #tpu.memory_space<vmem>>, vector<16xf32>,
    %swap3A_1080 = arith.constant 49 : i32
    %swap3A_1081 = arith.index_cast %swap3A_1080 : i32 to index
    %swap3A_1082 = arith.constant 256 : index
    %swap3A_1083 = tpu.vector_load %arg18[%swap3A_1081, %swap3A_1082] {strides = array<i32>} : memref<64x272xf32, #tpu.memory_space<vmem>>, vector<16xf32>,
    tpu.vector_store %arg18[%swap3A_1081, %swap3A_1082], %broadcast_in_dim3A_3 {strides = array<i32>} : memref<64x272xf32, #tpu.memory_space<vmem>>, vector<16xf32>,
    %swap3A_1084 = arith.constant 50 : i32
    %swap3A_1085 = arith.index_cast %swap3A_1084 : i32 to index
    %swap3A_1086 = arith.constant 256 : index
    %swap3A_1087 = tpu.vector_load %arg18[%swap3A_1085, %swap3A_1086] {strides = array<i32>} : memref<64x272xf32, #tpu.memory_space<vmem>>, vector<16xf32>,
    tpu.vector_store %arg18[%swap3A_1085, %swap3A_1086], %broadcast_in_dim3A_3 {strides = array<i32>} : memref<64x272xf32, #tpu.memory_space<vmem>>, vector<16xf32>,
    %swap3A_1088 = arith.constant 51 : i32
    %swap3A_1089 = arith.index_cast %swap3A_1088 : i32 to index
    %swap3A_1090 = arith.constant 256 : index
    %swap3A_1091 = tpu.vector_load %arg18[%swap3A_1089, %swap3A_1090] {strides = array<i32>} : memref<64x272xf32, #tpu.memory_space<vmem>>, vector<16xf32>,
    tpu.vector_store %arg18[%swap3A_1089, %swap3A_1090], %broadcast_in_dim3A_3 {strides = array<i32>} : memref<64x272xf32, #tpu.memory_space<vmem>>, vector<16xf32>,
    %swap3A_1092 = arith.constant 52 : i32
    %swap3A_1093 = arith.index_cast %swap3A_1092 : i32 to index
    %swap3A_1094 = arith.constant 256 : index
    %swap3A_1095 = tpu.vector_load %arg18[%swap3A_1093, %swap3A_1094] {strides = array<i32>} : memref<64x272xf32, #tpu.memory_space<vmem>>, vector<16xf32>,
    tpu.vector_store %arg18[%swap3A_1093, %swap3A_1094], %broadcast_in_dim3A_3 {strides = array<i32>} : memref<64x272xf32, #tpu.memory_space<vmem>>, vector<16xf32>,
    %swap3A_1096 = arith.constant 53 : i32
    %swap3A_1097 = arith.index_cast %swap3A_1096 : i32 to index
    %swap3A_1098 = arith.constant 256 : index
    %swap3A_1099 = tpu.vector_load %arg18[%swap3A_1097, %swap3A_1098] {strides = array<i32>} : memref<64x272xf32, #tpu.memory_space<vmem>>, vector<16xf32>,
    tpu.vector_store %arg18[%swap3A_1097, %swap3A_1098], %broadcast_in_dim3A_3 {strides = array<i32>} : memref<64x272xf32, #tpu.memory_space<vmem>>, vector<16xf32>,
    %swap3A_1100 = arith.constant 54 : i32
    %swap3A_1101 = arith.index_cast %swap3A_1100 : i32 to index
    %swap3A_1102 = arith.constant 256 : index
    %swap3A_1103 = tpu.vector_load %arg18[%swap3A_1101, %swap3A_1102] {strides = array<i32>} : memref<64x272xf32, #tpu.memory_space<vmem>>, vector<16xf32>,
    tpu.vector_store %arg18[%swap3A_1101, %swap3A_1102], %broadcast_in_dim3A_3 {strides = array<i32>} : memref<64x272xf32, #tpu.memory_space<vmem>>, vector<16xf32>,
    %swap3A_1104 = arith.constant 55 : i32
    %swap3A_1105 = arith.index_cast %swap3A_1104 : i32 to index
    %swap3A_1106 = arith.constant 256 : index
    %swap3A_1107 = tpu.vector_load %arg18[%swap3A_1105, %swap3A_1106] {strides = array<i32>} : memref<64x272xf32, #tpu.memory_space<vmem>>, vector<16xf32>,
    tpu.vector_store %arg18[%swap3A_1105, %swap3A_1106], %broadcast_in_dim3A_3 {strides = array<i32>} : memref<64x272xf32, #tpu.memory_space<vmem>>, vector<16xf32>,
    %swap3A_1108 = arith.constant 56 : i32
    %swap3A_1109 = arith.index_cast %swap3A_1108 : i32 to index
    %swap3A_1110 = arith.constant 256 : index
    %swap3A_1111 = tpu.vector_load %arg18[%swap3A_1109, %swap3A_1110] {strides = array<i32>} : memref<64x272xf32, #tpu.memory_space<vmem>>, vector<16xf32>,
    tpu.vector_store %arg18[%swap3A_1109, %swap3A_1110], %broadcast_in_dim3A_3 {strides = array<i32>} : memref<64x272xf32, #tpu.memory_space<vmem>>, vector<16xf32>,
    %swap3A_1112 = arith.constant 57 : i32
    %swap3A_1113 = arith.index_cast %swap3A_1112 : i32 to index
    %swap3A_1114 = arith.constant 256 : index
    %swap3A_1115 = tpu.vector_load %arg18[%swap3A_1113, %swap3A_1114] {strides = array<i32>} : memref<64x272xf32, #tpu.memory_space<vmem>>, vector<16xf32>,
    tpu.vector_store %arg18[%swap3A_1113, %swap3A_1114], %broadcast_in_dim3A_3 {strides = array<i32>} : memref<64x272xf32, #tpu.memory_space<vmem>>, vector<16xf32>,
    %swap3A_1116 = arith.constant 58 : i32
    %swap3A_1117 = arith.index_cast %swap3A_1116 : i32 to index
    %swap3A_1118 = arith.constant 256 : index
    %swap3A_1119 = tpu.vector_load %arg18[%swap3A_1117, %swap3A_1118] {strides = array<i32>} : memref<64x272xf32, #tpu.memory_space<vmem>>, vector<16xf32>,
    tpu.vector_store %arg18[%swap3A_1117, %swap3A_1118], %broadcast_in_dim3A_3 {strides = array<i32>} : memref<64x272xf32, #tpu.memory_space<vmem>>, vector<16xf32>,
    %swap3A_1120 = arith.constant 59 : i32
    %swap3A_1121 = arith.index_cast %swap3A_1120 : i32 to index
    %swap3A_1122 = arith.constant 256 : index
    %swap3A_1123 = tpu.vector_load %arg18[%swap3A_1121, %swap3A_1122] {strides = array<i32>} : memref<64x272xf32, #tpu.memory_space<vmem>>, vector<16xf32>,
    tpu.vector_store %arg18[%swap3A_1121, %swap3A_1122], %broadcast_in_dim3A_3 {strides = array<i32>} : memref<64x272xf32, #tpu.memory_space<vmem>>, vector<16xf32>,
    %swap3A_1124 = arith.constant 60 : i32
    %swap3A_1125 = arith.index_cast %swap3A_1124 : i32 to index
    %swap3A_1126 = arith.constant 256 : index
    %swap3A_1127 = tpu.vector_load %arg18[%swap3A_1125, %swap3A_1126] {strides = array<i32>} : memref<64x272xf32, #tpu.memory_space<vmem>>, vector<16xf32>,
    tpu.vector_store %arg18[%swap3A_1125, %swap3A_1126], %broadcast_in_dim3A_3 {strides = array<i32>} : memref<64x272xf32, #tpu.memory_space<vmem>>, vector<16xf32>,
    %swap3A_1128 = arith.constant 61 : i32
    %swap3A_1129 = arith.index_cast %swap3A_1128 : i32 to index
    %swap3A_1130 = arith.constant 256 : index
    %swap3A_1131 = tpu.vector_load %arg18[%swap3A_1129, %swap3A_1130] {strides = array<i32>} : memref<64x272xf32, #tpu.memory_space<vmem>>, vector<16xf32>,
    tpu.vector_store %arg18[%swap3A_1129, %swap3A_1130], %broadcast_in_dim3A_3 {strides = array<i32>} : memref<64x272xf32, #tpu.memory_space<vmem>>, vector<16xf32>,
    %swap3A_1132 = arith.constant 62 : i32
    %swap3A_1133 = arith.index_cast %swap3A_1132 : i32 to index
    %swap3A_1134 = arith.constant 256 : index
    %swap3A_1135 = tpu.vector_load %arg18[%swap3A_1133, %swap3A_1134] {strides = array<i32>} : memref<64x272xf32, #tpu.memory_space<vmem>>, vector<16xf32>,
    tpu.vector_store %arg18[%swap3A_1133, %swap3A_1134], %broadcast_in_dim3A_3 {strides = array<i32>} : memref<64x272xf32, #tpu.memory_space<vmem>>, vector<16xf32>,
    %swap3A_1136 = arith.constant 63 : i32
    %swap3A_1137 = arith.index_cast %swap3A_1136 : i32 to index
    %swap3A_1138 = arith.constant 256 : index
    %swap3A_1139 = tpu.vector_load %arg18[%swap3A_1137, %swap3A_1138] {strides = array<i32>} : memref<64x272xf32, #tpu.memory_space<vmem>>, vector<16xf32>,
    tpu.vector_store %arg18[%swap3A_1137, %swap3A_1138], %broadcast_in_dim3A_3 {strides = array<i32>} : memref<64x272xf32, #tpu.memory_space<vmem>>, vector<16xf32>,
    %swap3A_1140 = arith.constant 0 : i32
    %swap3A_1141 = arith.index_cast %swap3A_1140 : i32 to index
    %swap3A_1142 = arith.constant 256 : index
    %swap3A_1143 = tpu.vector_load %arg19[%swap3A_1141, %swap3A_1142] {strides = array<i32>} : memref<64x272xf32, #tpu.memory_space<vmem>>, vector<16xf32>,
    tpu.vector_store %arg19[%swap3A_1141, %swap3A_1142], %broadcast_in_dim3A_3 {strides = array<i32>} : memref<64x272xf32, #tpu.memory_space<vmem>>, vector<16xf32>,
    %swap3A_1144 = arith.constant 1 : i32
    %swap3A_1145 = arith.index_cast %swap3A_1144 : i32 to index
    %swap3A_1146 = arith.constant 256 : index
    %swap3A_1147 = tpu.vector_load %arg19[%swap3A_1145, %swap3A_1146] {strides = array<i32>} : memref<64x272xf32, #tpu.memory_space<vmem>>, vector<16xf32>,
    tpu.vector_store %arg19[%swap3A_1145, %swap3A_1146], %broadcast_in_dim3A_3 {strides = array<i32>} : memref<64x272xf32, #tpu.memory_space<vmem>>, vector<16xf32>,
    %swap3A_1148 = arith.constant 2 : i32
    %swap3A_1149 = arith.index_cast %swap3A_1148 : i32 to index
    %swap3A_1150 = arith.constant 256 : index
    %swap3A_1151 = tpu.vector_load %arg19[%swap3A_1149, %swap3A_1150] {strides = array<i32>} : memref<64x272xf32, #tpu.memory_space<vmem>>, vector<16xf32>,
    tpu.vector_store %arg19[%swap3A_1149, %swap3A_1150], %broadcast_in_dim3A_3 {strides = array<i32>} : memref<64x272xf32, #tpu.memory_space<vmem>>, vector<16xf32>,
    %swap3A_1152 = arith.constant 3 : i32
    %swap3A_1153 = arith.index_cast %swap3A_1152 : i32 to index
    %swap3A_1154 = arith.constant 256 : index
    %swap3A_1155 = tpu.vector_load %arg19[%swap3A_1153, %swap3A_1154] {strides = array<i32>} : memref<64x272xf32, #tpu.memory_space<vmem>>, vector<16xf32>,
    tpu.vector_store %arg19[%swap3A_1153, %swap3A_1154], %broadcast_in_dim3A_3 {strides = array<i32>} : memref<64x272xf32, #tpu.memory_space<vmem>>, vector<16xf32>,
    %swap3A_1156 = arith.constant 4 : i32
    %swap3A_1157 = arith.index_cast %swap3A_1156 : i32 to index
    %swap3A_1158 = arith.constant 256 : index
    %swap3A_1159 = tpu.vector_load %arg19[%swap3A_1157, %swap3A_1158] {strides = array<i32>} : memref<64x272xf32, #tpu.memory_space<vmem>>, vector<16xf32>,
    tpu.vector_store %arg19[%swap3A_1157, %swap3A_1158], %broadcast_in_dim3A_3 {strides = array<i32>} : memref<64x272xf32, #tpu.memory_space<vmem>>, vector<16xf32>,
    %swap3A_1160 = arith.constant 5 : i32
    %swap3A_1161 = arith.index_cast %swap3A_1160 : i32 to index
    %swap3A_1162 = arith.constant 256 : index
    %swap3A_1163 = tpu.vector_load %arg19[%swap3A_1161, %swap3A_1162] {strides = array<i32>} : memref<64x272xf32, #tpu.memory_space<vmem>>, vector<16xf32>,
    tpu.vector_store %arg19[%swap3A_1161, %swap3A_1162], %broadcast_in_dim3A_3 {strides = array<i32>} : memref<64x272xf32, #tpu.memory_space<vmem>>, vector<16xf32>,
    %swap3A_1164 = arith.constant 6 : i32
    %swap3A_1165 = arith.index_cast %swap3A_1164 : i32 to index
    %swap3A_1166 = arith.constant 256 : index
    %swap3A_1167 = tpu.vector_load %arg19[%swap3A_1165, %swap3A_1166] {strides = array<i32>} : memref<64x272xf32, #tpu.memory_space<vmem>>, vector<16xf32>,
    tpu.vector_store %arg19[%swap3A_1165, %swap3A_1166], %broadcast_in_dim3A_3 {strides = array<i32>} : memref<64x272xf32, #tpu.memory_space<vmem>>, vector<16xf32>,
    %swap3A_1168 = arith.constant 7 : i32
    %swap3A_1169 = arith.index_cast %swap3A_1168 : i32 to index
    %swap3A_1170 = arith.constant 256 : index
    %swap3A_1171 = tpu.vector_load %arg19[%swap3A_1169, %swap3A_1170] {strides = array<i32>} : memref<64x272xf32, #tpu.memory_space<vmem>>, vector<16xf32>,
    tpu.vector_store %arg19[%swap3A_1169, %swap3A_1170], %broadcast_in_dim3A_3 {strides = array<i32>} : memref<64x272xf32, #tpu.memory_space<vmem>>, vector<16xf32>,
    %swap3A_1172 = arith.constant 8 : i32
    %swap3A_1173 = arith.index_cast %swap3A_1172 : i32 to index
    %swap3A_1174 = arith.constant 256 : index
    %swap3A_1175 = tpu.vector_load %arg19[%swap3A_1173, %swap3A_1174] {strides = array<i32>} : memref<64x272xf32, #tpu.memory_space<vmem>>, vector<16xf32>,
    tpu.vector_store %arg19[%swap3A_1173, %swap3A_1174], %broadcast_in_dim3A_3 {strides = array<i32>} : memref<64x272xf32, #tpu.memory_space<vmem>>, vector<16xf32>,
    %swap3A_1176 = arith.constant 9 : i32
    %swap3A_1177 = arith.index_cast %swap3A_1176 : i32 to index
    %swap3A_1178 = arith.constant 256 : index
    %swap3A_1179 = tpu.vector_load %arg19[%swap3A_1177, %swap3A_1178] {strides = array<i32>} : memref<64x272xf32, #tpu.memory_space<vmem>>, vector<16xf32>,
    tpu.vector_store %arg19[%swap3A_1177, %swap3A_1178], %broadcast_in_dim3A_3 {strides = array<i32>} : memref<64x272xf32, #tpu.memory_space<vmem>>, vector<16xf32>,
    %swap3A_1180 = arith.constant 10 : i32
    %swap3A_1181 = arith.index_cast %swap3A_1180 : i32 to index
    %swap3A_1182 = arith.constant 256 : index
    %swap3A_1183 = tpu.vector_load %arg19[%swap3A_1181, %swap3A_1182] {strides = array<i32>} : memref<64x272xf32, #tpu.memory_space<vmem>>, vector<16xf32>,
    tpu.vector_store %arg19[%swap3A_1181, %swap3A_1182], %broadcast_in_dim3A_3 {strides = array<i32>} : memref<64x272xf32, #tpu.memory_space<vmem>>, vector<16xf32>,
    %swap3A_1184 = arith.constant 11 : i32
    %swap3A_1185 = arith.index_cast %swap3A_1184 : i32 to index
    %swap3A_1186 = arith.constant 256 : index
    %swap3A_1187 = tpu.vector_load %arg19[%swap3A_1185, %swap3A_1186] {strides = array<i32>} : memref<64x272xf32, #tpu.memory_space<vmem>>, vector<16xf32>,
    tpu.vector_store %arg19[%swap3A_1185, %swap3A_1186], %broadcast_in_dim3A_3 {strides = array<i32>} : memref<64x272xf32, #tpu.memory_space<vmem>>, vector<16xf32>,
    %swap3A_1188 = arith.constant 12 : i32
    %swap3A_1189 = arith.index_cast %swap3A_1188 : i32 to index
    %swap3A_1190 = arith.constant 256 : index
    %swap3A_1191 = tpu.vector_load %arg19[%swap3A_1189, %swap3A_1190] {strides = array<i32>} : memref<64x272xf32, #tpu.memory_space<vmem>>, vector<16xf32>,
    tpu.vector_store %arg19[%swap3A_1189, %swap3A_1190], %broadcast_in_dim3A_3 {strides = array<i32>} : memref<64x272xf32, #tpu.memory_space<vmem>>, vector<16xf32>,
    %swap3A_1192 = arith.constant 13 : i32
    %swap3A_1193 = arith.index_cast %swap3A_1192 : i32 to index
    %swap3A_1194 = arith.constant 256 : index
    %swap3A_1195 = tpu.vector_load %arg19[%swap3A_1193, %swap3A_1194] {strides = array<i32>} : memref<64x272xf32, #tpu.memory_space<vmem>>, vector<16xf32>,
    tpu.vector_store %arg19[%swap3A_1193, %swap3A_1194], %broadcast_in_dim3A_3 {strides = array<i32>} : memref<64x272xf32, #tpu.memory_space<vmem>>, vector<16xf32>,
    %swap3A_1196 = arith.constant 14 : i32
    %swap3A_1197 = arith.index_cast %swap3A_1196 : i32 to index
    %swap3A_1198 = arith.constant 256 : index
    %swap3A_1199 = tpu.vector_load %arg19[%swap3A_1197, %swap3A_1198] {strides = array<i32>} : memref<64x272xf32, #tpu.memory_space<vmem>>, vector<16xf32>,
    tpu.vector_store %arg19[%swap3A_1197, %swap3A_1198], %broadcast_in_dim3A_3 {strides = array<i32>} : memref<64x272xf32, #tpu.memory_space<vmem>>, vector<16xf32>,
    %swap3A_1200 = arith.constant 15 : i32
    %swap3A_1201 = arith.index_cast %swap3A_1200 : i32 to index
    %swap3A_1202 = arith.constant 256 : index
    %swap3A_1203 = tpu.vector_load %arg19[%swap3A_1201, %swap3A_1202] {strides = array<i32>} : memref<64x272xf32, #tpu.memory_space<vmem>>, vector<16xf32>,
    tpu.vector_store %arg19[%swap3A_1201, %swap3A_1202], %broadcast_in_dim3A_3 {strides = array<i32>} : memref<64x272xf32, #tpu.memory_space<vmem>>, vector<16xf32>,
    %swap3A_1204 = arith.constant 16 : i32
    %swap3A_1205 = arith.index_cast %swap3A_1204 : i32 to index
    %swap3A_1206 = arith.constant 256 : index
    %swap3A_1207 = tpu.vector_load %arg19[%swap3A_1205, %swap3A_1206] {strides = array<i32>} : memref<64x272xf32, #tpu.memory_space<vmem>>, vector<16xf32>,
    tpu.vector_store %arg19[%swap3A_1205, %swap3A_1206], %broadcast_in_dim3A_3 {strides = array<i32>} : memref<64x272xf32, #tpu.memory_space<vmem>>, vector<16xf32>,
    %swap3A_1208 = arith.constant 17 : i32
    %swap3A_1209 = arith.index_cast %swap3A_1208 : i32 to index
    %swap3A_1210 = arith.constant 256 : index
    %swap3A_1211 = tpu.vector_load %arg19[%swap3A_1209, %swap3A_1210] {strides = array<i32>} : memref<64x272xf32, #tpu.memory_space<vmem>>, vector<16xf32>,
    tpu.vector_store %arg19[%swap3A_1209, %swap3A_1210], %broadcast_in_dim3A_3 {strides = array<i32>} : memref<64x272xf32, #tpu.memory_space<vmem>>, vector<16xf32>,
    %swap3A_1212 = arith.constant 18 : i32
    %swap3A_1213 = arith.index_cast %swap3A_1212 : i32 to index
    %swap3A_1214 = arith.constant 256 : index
    %swap3A_1215 = tpu.vector_load %arg19[%swap3A_1213, %swap3A_1214] {strides = array<i32>} : memref<64x272xf32, #tpu.memory_space<vmem>>, vector<16xf32>,
    tpu.vector_store %arg19[%swap3A_1213, %swap3A_1214], %broadcast_in_dim3A_3 {strides = array<i32>} : memref<64x272xf32, #tpu.memory_space<vmem>>, vector<16xf32>,
    %swap3A_1216 = arith.constant 19 : i32
    %swap3A_1217 = arith.index_cast %swap3A_1216 : i32 to index
    %swap3A_1218 = arith.constant 256 : index
    %swap3A_1219 = tpu.vector_load %arg19[%swap3A_1217, %swap3A_1218] {strides = array<i32>} : memref<64x272xf32, #tpu.memory_space<vmem>>, vector<16xf32>,
    tpu.vector_store %arg19[%swap3A_1217, %swap3A_1218], %broadcast_in_dim3A_3 {strides = array<i32>} : memref<64x272xf32, #tpu.memory_space<vmem>>, vector<16xf32>,
    %swap3A_1220 = arith.constant 20 : i32
    %swap3A_1221 = arith.index_cast %swap3A_1220 : i32 to index
    %swap3A_1222 = arith.constant 256 : index
    %swap3A_1223 = tpu.vector_load %arg19[%swap3A_1221, %swap3A_1222] {strides = array<i32>} : memref<64x272xf32, #tpu.memory_space<vmem>>, vector<16xf32>,
    tpu.vector_store %arg19[%swap3A_1221, %swap3A_1222], %broadcast_in_dim3A_3 {strides = array<i32>} : memref<64x272xf32, #tpu.memory_space<vmem>>, vector<16xf32>,
    %swap3A_1224 = arith.constant 21 : i32
    %swap3A_1225 = arith.index_cast %swap3A_1224 : i32 to index
    %swap3A_1226 = arith.constant 256 : index
    %swap3A_1227 = tpu.vector_load %arg19[%swap3A_1225, %swap3A_1226] {strides = array<i32>} : memref<64x272xf32, #tpu.memory_space<vmem>>, vector<16xf32>,
    tpu.vector_store %arg19[%swap3A_1225, %swap3A_1226], %broadcast_in_dim3A_3 {strides = array<i32>} : memref<64x272xf32, #tpu.memory_space<vmem>>, vector<16xf32>,
    %swap3A_1228 = arith.constant 22 : i32
    %swap3A_1229 = arith.index_cast %swap3A_1228 : i32 to index
    %swap3A_1230 = arith.constant 256 : index
    %swap3A_1231 = tpu.vector_load %arg19[%swap3A_1229, %swap3A_1230] {strides = array<i32>} : memref<64x272xf32, #tpu.memory_space<vmem>>, vector<16xf32>,
    tpu.vector_store %arg19[%swap3A_1229, %swap3A_1230], %broadcast_in_dim3A_3 {strides = array<i32>} : memref<64x272xf32, #tpu.memory_space<vmem>>, vector<16xf32>,
    %swap3A_1232 = arith.constant 23 : i32
    %swap3A_1233 = arith.index_cast %swap3A_1232 : i32 to index
    %swap3A_1234 = arith.constant 256 : index
    %swap3A_1235 = tpu.vector_load %arg19[%swap3A_1233, %swap3A_1234] {strides = array<i32>} : memref<64x272xf32, #tpu.memory_space<vmem>>, vector<16xf32>,
    tpu.vector_store %arg19[%swap3A_1233, %swap3A_1234], %broadcast_in_dim3A_3 {strides = array<i32>} : memref<64x272xf32, #tpu.memory_space<vmem>>, vector<16xf32>,
    %swap3A_1236 = arith.constant 24 : i32
    %swap3A_1237 = arith.index_cast %swap3A_1236 : i32 to index
    %swap3A_1238 = arith.constant 256 : index
    %swap3A_1239 = tpu.vector_load %arg19[%swap3A_1237, %swap3A_1238] {strides = array<i32>} : memref<64x272xf32, #tpu.memory_space<vmem>>, vector<16xf32>,
    tpu.vector_store %arg19[%swap3A_1237, %swap3A_1238], %broadcast_in_dim3A_3 {strides = array<i32>} : memref<64x272xf32, #tpu.memory_space<vmem>>, vector<16xf32>,
    %swap3A_1240 = arith.constant 25 : i32
    %swap3A_1241 = arith.index_cast %swap3A_1240 : i32 to index
    %swap3A_1242 = arith.constant 256 : index
    %swap3A_1243 = tpu.vector_load %arg19[%swap3A_1241, %swap3A_1242] {strides = array<i32>} : memref<64x272xf32, #tpu.memory_space<vmem>>, vector<16xf32>,
    tpu.vector_store %arg19[%swap3A_1241, %swap3A_1242], %broadcast_in_dim3A_3 {strides = array<i32>} : memref<64x272xf32, #tpu.memory_space<vmem>>, vector<16xf32>,
    %swap3A_1244 = arith.constant 26 : i32
    %swap3A_1245 = arith.index_cast %swap3A_1244 : i32 to index
    %swap3A_1246 = arith.constant 256 : index
    %swap3A_1247 = tpu.vector_load %arg19[%swap3A_1245, %swap3A_1246] {strides = array<i32>} : memref<64x272xf32, #tpu.memory_space<vmem>>, vector<16xf32>,
    tpu.vector_store %arg19[%swap3A_1245, %swap3A_1246], %broadcast_in_dim3A_3 {strides = array<i32>} : memref<64x272xf32, #tpu.memory_space<vmem>>, vector<16xf32>,
    %swap3A_1248 = arith.constant 27 : i32
    %swap3A_1249 = arith.index_cast %swap3A_1248 : i32 to index
    %swap3A_1250 = arith.constant 256 : index
    %swap3A_1251 = tpu.vector_load %arg19[%swap3A_1249, %swap3A_1250] {strides = array<i32>} : memref<64x272xf32, #tpu.memory_space<vmem>>, vector<16xf32>,
    tpu.vector_store %arg19[%swap3A_1249, %swap3A_1250], %broadcast_in_dim3A_3 {strides = array<i32>} : memref<64x272xf32, #tpu.memory_space<vmem>>, vector<16xf32>,
    %swap3A_1252 = arith.constant 28 : i32
    %swap3A_1253 = arith.index_cast %swap3A_1252 : i32 to index
    %swap3A_1254 = arith.constant 256 : index
    %swap3A_1255 = tpu.vector_load %arg19[%swap3A_1253, %swap3A_1254] {strides = array<i32>} : memref<64x272xf32, #tpu.memory_space<vmem>>, vector<16xf32>,
    tpu.vector_store %arg19[%swap3A_1253, %swap3A_1254], %broadcast_in_dim3A_3 {strides = array<i32>} : memref<64x272xf32, #tpu.memory_space<vmem>>, vector<16xf32>,
    %swap3A_1256 = arith.constant 29 : i32
    %swap3A_1257 = arith.index_cast %swap3A_1256 : i32 to index
    %swap3A_1258 = arith.constant 256 : index
    %swap3A_1259 = tpu.vector_load %arg19[%swap3A_1257, %swap3A_1258] {strides = array<i32>} : memref<64x272xf32, #tpu.memory_space<vmem>>, vector<16xf32>,
    tpu.vector_store %arg19[%swap3A_1257, %swap3A_1258], %broadcast_in_dim3A_3 {strides = array<i32>} : memref<64x272xf32, #tpu.memory_space<vmem>>, vector<16xf32>,
    %swap3A_1260 = arith.constant 30 : i32
    %swap3A_1261 = arith.index_cast %swap3A_1260 : i32 to index
    %swap3A_1262 = arith.constant 256 : index
    %swap3A_1263 = tpu.vector_load %arg19[%swap3A_1261, %swap3A_1262] {strides = array<i32>} : memref<64x272xf32, #tpu.memory_space<vmem>>, vector<16xf32>,
    tpu.vector_store %arg19[%swap3A_1261, %swap3A_1262], %broadcast_in_dim3A_3 {strides = array<i32>} : memref<64x272xf32, #tpu.memory_space<vmem>>, vector<16xf32>,
    %swap3A_1264 = arith.constant 31 : i32
    %swap3A_1265 = arith.index_cast %swap3A_1264 : i32 to index
    %swap3A_1266 = arith.constant 256 : index
    %swap3A_1267 = tpu.vector_load %arg19[%swap3A_1265, %swap3A_1266] {strides = array<i32>} : memref<64x272xf32, #tpu.memory_space<vmem>>, vector<16xf32>,
    tpu.vector_store %arg19[%swap3A_1265, %swap3A_1266], %broadcast_in_dim3A_3 {strides = array<i32>} : memref<64x272xf32, #tpu.memory_space<vmem>>, vector<16xf32>,
    %swap3A_1268 = arith.constant 32 : i32
    %swap3A_1269 = arith.index_cast %swap3A_1268 : i32 to index
    %swap3A_1270 = arith.constant 256 : index
    %swap3A_1271 = tpu.vector_load %arg19[%swap3A_1269, %swap3A_1270] {strides = array<i32>} : memref<64x272xf32, #tpu.memory_space<vmem>>, vector<16xf32>,
    tpu.vector_store %arg19[%swap3A_1269, %swap3A_1270], %broadcast_in_dim3A_3 {strides = array<i32>} : memref<64x272xf32, #tpu.memory_space<vmem>>, vector<16xf32>,
    %swap3A_1272 = arith.constant 33 : i32
    %swap3A_1273 = arith.index_cast %swap3A_1272 : i32 to index
    %swap3A_1274 = arith.constant 256 : index
    %swap3A_1275 = tpu.vector_load %arg19[%swap3A_1273, %swap3A_1274] {strides = array<i32>} : memref<64x272xf32, #tpu.memory_space<vmem>>, vector<16xf32>,
    tpu.vector_store %arg19[%swap3A_1273, %swap3A_1274], %broadcast_in_dim3A_3 {strides = array<i32>} : memref<64x272xf32, #tpu.memory_space<vmem>>, vector<16xf32>,
    %swap3A_1276 = arith.constant 34 : i32
    %swap3A_1277 = arith.index_cast %swap3A_1276 : i32 to index
    %swap3A_1278 = arith.constant 256 : index
    %swap3A_1279 = tpu.vector_load %arg19[%swap3A_1277, %swap3A_1278] {strides = array<i32>} : memref<64x272xf32, #tpu.memory_space<vmem>>, vector<16xf32>,
    tpu.vector_store %arg19[%swap3A_1277, %swap3A_1278], %broadcast_in_dim3A_3 {strides = array<i32>} : memref<64x272xf32, #tpu.memory_space<vmem>>, vector<16xf32>,
    %swap3A_1280 = arith.constant 35 : i32
    %swap3A_1281 = arith.index_cast %swap3A_1280 : i32 to index
    %swap3A_1282 = arith.constant 256 : index
    %swap3A_1283 = tpu.vector_load %arg19[%swap3A_1281, %swap3A_1282] {strides = array<i32>} : memref<64x272xf32, #tpu.memory_space<vmem>>, vector<16xf32>,
    tpu.vector_store %arg19[%swap3A_1281, %swap3A_1282], %broadcast_in_dim3A_3 {strides = array<i32>} : memref<64x272xf32, #tpu.memory_space<vmem>>, vector<16xf32>,
    %swap3A_1284 = arith.constant 36 : i32
    %swap3A_1285 = arith.index_cast %swap3A_1284 : i32 to index
    %swap3A_1286 = arith.constant 256 : index
    %swap3A_1287 = tpu.vector_load %arg19[%swap3A_1285, %swap3A_1286] {strides = array<i32>} : memref<64x272xf32, #tpu.memory_space<vmem>>, vector<16xf32>,
    tpu.vector_store %arg19[%swap3A_1285, %swap3A_1286], %broadcast_in_dim3A_3 {strides = array<i32>} : memref<64x272xf32, #tpu.memory_space<vmem>>, vector<16xf32>,
    %swap3A_1288 = arith.constant 37 : i32
    %swap3A_1289 = arith.index_cast %swap3A_1288 : i32 to index
    %swap3A_1290 = arith.constant 256 : index
    %swap3A_1291 = tpu.vector_load %arg19[%swap3A_1289, %swap3A_1290] {strides = array<i32>} : memref<64x272xf32, #tpu.memory_space<vmem>>, vector<16xf32>,
    tpu.vector_store %arg19[%swap3A_1289, %swap3A_1290], %broadcast_in_dim3A_3 {strides = array<i32>} : memref<64x272xf32, #tpu.memory_space<vmem>>, vector<16xf32>,
    %swap3A_1292 = arith.constant 38 : i32
    %swap3A_1293 = arith.index_cast %swap3A_1292 : i32 to index
    %swap3A_1294 = arith.constant 256 : index
    %swap3A_1295 = tpu.vector_load %arg19[%swap3A_1293, %swap3A_1294] {strides = array<i32>} : memref<64x272xf32, #tpu.memory_space<vmem>>, vector<16xf32>,
    tpu.vector_store %arg19[%swap3A_1293, %swap3A_1294], %broadcast_in_dim3A_3 {strides = array<i32>} : memref<64x272xf32, #tpu.memory_space<vmem>>, vector<16xf32>,
    %swap3A_1296 = arith.constant 39 : i32
    %swap3A_1297 = arith.index_cast %swap3A_1296 : i32 to index
    %swap3A_1298 = arith.constant 256 : index
    %swap3A_1299 = tpu.vector_load %arg19[%swap3A_1297, %swap3A_1298] {strides = array<i32>} : memref<64x272xf32, #tpu.memory_space<vmem>>, vector<16xf32>,
    tpu.vector_store %arg19[%swap3A_1297, %swap3A_1298], %broadcast_in_dim3A_3 {strides = array<i32>} : memref<64x272xf32, #tpu.memory_space<vmem>>, vector<16xf32>,
    %swap3A_1300 = arith.constant 40 : i32
    %swap3A_1301 = arith.index_cast %swap3A_1300 : i32 to index
    %swap3A_1302 = arith.constant 256 : index
    %swap3A_1303 = tpu.vector_load %arg19[%swap3A_1301, %swap3A_1302] {strides = array<i32>} : memref<64x272xf32, #tpu.memory_space<vmem>>, vector<16xf32>,
    tpu.vector_store %arg19[%swap3A_1301, %swap3A_1302], %broadcast_in_dim3A_3 {strides = array<i32>} : memref<64x272xf32, #tpu.memory_space<vmem>>, vector<16xf32>,
    %swap3A_1304 = arith.constant 41 : i32
    %swap3A_1305 = arith.index_cast %swap3A_1304 : i32 to index
    %swap3A_1306 = arith.constant 256 : index
    %swap3A_1307 = tpu.vector_load %arg19[%swap3A_1305, %swap3A_1306] {strides = array<i32>} : memref<64x272xf32, #tpu.memory_space<vmem>>, vector<16xf32>,
    tpu.vector_store %arg19[%swap3A_1305, %swap3A_1306], %broadcast_in_dim3A_3 {strides = array<i32>} : memref<64x272xf32, #tpu.memory_space<vmem>>, vector<16xf32>,
    %swap3A_1308 = arith.constant 42 : i32
    %swap3A_1309 = arith.index_cast %swap3A_1308 : i32 to index
    %swap3A_1310 = arith.constant 256 : index
    %swap3A_1311 = tpu.vector_load %arg19[%swap3A_1309, %swap3A_1310] {strides = array<i32>} : memref<64x272xf32, #tpu.memory_space<vmem>>, vector<16xf32>,
    tpu.vector_store %arg19[%swap3A_1309, %swap3A_1310], %broadcast_in_dim3A_3 {strides = array<i32>} : memref<64x272xf32, #tpu.memory_space<vmem>>, vector<16xf32>,
    %swap3A_1312 = arith.constant 43 : i32
    %swap3A_1313 = arith.index_cast %swap3A_1312 : i32 to index
    %swap3A_1314 = arith.constant 256 : index
    %swap3A_1315 = tpu.vector_load %arg19[%swap3A_1313, %swap3A_1314] {strides = array<i32>} : memref<64x272xf32, #tpu.memory_space<vmem>>, vector<16xf32>,
    tpu.vector_store %arg19[%swap3A_1313, %swap3A_1314], %broadcast_in_dim3A_3 {strides = array<i32>} : memref<64x272xf32, #tpu.memory_space<vmem>>, vector<16xf32>,
    %swap3A_1316 = arith.constant 44 : i32
    %swap3A_1317 = arith.index_cast %swap3A_1316 : i32 to index
    %swap3A_1318 = arith.constant 256 : index
    %swap3A_1319 = tpu.vector_load %arg19[%swap3A_1317, %swap3A_1318] {strides = array<i32>} : memref<64x272xf32, #tpu.memory_space<vmem>>, vector<16xf32>,
    tpu.vector_store %arg19[%swap3A_1317, %swap3A_1318], %broadcast_in_dim3A_3 {strides = array<i32>} : memref<64x272xf32, #tpu.memory_space<vmem>>, vector<16xf32>,
    %swap3A_1320 = arith.constant 45 : i32
    %swap3A_1321 = arith.index_cast %swap3A_1320 : i32 to index
    %swap3A_1322 = arith.constant 256 : index
    %swap3A_1323 = tpu.vector_load %arg19[%swap3A_1321, %swap3A_1322] {strides = array<i32>} : memref<64x272xf32, #tpu.memory_space<vmem>>, vector<16xf32>,
    tpu.vector_store %arg19[%swap3A_1321, %swap3A_1322], %broadcast_in_dim3A_3 {strides = array<i32>} : memref<64x272xf32, #tpu.memory_space<vmem>>, vector<16xf32>,
    %swap3A_1324 = arith.constant 46 : i32
    %swap3A_1325 = arith.index_cast %swap3A_1324 : i32 to index
    %swap3A_1326 = arith.constant 256 : index
    %swap3A_1327 = tpu.vector_load %arg19[%swap3A_1325, %swap3A_1326] {strides = array<i32>} : memref<64x272xf32, #tpu.memory_space<vmem>>, vector<16xf32>,
    tpu.vector_store %arg19[%swap3A_1325, %swap3A_1326], %broadcast_in_dim3A_3 {strides = array<i32>} : memref<64x272xf32, #tpu.memory_space<vmem>>, vector<16xf32>,
    %swap3A_1328 = arith.constant 47 : i32
    %swap3A_1329 = arith.index_cast %swap3A_1328 : i32 to index
    %swap3A_1330 = arith.constant 256 : index
    %swap3A_1331 = tpu.vector_load %arg19[%swap3A_1329, %swap3A_1330] {strides = array<i32>} : memref<64x272xf32, #tpu.memory_space<vmem>>, vector<16xf32>,
    tpu.vector_store %arg19[%swap3A_1329, %swap3A_1330], %broadcast_in_dim3A_3 {strides = array<i32>} : memref<64x272xf32, #tpu.memory_space<vmem>>, vector<16xf32>,
    %swap3A_1332 = arith.constant 48 : i32
    %swap3A_1333 = arith.index_cast %swap3A_1332 : i32 to index
    %swap3A_1334 = arith.constant 256 : index
    %swap3A_1335 = tpu.vector_load %arg19[%swap3A_1333, %swap3A_1334] {strides = array<i32>} : memref<64x272xf32, #tpu.memory_space<vmem>>, vector<16xf32>,
    tpu.vector_store %arg19[%swap3A_1333, %swap3A_1334], %broadcast_in_dim3A_3 {strides = array<i32>} : memref<64x272xf32, #tpu.memory_space<vmem>>, vector<16xf32>,
    %swap3A_1336 = arith.constant 49 : i32
    %swap3A_1337 = arith.index_cast %swap3A_1336 : i32 to index
    %swap3A_1338 = arith.constant 256 : index
    %swap3A_1339 = tpu.vector_load %arg19[%swap3A_1337, %swap3A_1338] {strides = array<i32>} : memref<64x272xf32, #tpu.memory_space<vmem>>, vector<16xf32>,
    tpu.vector_store %arg19[%swap3A_1337, %swap3A_1338], %broadcast_in_dim3A_3 {strides = array<i32>} : memref<64x272xf32, #tpu.memory_space<vmem>>, vector<16xf32>,
    %swap3A_1340 = arith.constant 50 : i32
    %swap3A_1341 = arith.index_cast %swap3A_1340 : i32 to index
    %swap3A_1342 = arith.constant 256 : index
    %swap3A_1343 = tpu.vector_load %arg19[%swap3A_1341, %swap3A_1342] {strides = array<i32>} : memref<64x272xf32, #tpu.memory_space<vmem>>, vector<16xf32>,
    tpu.vector_store %arg19[%swap3A_1341, %swap3A_1342], %broadcast_in_dim3A_3 {strides = array<i32>} : memref<64x272xf32, #tpu.memory_space<vmem>>, vector<16xf32>,
    %swap3A_1344 = arith.constant 51 : i32
    %swap3A_1345 = arith.index_cast %swap3A_1344 : i32 to index
    %swap3A_1346 = arith.constant 256 : index
    %swap3A_1347 = tpu.vector_load %arg19[%swap3A_1345, %swap3A_1346] {strides = array<i32>} : memref<64x272xf32, #tpu.memory_space<vmem>>, vector<16xf32>,
    tpu.vector_store %arg19[%swap3A_1345, %swap3A_1346], %broadcast_in_dim3A_3 {strides = array<i32>} : memref<64x272xf32, #tpu.memory_space<vmem>>, vector<16xf32>,
    %swap3A_1348 = arith.constant 52 : i32
    %swap3A_1349 = arith.index_cast %swap3A_1348 : i32 to index
    %swap3A_1350 = arith.constant 256 : index
    %swap3A_1351 = tpu.vector_load %arg19[%swap3A_1349, %swap3A_1350] {strides = array<i32>} : memref<64x272xf32, #tpu.memory_space<vmem>>, vector<16xf32>,
    tpu.vector_store %arg19[%swap3A_1349, %swap3A_1350], %broadcast_in_dim3A_3 {strides = array<i32>} : memref<64x272xf32, #tpu.memory_space<vmem>>, vector<16xf32>,
    %swap3A_1352 = arith.constant 53 : i32
    %swap3A_1353 = arith.index_cast %swap3A_1352 : i32 to index
    %swap3A_1354 = arith.constant 256 : index
    %swap3A_1355 = tpu.vector_load %arg19[%swap3A_1353, %swap3A_1354] {strides = array<i32>} : memref<64x272xf32, #tpu.memory_space<vmem>>, vector<16xf32>,
    tpu.vector_store %arg19[%swap3A_1353, %swap3A_1354], %broadcast_in_dim3A_3 {strides = array<i32>} : memref<64x272xf32, #tpu.memory_space<vmem>>, vector<16xf32>,
    %swap3A_1356 = arith.constant 54 : i32
    %swap3A_1357 = arith.index_cast %swap3A_1356 : i32 to index
    %swap3A_1358 = arith.constant 256 : index
    %swap3A_1359 = tpu.vector_load %arg19[%swap3A_1357, %swap3A_1358] {strides = array<i32>} : memref<64x272xf32, #tpu.memory_space<vmem>>, vector<16xf32>,
    tpu.vector_store %arg19[%swap3A_1357, %swap3A_1358], %broadcast_in_dim3A_3 {strides = array<i32>} : memref<64x272xf32, #tpu.memory_space<vmem>>, vector<16xf32>,
    %swap3A_1360 = arith.constant 55 : i32
    %swap3A_1361 = arith.index_cast %swap3A_1360 : i32 to index
    %swap3A_1362 = arith.constant 256 : index
    %swap3A_1363 = tpu.vector_load %arg19[%swap3A_1361, %swap3A_1362] {strides = array<i32>} : memref<64x272xf32, #tpu.memory_space<vmem>>, vector<16xf32>,
    tpu.vector_store %arg19[%swap3A_1361, %swap3A_1362], %broadcast_in_dim3A_3 {strides = array<i32>} : memref<64x272xf32, #tpu.memory_space<vmem>>, vector<16xf32>,
    %swap3A_1364 = arith.constant 56 : i32
    %swap3A_1365 = arith.index_cast %swap3A_1364 : i32 to index
    %swap3A_1366 = arith.constant 256 : index
    %swap3A_1367 = tpu.vector_load %arg19[%swap3A_1365, %swap3A_1366] {strides = array<i32>} : memref<64x272xf32, #tpu.memory_space<vmem>>, vector<16xf32>,
    tpu.vector_store %arg19[%swap3A_1365, %swap3A_1366], %broadcast_in_dim3A_3 {strides = array<i32>} : memref<64x272xf32, #tpu.memory_space<vmem>>, vector<16xf32>,
    %swap3A_1368 = arith.constant 57 : i32
    %swap3A_1369 = arith.index_cast %swap3A_1368 : i32 to index
    %swap3A_1370 = arith.constant 256 : index
    %swap3A_1371 = tpu.vector_load %arg19[%swap3A_1369, %swap3A_1370] {strides = array<i32>} : memref<64x272xf32, #tpu.memory_space<vmem>>, vector<16xf32>,
    tpu.vector_store %arg19[%swap3A_1369, %swap3A_1370], %broadcast_in_dim3A_3 {strides = array<i32>} : memref<64x272xf32, #tpu.memory_space<vmem>>, vector<16xf32>,
    %swap3A_1372 = arith.constant 58 : i32
    %swap3A_1373 = arith.index_cast %swap3A_1372 : i32 to index
    %swap3A_1374 = arith.constant 256 : index
    %swap3A_1375 = tpu.vector_load %arg19[%swap3A_1373, %swap3A_1374] {strides = array<i32>} : memref<64x272xf32, #tpu.memory_space<vmem>>, vector<16xf32>,
    tpu.vector_store %arg19[%swap3A_1373, %swap3A_1374], %broadcast_in_dim3A_3 {strides = array<i32>} : memref<64x272xf32, #tpu.memory_space<vmem>>, vector<16xf32>,
    %swap3A_1376 = arith.constant 59 : i32
    %swap3A_1377 = arith.index_cast %swap3A_1376 : i32 to index
    %swap3A_1378 = arith.constant 256 : index
    %swap3A_1379 = tpu.vector_load %arg19[%swap3A_1377, %swap3A_1378] {strides = array<i32>} : memref<64x272xf32, #tpu.memory_space<vmem>>, vector<16xf32>,
    tpu.vector_store %arg19[%swap3A_1377, %swap3A_1378], %broadcast_in_dim3A_3 {strides = array<i32>} : memref<64x272xf32, #tpu.memory_space<vmem>>, vector<16xf32>,
    %swap3A_1380 = arith.constant 60 : i32
    %swap3A_1381 = arith.index_cast %swap3A_1380 : i32 to index
    %swap3A_1382 = arith.constant 256 : index
    %swap3A_1383 = tpu.vector_load %arg19[%swap3A_1381, %swap3A_1382] {strides = array<i32>} : memref<64x272xf32, #tpu.memory_space<vmem>>, vector<16xf32>,
    tpu.vector_store %arg19[%swap3A_1381, %swap3A_1382], %broadcast_in_dim3A_3 {strides = array<i32>} : memref<64x272xf32, #tpu.memory_space<vmem>>, vector<16xf32>,
    %swap3A_1384 = arith.constant 61 : i32
    %swap3A_1385 = arith.index_cast %swap3A_1384 : i32 to index
    %swap3A_1386 = arith.constant 256 : index
    %swap3A_1387 = tpu.vector_load %arg19[%swap3A_1385, %swap3A_1386] {strides = array<i32>} : memref<64x272xf32, #tpu.memory_space<vmem>>, vector<16xf32>,
    tpu.vector_store %arg19[%swap3A_1385, %swap3A_1386], %broadcast_in_dim3A_3 {strides = array<i32>} : memref<64x272xf32, #tpu.memory_space<vmem>>, vector<16xf32>,
    %swap3A_1388 = arith.constant 62 : i32
    %swap3A_1389 = arith.index_cast %swap3A_1388 : i32 to index
    %swap3A_1390 = arith.constant 256 : index
    %swap3A_1391 = tpu.vector_load %arg19[%swap3A_1389, %swap3A_1390] {strides = array<i32>} : memref<64x272xf32, #tpu.memory_space<vmem>>, vector<16xf32>,
    tpu.vector_store %arg19[%swap3A_1389, %swap3A_1390], %broadcast_in_dim3A_3 {strides = array<i32>} : memref<64x272xf32, #tpu.memory_space<vmem>>, vector<16xf32>,
    %swap3A_1392 = arith.constant 63 : i32
    %swap3A_1393 = arith.index_cast %swap3A_1392 : i32 to index
    %swap3A_1394 = arith.constant 256 : index
    %swap3A_1395 = tpu.vector_load %arg19[%swap3A_1393, %swap3A_1394] {strides = array<i32>} : memref<64x272xf32, #tpu.memory_space<vmem>>, vector<16xf32>,
    tpu.vector_store %arg19[%swap3A_1393, %swap3A_1394], %broadcast_in_dim3A_3 {strides = array<i32>} : memref<64x272xf32, #tpu.memory_space<vmem>>, vector<16xf32>,
    %scan3A = arith.constant 0 : i32
    %scan3A_1396 = arith.constant 0 : i32
    %scan3A_1397 = arith.constant 32 : i32
    %scan3A_1398 = arith.addi %scan3A_1396, %scan3A_1397 : i32
    %scan3A_1399 = arith.constant 1 : i32
    scf.for %scan3A_1401 = %scan3A_1396 to %scan3A_1398 step %scan3A_1399  : i32 {
      %mul3A_1402 = arith.constant 4 : i32
      %mul3A_1403 = arith.muli %scan3A_1401, %mul3A_1402 : i32
      %add3A_1404 = arith.constant 0 : i32
      %add3A_1405 = arith.addi %mul3A_1403, %add3A_1404 : i32
      %dma_wait3A = arith.constant 0 : i32
      %dma_wait3A_1406 = arith.constant 0 : i32
      %dma_wait3A_1407 = tpu.memref_slice %arg16[%dma_wait3A, %dma_wait3A_1406] : memref<64x272xf32, #tpu.memory_space<vmem>> -> memref<64x256xf32, #tpu.memory_space<vmem>>
      %dma_wait3A_1408 = arith.constant 0 : i32
      %dma_wait3A_1409 = arith.constant 0 : i32
      %dma_wait3A_1410 = tpu.memref_slice %arg16[%dma_wait3A_1408, %dma_wait3A_1409] : memref<64x272xf32, #tpu.memory_space<vmem>> -> memref<64x256xf32, #tpu.memory_space<vmem>>
      tpu.wait_dma2 semaphore(%arg20 : memref<!tpu.dma_semaphore, #tpu.memory_space<semaphore_mem>>) src(%arg5 : memref<64x256xf32, #tpu.memory_space<hbm>>) dst(%dma_wait3A_1410 : memref<64x256xf32, #tpu.memory_space<vmem>>)
      %get3A_1411 = arith.index_cast %add3A_1405 : i32 to index
      %get3A_1412 = tpu.vector_load %arg11[%get3A_1411] {strides = array<i32>} : memref<144xi32, #tpu.memory_space<vmem>>, vector<16xi32>,
      %slice3A_1413 = vector.extract_strided_slice %get3A_1412 {offsets = [0], sizes = [1], strides = [1]} : vector<16xi32> to vector<1xi32>
      %squeeze3A_1414 = vector.extract %slice3A_1413[0] : i32 from vector<1xi32>
      %get3A_1415 = arith.index_cast %add3A_1405 : i32 to index
      %get3A_1416 = tpu.vector_load %arg10[%get3A_1415] {strides = array<i32>} : memref<144xi32, #tpu.memory_space<vmem>>, vector<16xi32>,
      %slice3A_1417 = vector.extract_strided_slice %get3A_1416 {offsets = [0], sizes = [1], strides = [1]} : vector<16xi32> to vector<1xi32>
      %squeeze3A_1418 = vector.extract %slice3A_1417[0] : i32 from vector<1xi32>
      %get3A_1419 = arith.index_cast %add3A_1405 : i32 to index
      %get3A_1420 = tpu.vector_load %arg12[%get3A_1419] {strides = array<i32>} : memref<144xf32, #tpu.memory_space<vmem>>, vector<16xf32>,
      %slice3A_1421 = vector.extract_strided_slice %get3A_1420 {offsets = [0], sizes = [1], strides = [1]} : vector<16xf32> to vector<1xf32>
      %squeeze3A_1422 = vector.extract %slice3A_1421[0] : f32 from vector<1xf32>
      %get3A_1423 = arith.index_cast %add3A_1405 : i32 to index
      %get3A_1424 = tpu.vector_load %arg13[%get3A_1423] {strides = array<i32>} : memref<144xf32, #tpu.memory_space<vmem>>, vector<16xf32>,
      %slice3A_1425 = vector.extract_strided_slice %get3A_1424 {offsets = [0], sizes = [1], strides = [1]} : vector<16xf32> to vector<1xf32>
      %squeeze3A_1426 = vector.extract %slice3A_1425[0] : f32 from vector<1xf32>
      %sub3A_1427 = arith.subi %squeeze3A_1418, %squeeze3A_1414 : i32
      %and3A_1428 = arith.constant -16 : i32
      %and3A_1429 = arith.andi %sub3A_1427, %and3A_1428 : i32
      %add3A_1430 = arith.addi %squeeze3A_1414, %and3A_1429 : i32
      %broadcast_in_dim3A_1431 = vector.broadcast %add3A_1430 : i32 to vector<16xi32>
      %add3A_1432 = arith.constant 0 : i32
      %add3A_1433 = vector.broadcast %add3A_1432 : i32 to vector<16xi32>
      %add3A_1434 = arith.addi %iota3A, %add3A_1433 : vector<16xi32>
      %add3A_1435 = arith.addi %broadcast_in_dim3A_1431, %add3A_1434 : vector<16xi32>
      %convert_element_type3A_1436 = arith.sitofp %add3A_1435 : vector<16xi32> to vector<16xf32>
      %sub3A_1437 = vector.broadcast %squeeze3A_1422 : f32 to vector<16xf32>
      %sub3A_1438 = arith.subf %convert_element_type3A_1436, %sub3A_1437 : vector<16xf32>
      %mul3A_1439 = arith.mulf %sub3A_1438, %sub3A_1438 : vector<16xf32>
      %mul3A_1440 = vector.broadcast %squeeze3A_1426 : f32 to vector<16xf32>
      %mul3A_1441 = arith.mulf %mul3A_1439, %mul3A_1440 : vector<16xf32>
      %exp3A = math.exp %mul3A_1441 : vector<16xf32>
      %add3A_1442 = arith.constant 16 : i32
      %add3A_1443 = vector.broadcast %add3A_1442 : i32 to vector<16xi32>
      %add3A_1444 = arith.addi %iota3A, %add3A_1443 : vector<16xi32>
      %add3A_1445 = arith.addi %broadcast_in_dim3A_1431, %add3A_1444 : vector<16xi32>
      %convert_element_type3A_1446 = arith.sitofp %add3A_1445 : vector<16xi32> to vector<16xf32>
      %sub3A_1447 = vector.broadcast %squeeze3A_1422 : f32 to vector<16xf32>
      %sub3A_1448 = arith.subf %convert_element_type3A_1446, %sub3A_1447 : vector<16xf32>
      %mul3A_1449 = arith.mulf %sub3A_1448, %sub3A_1448 : vector<16xf32>
      %mul3A_1450 = vector.broadcast %squeeze3A_1426 : f32 to vector<16xf32>
      %mul3A_1451 = arith.mulf %mul3A_1449, %mul3A_1450 : vector<16xf32>
      %exp3A_1452 = math.exp %mul3A_1451 : vector<16xf32>
      %add3A_1453 = arith.addf %exp3A, %exp3A_1452 : vector<16xf32>
      %add3A_1454 = arith.constant 32 : i32
      %add3A_1455 = vector.broadcast %add3A_1454 : i32 to vector<16xi32>
      %add3A_1456 = arith.addi %iota3A, %add3A_1455 : vector<16xi32>
      %add3A_1457 = arith.addi %broadcast_in_dim3A_1431, %add3A_1456 : vector<16xi32>
      %convert_element_type3A_1458 = arith.sitofp %add3A_1457 : vector<16xi32> to vector<16xf32>
      %sub3A_1459 = vector.broadcast %squeeze3A_1422 : f32 to vector<16xf32>
      %sub3A_1460 = arith.subf %convert_element_type3A_1458, %sub3A_1459 : vector<16xf32>
      %mul3A_1461 = arith.mulf %sub3A_1460, %sub3A_1460 : vector<16xf32>
      %mul3A_1462 = vector.broadcast %squeeze3A_1426 : f32 to vector<16xf32>
      %mul3A_1463 = arith.mulf %mul3A_1461, %mul3A_1462 : vector<16xf32>
      %exp3A_1464 = math.exp %mul3A_1463 : vector<16xf32>
      %add3A_1465 = arith.addf %add3A_1453, %exp3A_1464 : vector<16xf32>
      %add3A_1466 = arith.constant 48 : i32
      %add3A_1467 = vector.broadcast %add3A_1466 : i32 to vector<16xi32>
      %add3A_1468 = arith.addi %iota3A, %add3A_1467 : vector<16xi32>
      %add3A_1469 = arith.addi %broadcast_in_dim3A_1431, %add3A_1468 : vector<16xi32>
      %convert_element_type3A_1470 = arith.sitofp %add3A_1469 : vector<16xi32> to vector<16xf32>
      %sub3A_1471 = vector.broadcast %squeeze3A_1422 : f32 to vector<16xf32>
      %sub3A_1472 = arith.subf %convert_element_type3A_1470, %sub3A_1471 : vector<16xf32>
      %mul3A_1473 = arith.mulf %sub3A_1472, %sub3A_1472 : vector<16xf32>
      %mul3A_1474 = vector.broadcast %squeeze3A_1426 : f32 to vector<16xf32>
      %mul3A_1475 = arith.mulf %mul3A_1473, %mul3A_1474 : vector<16xf32>
      %exp3A_1476 = math.exp %mul3A_1475 : vector<16xf32>
      %add3A_1477 = arith.addf %add3A_1465, %exp3A_1476 : vector<16xf32>
      %add3A_1478 = arith.constant 64 : i32
      %add3A_1479 = vector.broadcast %add3A_1478 : i32 to vector<16xi32>
      %add3A_1480 = arith.addi %iota3A, %add3A_1479 : vector<16xi32>
      %add3A_1481 = arith.addi %broadcast_in_dim3A_1431, %add3A_1480 : vector<16xi32>
      %convert_element_type3A_1482 = arith.sitofp %add3A_1481 : vector<16xi32> to vector<16xf32>
      %sub3A_1483 = vector.broadcast %squeeze3A_1422 : f32 to vector<16xf32>
      %sub3A_1484 = arith.subf %convert_element_type3A_1482, %sub3A_1483 : vector<16xf32>
      %mul3A_1485 = arith.mulf %sub3A_1484, %sub3A_1484 : vector<16xf32>
      %mul3A_1486 = vector.broadcast %squeeze3A_1426 : f32 to vector<16xf32>
      %mul3A_1487 = arith.mulf %mul3A_1485, %mul3A_1486 : vector<16xf32>
      %exp3A_1488 = math.exp %mul3A_1487 : vector<16xf32>
      %add3A_1489 = arith.addf %add3A_1477, %exp3A_1488 : vector<16xf32>
      %add3A_1490 = arith.constant 80 : i32
      %add3A_1491 = vector.broadcast %add3A_1490 : i32 to vector<16xi32>
      %add3A_1492 = arith.addi %iota3A, %add3A_1491 : vector<16xi32>
      %add3A_1493 = arith.addi %broadcast_in_dim3A_1431, %add3A_1492 : vector<16xi32>
      %convert_element_type3A_1494 = arith.sitofp %add3A_1493 : vector<16xi32> to vector<16xf32>
      %sub3A_1495 = vector.broadcast %squeeze3A_1422 : f32 to vector<16xf32>
      %sub3A_1496 = arith.subf %convert_element_type3A_1494, %sub3A_1495 : vector<16xf32>
      %mul3A_1497 = arith.mulf %sub3A_1496, %sub3A_1496 : vector<16xf32>
      %mul3A_1498 = vector.broadcast %squeeze3A_1426 : f32 to vector<16xf32>
      %mul3A_1499 = arith.mulf %mul3A_1497, %mul3A_1498 : vector<16xf32>
      %exp3A_1500 = math.exp %mul3A_1499 : vector<16xf32>
      %add3A_1501 = arith.addf %add3A_1489, %exp3A_1500 : vector<16xf32>
      %add3A_1502 = arith.constant 96 : i32
      %add3A_1503 = vector.broadcast %add3A_1502 : i32 to vector<16xi32>
      %add3A_1504 = arith.addi %iota3A, %add3A_1503 : vector<16xi32>
      %add3A_1505 = arith.addi %broadcast_in_dim3A_1431, %add3A_1504 : vector<16xi32>
      %convert_element_type3A_1506 = arith.sitofp %add3A_1505 : vector<16xi32> to vector<16xf32>
      %sub3A_1507 = vector.broadcast %squeeze3A_1422 : f32 to vector<16xf32>
      %sub3A_1508 = arith.subf %convert_element_type3A_1506, %sub3A_1507 : vector<16xf32>
      %mul3A_1509 = arith.mulf %sub3A_1508, %sub3A_1508 : vector<16xf32>
      %mul3A_1510 = vector.broadcast %squeeze3A_1426 : f32 to vector<16xf32>
      %mul3A_1511 = arith.mulf %mul3A_1509, %mul3A_1510 : vector<16xf32>
      %exp3A_1512 = math.exp %mul3A_1511 : vector<16xf32>
      %add3A_1513 = arith.addf %add3A_1501, %exp3A_1512 : vector<16xf32>
      %add3A_1514 = arith.constant 112 : i32
      %add3A_1515 = vector.broadcast %add3A_1514 : i32 to vector<16xi32>
      %add3A_1516 = arith.addi %iota3A, %add3A_1515 : vector<16xi32>
      %add3A_1517 = arith.addi %broadcast_in_dim3A_1431, %add3A_1516 : vector<16xi32>
      %convert_element_type3A_1518 = arith.sitofp %add3A_1517 : vector<16xi32> to vector<16xf32>
      %sub3A_1519 = vector.broadcast %squeeze3A_1422 : f32 to vector<16xf32>
      %sub3A_1520 = arith.subf %convert_element_type3A_1518, %sub3A_1519 : vector<16xf32>
      %mul3A_1521 = arith.mulf %sub3A_1520, %sub3A_1520 : vector<16xf32>
      %mul3A_1522 = vector.broadcast %squeeze3A_1426 : f32 to vector<16xf32>
      %mul3A_1523 = arith.mulf %mul3A_1521, %mul3A_1522 : vector<16xf32>
      %exp3A_1524 = math.exp %mul3A_1523 : vector<16xf32>
      %add3A_1525 = arith.addf %add3A_1513, %exp3A_1524 : vector<16xf32>
      %add3A_1526 = arith.constant 128 : i32
      %add3A_1527 = vector.broadcast %add3A_1526 : i32 to vector<16xi32>
      %add3A_1528 = arith.addi %iota3A, %add3A_1527 : vector<16xi32>
      %add3A_1529 = arith.addi %broadcast_in_dim3A_1431, %add3A_1528 : vector<16xi32>
      %convert_element_type3A_1530 = arith.sitofp %add3A_1529 : vector<16xi32> to vector<16xf32>
      %sub3A_1531 = vector.broadcast %squeeze3A_1422 : f32 to vector<16xf32>
      %sub3A_1532 = arith.subf %convert_element_type3A_1530, %sub3A_1531 : vector<16xf32>
      %mul3A_1533 = arith.mulf %sub3A_1532, %sub3A_1532 : vector<16xf32>
      %mul3A_1534 = vector.broadcast %squeeze3A_1426 : f32 to vector<16xf32>
      %mul3A_1535 = arith.mulf %mul3A_1533, %mul3A_1534 : vector<16xf32>
      %exp3A_1536 = math.exp %mul3A_1535 : vector<16xf32>
      %add3A_1537 = arith.constant 128 : i32
      %add3A_1538 = arith.addi %squeeze3A_1418, %add3A_1537 : i32
      %broadcast_in_dim3A_1539 = vector.broadcast %add3A_1538 : i32 to vector<16xi32>
      %lt3A = arith.cmpi slt, %add3A_1529, %broadcast_in_dim3A_1539 : vector<16xi32>
      %jit3A_1540 = arith.constant 0.000000e+00 : f32
      %broadcast_in_dim3A_1541 = vector.broadcast %jit3A_1540 : f32 to vector<16xf32>
      %select_n3A_1542 = arith.select %lt3A, %exp3A_1536, %broadcast_in_dim3A_1541 : vector<16xi1>, vector<16xf32>
      %add3A_1543 = arith.addf %add3A_1525, %select_n3A_1542 : vector<16xf32>
      %reduce_sum3A = arith.constant true
      %reduce_sum3A_1544 = vector.broadcast %reduce_sum3A : i1 to vector<16xi1>
      %reduce_sum3A_1545 = tpu.scan <sum>, %add3A_1543 masked %reduce_sum3A_1544 : vector<16xf32>, vector<16xi1> -> vector<16xf32>
      %reduce_sum3A_1546 = vector.extract %reduce_sum3A_1545[15] : f32 from vector<16xf32>
      %broadcast_in_dim3A_1547 = vector.broadcast %reduce_sum3A_1546 : f32 to vector<16xf32>
      %add3A_1548 = arith.constant 9.99999997E-7 : f32
      %add3A_1549 = vector.broadcast %add3A_1548 : f32 to vector<16xf32>
      %add3A_1550 = arith.addf %broadcast_in_dim3A_1547, %add3A_1549 : vector<16xf32>
      %div3A_1551 = arith.constant 1.000000e+00 : f32
      %div3A_1552 = vector.broadcast %div3A_1551 : f32 to vector<16xf32>
      %div3A_1553 = arith.divf %div3A_1552, %add3A_1550 : vector<16xf32>
      %parallel_loop3A = arith.constant 0 : i32
      %parallel_loop3A_1554 = arith.constant 64 : i32
      %parallel_loop3A_1555 = arith.constant 1 : i32
      scf.for %parallel_loop3A_2065 = %parallel_loop3A to %parallel_loop3A_1554 step %parallel_loop3A_1555  : i32 {
        %parallel_loop3A_2066 = arith.constant 0 : i32
        %parallel_loop3A_2067 = arith.addi %and3A_1429, %parallel_loop3A_2066 : i32
        %parallel_loop3A_2068 = arith.index_cast %parallel_loop3A_2065 : i32 to index
        %parallel_loop3A_2069 = arith.index_cast %parallel_loop3A_2067 : i32 to index
        %parallel_loop3A_2070 = tpu.vector_load %arg16[%parallel_loop3A_2068, %parallel_loop3A_2069] {strides = array<i32>} : memref<64x272xf32, #tpu.memory_space<vmem>>, vector<16xf32>,
        %parallel_loop3A_2071 = arith.mulf %exp3A, %parallel_loop3A_2070 : vector<16xf32>
        %parallel_loop3A_2072 = arith.constant 16 : i32
        %parallel_loop3A_2073 = arith.addi %and3A_1429, %parallel_loop3A_2072 : i32
        %parallel_loop3A_2074 = arith.index_cast %parallel_loop3A_2065 : i32 to index
        %parallel_loop3A_2075 = arith.index_cast %parallel_loop3A_2073 : i32 to index
        %parallel_loop3A_2076 = tpu.vector_load %arg16[%parallel_loop3A_2074, %parallel_loop3A_2075] {strides = array<i32>} : memref<64x272xf32, #tpu.memory_space<vmem>>, vector<16xf32>,
        %parallel_loop3A_2077 = arith.mulf %exp3A_1452, %parallel_loop3A_2076 : vector<16xf32>
        %parallel_loop3A_2078 = arith.constant 32 : i32
        %parallel_loop3A_2079 = arith.addi %and3A_1429, %parallel_loop3A_2078 : i32
        %parallel_loop3A_2080 = arith.index_cast %parallel_loop3A_2065 : i32 to index
        %parallel_loop3A_2081 = arith.index_cast %parallel_loop3A_2079 : i32 to index
        %parallel_loop3A_2082 = tpu.vector_load %arg16[%parallel_loop3A_2080, %parallel_loop3A_2081] {strides = array<i32>} : memref<64x272xf32, #tpu.memory_space<vmem>>, vector<16xf32>,
        %parallel_loop3A_2083 = arith.mulf %exp3A_1464, %parallel_loop3A_2082 : vector<16xf32>
        %parallel_loop3A_2084 = arith.constant 48 : i32
        %parallel_loop3A_2085 = arith.addi %and3A_1429, %parallel_loop3A_2084 : i32
        %parallel_loop3A_2086 = arith.index_cast %parallel_loop3A_2065 : i32 to index
        %parallel_loop3A_2087 = arith.index_cast %parallel_loop3A_2085 : i32 to index
        %parallel_loop3A_2088 = tpu.vector_load %arg16[%parallel_loop3A_2086, %parallel_loop3A_2087] {strides = array<i32>} : memref<64x272xf32, #tpu.memory_space<vmem>>, vector<16xf32>,
        %parallel_loop3A_2089 = arith.mulf %exp3A_1476, %parallel_loop3A_2088 : vector<16xf32>
        %parallel_loop3A_2090 = arith.constant 64 : i32
        %parallel_loop3A_2091 = arith.addi %and3A_1429, %parallel_loop3A_2090 : i32
        %parallel_loop3A_2092 = arith.index_cast %parallel_loop3A_2065 : i32 to index
        %parallel_loop3A_2093 = arith.index_cast %parallel_loop3A_2091 : i32 to index
        %parallel_loop3A_2094 = tpu.vector_load %arg16[%parallel_loop3A_2092, %parallel_loop3A_2093] {strides = array<i32>} : memref<64x272xf32, #tpu.memory_space<vmem>>, vector<16xf32>,
        %parallel_loop3A_2095 = arith.mulf %exp3A_1488, %parallel_loop3A_2094 : vector<16xf32>
        %parallel_loop3A_2096 = arith.constant 80 : i32
        %parallel_loop3A_2097 = arith.addi %and3A_1429, %parallel_loop3A_2096 : i32
        %parallel_loop3A_2098 = arith.index_cast %parallel_loop3A_2065 : i32 to index
        %parallel_loop3A_2099 = arith.index_cast %parallel_loop3A_2097 : i32 to index
        %parallel_loop3A_2100 = tpu.vector_load %arg16[%parallel_loop3A_2098, %parallel_loop3A_2099] {strides = array<i32>} : memref<64x272xf32, #tpu.memory_space<vmem>>, vector<16xf32>,
        %parallel_loop3A_2101 = arith.mulf %exp3A_1500, %parallel_loop3A_2100 : vector<16xf32>
        %parallel_loop3A_2102 = arith.constant 96 : i32
        %parallel_loop3A_2103 = arith.addi %and3A_1429, %parallel_loop3A_2102 : i32
        %parallel_loop3A_2104 = arith.index_cast %parallel_loop3A_2065 : i32 to index
        %parallel_loop3A_2105 = arith.index_cast %parallel_loop3A_2103 : i32 to index
        %parallel_loop3A_2106 = tpu.vector_load %arg16[%parallel_loop3A_2104, %parallel_loop3A_2105] {strides = array<i32>} : memref<64x272xf32, #tpu.memory_space<vmem>>, vector<16xf32>,
        %parallel_loop3A_2107 = arith.mulf %exp3A_1512, %parallel_loop3A_2106 : vector<16xf32>
        %parallel_loop3A_2108 = arith.constant 112 : i32
        %parallel_loop3A_2109 = arith.addi %and3A_1429, %parallel_loop3A_2108 : i32
        %parallel_loop3A_2110 = arith.index_cast %parallel_loop3A_2065 : i32 to index
        %parallel_loop3A_2111 = arith.index_cast %parallel_loop3A_2109 : i32 to index
        %parallel_loop3A_2112 = tpu.vector_load %arg16[%parallel_loop3A_2110, %parallel_loop3A_2111] {strides = array<i32>} : memref<64x272xf32, #tpu.memory_space<vmem>>, vector<16xf32>,
        %parallel_loop3A_2113 = arith.mulf %exp3A_1524, %parallel_loop3A_2112 : vector<16xf32>
        %parallel_loop3A_2114 = arith.constant 128 : i32
        %parallel_loop3A_2115 = arith.addi %and3A_1429, %parallel_loop3A_2114 : i32
        %parallel_loop3A_2116 = arith.index_cast %parallel_loop3A_2065 : i32 to index
        %parallel_loop3A_2117 = arith.index_cast %parallel_loop3A_2115 : i32 to index
        %parallel_loop3A_2118 = tpu.vector_load %arg16[%parallel_loop3A_2116, %parallel_loop3A_2117] {strides = array<i32>} : memref<64x272xf32, #tpu.memory_space<vmem>>, vector<16xf32>,
        %parallel_loop3A_2119 = arith.mulf %select_n3A_1542, %parallel_loop3A_2118 : vector<16xf32>
        %parallel_loop3A_2120 = arith.addf %parallel_loop3A_2071, %parallel_loop3A_2077 : vector<16xf32>
        %parallel_loop3A_2121 = arith.addf %parallel_loop3A_2083, %parallel_loop3A_2089 : vector<16xf32>
        %parallel_loop3A_2122 = arith.addf %parallel_loop3A_2120, %parallel_loop3A_2121 : vector<16xf32>
        %parallel_loop3A_2123 = arith.addf %parallel_loop3A_2095, %parallel_loop3A_2101 : vector<16xf32>
        %parallel_loop3A_2124 = arith.addf %parallel_loop3A_2107, %parallel_loop3A_2113 : vector<16xf32>
        %parallel_loop3A_2125 = arith.addf %parallel_loop3A_2123, %parallel_loop3A_2124 : vector<16xf32>
        %parallel_loop3A_2126 = arith.addf %parallel_loop3A_2122, %parallel_loop3A_2125 : vector<16xf32>
        %parallel_loop3A_2127 = arith.addf %parallel_loop3A_2126, %parallel_loop3A_2119 : vector<16xf32>
        %parallel_loop3A_2128 = arith.index_cast %parallel_loop3A_2065 : i32 to index
        %parallel_loop3A_2129 = arith.constant 0 : index
        %parallel_loop3A_2130 = tpu.vector_load %arg14[%parallel_loop3A_2128, %parallel_loop3A_2129] {strides = array<i32>} : memref<64x16xf32, #tpu.memory_space<vmem>>, vector<16xf32>,
        tpu.vector_store %arg14[%parallel_loop3A_2128, %parallel_loop3A_2129], %parallel_loop3A_2127 {strides = array<i32>} : memref<64x16xf32, #tpu.memory_space<vmem>>, vector<16xf32>,
      } {sc.loop_unroll_factor = 4 : i64, sc.parallel_access}
      %parallel_loop3A_1556 = arith.constant 0 : i32
      %parallel_loop3A_1557 = arith.constant 4 : i32
      %parallel_loop3A_1558 = arith.constant 1 : i32
      scf.for %parallel_loop3A_2065 = %parallel_loop3A_1556 to %parallel_loop3A_1557 step %parallel_loop3A_1558  : i32 {
        %parallel_loop3A_2066 = arith.constant 16 : i32
        %parallel_loop3A_2067 = arith.muli %parallel_loop3A_2065, %parallel_loop3A_2066 : i32
        %parallel_loop3A_2068 = vector.broadcast %parallel_loop3A_2067 : i32 to vector<16xi32>
        %parallel_loop3A_2069 = arith.addi %iota3A, %parallel_loop3A_2068 : vector<16xi32>
        %parallel_loop3A_2070 = arith.constant 0 : i32
        %parallel_loop3A_2071 = vector.broadcast %parallel_loop3A_2070 : i32 to vector<16xi32>
        %parallel_loop3A_2072 = tpu.vector_load_idx %arg14[%parallel_loop3A_2069, %parallel_loop3A_2071] : memref<64x16xf32, #tpu.memory_space<vmem>>[vector<16xi32>, vector<16xi32>], vector<16xf32>,
        %parallel_loop3A_2073 = arith.constant 1 : i32
        %parallel_loop3A_2074 = vector.broadcast %parallel_loop3A_2073 : i32 to vector<16xi32>
        %parallel_loop3A_2075 = tpu.vector_load_idx %arg14[%parallel_loop3A_2069, %parallel_loop3A_2074] : memref<64x16xf32, #tpu.memory_space<vmem>>[vector<16xi32>, vector<16xi32>], vector<16xf32>,
        %parallel_loop3A_2076 = arith.constant 2 : i32
        %parallel_loop3A_2077 = vector.broadcast %parallel_loop3A_2076 : i32 to vector<16xi32>
        %parallel_loop3A_2078 = tpu.vector_load_idx %arg14[%parallel_loop3A_2069, %parallel_loop3A_2077] : memref<64x16xf32, #tpu.memory_space<vmem>>[vector<16xi32>, vector<16xi32>], vector<16xf32>,
        %parallel_loop3A_2079 = arith.constant 3 : i32
        %parallel_loop3A_2080 = vector.broadcast %parallel_loop3A_2079 : i32 to vector<16xi32>
        %parallel_loop3A_2081 = tpu.vector_load_idx %arg14[%parallel_loop3A_2069, %parallel_loop3A_2080] : memref<64x16xf32, #tpu.memory_space<vmem>>[vector<16xi32>, vector<16xi32>], vector<16xf32>,
        %parallel_loop3A_2082 = arith.constant 4 : i32
        %parallel_loop3A_2083 = vector.broadcast %parallel_loop3A_2082 : i32 to vector<16xi32>
        %parallel_loop3A_2084 = tpu.vector_load_idx %arg14[%parallel_loop3A_2069, %parallel_loop3A_2083] : memref<64x16xf32, #tpu.memory_space<vmem>>[vector<16xi32>, vector<16xi32>], vector<16xf32>,
        %parallel_loop3A_2085 = arith.constant 5 : i32
        %parallel_loop3A_2086 = vector.broadcast %parallel_loop3A_2085 : i32 to vector<16xi32>
        %parallel_loop3A_2087 = tpu.vector_load_idx %arg14[%parallel_loop3A_2069, %parallel_loop3A_2086] : memref<64x16xf32, #tpu.memory_space<vmem>>[vector<16xi32>, vector<16xi32>], vector<16xf32>,
        %parallel_loop3A_2088 = arith.constant 6 : i32
        %parallel_loop3A_2089 = vector.broadcast %parallel_loop3A_2088 : i32 to vector<16xi32>
        %parallel_loop3A_2090 = tpu.vector_load_idx %arg14[%parallel_loop3A_2069, %parallel_loop3A_2089] : memref<64x16xf32, #tpu.memory_space<vmem>>[vector<16xi32>, vector<16xi32>], vector<16xf32>,
        %parallel_loop3A_2091 = arith.constant 7 : i32
        %parallel_loop3A_2092 = vector.broadcast %parallel_loop3A_2091 : i32 to vector<16xi32>
        %parallel_loop3A_2093 = tpu.vector_load_idx %arg14[%parallel_loop3A_2069, %parallel_loop3A_2092] : memref<64x16xf32, #tpu.memory_space<vmem>>[vector<16xi32>, vector<16xi32>], vector<16xf32>,
        %parallel_loop3A_2094 = arith.constant 8 : i32
        %parallel_loop3A_2095 = vector.broadcast %parallel_loop3A_2094 : i32 to vector<16xi32>
        %parallel_loop3A_2096 = tpu.vector_load_idx %arg14[%parallel_loop3A_2069, %parallel_loop3A_2095] : memref<64x16xf32, #tpu.memory_space<vmem>>[vector<16xi32>, vector<16xi32>], vector<16xf32>,
        %parallel_loop3A_2097 = arith.constant 9 : i32
        %parallel_loop3A_2098 = vector.broadcast %parallel_loop3A_2097 : i32 to vector<16xi32>
        %parallel_loop3A_2099 = tpu.vector_load_idx %arg14[%parallel_loop3A_2069, %parallel_loop3A_2098] : memref<64x16xf32, #tpu.memory_space<vmem>>[vector<16xi32>, vector<16xi32>], vector<16xf32>,
        %parallel_loop3A_2100 = arith.constant 10 : i32
        %parallel_loop3A_2101 = vector.broadcast %parallel_loop3A_2100 : i32 to vector<16xi32>
        %parallel_loop3A_2102 = tpu.vector_load_idx %arg14[%parallel_loop3A_2069, %parallel_loop3A_2101] : memref<64x16xf32, #tpu.memory_space<vmem>>[vector<16xi32>, vector<16xi32>], vector<16xf32>,
        %parallel_loop3A_2103 = arith.constant 11 : i32
        %parallel_loop3A_2104 = vector.broadcast %parallel_loop3A_2103 : i32 to vector<16xi32>
        %parallel_loop3A_2105 = tpu.vector_load_idx %arg14[%parallel_loop3A_2069, %parallel_loop3A_2104] : memref<64x16xf32, #tpu.memory_space<vmem>>[vector<16xi32>, vector<16xi32>], vector<16xf32>,
        %parallel_loop3A_2106 = arith.constant 12 : i32
        %parallel_loop3A_2107 = vector.broadcast %parallel_loop3A_2106 : i32 to vector<16xi32>
        %parallel_loop3A_2108 = tpu.vector_load_idx %arg14[%parallel_loop3A_2069, %parallel_loop3A_2107] : memref<64x16xf32, #tpu.memory_space<vmem>>[vector<16xi32>, vector<16xi32>], vector<16xf32>,
        %parallel_loop3A_2109 = arith.constant 13 : i32
        %parallel_loop3A_2110 = vector.broadcast %parallel_loop3A_2109 : i32 to vector<16xi32>
        %parallel_loop3A_2111 = tpu.vector_load_idx %arg14[%parallel_loop3A_2069, %parallel_loop3A_2110] : memref<64x16xf32, #tpu.memory_space<vmem>>[vector<16xi32>, vector<16xi32>], vector<16xf32>,
        %parallel_loop3A_2112 = arith.constant 14 : i32
        %parallel_loop3A_2113 = vector.broadcast %parallel_loop3A_2112 : i32 to vector<16xi32>
        %parallel_loop3A_2114 = tpu.vector_load_idx %arg14[%parallel_loop3A_2069, %parallel_loop3A_2113] : memref<64x16xf32, #tpu.memory_space<vmem>>[vector<16xi32>, vector<16xi32>], vector<16xf32>,
        %parallel_loop3A_2115 = arith.constant 15 : i32
        %parallel_loop3A_2116 = vector.broadcast %parallel_loop3A_2115 : i32 to vector<16xi32>
        %parallel_loop3A_2117 = tpu.vector_load_idx %arg14[%parallel_loop3A_2069, %parallel_loop3A_2116] : memref<64x16xf32, #tpu.memory_space<vmem>>[vector<16xi32>, vector<16xi32>], vector<16xf32>,
        %parallel_loop3A_2118 = arith.addf %parallel_loop3A_2072, %parallel_loop3A_2075 : vector<16xf32>
        %parallel_loop3A_2119 = arith.addf %parallel_loop3A_2078, %parallel_loop3A_2081 : vector<16xf32>
        %parallel_loop3A_2120 = arith.addf %parallel_loop3A_2118, %parallel_loop3A_2119 : vector<16xf32>
        %parallel_loop3A_2121 = arith.addf %parallel_loop3A_2084, %parallel_loop3A_2087 : vector<16xf32>
        %parallel_loop3A_2122 = arith.addf %parallel_loop3A_2090, %parallel_loop3A_2093 : vector<16xf32>
        %parallel_loop3A_2123 = arith.addf %parallel_loop3A_2121, %parallel_loop3A_2122 : vector<16xf32>
        %parallel_loop3A_2124 = arith.addf %parallel_loop3A_2096, %parallel_loop3A_2099 : vector<16xf32>
        %parallel_loop3A_2125 = arith.addf %parallel_loop3A_2102, %parallel_loop3A_2105 : vector<16xf32>
        %parallel_loop3A_2126 = arith.addf %parallel_loop3A_2124, %parallel_loop3A_2125 : vector<16xf32>
        %parallel_loop3A_2127 = arith.addf %parallel_loop3A_2108, %parallel_loop3A_2111 : vector<16xf32>
        %parallel_loop3A_2128 = arith.addf %parallel_loop3A_2114, %parallel_loop3A_2117 : vector<16xf32>
        %parallel_loop3A_2129 = arith.addf %parallel_loop3A_2127, %parallel_loop3A_2128 : vector<16xf32>
        %parallel_loop3A_2130 = arith.addf %parallel_loop3A_2120, %parallel_loop3A_2123 : vector<16xf32>
        %parallel_loop3A_2131 = arith.addf %parallel_loop3A_2126, %parallel_loop3A_2129 : vector<16xf32>
        %parallel_loop3A_2132 = arith.addf %parallel_loop3A_2130, %parallel_loop3A_2131 : vector<16xf32>
        %parallel_loop3A_2133 = arith.mulf %parallel_loop3A_2132, %div3A_1553 : vector<16xf32>
        %parallel_loop3A_2134 = arith.constant 16 : i32
        %parallel_loop3A_2135 = arith.muli %parallel_loop3A_2065, %parallel_loop3A_2134 : i32
        %parallel_loop3A_2136 = arith.index_cast %add3A_1405 : i32 to index
        %parallel_loop3A_2137 = arith.index_cast %parallel_loop3A_2135 : i32 to index
        %parallel_loop3A_2138 = tpu.vector_load %arg15[%parallel_loop3A_2136, %parallel_loop3A_2137] {strides = array<i32>} : memref<128x64xf32, #tpu.memory_space<vmem>>, vector<16xf32>,
        tpu.vector_store %arg15[%parallel_loop3A_2136, %parallel_loop3A_2137], %parallel_loop3A_2133 {strides = array<i32>} : memref<128x64xf32, #tpu.memory_space<vmem>>, vector<16xf32>,
      } {sc.loop_unroll_factor = 4 : i64, sc.parallel_access}
      %lt3A_1559 = arith.constant 31 : i32
      %lt3A_1560 = arith.cmpi slt, %scan3A_1401, %lt3A_1559 : i32
      %convert_element_type3A_1561 = arith.extui %lt3A_1560 : i1 to i32
      %cond3A_1562 = arith.constant 0 : i32
      %cond3A_1563 = arith.cmpi ne, %convert_element_type3A_1561, %cond3A_1562 : i32
      scf.if %cond3A_1563 {
        %add3A_2065 = arith.constant 4 : i32
        %add3A_2066 = arith.addi %add3A_1405, %add3A_2065 : i32
        %get3A_2067 = arith.index_cast %add3A_2066 : i32 to index
        %get3A_2068 = tpu.vector_load %arg11[%get3A_2067] {strides = array<i32>} : memref<144xi32, #tpu.memory_space<vmem>>, vector<16xi32>,
        %slice3A_2069 = vector.extract_strided_slice %get3A_2068 {offsets = [0], sizes = [1], strides = [1]} : vector<16xi32> to vector<1xi32>
        %squeeze3A_2070 = vector.extract %slice3A_2069[0] : i32 from vector<1xi32>
        %eq3A_2071 = arith.constant 999744 : i32
        %eq3A_2072 = arith.cmpi eq, %squeeze3A_2070, %eq3A_2071 : i32
        %not3A_2073 = arith.constant true
        %not3A_2074 = arith.xori %eq3A_2072, %not3A_2073 : i1
        %convert_element_type3A_2075 = arith.extui %not3A_2074 : i1 to i32
        %cond3A_2076 = arith.constant 0 : i32
        %cond3A_2077 = arith.cmpi ne, %convert_element_type3A_2075, %cond3A_2076 : i32
        scf.if %cond3A_2077 {
          %multiple_of3A = tpu.assume_multiple %squeeze3A_2070, 128 : i32
          %dma_start3A = arith.constant 0 : i32
          %dma_start3A_2081 = arith.constant 0 : i32
          %dma_start3A_2082 = tpu.memref_slice %arg16[%dma_start3A, %dma_start3A_2081] : memref<64x272xf32, #tpu.memory_space<vmem>> -> memref<64x256xf32, #tpu.memory_space<vmem>>
          %dma_start3A_2083 = arith.constant 0 : i32
          %dma_start3A_2084 = tpu.memref_slice %arg4[%dma_start3A_2083, %multiple_of3A] : memref<64x1000000xf32, #tpu.memory_space<hbm>> -> memref<64x256xf32, #tpu.memory_space<hbm>>
          %dma_start3A_2085 = arith.constant 0 : i32
          %dma_start3A_2086 = arith.constant 0 : i32
          %dma_start3A_2087 = tpu.memref_slice %arg16[%dma_start3A_2085, %dma_start3A_2086] : memref<64x272xf32, #tpu.memory_space<vmem>> -> memref<64x256xf32, #tpu.memory_space<vmem>>
          %dma_start3A_2088 = arith.constant 0 : i32
          %dma_start3A_2089 = tpu.memref_slice %arg4[%dma_start3A_2088, %multiple_of3A] : memref<64x1000000xf32, #tpu.memory_space<hbm>> -> memref<64x256xf32, #tpu.memory_space<hbm>>
          tpu.enqueue_dma source(%dma_start3A_2089 : memref<64x256xf32, #tpu.memory_space<hbm>>) target(%dma_start3A_2087 : memref<64x256xf32, #tpu.memory_space<vmem>>) target_semaphore(%arg20 : memref<!tpu.dma_semaphore, #tpu.memory_space<semaphore_mem>>)
        } else {
        }
        %convert_element_type3A_2078 = arith.extui %eq3A_2072 : i1 to i32
        %cond3A_2079 = arith.constant 0 : i32
        %cond3A_2080 = arith.cmpi ne, %convert_element_type3A_2078, %cond3A_2079 : i32
        scf.if %cond3A_2080 {
          %dma_start3A = arith.constant 0 : i32
          %dma_start3A_2081 = arith.constant 0 : i32
          %dma_start3A_2082 = tpu.memref_slice %arg16[%dma_start3A, %dma_start3A_2081] : memref<64x272xf32, #tpu.memory_space<vmem>> -> memref<64x256xf32, #tpu.memory_space<vmem>>
          %dma_start3A_2083 = arith.constant 0 : i32
          %dma_start3A_2084 = arith.constant 0 : i32
          %dma_start3A_2085 = tpu.memref_slice %arg16[%dma_start3A_2083, %dma_start3A_2084] : memref<64x272xf32, #tpu.memory_space<vmem>> -> memref<64x256xf32, #tpu.memory_space<vmem>>
          tpu.enqueue_dma source(%arg5 : memref<64x256xf32, #tpu.memory_space<hbm>>) target(%dma_start3A_2085 : memref<64x256xf32, #tpu.memory_space<vmem>>) target_semaphore(%arg20 : memref<!tpu.dma_semaphore, #tpu.memory_space<semaphore_mem>>)
        } else {
        }
      } else {
      }
      %mul3A_1564 = arith.constant 4 : i32
      %mul3A_1565 = arith.muli %scan3A_1401, %mul3A_1564 : i32
      %add3A_1566 = arith.constant 1 : i32
      %add3A_1567 = arith.addi %mul3A_1565, %add3A_1566 : i32
      %dma_wait3A_1568 = arith.constant 0 : i32
      %dma_wait3A_1569 = arith.constant 0 : i32
      %dma_wait3A_1570 = tpu.memref_slice %arg17[%dma_wait3A_1568, %dma_wait3A_1569] : memref<64x272xf32, #tpu.memory_space<vmem>> -> memref<64x256xf32, #tpu.memory_space<vmem>>
      %dma_wait3A_1571 = arith.constant 0 : i32
      %dma_wait3A_1572 = arith.constant 0 : i32
      %dma_wait3A_1573 = tpu.memref_slice %arg17[%dma_wait3A_1571, %dma_wait3A_1572] : memref<64x272xf32, #tpu.memory_space<vmem>> -> memref<64x256xf32, #tpu.memory_space<vmem>>
      tpu.wait_dma2 semaphore(%arg21 : memref<!tpu.dma_semaphore, #tpu.memory_space<semaphore_mem>>) src(%arg5 : memref<64x256xf32, #tpu.memory_space<hbm>>) dst(%dma_wait3A_1573 : memref<64x256xf32, #tpu.memory_space<vmem>>)
      %get3A_1574 = arith.index_cast %add3A_1567 : i32 to index
      %get3A_1575 = tpu.vector_load %arg11[%get3A_1574] {strides = array<i32>} : memref<144xi32, #tpu.memory_space<vmem>>, vector<16xi32>,
      %slice3A_1576 = vector.extract_strided_slice %get3A_1575 {offsets = [0], sizes = [1], strides = [1]} : vector<16xi32> to vector<1xi32>
      %squeeze3A_1577 = vector.extract %slice3A_1576[0] : i32 from vector<1xi32>
      %get3A_1578 = arith.index_cast %add3A_1567 : i32 to index
      %get3A_1579 = tpu.vector_load %arg10[%get3A_1578] {strides = array<i32>} : memref<144xi32, #tpu.memory_space<vmem>>, vector<16xi32>,
      %slice3A_1580 = vector.extract_strided_slice %get3A_1579 {offsets = [0], sizes = [1], strides = [1]} : vector<16xi32> to vector<1xi32>
      %squeeze3A_1581 = vector.extract %slice3A_1580[0] : i32 from vector<1xi32>
      %get3A_1582 = arith.index_cast %add3A_1567 : i32 to index
      %get3A_1583 = tpu.vector_load %arg12[%get3A_1582] {strides = array<i32>} : memref<144xf32, #tpu.memory_space<vmem>>, vector<16xf32>,
      %slice3A_1584 = vector.extract_strided_slice %get3A_1583 {offsets = [0], sizes = [1], strides = [1]} : vector<16xf32> to vector<1xf32>
      %squeeze3A_1585 = vector.extract %slice3A_1584[0] : f32 from vector<1xf32>
      %get3A_1586 = arith.index_cast %add3A_1567 : i32 to index
      %get3A_1587 = tpu.vector_load %arg13[%get3A_1586] {strides = array<i32>} : memref<144xf32, #tpu.memory_space<vmem>>, vector<16xf32>,
      %slice3A_1588 = vector.extract_strided_slice %get3A_1587 {offsets = [0], sizes = [1], strides = [1]} : vector<16xf32> to vector<1xf32>
      %squeeze3A_1589 = vector.extract %slice3A_1588[0] : f32 from vector<1xf32>
      %sub3A_1590 = arith.subi %squeeze3A_1581, %squeeze3A_1577 : i32
      %and3A_1591 = arith.constant -16 : i32
      %and3A_1592 = arith.andi %sub3A_1590, %and3A_1591 : i32
      %add3A_1593 = arith.addi %squeeze3A_1577, %and3A_1592 : i32
      %broadcast_in_dim3A_1594 = vector.broadcast %add3A_1593 : i32 to vector<16xi32>
      %add3A_1595 = arith.constant 0 : i32
      %add3A_1596 = vector.broadcast %add3A_1595 : i32 to vector<16xi32>
      %add3A_1597 = arith.addi %iota3A, %add3A_1596 : vector<16xi32>
      %add3A_1598 = arith.addi %broadcast_in_dim3A_1594, %add3A_1597 : vector<16xi32>
      %convert_element_type3A_1599 = arith.sitofp %add3A_1598 : vector<16xi32> to vector<16xf32>
      %sub3A_1600 = vector.broadcast %squeeze3A_1585 : f32 to vector<16xf32>
      %sub3A_1601 = arith.subf %convert_element_type3A_1599, %sub3A_1600 : vector<16xf32>
      %mul3A_1602 = arith.mulf %sub3A_1601, %sub3A_1601 : vector<16xf32>
      %mul3A_1603 = vector.broadcast %squeeze3A_1589 : f32 to vector<16xf32>
      %mul3A_1604 = arith.mulf %mul3A_1602, %mul3A_1603 : vector<16xf32>
      %exp3A_1605 = math.exp %mul3A_1604 : vector<16xf32>
      %add3A_1606 = arith.constant 16 : i32
      %add3A_1607 = vector.broadcast %add3A_1606 : i32 to vector<16xi32>
      %add3A_1608 = arith.addi %iota3A, %add3A_1607 : vector<16xi32>
      %add3A_1609 = arith.addi %broadcast_in_dim3A_1594, %add3A_1608 : vector<16xi32>
      %convert_element_type3A_1610 = arith.sitofp %add3A_1609 : vector<16xi32> to vector<16xf32>
      %sub3A_1611 = vector.broadcast %squeeze3A_1585 : f32 to vector<16xf32>
      %sub3A_1612 = arith.subf %convert_element_type3A_1610, %sub3A_1611 : vector<16xf32>
      %mul3A_1613 = arith.mulf %sub3A_1612, %sub3A_1612 : vector<16xf32>
      %mul3A_1614 = vector.broadcast %squeeze3A_1589 : f32 to vector<16xf32>
      %mul3A_1615 = arith.mulf %mul3A_1613, %mul3A_1614 : vector<16xf32>
      %exp3A_1616 = math.exp %mul3A_1615 : vector<16xf32>
      %add3A_1617 = arith.addf %exp3A_1605, %exp3A_1616 : vector<16xf32>
      %add3A_1618 = arith.constant 32 : i32
      %add3A_1619 = vector.broadcast %add3A_1618 : i32 to vector<16xi32>
      %add3A_1620 = arith.addi %iota3A, %add3A_1619 : vector<16xi32>
      %add3A_1621 = arith.addi %broadcast_in_dim3A_1594, %add3A_1620 : vector<16xi32>
      %convert_element_type3A_1622 = arith.sitofp %add3A_1621 : vector<16xi32> to vector<16xf32>
      %sub3A_1623 = vector.broadcast %squeeze3A_1585 : f32 to vector<16xf32>
      %sub3A_1624 = arith.subf %convert_element_type3A_1622, %sub3A_1623 : vector<16xf32>
      %mul3A_1625 = arith.mulf %sub3A_1624, %sub3A_1624 : vector<16xf32>
      %mul3A_1626 = vector.broadcast %squeeze3A_1589 : f32 to vector<16xf32>
      %mul3A_1627 = arith.mulf %mul3A_1625, %mul3A_1626 : vector<16xf32>
      %exp3A_1628 = math.exp %mul3A_1627 : vector<16xf32>
      %add3A_1629 = arith.addf %add3A_1617, %exp3A_1628 : vector<16xf32>
      %add3A_1630 = arith.constant 48 : i32
      %add3A_1631 = vector.broadcast %add3A_1630 : i32 to vector<16xi32>
      %add3A_1632 = arith.addi %iota3A, %add3A_1631 : vector<16xi32>
      %add3A_1633 = arith.addi %broadcast_in_dim3A_1594, %add3A_1632 : vector<16xi32>
      %convert_element_type3A_1634 = arith.sitofp %add3A_1633 : vector<16xi32> to vector<16xf32>
      %sub3A_1635 = vector.broadcast %squeeze3A_1585 : f32 to vector<16xf32>
      %sub3A_1636 = arith.subf %convert_element_type3A_1634, %sub3A_1635 : vector<16xf32>
      %mul3A_1637 = arith.mulf %sub3A_1636, %sub3A_1636 : vector<16xf32>
      %mul3A_1638 = vector.broadcast %squeeze3A_1589 : f32 to vector<16xf32>
      %mul3A_1639 = arith.mulf %mul3A_1637, %mul3A_1638 : vector<16xf32>
      %exp3A_1640 = math.exp %mul3A_1639 : vector<16xf32>
      %add3A_1641 = arith.addf %add3A_1629, %exp3A_1640 : vector<16xf32>
      %add3A_1642 = arith.constant 64 : i32
      %add3A_1643 = vector.broadcast %add3A_1642 : i32 to vector<16xi32>
      %add3A_1644 = arith.addi %iota3A, %add3A_1643 : vector<16xi32>
      %add3A_1645 = arith.addi %broadcast_in_dim3A_1594, %add3A_1644 : vector<16xi32>
      %convert_element_type3A_1646 = arith.sitofp %add3A_1645 : vector<16xi32> to vector<16xf32>
      %sub3A_1647 = vector.broadcast %squeeze3A_1585 : f32 to vector<16xf32>
      %sub3A_1648 = arith.subf %convert_element_type3A_1646, %sub3A_1647 : vector<16xf32>
      %mul3A_1649 = arith.mulf %sub3A_1648, %sub3A_1648 : vector<16xf32>
      %mul3A_1650 = vector.broadcast %squeeze3A_1589 : f32 to vector<16xf32>
      %mul3A_1651 = arith.mulf %mul3A_1649, %mul3A_1650 : vector<16xf32>
      %exp3A_1652 = math.exp %mul3A_1651 : vector<16xf32>
      %add3A_1653 = arith.addf %add3A_1641, %exp3A_1652 : vector<16xf32>
      %add3A_1654 = arith.constant 80 : i32
      %add3A_1655 = vector.broadcast %add3A_1654 : i32 to vector<16xi32>
      %add3A_1656 = arith.addi %iota3A, %add3A_1655 : vector<16xi32>
      %add3A_1657 = arith.addi %broadcast_in_dim3A_1594, %add3A_1656 : vector<16xi32>
      %convert_element_type3A_1658 = arith.sitofp %add3A_1657 : vector<16xi32> to vector<16xf32>
      %sub3A_1659 = vector.broadcast %squeeze3A_1585 : f32 to vector<16xf32>
      %sub3A_1660 = arith.subf %convert_element_type3A_1658, %sub3A_1659 : vector<16xf32>
      %mul3A_1661 = arith.mulf %sub3A_1660, %sub3A_1660 : vector<16xf32>
      %mul3A_1662 = vector.broadcast %squeeze3A_1589 : f32 to vector<16xf32>
      %mul3A_1663 = arith.mulf %mul3A_1661, %mul3A_1662 : vector<16xf32>
      %exp3A_1664 = math.exp %mul3A_1663 : vector<16xf32>
      %add3A_1665 = arith.addf %add3A_1653, %exp3A_1664 : vector<16xf32>
      %add3A_1666 = arith.constant 96 : i32
      %add3A_1667 = vector.broadcast %add3A_1666 : i32 to vector<16xi32>
      %add3A_1668 = arith.addi %iota3A, %add3A_1667 : vector<16xi32>
      %add3A_1669 = arith.addi %broadcast_in_dim3A_1594, %add3A_1668 : vector<16xi32>
      %convert_element_type3A_1670 = arith.sitofp %add3A_1669 : vector<16xi32> to vector<16xf32>
      %sub3A_1671 = vector.broadcast %squeeze3A_1585 : f32 to vector<16xf32>
      %sub3A_1672 = arith.subf %convert_element_type3A_1670, %sub3A_1671 : vector<16xf32>
      %mul3A_1673 = arith.mulf %sub3A_1672, %sub3A_1672 : vector<16xf32>
      %mul3A_1674 = vector.broadcast %squeeze3A_1589 : f32 to vector<16xf32>
      %mul3A_1675 = arith.mulf %mul3A_1673, %mul3A_1674 : vector<16xf32>
      %exp3A_1676 = math.exp %mul3A_1675 : vector<16xf32>
      %add3A_1677 = arith.addf %add3A_1665, %exp3A_1676 : vector<16xf32>
      %add3A_1678 = arith.constant 112 : i32
      %add3A_1679 = vector.broadcast %add3A_1678 : i32 to vector<16xi32>
      %add3A_1680 = arith.addi %iota3A, %add3A_1679 : vector<16xi32>
      %add3A_1681 = arith.addi %broadcast_in_dim3A_1594, %add3A_1680 : vector<16xi32>
      %convert_element_type3A_1682 = arith.sitofp %add3A_1681 : vector<16xi32> to vector<16xf32>
      %sub3A_1683 = vector.broadcast %squeeze3A_1585 : f32 to vector<16xf32>
      %sub3A_1684 = arith.subf %convert_element_type3A_1682, %sub3A_1683 : vector<16xf32>
      %mul3A_1685 = arith.mulf %sub3A_1684, %sub3A_1684 : vector<16xf32>
      %mul3A_1686 = vector.broadcast %squeeze3A_1589 : f32 to vector<16xf32>
      %mul3A_1687 = arith.mulf %mul3A_1685, %mul3A_1686 : vector<16xf32>
      %exp3A_1688 = math.exp %mul3A_1687 : vector<16xf32>
      %add3A_1689 = arith.addf %add3A_1677, %exp3A_1688 : vector<16xf32>
      %add3A_1690 = arith.constant 128 : i32
      %add3A_1691 = vector.broadcast %add3A_1690 : i32 to vector<16xi32>
      %add3A_1692 = arith.addi %iota3A, %add3A_1691 : vector<16xi32>
      %add3A_1693 = arith.addi %broadcast_in_dim3A_1594, %add3A_1692 : vector<16xi32>
      %convert_element_type3A_1694 = arith.sitofp %add3A_1693 : vector<16xi32> to vector<16xf32>
      %sub3A_1695 = vector.broadcast %squeeze3A_1585 : f32 to vector<16xf32>
      %sub3A_1696 = arith.subf %convert_element_type3A_1694, %sub3A_1695 : vector<16xf32>
      %mul3A_1697 = arith.mulf %sub3A_1696, %sub3A_1696 : vector<16xf32>
      %mul3A_1698 = vector.broadcast %squeeze3A_1589 : f32 to vector<16xf32>
      %mul3A_1699 = arith.mulf %mul3A_1697, %mul3A_1698 : vector<16xf32>
      %exp3A_1700 = math.exp %mul3A_1699 : vector<16xf32>
      %add3A_1701 = arith.constant 128 : i32
      %add3A_1702 = arith.addi %squeeze3A_1581, %add3A_1701 : i32
      %broadcast_in_dim3A_1703 = vector.broadcast %add3A_1702 : i32 to vector<16xi32>
      %lt3A_1704 = arith.cmpi slt, %add3A_1693, %broadcast_in_dim3A_1703 : vector<16xi32>
      %jit3A_1705 = arith.constant 0.000000e+00 : f32
      %broadcast_in_dim3A_1706 = vector.broadcast %jit3A_1705 : f32 to vector<16xf32>
      %select_n3A_1707 = arith.select %lt3A_1704, %exp3A_1700, %broadcast_in_dim3A_1706 : vector<16xi1>, vector<16xf32>
      %add3A_1708 = arith.addf %add3A_1689, %select_n3A_1707 : vector<16xf32>
      %reduce_sum3A_1709 = arith.constant true
      %reduce_sum3A_1710 = vector.broadcast %reduce_sum3A_1709 : i1 to vector<16xi1>
      %reduce_sum3A_1711 = tpu.scan <sum>, %add3A_1708 masked %reduce_sum3A_1710 : vector<16xf32>, vector<16xi1> -> vector<16xf32>
      %reduce_sum3A_1712 = vector.extract %reduce_sum3A_1711[15] : f32 from vector<16xf32>
      %broadcast_in_dim3A_1713 = vector.broadcast %reduce_sum3A_1712 : f32 to vector<16xf32>
      %add3A_1714 = arith.constant 9.99999997E-7 : f32
      %add3A_1715 = vector.broadcast %add3A_1714 : f32 to vector<16xf32>
      %add3A_1716 = arith.addf %broadcast_in_dim3A_1713, %add3A_1715 : vector<16xf32>
      %div3A_1717 = arith.constant 1.000000e+00 : f32
      %div3A_1718 = vector.broadcast %div3A_1717 : f32 to vector<16xf32>
      %div3A_1719 = arith.divf %div3A_1718, %add3A_1716 : vector<16xf32>
      %parallel_loop3A_1720 = arith.constant 0 : i32
      %parallel_loop3A_1721 = arith.constant 64 : i32
      %parallel_loop3A_1722 = arith.constant 1 : i32
      scf.for %parallel_loop3A_2065 = %parallel_loop3A_1720 to %parallel_loop3A_1721 step %parallel_loop3A_1722  : i32 {
        %parallel_loop3A_2066 = arith.constant 0 : i32
        %parallel_loop3A_2067 = arith.addi %and3A_1592, %parallel_loop3A_2066 : i32
        %parallel_loop3A_2068 = arith.index_cast %parallel_loop3A_2065 : i32 to index
        %parallel_loop3A_2069 = arith.index_cast %parallel_loop3A_2067 : i32 to index
        %parallel_loop3A_2070 = tpu.vector_load %arg17[%parallel_loop3A_2068, %parallel_loop3A_2069] {strides = array<i32>} : memref<64x272xf32, #tpu.memory_space<vmem>>, vector<16xf32>,
        %parallel_loop3A_2071 = arith.mulf %exp3A_1605, %parallel_loop3A_2070 : vector<16xf32>
        %parallel_loop3A_2072 = arith.constant 16 : i32
        %parallel_loop3A_2073 = arith.addi %and3A_1592, %parallel_loop3A_2072 : i32
        %parallel_loop3A_2074 = arith.index_cast %parallel_loop3A_2065 : i32 to index
        %parallel_loop3A_2075 = arith.index_cast %parallel_loop3A_2073 : i32 to index
        %parallel_loop3A_2076 = tpu.vector_load %arg17[%parallel_loop3A_2074, %parallel_loop3A_2075] {strides = array<i32>} : memref<64x272xf32, #tpu.memory_space<vmem>>, vector<16xf32>,
        %parallel_loop3A_2077 = arith.mulf %exp3A_1616, %parallel_loop3A_2076 : vector<16xf32>
        %parallel_loop3A_2078 = arith.constant 32 : i32
        %parallel_loop3A_2079 = arith.addi %and3A_1592, %parallel_loop3A_2078 : i32
        %parallel_loop3A_2080 = arith.index_cast %parallel_loop3A_2065 : i32 to index
        %parallel_loop3A_2081 = arith.index_cast %parallel_loop3A_2079 : i32 to index
        %parallel_loop3A_2082 = tpu.vector_load %arg17[%parallel_loop3A_2080, %parallel_loop3A_2081] {strides = array<i32>} : memref<64x272xf32, #tpu.memory_space<vmem>>, vector<16xf32>,
        %parallel_loop3A_2083 = arith.mulf %exp3A_1628, %parallel_loop3A_2082 : vector<16xf32>
        %parallel_loop3A_2084 = arith.constant 48 : i32
        %parallel_loop3A_2085 = arith.addi %and3A_1592, %parallel_loop3A_2084 : i32
        %parallel_loop3A_2086 = arith.index_cast %parallel_loop3A_2065 : i32 to index
        %parallel_loop3A_2087 = arith.index_cast %parallel_loop3A_2085 : i32 to index
        %parallel_loop3A_2088 = tpu.vector_load %arg17[%parallel_loop3A_2086, %parallel_loop3A_2087] {strides = array<i32>} : memref<64x272xf32, #tpu.memory_space<vmem>>, vector<16xf32>,
        %parallel_loop3A_2089 = arith.mulf %exp3A_1640, %parallel_loop3A_2088 : vector<16xf32>
        %parallel_loop3A_2090 = arith.constant 64 : i32
        %parallel_loop3A_2091 = arith.addi %and3A_1592, %parallel_loop3A_2090 : i32
        %parallel_loop3A_2092 = arith.index_cast %parallel_loop3A_2065 : i32 to index
        %parallel_loop3A_2093 = arith.index_cast %parallel_loop3A_2091 : i32 to index
        %parallel_loop3A_2094 = tpu.vector_load %arg17[%parallel_loop3A_2092, %parallel_loop3A_2093] {strides = array<i32>} : memref<64x272xf32, #tpu.memory_space<vmem>>, vector<16xf32>,
        %parallel_loop3A_2095 = arith.mulf %exp3A_1652, %parallel_loop3A_2094 : vector<16xf32>
        %parallel_loop3A_2096 = arith.constant 80 : i32
        %parallel_loop3A_2097 = arith.addi %and3A_1592, %parallel_loop3A_2096 : i32
        %parallel_loop3A_2098 = arith.index_cast %parallel_loop3A_2065 : i32 to index
        %parallel_loop3A_2099 = arith.index_cast %parallel_loop3A_2097 : i32 to index
        %parallel_loop3A_2100 = tpu.vector_load %arg17[%parallel_loop3A_2098, %parallel_loop3A_2099] {strides = array<i32>} : memref<64x272xf32, #tpu.memory_space<vmem>>, vector<16xf32>,
        %parallel_loop3A_2101 = arith.mulf %exp3A_1664, %parallel_loop3A_2100 : vector<16xf32>
        %parallel_loop3A_2102 = arith.constant 96 : i32
        %parallel_loop3A_2103 = arith.addi %and3A_1592, %parallel_loop3A_2102 : i32
        %parallel_loop3A_2104 = arith.index_cast %parallel_loop3A_2065 : i32 to index
        %parallel_loop3A_2105 = arith.index_cast %parallel_loop3A_2103 : i32 to index
        %parallel_loop3A_2106 = tpu.vector_load %arg17[%parallel_loop3A_2104, %parallel_loop3A_2105] {strides = array<i32>} : memref<64x272xf32, #tpu.memory_space<vmem>>, vector<16xf32>,
        %parallel_loop3A_2107 = arith.mulf %exp3A_1676, %parallel_loop3A_2106 : vector<16xf32>
        %parallel_loop3A_2108 = arith.constant 112 : i32
        %parallel_loop3A_2109 = arith.addi %and3A_1592, %parallel_loop3A_2108 : i32
        %parallel_loop3A_2110 = arith.index_cast %parallel_loop3A_2065 : i32 to index
        %parallel_loop3A_2111 = arith.index_cast %parallel_loop3A_2109 : i32 to index
        %parallel_loop3A_2112 = tpu.vector_load %arg17[%parallel_loop3A_2110, %parallel_loop3A_2111] {strides = array<i32>} : memref<64x272xf32, #tpu.memory_space<vmem>>, vector<16xf32>,
        %parallel_loop3A_2113 = arith.mulf %exp3A_1688, %parallel_loop3A_2112 : vector<16xf32>
        %parallel_loop3A_2114 = arith.constant 128 : i32
        %parallel_loop3A_2115 = arith.addi %and3A_1592, %parallel_loop3A_2114 : i32
        %parallel_loop3A_2116 = arith.index_cast %parallel_loop3A_2065 : i32 to index
        %parallel_loop3A_2117 = arith.index_cast %parallel_loop3A_2115 : i32 to index
        %parallel_loop3A_2118 = tpu.vector_load %arg17[%parallel_loop3A_2116, %parallel_loop3A_2117] {strides = array<i32>} : memref<64x272xf32, #tpu.memory_space<vmem>>, vector<16xf32>,
        %parallel_loop3A_2119 = arith.mulf %select_n3A_1707, %parallel_loop3A_2118 : vector<16xf32>
        %parallel_loop3A_2120 = arith.addf %parallel_loop3A_2071, %parallel_loop3A_2077 : vector<16xf32>
        %parallel_loop3A_2121 = arith.addf %parallel_loop3A_2083, %parallel_loop3A_2089 : vector<16xf32>
        %parallel_loop3A_2122 = arith.addf %parallel_loop3A_2120, %parallel_loop3A_2121 : vector<16xf32>
        %parallel_loop3A_2123 = arith.addf %parallel_loop3A_2095, %parallel_loop3A_2101 : vector<16xf32>
        %parallel_loop3A_2124 = arith.addf %parallel_loop3A_2107, %parallel_loop3A_2113 : vector<16xf32>
        %parallel_loop3A_2125 = arith.addf %parallel_loop3A_2123, %parallel_loop3A_2124 : vector<16xf32>
        %parallel_loop3A_2126 = arith.addf %parallel_loop3A_2122, %parallel_loop3A_2125 : vector<16xf32>
        %parallel_loop3A_2127 = arith.addf %parallel_loop3A_2126, %parallel_loop3A_2119 : vector<16xf32>
        %parallel_loop3A_2128 = arith.index_cast %parallel_loop3A_2065 : i32 to index
        %parallel_loop3A_2129 = arith.constant 0 : index
        %parallel_loop3A_2130 = tpu.vector_load %arg14[%parallel_loop3A_2128, %parallel_loop3A_2129] {strides = array<i32>} : memref<64x16xf32, #tpu.memory_space<vmem>>, vector<16xf32>,
        tpu.vector_store %arg14[%parallel_loop3A_2128, %parallel_loop3A_2129], %parallel_loop3A_2127 {strides = array<i32>} : memref<64x16xf32, #tpu.memory_space<vmem>>, vector<16xf32>,
      } {sc.loop_unroll_factor = 4 : i64, sc.parallel_access}
      %parallel_loop3A_1723 = arith.constant 0 : i32
      %parallel_loop3A_1724 = arith.constant 4 : i32
      %parallel_loop3A_1725 = arith.constant 1 : i32
      scf.for %parallel_loop3A_2065 = %parallel_loop3A_1723 to %parallel_loop3A_1724 step %parallel_loop3A_1725  : i32 {
        %parallel_loop3A_2066 = arith.constant 16 : i32
        %parallel_loop3A_2067 = arith.muli %parallel_loop3A_2065, %parallel_loop3A_2066 : i32
        %parallel_loop3A_2068 = vector.broadcast %parallel_loop3A_2067 : i32 to vector<16xi32>
        %parallel_loop3A_2069 = arith.addi %iota3A, %parallel_loop3A_2068 : vector<16xi32>
        %parallel_loop3A_2070 = arith.constant 0 : i32
        %parallel_loop3A_2071 = vector.broadcast %parallel_loop3A_2070 : i32 to vector<16xi32>
        %parallel_loop3A_2072 = tpu.vector_load_idx %arg14[%parallel_loop3A_2069, %parallel_loop3A_2071] : memref<64x16xf32, #tpu.memory_space<vmem>>[vector<16xi32>, vector<16xi32>], vector<16xf32>,
        %parallel_loop3A_2073 = arith.constant 1 : i32
        %parallel_loop3A_2074 = vector.broadcast %parallel_loop3A_2073 : i32 to vector<16xi32>
        %parallel_loop3A_2075 = tpu.vector_load_idx %arg14[%parallel_loop3A_2069, %parallel_loop3A_2074] : memref<64x16xf32, #tpu.memory_space<vmem>>[vector<16xi32>, vector<16xi32>], vector<16xf32>,
        %parallel_loop3A_2076 = arith.constant 2 : i32
        %parallel_loop3A_2077 = vector.broadcast %parallel_loop3A_2076 : i32 to vector<16xi32>
        %parallel_loop3A_2078 = tpu.vector_load_idx %arg14[%parallel_loop3A_2069, %parallel_loop3A_2077] : memref<64x16xf32, #tpu.memory_space<vmem>>[vector<16xi32>, vector<16xi32>], vector<16xf32>,
        %parallel_loop3A_2079 = arith.constant 3 : i32
        %parallel_loop3A_2080 = vector.broadcast %parallel_loop3A_2079 : i32 to vector<16xi32>
        %parallel_loop3A_2081 = tpu.vector_load_idx %arg14[%parallel_loop3A_2069, %parallel_loop3A_2080] : memref<64x16xf32, #tpu.memory_space<vmem>>[vector<16xi32>, vector<16xi32>], vector<16xf32>,
        %parallel_loop3A_2082 = arith.constant 4 : i32
        %parallel_loop3A_2083 = vector.broadcast %parallel_loop3A_2082 : i32 to vector<16xi32>
        %parallel_loop3A_2084 = tpu.vector_load_idx %arg14[%parallel_loop3A_2069, %parallel_loop3A_2083] : memref<64x16xf32, #tpu.memory_space<vmem>>[vector<16xi32>, vector<16xi32>], vector<16xf32>,
        %parallel_loop3A_2085 = arith.constant 5 : i32
        %parallel_loop3A_2086 = vector.broadcast %parallel_loop3A_2085 : i32 to vector<16xi32>
        %parallel_loop3A_2087 = tpu.vector_load_idx %arg14[%parallel_loop3A_2069, %parallel_loop3A_2086] : memref<64x16xf32, #tpu.memory_space<vmem>>[vector<16xi32>, vector<16xi32>], vector<16xf32>,
        %parallel_loop3A_2088 = arith.constant 6 : i32
        %parallel_loop3A_2089 = vector.broadcast %parallel_loop3A_2088 : i32 to vector<16xi32>
        %parallel_loop3A_2090 = tpu.vector_load_idx %arg14[%parallel_loop3A_2069, %parallel_loop3A_2089] : memref<64x16xf32, #tpu.memory_space<vmem>>[vector<16xi32>, vector<16xi32>], vector<16xf32>,
        %parallel_loop3A_2091 = arith.constant 7 : i32
        %parallel_loop3A_2092 = vector.broadcast %parallel_loop3A_2091 : i32 to vector<16xi32>
        %parallel_loop3A_2093 = tpu.vector_load_idx %arg14[%parallel_loop3A_2069, %parallel_loop3A_2092] : memref<64x16xf32, #tpu.memory_space<vmem>>[vector<16xi32>, vector<16xi32>], vector<16xf32>,
        %parallel_loop3A_2094 = arith.constant 8 : i32
        %parallel_loop3A_2095 = vector.broadcast %parallel_loop3A_2094 : i32 to vector<16xi32>
        %parallel_loop3A_2096 = tpu.vector_load_idx %arg14[%parallel_loop3A_2069, %parallel_loop3A_2095] : memref<64x16xf32, #tpu.memory_space<vmem>>[vector<16xi32>, vector<16xi32>], vector<16xf32>,
        %parallel_loop3A_2097 = arith.constant 9 : i32
        %parallel_loop3A_2098 = vector.broadcast %parallel_loop3A_2097 : i32 to vector<16xi32>
        %parallel_loop3A_2099 = tpu.vector_load_idx %arg14[%parallel_loop3A_2069, %parallel_loop3A_2098] : memref<64x16xf32, #tpu.memory_space<vmem>>[vector<16xi32>, vector<16xi32>], vector<16xf32>,
        %parallel_loop3A_2100 = arith.constant 10 : i32
        %parallel_loop3A_2101 = vector.broadcast %parallel_loop3A_2100 : i32 to vector<16xi32>
        %parallel_loop3A_2102 = tpu.vector_load_idx %arg14[%parallel_loop3A_2069, %parallel_loop3A_2101] : memref<64x16xf32, #tpu.memory_space<vmem>>[vector<16xi32>, vector<16xi32>], vector<16xf32>,
        %parallel_loop3A_2103 = arith.constant 11 : i32
        %parallel_loop3A_2104 = vector.broadcast %parallel_loop3A_2103 : i32 to vector<16xi32>
        %parallel_loop3A_2105 = tpu.vector_load_idx %arg14[%parallel_loop3A_2069, %parallel_loop3A_2104] : memref<64x16xf32, #tpu.memory_space<vmem>>[vector<16xi32>, vector<16xi32>], vector<16xf32>,
        %parallel_loop3A_2106 = arith.constant 12 : i32
        %parallel_loop3A_2107 = vector.broadcast %parallel_loop3A_2106 : i32 to vector<16xi32>
        %parallel_loop3A_2108 = tpu.vector_load_idx %arg14[%parallel_loop3A_2069, %parallel_loop3A_2107] : memref<64x16xf32, #tpu.memory_space<vmem>>[vector<16xi32>, vector<16xi32>], vector<16xf32>,
        %parallel_loop3A_2109 = arith.constant 13 : i32
        %parallel_loop3A_2110 = vector.broadcast %parallel_loop3A_2109 : i32 to vector<16xi32>
        %parallel_loop3A_2111 = tpu.vector_load_idx %arg14[%parallel_loop3A_2069, %parallel_loop3A_2110] : memref<64x16xf32, #tpu.memory_space<vmem>>[vector<16xi32>, vector<16xi32>], vector<16xf32>,
        %parallel_loop3A_2112 = arith.constant 14 : i32
        %parallel_loop3A_2113 = vector.broadcast %parallel_loop3A_2112 : i32 to vector<16xi32>
        %parallel_loop3A_2114 = tpu.vector_load_idx %arg14[%parallel_loop3A_2069, %parallel_loop3A_2113] : memref<64x16xf32, #tpu.memory_space<vmem>>[vector<16xi32>, vector<16xi32>], vector<16xf32>,
        %parallel_loop3A_2115 = arith.constant 15 : i32
        %parallel_loop3A_2116 = vector.broadcast %parallel_loop3A_2115 : i32 to vector<16xi32>
        %parallel_loop3A_2117 = tpu.vector_load_idx %arg14[%parallel_loop3A_2069, %parallel_loop3A_2116] : memref<64x16xf32, #tpu.memory_space<vmem>>[vector<16xi32>, vector<16xi32>], vector<16xf32>,
        %parallel_loop3A_2118 = arith.addf %parallel_loop3A_2072, %parallel_loop3A_2075 : vector<16xf32>
        %parallel_loop3A_2119 = arith.addf %parallel_loop3A_2078, %parallel_loop3A_2081 : vector<16xf32>
        %parallel_loop3A_2120 = arith.addf %parallel_loop3A_2118, %parallel_loop3A_2119 : vector<16xf32>
        %parallel_loop3A_2121 = arith.addf %parallel_loop3A_2084, %parallel_loop3A_2087 : vector<16xf32>
        %parallel_loop3A_2122 = arith.addf %parallel_loop3A_2090, %parallel_loop3A_2093 : vector<16xf32>
        %parallel_loop3A_2123 = arith.addf %parallel_loop3A_2121, %parallel_loop3A_2122 : vector<16xf32>
        %parallel_loop3A_2124 = arith.addf %parallel_loop3A_2096, %parallel_loop3A_2099 : vector<16xf32>
        %parallel_loop3A_2125 = arith.addf %parallel_loop3A_2102, %parallel_loop3A_2105 : vector<16xf32>
        %parallel_loop3A_2126 = arith.addf %parallel_loop3A_2124, %parallel_loop3A_2125 : vector<16xf32>
        %parallel_loop3A_2127 = arith.addf %parallel_loop3A_2108, %parallel_loop3A_2111 : vector<16xf32>
        %parallel_loop3A_2128 = arith.addf %parallel_loop3A_2114, %parallel_loop3A_2117 : vector<16xf32>
        %parallel_loop3A_2129 = arith.addf %parallel_loop3A_2127, %parallel_loop3A_2128 : vector<16xf32>
        %parallel_loop3A_2130 = arith.addf %parallel_loop3A_2120, %parallel_loop3A_2123 : vector<16xf32>
        %parallel_loop3A_2131 = arith.addf %parallel_loop3A_2126, %parallel_loop3A_2129 : vector<16xf32>
        %parallel_loop3A_2132 = arith.addf %parallel_loop3A_2130, %parallel_loop3A_2131 : vector<16xf32>
        %parallel_loop3A_2133 = arith.mulf %parallel_loop3A_2132, %div3A_1719 : vector<16xf32>
        %parallel_loop3A_2134 = arith.constant 16 : i32
        %parallel_loop3A_2135 = arith.muli %parallel_loop3A_2065, %parallel_loop3A_2134 : i32
        %parallel_loop3A_2136 = arith.index_cast %add3A_1567 : i32 to index
        %parallel_loop3A_2137 = arith.index_cast %parallel_loop3A_2135 : i32 to index
        %parallel_loop3A_2138 = tpu.vector_load %arg15[%parallel_loop3A_2136, %parallel_loop3A_2137] {strides = array<i32>} : memref<128x64xf32, #tpu.memory_space<vmem>>, vector<16xf32>,
        tpu.vector_store %arg15[%parallel_loop3A_2136, %parallel_loop3A_2137], %parallel_loop3A_2133 {strides = array<i32>} : memref<128x64xf32, #tpu.memory_space<vmem>>, vector<16xf32>,
      } {sc.loop_unroll_factor = 4 : i64, sc.parallel_access}
      %lt3A_1726 = arith.constant 31 : i32
      %lt3A_1727 = arith.cmpi slt, %scan3A_1401, %lt3A_1726 : i32
      %convert_element_type3A_1728 = arith.extui %lt3A_1727 : i1 to i32
      %cond3A_1729 = arith.constant 0 : i32
      %cond3A_1730 = arith.cmpi ne, %convert_element_type3A_1728, %cond3A_1729 : i32
      scf.if %cond3A_1730 {
        %add3A_2065 = arith.constant 4 : i32
        %add3A_2066 = arith.addi %add3A_1567, %add3A_2065 : i32
        %get3A_2067 = arith.index_cast %add3A_2066 : i32 to index
        %get3A_2068 = tpu.vector_load %arg11[%get3A_2067] {strides = array<i32>} : memref<144xi32, #tpu.memory_space<vmem>>, vector<16xi32>,
        %slice3A_2069 = vector.extract_strided_slice %get3A_2068 {offsets = [0], sizes = [1], strides = [1]} : vector<16xi32> to vector<1xi32>
        %squeeze3A_2070 = vector.extract %slice3A_2069[0] : i32 from vector<1xi32>
        %eq3A_2071 = arith.constant 999744 : i32
        %eq3A_2072 = arith.cmpi eq, %squeeze3A_2070, %eq3A_2071 : i32
        %not3A_2073 = arith.constant true
        %not3A_2074 = arith.xori %eq3A_2072, %not3A_2073 : i1
        %convert_element_type3A_2075 = arith.extui %not3A_2074 : i1 to i32
        %cond3A_2076 = arith.constant 0 : i32
        %cond3A_2077 = arith.cmpi ne, %convert_element_type3A_2075, %cond3A_2076 : i32
        scf.if %cond3A_2077 {
          %multiple_of3A = tpu.assume_multiple %squeeze3A_2070, 128 : i32
          %dma_start3A = arith.constant 0 : i32
          %dma_start3A_2081 = arith.constant 0 : i32
          %dma_start3A_2082 = tpu.memref_slice %arg17[%dma_start3A, %dma_start3A_2081] : memref<64x272xf32, #tpu.memory_space<vmem>> -> memref<64x256xf32, #tpu.memory_space<vmem>>
          %dma_start3A_2083 = arith.constant 0 : i32
          %dma_start3A_2084 = tpu.memref_slice %arg4[%dma_start3A_2083, %multiple_of3A] : memref<64x1000000xf32, #tpu.memory_space<hbm>> -> memref<64x256xf32, #tpu.memory_space<hbm>>
          %dma_start3A_2085 = arith.constant 0 : i32
          %dma_start3A_2086 = arith.constant 0 : i32
          %dma_start3A_2087 = tpu.memref_slice %arg17[%dma_start3A_2085, %dma_start3A_2086] : memref<64x272xf32, #tpu.memory_space<vmem>> -> memref<64x256xf32, #tpu.memory_space<vmem>>
          %dma_start3A_2088 = arith.constant 0 : i32
          %dma_start3A_2089 = tpu.memref_slice %arg4[%dma_start3A_2088, %multiple_of3A] : memref<64x1000000xf32, #tpu.memory_space<hbm>> -> memref<64x256xf32, #tpu.memory_space<hbm>>
          tpu.enqueue_dma source(%dma_start3A_2089 : memref<64x256xf32, #tpu.memory_space<hbm>>) target(%dma_start3A_2087 : memref<64x256xf32, #tpu.memory_space<vmem>>) target_semaphore(%arg21 : memref<!tpu.dma_semaphore, #tpu.memory_space<semaphore_mem>>)
        } else {
        }
        %convert_element_type3A_2078 = arith.extui %eq3A_2072 : i1 to i32
        %cond3A_2079 = arith.constant 0 : i32
        %cond3A_2080 = arith.cmpi ne, %convert_element_type3A_2078, %cond3A_2079 : i32
        scf.if %cond3A_2080 {
          %dma_start3A = arith.constant 0 : i32
          %dma_start3A_2081 = arith.constant 0 : i32
          %dma_start3A_2082 = tpu.memref_slice %arg17[%dma_start3A, %dma_start3A_2081] : memref<64x272xf32, #tpu.memory_space<vmem>> -> memref<64x256xf32, #tpu.memory_space<vmem>>
          %dma_start3A_2083 = arith.constant 0 : i32
          %dma_start3A_2084 = arith.constant 0 : i32
          %dma_start3A_2085 = tpu.memref_slice %arg17[%dma_start3A_2083, %dma_start3A_2084] : memref<64x272xf32, #tpu.memory_space<vmem>> -> memref<64x256xf32, #tpu.memory_space<vmem>>
          tpu.enqueue_dma source(%arg5 : memref<64x256xf32, #tpu.memory_space<hbm>>) target(%dma_start3A_2085 : memref<64x256xf32, #tpu.memory_space<vmem>>) target_semaphore(%arg21 : memref<!tpu.dma_semaphore, #tpu.memory_space<semaphore_mem>>)
        } else {
        }
      } else {
      }
      %mul3A_1731 = arith.constant 4 : i32
      %mul3A_1732 = arith.muli %scan3A_1401, %mul3A_1731 : i32
      %add3A_1733 = arith.constant 2 : i32
      %add3A_1734 = arith.addi %mul3A_1732, %add3A_1733 : i32
      %dma_wait3A_1735 = arith.constant 0 : i32
      %dma_wait3A_1736 = arith.constant 0 : i32
      %dma_wait3A_1737 = tpu.memref_slice %arg18[%dma_wait3A_1735, %dma_wait3A_1736] : memref<64x272xf32, #tpu.memory_space<vmem>> -> memref<64x256xf32, #tpu.memory_space<vmem>>
      %dma_wait3A_1738 = arith.constant 0 : i32
      %dma_wait3A_1739 = arith.constant 0 : i32
      %dma_wait3A_1740 = tpu.memref_slice %arg18[%dma_wait3A_1738, %dma_wait3A_1739] : memref<64x272xf32, #tpu.memory_space<vmem>> -> memref<64x256xf32, #tpu.memory_space<vmem>>
      tpu.wait_dma2 semaphore(%arg22 : memref<!tpu.dma_semaphore, #tpu.memory_space<semaphore_mem>>) src(%arg5 : memref<64x256xf32, #tpu.memory_space<hbm>>) dst(%dma_wait3A_1740 : memref<64x256xf32, #tpu.memory_space<vmem>>)
      %get3A_1741 = arith.index_cast %add3A_1734 : i32 to index
      %get3A_1742 = tpu.vector_load %arg11[%get3A_1741] {strides = array<i32>} : memref<144xi32, #tpu.memory_space<vmem>>, vector<16xi32>,
      %slice3A_1743 = vector.extract_strided_slice %get3A_1742 {offsets = [0], sizes = [1], strides = [1]} : vector<16xi32> to vector<1xi32>
      %squeeze3A_1744 = vector.extract %slice3A_1743[0] : i32 from vector<1xi32>
      %get3A_1745 = arith.index_cast %add3A_1734 : i32 to index
      %get3A_1746 = tpu.vector_load %arg10[%get3A_1745] {strides = array<i32>} : memref<144xi32, #tpu.memory_space<vmem>>, vector<16xi32>,
      %slice3A_1747 = vector.extract_strided_slice %get3A_1746 {offsets = [0], sizes = [1], strides = [1]} : vector<16xi32> to vector<1xi32>
      %squeeze3A_1748 = vector.extract %slice3A_1747[0] : i32 from vector<1xi32>
      %get3A_1749 = arith.index_cast %add3A_1734 : i32 to index
      %get3A_1750 = tpu.vector_load %arg12[%get3A_1749] {strides = array<i32>} : memref<144xf32, #tpu.memory_space<vmem>>, vector<16xf32>,
      %slice3A_1751 = vector.extract_strided_slice %get3A_1750 {offsets = [0], sizes = [1], strides = [1]} : vector<16xf32> to vector<1xf32>
      %squeeze3A_1752 = vector.extract %slice3A_1751[0] : f32 from vector<1xf32>
      %get3A_1753 = arith.index_cast %add3A_1734 : i32 to index
      %get3A_1754 = tpu.vector_load %arg13[%get3A_1753] {strides = array<i32>} : memref<144xf32, #tpu.memory_space<vmem>>, vector<16xf32>,
      %slice3A_1755 = vector.extract_strided_slice %get3A_1754 {offsets = [0], sizes = [1], strides = [1]} : vector<16xf32> to vector<1xf32>
      %squeeze3A_1756 = vector.extract %slice3A_1755[0] : f32 from vector<1xf32>
      %sub3A_1757 = arith.subi %squeeze3A_1748, %squeeze3A_1744 : i32
      %and3A_1758 = arith.constant -16 : i32
      %and3A_1759 = arith.andi %sub3A_1757, %and3A_1758 : i32
      %add3A_1760 = arith.addi %squeeze3A_1744, %and3A_1759 : i32
      %broadcast_in_dim3A_1761 = vector.broadcast %add3A_1760 : i32 to vector<16xi32>
      %add3A_1762 = arith.constant 0 : i32
      %add3A_1763 = vector.broadcast %add3A_1762 : i32 to vector<16xi32>
      %add3A_1764 = arith.addi %iota3A, %add3A_1763 : vector<16xi32>
      %add3A_1765 = arith.addi %broadcast_in_dim3A_1761, %add3A_1764 : vector<16xi32>
      %convert_element_type3A_1766 = arith.sitofp %add3A_1765 : vector<16xi32> to vector<16xf32>
      %sub3A_1767 = vector.broadcast %squeeze3A_1752 : f32 to vector<16xf32>
      %sub3A_1768 = arith.subf %convert_element_type3A_1766, %sub3A_1767 : vector<16xf32>
      %mul3A_1769 = arith.mulf %sub3A_1768, %sub3A_1768 : vector<16xf32>
      %mul3A_1770 = vector.broadcast %squeeze3A_1756 : f32 to vector<16xf32>
      %mul3A_1771 = arith.mulf %mul3A_1769, %mul3A_1770 : vector<16xf32>
      %exp3A_1772 = math.exp %mul3A_1771 : vector<16xf32>
      %add3A_1773 = arith.constant 16 : i32
      %add3A_1774 = vector.broadcast %add3A_1773 : i32 to vector<16xi32>
      %add3A_1775 = arith.addi %iota3A, %add3A_1774 : vector<16xi32>
      %add3A_1776 = arith.addi %broadcast_in_dim3A_1761, %add3A_1775 : vector<16xi32>
      %convert_element_type3A_1777 = arith.sitofp %add3A_1776 : vector<16xi32> to vector<16xf32>
      %sub3A_1778 = vector.broadcast %squeeze3A_1752 : f32 to vector<16xf32>
      %sub3A_1779 = arith.subf %convert_element_type3A_1777, %sub3A_1778 : vector<16xf32>
      %mul3A_1780 = arith.mulf %sub3A_1779, %sub3A_1779 : vector<16xf32>
      %mul3A_1781 = vector.broadcast %squeeze3A_1756 : f32 to vector<16xf32>
      %mul3A_1782 = arith.mulf %mul3A_1780, %mul3A_1781 : vector<16xf32>
      %exp3A_1783 = math.exp %mul3A_1782 : vector<16xf32>
      %add3A_1784 = arith.addf %exp3A_1772, %exp3A_1783 : vector<16xf32>
      %add3A_1785 = arith.constant 32 : i32
      %add3A_1786 = vector.broadcast %add3A_1785 : i32 to vector<16xi32>
      %add3A_1787 = arith.addi %iota3A, %add3A_1786 : vector<16xi32>
      %add3A_1788 = arith.addi %broadcast_in_dim3A_1761, %add3A_1787 : vector<16xi32>
      %convert_element_type3A_1789 = arith.sitofp %add3A_1788 : vector<16xi32> to vector<16xf32>
      %sub3A_1790 = vector.broadcast %squeeze3A_1752 : f32 to vector<16xf32>
      %sub3A_1791 = arith.subf %convert_element_type3A_1789, %sub3A_1790 : vector<16xf32>
      %mul3A_1792 = arith.mulf %sub3A_1791, %sub3A_1791 : vector<16xf32>
      %mul3A_1793 = vector.broadcast %squeeze3A_1756 : f32 to vector<16xf32>
      %mul3A_1794 = arith.mulf %mul3A_1792, %mul3A_1793 : vector<16xf32>
      %exp3A_1795 = math.exp %mul3A_1794 : vector<16xf32>
      %add3A_1796 = arith.addf %add3A_1784, %exp3A_1795 : vector<16xf32>
      %add3A_1797 = arith.constant 48 : i32
      %add3A_1798 = vector.broadcast %add3A_1797 : i32 to vector<16xi32>
      %add3A_1799 = arith.addi %iota3A, %add3A_1798 : vector<16xi32>
      %add3A_1800 = arith.addi %broadcast_in_dim3A_1761, %add3A_1799 : vector<16xi32>
      %convert_element_type3A_1801 = arith.sitofp %add3A_1800 : vector<16xi32> to vector<16xf32>
      %sub3A_1802 = vector.broadcast %squeeze3A_1752 : f32 to vector<16xf32>
      %sub3A_1803 = arith.subf %convert_element_type3A_1801, %sub3A_1802 : vector<16xf32>
      %mul3A_1804 = arith.mulf %sub3A_1803, %sub3A_1803 : vector<16xf32>
      %mul3A_1805 = vector.broadcast %squeeze3A_1756 : f32 to vector<16xf32>
      %mul3A_1806 = arith.mulf %mul3A_1804, %mul3A_1805 : vector<16xf32>
      %exp3A_1807 = math.exp %mul3A_1806 : vector<16xf32>
      %add3A_1808 = arith.addf %add3A_1796, %exp3A_1807 : vector<16xf32>
      %add3A_1809 = arith.constant 64 : i32
      %add3A_1810 = vector.broadcast %add3A_1809 : i32 to vector<16xi32>
      %add3A_1811 = arith.addi %iota3A, %add3A_1810 : vector<16xi32>
      %add3A_1812 = arith.addi %broadcast_in_dim3A_1761, %add3A_1811 : vector<16xi32>
      %convert_element_type3A_1813 = arith.sitofp %add3A_1812 : vector<16xi32> to vector<16xf32>
      %sub3A_1814 = vector.broadcast %squeeze3A_1752 : f32 to vector<16xf32>
      %sub3A_1815 = arith.subf %convert_element_type3A_1813, %sub3A_1814 : vector<16xf32>
      %mul3A_1816 = arith.mulf %sub3A_1815, %sub3A_1815 : vector<16xf32>
      %mul3A_1817 = vector.broadcast %squeeze3A_1756 : f32 to vector<16xf32>
      %mul3A_1818 = arith.mulf %mul3A_1816, %mul3A_1817 : vector<16xf32>
      %exp3A_1819 = math.exp %mul3A_1818 : vector<16xf32>
      %add3A_1820 = arith.addf %add3A_1808, %exp3A_1819 : vector<16xf32>
      %add3A_1821 = arith.constant 80 : i32
      %add3A_1822 = vector.broadcast %add3A_1821 : i32 to vector<16xi32>
      %add3A_1823 = arith.addi %iota3A, %add3A_1822 : vector<16xi32>
      %add3A_1824 = arith.addi %broadcast_in_dim3A_1761, %add3A_1823 : vector<16xi32>
      %convert_element_type3A_1825 = arith.sitofp %add3A_1824 : vector<16xi32> to vector<16xf32>
      %sub3A_1826 = vector.broadcast %squeeze3A_1752 : f32 to vector<16xf32>
      %sub3A_1827 = arith.subf %convert_element_type3A_1825, %sub3A_1826 : vector<16xf32>
      %mul3A_1828 = arith.mulf %sub3A_1827, %sub3A_1827 : vector<16xf32>
      %mul3A_1829 = vector.broadcast %squeeze3A_1756 : f32 to vector<16xf32>
      %mul3A_1830 = arith.mulf %mul3A_1828, %mul3A_1829 : vector<16xf32>
      %exp3A_1831 = math.exp %mul3A_1830 : vector<16xf32>
      %add3A_1832 = arith.addf %add3A_1820, %exp3A_1831 : vector<16xf32>
      %add3A_1833 = arith.constant 96 : i32
      %add3A_1834 = vector.broadcast %add3A_1833 : i32 to vector<16xi32>
      %add3A_1835 = arith.addi %iota3A, %add3A_1834 : vector<16xi32>
      %add3A_1836 = arith.addi %broadcast_in_dim3A_1761, %add3A_1835 : vector<16xi32>
      %convert_element_type3A_1837 = arith.sitofp %add3A_1836 : vector<16xi32> to vector<16xf32>
      %sub3A_1838 = vector.broadcast %squeeze3A_1752 : f32 to vector<16xf32>
      %sub3A_1839 = arith.subf %convert_element_type3A_1837, %sub3A_1838 : vector<16xf32>
      %mul3A_1840 = arith.mulf %sub3A_1839, %sub3A_1839 : vector<16xf32>
      %mul3A_1841 = vector.broadcast %squeeze3A_1756 : f32 to vector<16xf32>
      %mul3A_1842 = arith.mulf %mul3A_1840, %mul3A_1841 : vector<16xf32>
      %exp3A_1843 = math.exp %mul3A_1842 : vector<16xf32>
      %add3A_1844 = arith.addf %add3A_1832, %exp3A_1843 : vector<16xf32>
      %add3A_1845 = arith.constant 112 : i32
      %add3A_1846 = vector.broadcast %add3A_1845 : i32 to vector<16xi32>
      %add3A_1847 = arith.addi %iota3A, %add3A_1846 : vector<16xi32>
      %add3A_1848 = arith.addi %broadcast_in_dim3A_1761, %add3A_1847 : vector<16xi32>
      %convert_element_type3A_1849 = arith.sitofp %add3A_1848 : vector<16xi32> to vector<16xf32>
      %sub3A_1850 = vector.broadcast %squeeze3A_1752 : f32 to vector<16xf32>
      %sub3A_1851 = arith.subf %convert_element_type3A_1849, %sub3A_1850 : vector<16xf32>
      %mul3A_1852 = arith.mulf %sub3A_1851, %sub3A_1851 : vector<16xf32>
      %mul3A_1853 = vector.broadcast %squeeze3A_1756 : f32 to vector<16xf32>
      %mul3A_1854 = arith.mulf %mul3A_1852, %mul3A_1853 : vector<16xf32>
      %exp3A_1855 = math.exp %mul3A_1854 : vector<16xf32>
      %add3A_1856 = arith.addf %add3A_1844, %exp3A_1855 : vector<16xf32>
      %add3A_1857 = arith.constant 128 : i32
      %add3A_1858 = vector.broadcast %add3A_1857 : i32 to vector<16xi32>
      %add3A_1859 = arith.addi %iota3A, %add3A_1858 : vector<16xi32>
      %add3A_1860 = arith.addi %broadcast_in_dim3A_1761, %add3A_1859 : vector<16xi32>
      %convert_element_type3A_1861 = arith.sitofp %add3A_1860 : vector<16xi32> to vector<16xf32>
      %sub3A_1862 = vector.broadcast %squeeze3A_1752 : f32 to vector<16xf32>
      %sub3A_1863 = arith.subf %convert_element_type3A_1861, %sub3A_1862 : vector<16xf32>
      %mul3A_1864 = arith.mulf %sub3A_1863, %sub3A_1863 : vector<16xf32>
      %mul3A_1865 = vector.broadcast %squeeze3A_1756 : f32 to vector<16xf32>
      %mul3A_1866 = arith.mulf %mul3A_1864, %mul3A_1865 : vector<16xf32>
      %exp3A_1867 = math.exp %mul3A_1866 : vector<16xf32>
      %add3A_1868 = arith.constant 128 : i32
      %add3A_1869 = arith.addi %squeeze3A_1748, %add3A_1868 : i32
      %broadcast_in_dim3A_1870 = vector.broadcast %add3A_1869 : i32 to vector<16xi32>
      %lt3A_1871 = arith.cmpi slt, %add3A_1860, %broadcast_in_dim3A_1870 : vector<16xi32>
      %jit3A_1872 = arith.constant 0.000000e+00 : f32
      %broadcast_in_dim3A_1873 = vector.broadcast %jit3A_1872 : f32 to vector<16xf32>
      %select_n3A_1874 = arith.select %lt3A_1871, %exp3A_1867, %broadcast_in_dim3A_1873 : vector<16xi1>, vector<16xf32>
      %add3A_1875 = arith.addf %add3A_1856, %select_n3A_1874 : vector<16xf32>
      %reduce_sum3A_1876 = arith.constant true
      %reduce_sum3A_1877 = vector.broadcast %reduce_sum3A_1876 : i1 to vector<16xi1>
      %reduce_sum3A_1878 = tpu.scan <sum>, %add3A_1875 masked %reduce_sum3A_1877 : vector<16xf32>, vector<16xi1> -> vector<16xf32>
      %reduce_sum3A_1879 = vector.extract %reduce_sum3A_1878[15] : f32 from vector<16xf32>
      %broadcast_in_dim3A_1880 = vector.broadcast %reduce_sum3A_1879 : f32 to vector<16xf32>
      %add3A_1881 = arith.constant 9.99999997E-7 : f32
      %add3A_1882 = vector.broadcast %add3A_1881 : f32 to vector<16xf32>
      %add3A_1883 = arith.addf %broadcast_in_dim3A_1880, %add3A_1882 : vector<16xf32>
      %div3A_1884 = arith.constant 1.000000e+00 : f32
      %div3A_1885 = vector.broadcast %div3A_1884 : f32 to vector<16xf32>
      %div3A_1886 = arith.divf %div3A_1885, %add3A_1883 : vector<16xf32>
      %parallel_loop3A_1887 = arith.constant 0 : i32
      %parallel_loop3A_1888 = arith.constant 64 : i32
      %parallel_loop3A_1889 = arith.constant 1 : i32
      scf.for %parallel_loop3A_2065 = %parallel_loop3A_1887 to %parallel_loop3A_1888 step %parallel_loop3A_1889  : i32 {
        %parallel_loop3A_2066 = arith.constant 0 : i32
        %parallel_loop3A_2067 = arith.addi %and3A_1759, %parallel_loop3A_2066 : i32
        %parallel_loop3A_2068 = arith.index_cast %parallel_loop3A_2065 : i32 to index
        %parallel_loop3A_2069 = arith.index_cast %parallel_loop3A_2067 : i32 to index
        %parallel_loop3A_2070 = tpu.vector_load %arg18[%parallel_loop3A_2068, %parallel_loop3A_2069] {strides = array<i32>} : memref<64x272xf32, #tpu.memory_space<vmem>>, vector<16xf32>,
        %parallel_loop3A_2071 = arith.mulf %exp3A_1772, %parallel_loop3A_2070 : vector<16xf32>
        %parallel_loop3A_2072 = arith.constant 16 : i32
        %parallel_loop3A_2073 = arith.addi %and3A_1759, %parallel_loop3A_2072 : i32
        %parallel_loop3A_2074 = arith.index_cast %parallel_loop3A_2065 : i32 to index
        %parallel_loop3A_2075 = arith.index_cast %parallel_loop3A_2073 : i32 to index
        %parallel_loop3A_2076 = tpu.vector_load %arg18[%parallel_loop3A_2074, %parallel_loop3A_2075] {strides = array<i32>} : memref<64x272xf32, #tpu.memory_space<vmem>>, vector<16xf32>,
        %parallel_loop3A_2077 = arith.mulf %exp3A_1783, %parallel_loop3A_2076 : vector<16xf32>
        %parallel_loop3A_2078 = arith.constant 32 : i32
        %parallel_loop3A_2079 = arith.addi %and3A_1759, %parallel_loop3A_2078 : i32
        %parallel_loop3A_2080 = arith.index_cast %parallel_loop3A_2065 : i32 to index
        %parallel_loop3A_2081 = arith.index_cast %parallel_loop3A_2079 : i32 to index
        %parallel_loop3A_2082 = tpu.vector_load %arg18[%parallel_loop3A_2080, %parallel_loop3A_2081] {strides = array<i32>} : memref<64x272xf32, #tpu.memory_space<vmem>>, vector<16xf32>,
        %parallel_loop3A_2083 = arith.mulf %exp3A_1795, %parallel_loop3A_2082 : vector<16xf32>
        %parallel_loop3A_2084 = arith.constant 48 : i32
        %parallel_loop3A_2085 = arith.addi %and3A_1759, %parallel_loop3A_2084 : i32
        %parallel_loop3A_2086 = arith.index_cast %parallel_loop3A_2065 : i32 to index
        %parallel_loop3A_2087 = arith.index_cast %parallel_loop3A_2085 : i32 to index
        %parallel_loop3A_2088 = tpu.vector_load %arg18[%parallel_loop3A_2086, %parallel_loop3A_2087] {strides = array<i32>} : memref<64x272xf32, #tpu.memory_space<vmem>>, vector<16xf32>,
        %parallel_loop3A_2089 = arith.mulf %exp3A_1807, %parallel_loop3A_2088 : vector<16xf32>
        %parallel_loop3A_2090 = arith.constant 64 : i32
        %parallel_loop3A_2091 = arith.addi %and3A_1759, %parallel_loop3A_2090 : i32
        %parallel_loop3A_2092 = arith.index_cast %parallel_loop3A_2065 : i32 to index
        %parallel_loop3A_2093 = arith.index_cast %parallel_loop3A_2091 : i32 to index
        %parallel_loop3A_2094 = tpu.vector_load %arg18[%parallel_loop3A_2092, %parallel_loop3A_2093] {strides = array<i32>} : memref<64x272xf32, #tpu.memory_space<vmem>>, vector<16xf32>,
        %parallel_loop3A_2095 = arith.mulf %exp3A_1819, %parallel_loop3A_2094 : vector<16xf32>
        %parallel_loop3A_2096 = arith.constant 80 : i32
        %parallel_loop3A_2097 = arith.addi %and3A_1759, %parallel_loop3A_2096 : i32
        %parallel_loop3A_2098 = arith.index_cast %parallel_loop3A_2065 : i32 to index
        %parallel_loop3A_2099 = arith.index_cast %parallel_loop3A_2097 : i32 to index
        %parallel_loop3A_2100 = tpu.vector_load %arg18[%parallel_loop3A_2098, %parallel_loop3A_2099] {strides = array<i32>} : memref<64x272xf32, #tpu.memory_space<vmem>>, vector<16xf32>,
        %parallel_loop3A_2101 = arith.mulf %exp3A_1831, %parallel_loop3A_2100 : vector<16xf32>
        %parallel_loop3A_2102 = arith.constant 96 : i32
        %parallel_loop3A_2103 = arith.addi %and3A_1759, %parallel_loop3A_2102 : i32
        %parallel_loop3A_2104 = arith.index_cast %parallel_loop3A_2065 : i32 to index
        %parallel_loop3A_2105 = arith.index_cast %parallel_loop3A_2103 : i32 to index
        %parallel_loop3A_2106 = tpu.vector_load %arg18[%parallel_loop3A_2104, %parallel_loop3A_2105] {strides = array<i32>} : memref<64x272xf32, #tpu.memory_space<vmem>>, vector<16xf32>,
        %parallel_loop3A_2107 = arith.mulf %exp3A_1843, %parallel_loop3A_2106 : vector<16xf32>
        %parallel_loop3A_2108 = arith.constant 112 : i32
        %parallel_loop3A_2109 = arith.addi %and3A_1759, %parallel_loop3A_2108 : i32
        %parallel_loop3A_2110 = arith.index_cast %parallel_loop3A_2065 : i32 to index
        %parallel_loop3A_2111 = arith.index_cast %parallel_loop3A_2109 : i32 to index
        %parallel_loop3A_2112 = tpu.vector_load %arg18[%parallel_loop3A_2110, %parallel_loop3A_2111] {strides = array<i32>} : memref<64x272xf32, #tpu.memory_space<vmem>>, vector<16xf32>,
        %parallel_loop3A_2113 = arith.mulf %exp3A_1855, %parallel_loop3A_2112 : vector<16xf32>
        %parallel_loop3A_2114 = arith.constant 128 : i32
        %parallel_loop3A_2115 = arith.addi %and3A_1759, %parallel_loop3A_2114 : i32
        %parallel_loop3A_2116 = arith.index_cast %parallel_loop3A_2065 : i32 to index
        %parallel_loop3A_2117 = arith.index_cast %parallel_loop3A_2115 : i32 to index
        %parallel_loop3A_2118 = tpu.vector_load %arg18[%parallel_loop3A_2116, %parallel_loop3A_2117] {strides = array<i32>} : memref<64x272xf32, #tpu.memory_space<vmem>>, vector<16xf32>,
        %parallel_loop3A_2119 = arith.mulf %select_n3A_1874, %parallel_loop3A_2118 : vector<16xf32>
        %parallel_loop3A_2120 = arith.addf %parallel_loop3A_2071, %parallel_loop3A_2077 : vector<16xf32>
        %parallel_loop3A_2121 = arith.addf %parallel_loop3A_2083, %parallel_loop3A_2089 : vector<16xf32>
        %parallel_loop3A_2122 = arith.addf %parallel_loop3A_2120, %parallel_loop3A_2121 : vector<16xf32>
        %parallel_loop3A_2123 = arith.addf %parallel_loop3A_2095, %parallel_loop3A_2101 : vector<16xf32>
        %parallel_loop3A_2124 = arith.addf %parallel_loop3A_2107, %parallel_loop3A_2113 : vector<16xf32>
        %parallel_loop3A_2125 = arith.addf %parallel_loop3A_2123, %parallel_loop3A_2124 : vector<16xf32>
        %parallel_loop3A_2126 = arith.addf %parallel_loop3A_2122, %parallel_loop3A_2125 : vector<16xf32>
        %parallel_loop3A_2127 = arith.addf %parallel_loop3A_2126, %parallel_loop3A_2119 : vector<16xf32>
        %parallel_loop3A_2128 = arith.index_cast %parallel_loop3A_2065 : i32 to index
        %parallel_loop3A_2129 = arith.constant 0 : index
        %parallel_loop3A_2130 = tpu.vector_load %arg14[%parallel_loop3A_2128, %parallel_loop3A_2129] {strides = array<i32>} : memref<64x16xf32, #tpu.memory_space<vmem>>, vector<16xf32>,
        tpu.vector_store %arg14[%parallel_loop3A_2128, %parallel_loop3A_2129], %parallel_loop3A_2127 {strides = array<i32>} : memref<64x16xf32, #tpu.memory_space<vmem>>, vector<16xf32>,
      } {sc.loop_unroll_factor = 4 : i64, sc.parallel_access}
      %parallel_loop3A_1890 = arith.constant 0 : i32
      %parallel_loop3A_1891 = arith.constant 4 : i32
      %parallel_loop3A_1892 = arith.constant 1 : i32
      scf.for %parallel_loop3A_2065 = %parallel_loop3A_1890 to %parallel_loop3A_1891 step %parallel_loop3A_1892  : i32 {
        %parallel_loop3A_2066 = arith.constant 16 : i32
        %parallel_loop3A_2067 = arith.muli %parallel_loop3A_2065, %parallel_loop3A_2066 : i32
        %parallel_loop3A_2068 = vector.broadcast %parallel_loop3A_2067 : i32 to vector<16xi32>
        %parallel_loop3A_2069 = arith.addi %iota3A, %parallel_loop3A_2068 : vector<16xi32>
        %parallel_loop3A_2070 = arith.constant 0 : i32
        %parallel_loop3A_2071 = vector.broadcast %parallel_loop3A_2070 : i32 to vector<16xi32>
        %parallel_loop3A_2072 = tpu.vector_load_idx %arg14[%parallel_loop3A_2069, %parallel_loop3A_2071] : memref<64x16xf32, #tpu.memory_space<vmem>>[vector<16xi32>, vector<16xi32>], vector<16xf32>,
        %parallel_loop3A_2073 = arith.constant 1 : i32
        %parallel_loop3A_2074 = vector.broadcast %parallel_loop3A_2073 : i32 to vector<16xi32>
        %parallel_loop3A_2075 = tpu.vector_load_idx %arg14[%parallel_loop3A_2069, %parallel_loop3A_2074] : memref<64x16xf32, #tpu.memory_space<vmem>>[vector<16xi32>, vector<16xi32>], vector<16xf32>,
        %parallel_loop3A_2076 = arith.constant 2 : i32
        %parallel_loop3A_2077 = vector.broadcast %parallel_loop3A_2076 : i32 to vector<16xi32>
        %parallel_loop3A_2078 = tpu.vector_load_idx %arg14[%parallel_loop3A_2069, %parallel_loop3A_2077] : memref<64x16xf32, #tpu.memory_space<vmem>>[vector<16xi32>, vector<16xi32>], vector<16xf32>,
        %parallel_loop3A_2079 = arith.constant 3 : i32
        %parallel_loop3A_2080 = vector.broadcast %parallel_loop3A_2079 : i32 to vector<16xi32>
        %parallel_loop3A_2081 = tpu.vector_load_idx %arg14[%parallel_loop3A_2069, %parallel_loop3A_2080] : memref<64x16xf32, #tpu.memory_space<vmem>>[vector<16xi32>, vector<16xi32>], vector<16xf32>,
        %parallel_loop3A_2082 = arith.constant 4 : i32
        %parallel_loop3A_2083 = vector.broadcast %parallel_loop3A_2082 : i32 to vector<16xi32>
        %parallel_loop3A_2084 = tpu.vector_load_idx %arg14[%parallel_loop3A_2069, %parallel_loop3A_2083] : memref<64x16xf32, #tpu.memory_space<vmem>>[vector<16xi32>, vector<16xi32>], vector<16xf32>,
        %parallel_loop3A_2085 = arith.constant 5 : i32
        %parallel_loop3A_2086 = vector.broadcast %parallel_loop3A_2085 : i32 to vector<16xi32>
        %parallel_loop3A_2087 = tpu.vector_load_idx %arg14[%parallel_loop3A_2069, %parallel_loop3A_2086] : memref<64x16xf32, #tpu.memory_space<vmem>>[vector<16xi32>, vector<16xi32>], vector<16xf32>,
        %parallel_loop3A_2088 = arith.constant 6 : i32
        %parallel_loop3A_2089 = vector.broadcast %parallel_loop3A_2088 : i32 to vector<16xi32>
        %parallel_loop3A_2090 = tpu.vector_load_idx %arg14[%parallel_loop3A_2069, %parallel_loop3A_2089] : memref<64x16xf32, #tpu.memory_space<vmem>>[vector<16xi32>, vector<16xi32>], vector<16xf32>,
        %parallel_loop3A_2091 = arith.constant 7 : i32
        %parallel_loop3A_2092 = vector.broadcast %parallel_loop3A_2091 : i32 to vector<16xi32>
        %parallel_loop3A_2093 = tpu.vector_load_idx %arg14[%parallel_loop3A_2069, %parallel_loop3A_2092] : memref<64x16xf32, #tpu.memory_space<vmem>>[vector<16xi32>, vector<16xi32>], vector<16xf32>,
        %parallel_loop3A_2094 = arith.constant 8 : i32
        %parallel_loop3A_2095 = vector.broadcast %parallel_loop3A_2094 : i32 to vector<16xi32>
        %parallel_loop3A_2096 = tpu.vector_load_idx %arg14[%parallel_loop3A_2069, %parallel_loop3A_2095] : memref<64x16xf32, #tpu.memory_space<vmem>>[vector<16xi32>, vector<16xi32>], vector<16xf32>,
        %parallel_loop3A_2097 = arith.constant 9 : i32
        %parallel_loop3A_2098 = vector.broadcast %parallel_loop3A_2097 : i32 to vector<16xi32>
        %parallel_loop3A_2099 = tpu.vector_load_idx %arg14[%parallel_loop3A_2069, %parallel_loop3A_2098] : memref<64x16xf32, #tpu.memory_space<vmem>>[vector<16xi32>, vector<16xi32>], vector<16xf32>,
        %parallel_loop3A_2100 = arith.constant 10 : i32
        %parallel_loop3A_2101 = vector.broadcast %parallel_loop3A_2100 : i32 to vector<16xi32>
        %parallel_loop3A_2102 = tpu.vector_load_idx %arg14[%parallel_loop3A_2069, %parallel_loop3A_2101] : memref<64x16xf32, #tpu.memory_space<vmem>>[vector<16xi32>, vector<16xi32>], vector<16xf32>,
        %parallel_loop3A_2103 = arith.constant 11 : i32
        %parallel_loop3A_2104 = vector.broadcast %parallel_loop3A_2103 : i32 to vector<16xi32>
        %parallel_loop3A_2105 = tpu.vector_load_idx %arg14[%parallel_loop3A_2069, %parallel_loop3A_2104] : memref<64x16xf32, #tpu.memory_space<vmem>>[vector<16xi32>, vector<16xi32>], vector<16xf32>,
        %parallel_loop3A_2106 = arith.constant 12 : i32
        %parallel_loop3A_2107 = vector.broadcast %parallel_loop3A_2106 : i32 to vector<16xi32>
        %parallel_loop3A_2108 = tpu.vector_load_idx %arg14[%parallel_loop3A_2069, %parallel_loop3A_2107] : memref<64x16xf32, #tpu.memory_space<vmem>>[vector<16xi32>, vector<16xi32>], vector<16xf32>,
        %parallel_loop3A_2109 = arith.constant 13 : i32
        %parallel_loop3A_2110 = vector.broadcast %parallel_loop3A_2109 : i32 to vector<16xi32>
        %parallel_loop3A_2111 = tpu.vector_load_idx %arg14[%parallel_loop3A_2069, %parallel_loop3A_2110] : memref<64x16xf32, #tpu.memory_space<vmem>>[vector<16xi32>, vector<16xi32>], vector<16xf32>,
        %parallel_loop3A_2112 = arith.constant 14 : i32
        %parallel_loop3A_2113 = vector.broadcast %parallel_loop3A_2112 : i32 to vector<16xi32>
        %parallel_loop3A_2114 = tpu.vector_load_idx %arg14[%parallel_loop3A_2069, %parallel_loop3A_2113] : memref<64x16xf32, #tpu.memory_space<vmem>>[vector<16xi32>, vector<16xi32>], vector<16xf32>,
        %parallel_loop3A_2115 = arith.constant 15 : i32
        %parallel_loop3A_2116 = vector.broadcast %parallel_loop3A_2115 : i32 to vector<16xi32>
        %parallel_loop3A_2117 = tpu.vector_load_idx %arg14[%parallel_loop3A_2069, %parallel_loop3A_2116] : memref<64x16xf32, #tpu.memory_space<vmem>>[vector<16xi32>, vector<16xi32>], vector<16xf32>,
        %parallel_loop3A_2118 = arith.addf %parallel_loop3A_2072, %parallel_loop3A_2075 : vector<16xf32>
        %parallel_loop3A_2119 = arith.addf %parallel_loop3A_2078, %parallel_loop3A_2081 : vector<16xf32>
        %parallel_loop3A_2120 = arith.addf %parallel_loop3A_2118, %parallel_loop3A_2119 : vector<16xf32>
        %parallel_loop3A_2121 = arith.addf %parallel_loop3A_2084, %parallel_loop3A_2087 : vector<16xf32>
        %parallel_loop3A_2122 = arith.addf %parallel_loop3A_2090, %parallel_loop3A_2093 : vector<16xf32>
        %parallel_loop3A_2123 = arith.addf %parallel_loop3A_2121, %parallel_loop3A_2122 : vector<16xf32>
        %parallel_loop3A_2124 = arith.addf %parallel_loop3A_2096, %parallel_loop3A_2099 : vector<16xf32>
        %parallel_loop3A_2125 = arith.addf %parallel_loop3A_2102, %parallel_loop3A_2105 : vector<16xf32>
        %parallel_loop3A_2126 = arith.addf %parallel_loop3A_2124, %parallel_loop3A_2125 : vector<16xf32>
        %parallel_loop3A_2127 = arith.addf %parallel_loop3A_2108, %parallel_loop3A_2111 : vector<16xf32>
        %parallel_loop3A_2128 = arith.addf %parallel_loop3A_2114, %parallel_loop3A_2117 : vector<16xf32>
        %parallel_loop3A_2129 = arith.addf %parallel_loop3A_2127, %parallel_loop3A_2128 : vector<16xf32>
        %parallel_loop3A_2130 = arith.addf %parallel_loop3A_2120, %parallel_loop3A_2123 : vector<16xf32>
        %parallel_loop3A_2131 = arith.addf %parallel_loop3A_2126, %parallel_loop3A_2129 : vector<16xf32>
        %parallel_loop3A_2132 = arith.addf %parallel_loop3A_2130, %parallel_loop3A_2131 : vector<16xf32>
        %parallel_loop3A_2133 = arith.mulf %parallel_loop3A_2132, %div3A_1886 : vector<16xf32>
        %parallel_loop3A_2134 = arith.constant 16 : i32
        %parallel_loop3A_2135 = arith.muli %parallel_loop3A_2065, %parallel_loop3A_2134 : i32
        %parallel_loop3A_2136 = arith.index_cast %add3A_1734 : i32 to index
        %parallel_loop3A_2137 = arith.index_cast %parallel_loop3A_2135 : i32 to index
        %parallel_loop3A_2138 = tpu.vector_load %arg15[%parallel_loop3A_2136, %parallel_loop3A_2137] {strides = array<i32>} : memref<128x64xf32, #tpu.memory_space<vmem>>, vector<16xf32>,
        tpu.vector_store %arg15[%parallel_loop3A_2136, %parallel_loop3A_2137], %parallel_loop3A_2133 {strides = array<i32>} : memref<128x64xf32, #tpu.memory_space<vmem>>, vector<16xf32>,
      } {sc.loop_unroll_factor = 4 : i64, sc.parallel_access}
      %lt3A_1893 = arith.constant 31 : i32
      %lt3A_1894 = arith.cmpi slt, %scan3A_1401, %lt3A_1893 : i32
      %convert_element_type3A_1895 = arith.extui %lt3A_1894 : i1 to i32
      %cond3A_1896 = arith.constant 0 : i32
      %cond3A_1897 = arith.cmpi ne, %convert_element_type3A_1895, %cond3A_1896 : i32
      scf.if %cond3A_1897 {
        %add3A_2065 = arith.constant 4 : i32
        %add3A_2066 = arith.addi %add3A_1734, %add3A_2065 : i32
        %get3A_2067 = arith.index_cast %add3A_2066 : i32 to index
        %get3A_2068 = tpu.vector_load %arg11[%get3A_2067] {strides = array<i32>} : memref<144xi32, #tpu.memory_space<vmem>>, vector<16xi32>,
        %slice3A_2069 = vector.extract_strided_slice %get3A_2068 {offsets = [0], sizes = [1], strides = [1]} : vector<16xi32> to vector<1xi32>
        %squeeze3A_2070 = vector.extract %slice3A_2069[0] : i32 from vector<1xi32>
        %eq3A_2071 = arith.constant 999744 : i32
        %eq3A_2072 = arith.cmpi eq, %squeeze3A_2070, %eq3A_2071 : i32
        %not3A_2073 = arith.constant true
        %not3A_2074 = arith.xori %eq3A_2072, %not3A_2073 : i1
        %convert_element_type3A_2075 = arith.extui %not3A_2074 : i1 to i32
        %cond3A_2076 = arith.constant 0 : i32
        %cond3A_2077 = arith.cmpi ne, %convert_element_type3A_2075, %cond3A_2076 : i32
        scf.if %cond3A_2077 {
          %multiple_of3A = tpu.assume_multiple %squeeze3A_2070, 128 : i32
          %dma_start3A = arith.constant 0 : i32
          %dma_start3A_2081 = arith.constant 0 : i32
          %dma_start3A_2082 = tpu.memref_slice %arg18[%dma_start3A, %dma_start3A_2081] : memref<64x272xf32, #tpu.memory_space<vmem>> -> memref<64x256xf32, #tpu.memory_space<vmem>>
          %dma_start3A_2083 = arith.constant 0 : i32
          %dma_start3A_2084 = tpu.memref_slice %arg4[%dma_start3A_2083, %multiple_of3A] : memref<64x1000000xf32, #tpu.memory_space<hbm>> -> memref<64x256xf32, #tpu.memory_space<hbm>>
          %dma_start3A_2085 = arith.constant 0 : i32
          %dma_start3A_2086 = arith.constant 0 : i32
          %dma_start3A_2087 = tpu.memref_slice %arg18[%dma_start3A_2085, %dma_start3A_2086] : memref<64x272xf32, #tpu.memory_space<vmem>> -> memref<64x256xf32, #tpu.memory_space<vmem>>
          %dma_start3A_2088 = arith.constant 0 : i32
          %dma_start3A_2089 = tpu.memref_slice %arg4[%dma_start3A_2088, %multiple_of3A] : memref<64x1000000xf32, #tpu.memory_space<hbm>> -> memref<64x256xf32, #tpu.memory_space<hbm>>
          tpu.enqueue_dma source(%dma_start3A_2089 : memref<64x256xf32, #tpu.memory_space<hbm>>) target(%dma_start3A_2087 : memref<64x256xf32, #tpu.memory_space<vmem>>) target_semaphore(%arg22 : memref<!tpu.dma_semaphore, #tpu.memory_space<semaphore_mem>>)
        } else {
        }
        %convert_element_type3A_2078 = arith.extui %eq3A_2072 : i1 to i32
        %cond3A_2079 = arith.constant 0 : i32
        %cond3A_2080 = arith.cmpi ne, %convert_element_type3A_2078, %cond3A_2079 : i32
        scf.if %cond3A_2080 {
          %dma_start3A = arith.constant 0 : i32
          %dma_start3A_2081 = arith.constant 0 : i32
          %dma_start3A_2082 = tpu.memref_slice %arg18[%dma_start3A, %dma_start3A_2081] : memref<64x272xf32, #tpu.memory_space<vmem>> -> memref<64x256xf32, #tpu.memory_space<vmem>>
          %dma_start3A_2083 = arith.constant 0 : i32
          %dma_start3A_2084 = arith.constant 0 : i32
          %dma_start3A_2085 = tpu.memref_slice %arg18[%dma_start3A_2083, %dma_start3A_2084] : memref<64x272xf32, #tpu.memory_space<vmem>> -> memref<64x256xf32, #tpu.memory_space<vmem>>
          tpu.enqueue_dma source(%arg5 : memref<64x256xf32, #tpu.memory_space<hbm>>) target(%dma_start3A_2085 : memref<64x256xf32, #tpu.memory_space<vmem>>) target_semaphore(%arg22 : memref<!tpu.dma_semaphore, #tpu.memory_space<semaphore_mem>>)
        } else {
        }
      } else {
      }
      %mul3A_1898 = arith.constant 4 : i32
      %mul3A_1899 = arith.muli %scan3A_1401, %mul3A_1898 : i32
      %add3A_1900 = arith.constant 3 : i32
      %add3A_1901 = arith.addi %mul3A_1899, %add3A_1900 : i32
      %dma_wait3A_1902 = arith.constant 0 : i32
      %dma_wait3A_1903 = arith.constant 0 : i32
      %dma_wait3A_1904 = tpu.memref_slice %arg19[%dma_wait3A_1902, %dma_wait3A_1903] : memref<64x272xf32, #tpu.memory_space<vmem>> -> memref<64x256xf32, #tpu.memory_space<vmem>>
      %dma_wait3A_1905 = arith.constant 0 : i32
      %dma_wait3A_1906 = arith.constant 0 : i32
      %dma_wait3A_1907 = tpu.memref_slice %arg19[%dma_wait3A_1905, %dma_wait3A_1906] : memref<64x272xf32, #tpu.memory_space<vmem>> -> memref<64x256xf32, #tpu.memory_space<vmem>>
      tpu.wait_dma2 semaphore(%arg23 : memref<!tpu.dma_semaphore, #tpu.memory_space<semaphore_mem>>) src(%arg5 : memref<64x256xf32, #tpu.memory_space<hbm>>) dst(%dma_wait3A_1907 : memref<64x256xf32, #tpu.memory_space<vmem>>)
      %get3A_1908 = arith.index_cast %add3A_1901 : i32 to index
      %get3A_1909 = tpu.vector_load %arg11[%get3A_1908] {strides = array<i32>} : memref<144xi32, #tpu.memory_space<vmem>>, vector<16xi32>,
      %slice3A_1910 = vector.extract_strided_slice %get3A_1909 {offsets = [0], sizes = [1], strides = [1]} : vector<16xi32> to vector<1xi32>
      %squeeze3A_1911 = vector.extract %slice3A_1910[0] : i32 from vector<1xi32>
      %get3A_1912 = arith.index_cast %add3A_1901 : i32 to index
      %get3A_1913 = tpu.vector_load %arg10[%get3A_1912] {strides = array<i32>} : memref<144xi32, #tpu.memory_space<vmem>>, vector<16xi32>,
      %slice3A_1914 = vector.extract_strided_slice %get3A_1913 {offsets = [0], sizes = [1], strides = [1]} : vector<16xi32> to vector<1xi32>
      %squeeze3A_1915 = vector.extract %slice3A_1914[0] : i32 from vector<1xi32>
      %get3A_1916 = arith.index_cast %add3A_1901 : i32 to index
      %get3A_1917 = tpu.vector_load %arg12[%get3A_1916] {strides = array<i32>} : memref<144xf32, #tpu.memory_space<vmem>>, vector<16xf32>,
      %slice3A_1918 = vector.extract_strided_slice %get3A_1917 {offsets = [0], sizes = [1], strides = [1]} : vector<16xf32> to vector<1xf32>
      %squeeze3A_1919 = vector.extract %slice3A_1918[0] : f32 from vector<1xf32>
      %get3A_1920 = arith.index_cast %add3A_1901 : i32 to index
      %get3A_1921 = tpu.vector_load %arg13[%get3A_1920] {strides = array<i32>} : memref<144xf32, #tpu.memory_space<vmem>>, vector<16xf32>,
      %slice3A_1922 = vector.extract_strided_slice %get3A_1921 {offsets = [0], sizes = [1], strides = [1]} : vector<16xf32> to vector<1xf32>
      %squeeze3A_1923 = vector.extract %slice3A_1922[0] : f32 from vector<1xf32>
      %sub3A_1924 = arith.subi %squeeze3A_1915, %squeeze3A_1911 : i32
      %and3A_1925 = arith.constant -16 : i32
      %and3A_1926 = arith.andi %sub3A_1924, %and3A_1925 : i32
      %add3A_1927 = arith.addi %squeeze3A_1911, %and3A_1926 : i32
      %broadcast_in_dim3A_1928 = vector.broadcast %add3A_1927 : i32 to vector<16xi32>
      %add3A_1929 = arith.constant 0 : i32
      %add3A_1930 = vector.broadcast %add3A_1929 : i32 to vector<16xi32>
      %add3A_1931 = arith.addi %iota3A, %add3A_1930 : vector<16xi32>
      %add3A_1932 = arith.addi %broadcast_in_dim3A_1928, %add3A_1931 : vector<16xi32>
      %convert_element_type3A_1933 = arith.sitofp %add3A_1932 : vector<16xi32> to vector<16xf32>
      %sub3A_1934 = vector.broadcast %squeeze3A_1919 : f32 to vector<16xf32>
      %sub3A_1935 = arith.subf %convert_element_type3A_1933, %sub3A_1934 : vector<16xf32>
      %mul3A_1936 = arith.mulf %sub3A_1935, %sub3A_1935 : vector<16xf32>
      %mul3A_1937 = vector.broadcast %squeeze3A_1923 : f32 to vector<16xf32>
      %mul3A_1938 = arith.mulf %mul3A_1936, %mul3A_1937 : vector<16xf32>
      %exp3A_1939 = math.exp %mul3A_1938 : vector<16xf32>
      %add3A_1940 = arith.constant 16 : i32
      %add3A_1941 = vector.broadcast %add3A_1940 : i32 to vector<16xi32>
      %add3A_1942 = arith.addi %iota3A, %add3A_1941 : vector<16xi32>
      %add3A_1943 = arith.addi %broadcast_in_dim3A_1928, %add3A_1942 : vector<16xi32>
      %convert_element_type3A_1944 = arith.sitofp %add3A_1943 : vector<16xi32> to vector<16xf32>
      %sub3A_1945 = vector.broadcast %squeeze3A_1919 : f32 to vector<16xf32>
      %sub3A_1946 = arith.subf %convert_element_type3A_1944, %sub3A_1945 : vector<16xf32>
      %mul3A_1947 = arith.mulf %sub3A_1946, %sub3A_1946 : vector<16xf32>
      %mul3A_1948 = vector.broadcast %squeeze3A_1923 : f32 to vector<16xf32>
      %mul3A_1949 = arith.mulf %mul3A_1947, %mul3A_1948 : vector<16xf32>
      %exp3A_1950 = math.exp %mul3A_1949 : vector<16xf32>
      %add3A_1951 = arith.addf %exp3A_1939, %exp3A_1950 : vector<16xf32>
      %add3A_1952 = arith.constant 32 : i32
      %add3A_1953 = vector.broadcast %add3A_1952 : i32 to vector<16xi32>
      %add3A_1954 = arith.addi %iota3A, %add3A_1953 : vector<16xi32>
      %add3A_1955 = arith.addi %broadcast_in_dim3A_1928, %add3A_1954 : vector<16xi32>
      %convert_element_type3A_1956 = arith.sitofp %add3A_1955 : vector<16xi32> to vector<16xf32>
      %sub3A_1957 = vector.broadcast %squeeze3A_1919 : f32 to vector<16xf32>
      %sub3A_1958 = arith.subf %convert_element_type3A_1956, %sub3A_1957 : vector<16xf32>
      %mul3A_1959 = arith.mulf %sub3A_1958, %sub3A_1958 : vector<16xf32>
      %mul3A_1960 = vector.broadcast %squeeze3A_1923 : f32 to vector<16xf32>
      %mul3A_1961 = arith.mulf %mul3A_1959, %mul3A_1960 : vector<16xf32>
      %exp3A_1962 = math.exp %mul3A_1961 : vector<16xf32>
      %add3A_1963 = arith.addf %add3A_1951, %exp3A_1962 : vector<16xf32>
      %add3A_1964 = arith.constant 48 : i32
      %add3A_1965 = vector.broadcast %add3A_1964 : i32 to vector<16xi32>
      %add3A_1966 = arith.addi %iota3A, %add3A_1965 : vector<16xi32>
      %add3A_1967 = arith.addi %broadcast_in_dim3A_1928, %add3A_1966 : vector<16xi32>
      %convert_element_type3A_1968 = arith.sitofp %add3A_1967 : vector<16xi32> to vector<16xf32>
      %sub3A_1969 = vector.broadcast %squeeze3A_1919 : f32 to vector<16xf32>
      %sub3A_1970 = arith.subf %convert_element_type3A_1968, %sub3A_1969 : vector<16xf32>
      %mul3A_1971 = arith.mulf %sub3A_1970, %sub3A_1970 : vector<16xf32>
      %mul3A_1972 = vector.broadcast %squeeze3A_1923 : f32 to vector<16xf32>
      %mul3A_1973 = arith.mulf %mul3A_1971, %mul3A_1972 : vector<16xf32>
      %exp3A_1974 = math.exp %mul3A_1973 : vector<16xf32>
      %add3A_1975 = arith.addf %add3A_1963, %exp3A_1974 : vector<16xf32>
      %add3A_1976 = arith.constant 64 : i32
      %add3A_1977 = vector.broadcast %add3A_1976 : i32 to vector<16xi32>
      %add3A_1978 = arith.addi %iota3A, %add3A_1977 : vector<16xi32>
      %add3A_1979 = arith.addi %broadcast_in_dim3A_1928, %add3A_1978 : vector<16xi32>
      %convert_element_type3A_1980 = arith.sitofp %add3A_1979 : vector<16xi32> to vector<16xf32>
      %sub3A_1981 = vector.broadcast %squeeze3A_1919 : f32 to vector<16xf32>
      %sub3A_1982 = arith.subf %convert_element_type3A_1980, %sub3A_1981 : vector<16xf32>
      %mul3A_1983 = arith.mulf %sub3A_1982, %sub3A_1982 : vector<16xf32>
      %mul3A_1984 = vector.broadcast %squeeze3A_1923 : f32 to vector<16xf32>
      %mul3A_1985 = arith.mulf %mul3A_1983, %mul3A_1984 : vector<16xf32>
      %exp3A_1986 = math.exp %mul3A_1985 : vector<16xf32>
      %add3A_1987 = arith.addf %add3A_1975, %exp3A_1986 : vector<16xf32>
      %add3A_1988 = arith.constant 80 : i32
      %add3A_1989 = vector.broadcast %add3A_1988 : i32 to vector<16xi32>
      %add3A_1990 = arith.addi %iota3A, %add3A_1989 : vector<16xi32>
      %add3A_1991 = arith.addi %broadcast_in_dim3A_1928, %add3A_1990 : vector<16xi32>
      %convert_element_type3A_1992 = arith.sitofp %add3A_1991 : vector<16xi32> to vector<16xf32>
      %sub3A_1993 = vector.broadcast %squeeze3A_1919 : f32 to vector<16xf32>
      %sub3A_1994 = arith.subf %convert_element_type3A_1992, %sub3A_1993 : vector<16xf32>
      %mul3A_1995 = arith.mulf %sub3A_1994, %sub3A_1994 : vector<16xf32>
      %mul3A_1996 = vector.broadcast %squeeze3A_1923 : f32 to vector<16xf32>
      %mul3A_1997 = arith.mulf %mul3A_1995, %mul3A_1996 : vector<16xf32>
      %exp3A_1998 = math.exp %mul3A_1997 : vector<16xf32>
      %add3A_1999 = arith.addf %add3A_1987, %exp3A_1998 : vector<16xf32>
      %add3A_2000 = arith.constant 96 : i32
      %add3A_2001 = vector.broadcast %add3A_2000 : i32 to vector<16xi32>
      %add3A_2002 = arith.addi %iota3A, %add3A_2001 : vector<16xi32>
      %add3A_2003 = arith.addi %broadcast_in_dim3A_1928, %add3A_2002 : vector<16xi32>
      %convert_element_type3A_2004 = arith.sitofp %add3A_2003 : vector<16xi32> to vector<16xf32>
      %sub3A_2005 = vector.broadcast %squeeze3A_1919 : f32 to vector<16xf32>
      %sub3A_2006 = arith.subf %convert_element_type3A_2004, %sub3A_2005 : vector<16xf32>
      %mul3A_2007 = arith.mulf %sub3A_2006, %sub3A_2006 : vector<16xf32>
      %mul3A_2008 = vector.broadcast %squeeze3A_1923 : f32 to vector<16xf32>
      %mul3A_2009 = arith.mulf %mul3A_2007, %mul3A_2008 : vector<16xf32>
      %exp3A_2010 = math.exp %mul3A_2009 : vector<16xf32>
      %add3A_2011 = arith.addf %add3A_1999, %exp3A_2010 : vector<16xf32>
      %add3A_2012 = arith.constant 112 : i32
      %add3A_2013 = vector.broadcast %add3A_2012 : i32 to vector<16xi32>
      %add3A_2014 = arith.addi %iota3A, %add3A_2013 : vector<16xi32>
      %add3A_2015 = arith.addi %broadcast_in_dim3A_1928, %add3A_2014 : vector<16xi32>
      %convert_element_type3A_2016 = arith.sitofp %add3A_2015 : vector<16xi32> to vector<16xf32>
      %sub3A_2017 = vector.broadcast %squeeze3A_1919 : f32 to vector<16xf32>
      %sub3A_2018 = arith.subf %convert_element_type3A_2016, %sub3A_2017 : vector<16xf32>
      %mul3A_2019 = arith.mulf %sub3A_2018, %sub3A_2018 : vector<16xf32>
      %mul3A_2020 = vector.broadcast %squeeze3A_1923 : f32 to vector<16xf32>
      %mul3A_2021 = arith.mulf %mul3A_2019, %mul3A_2020 : vector<16xf32>
      %exp3A_2022 = math.exp %mul3A_2021 : vector<16xf32>
      %add3A_2023 = arith.addf %add3A_2011, %exp3A_2022 : vector<16xf32>
      %add3A_2024 = arith.constant 128 : i32
      %add3A_2025 = vector.broadcast %add3A_2024 : i32 to vector<16xi32>
      %add3A_2026 = arith.addi %iota3A, %add3A_2025 : vector<16xi32>
      %add3A_2027 = arith.addi %broadcast_in_dim3A_1928, %add3A_2026 : vector<16xi32>
      %convert_element_type3A_2028 = arith.sitofp %add3A_2027 : vector<16xi32> to vector<16xf32>
      %sub3A_2029 = vector.broadcast %squeeze3A_1919 : f32 to vector<16xf32>
      %sub3A_2030 = arith.subf %convert_element_type3A_2028, %sub3A_2029 : vector<16xf32>
      %mul3A_2031 = arith.mulf %sub3A_2030, %sub3A_2030 : vector<16xf32>
      %mul3A_2032 = vector.broadcast %squeeze3A_1923 : f32 to vector<16xf32>
      %mul3A_2033 = arith.mulf %mul3A_2031, %mul3A_2032 : vector<16xf32>
      %exp3A_2034 = math.exp %mul3A_2033 : vector<16xf32>
      %add3A_2035 = arith.constant 128 : i32
      %add3A_2036 = arith.addi %squeeze3A_1915, %add3A_2035 : i32
      %broadcast_in_dim3A_2037 = vector.broadcast %add3A_2036 : i32 to vector<16xi32>
      %lt3A_2038 = arith.cmpi slt, %add3A_2027, %broadcast_in_dim3A_2037 : vector<16xi32>
      %jit3A_2039 = arith.constant 0.000000e+00 : f32
      %broadcast_in_dim3A_2040 = vector.broadcast %jit3A_2039 : f32 to vector<16xf32>
      %select_n3A_2041 = arith.select %lt3A_2038, %exp3A_2034, %broadcast_in_dim3A_2040 : vector<16xi1>, vector<16xf32>
      %add3A_2042 = arith.addf %add3A_2023, %select_n3A_2041 : vector<16xf32>
      %reduce_sum3A_2043 = arith.constant true
      %reduce_sum3A_2044 = vector.broadcast %reduce_sum3A_2043 : i1 to vector<16xi1>
      %reduce_sum3A_2045 = tpu.scan <sum>, %add3A_2042 masked %reduce_sum3A_2044 : vector<16xf32>, vector<16xi1> -> vector<16xf32>
      %reduce_sum3A_2046 = vector.extract %reduce_sum3A_2045[15] : f32 from vector<16xf32>
      %broadcast_in_dim3A_2047 = vector.broadcast %reduce_sum3A_2046 : f32 to vector<16xf32>
      %add3A_2048 = arith.constant 9.99999997E-7 : f32
      %add3A_2049 = vector.broadcast %add3A_2048 : f32 to vector<16xf32>
      %add3A_2050 = arith.addf %broadcast_in_dim3A_2047, %add3A_2049 : vector<16xf32>
      %div3A_2051 = arith.constant 1.000000e+00 : f32
      %div3A_2052 = vector.broadcast %div3A_2051 : f32 to vector<16xf32>
      %div3A_2053 = arith.divf %div3A_2052, %add3A_2050 : vector<16xf32>
      %parallel_loop3A_2054 = arith.constant 0 : i32
      %parallel_loop3A_2055 = arith.constant 64 : i32
      %parallel_loop3A_2056 = arith.constant 1 : i32
      scf.for %parallel_loop3A_2065 = %parallel_loop3A_2054 to %parallel_loop3A_2055 step %parallel_loop3A_2056  : i32 {
        %parallel_loop3A_2066 = arith.constant 0 : i32
        %parallel_loop3A_2067 = arith.addi %and3A_1926, %parallel_loop3A_2066 : i32
        %parallel_loop3A_2068 = arith.index_cast %parallel_loop3A_2065 : i32 to index
        %parallel_loop3A_2069 = arith.index_cast %parallel_loop3A_2067 : i32 to index
        %parallel_loop3A_2070 = tpu.vector_load %arg19[%parallel_loop3A_2068, %parallel_loop3A_2069] {strides = array<i32>} : memref<64x272xf32, #tpu.memory_space<vmem>>, vector<16xf32>,
        %parallel_loop3A_2071 = arith.mulf %exp3A_1939, %parallel_loop3A_2070 : vector<16xf32>
        %parallel_loop3A_2072 = arith.constant 16 : i32
        %parallel_loop3A_2073 = arith.addi %and3A_1926, %parallel_loop3A_2072 : i32
        %parallel_loop3A_2074 = arith.index_cast %parallel_loop3A_2065 : i32 to index
        %parallel_loop3A_2075 = arith.index_cast %parallel_loop3A_2073 : i32 to index
        %parallel_loop3A_2076 = tpu.vector_load %arg19[%parallel_loop3A_2074, %parallel_loop3A_2075] {strides = array<i32>} : memref<64x272xf32, #tpu.memory_space<vmem>>, vector<16xf32>,
        %parallel_loop3A_2077 = arith.mulf %exp3A_1950, %parallel_loop3A_2076 : vector<16xf32>
        %parallel_loop3A_2078 = arith.constant 32 : i32
        %parallel_loop3A_2079 = arith.addi %and3A_1926, %parallel_loop3A_2078 : i32
        %parallel_loop3A_2080 = arith.index_cast %parallel_loop3A_2065 : i32 to index
        %parallel_loop3A_2081 = arith.index_cast %parallel_loop3A_2079 : i32 to index
        %parallel_loop3A_2082 = tpu.vector_load %arg19[%parallel_loop3A_2080, %parallel_loop3A_2081] {strides = array<i32>} : memref<64x272xf32, #tpu.memory_space<vmem>>, vector<16xf32>,
        %parallel_loop3A_2083 = arith.mulf %exp3A_1962, %parallel_loop3A_2082 : vector<16xf32>
        %parallel_loop3A_2084 = arith.constant 48 : i32
        %parallel_loop3A_2085 = arith.addi %and3A_1926, %parallel_loop3A_2084 : i32
        %parallel_loop3A_2086 = arith.index_cast %parallel_loop3A_2065 : i32 to index
        %parallel_loop3A_2087 = arith.index_cast %parallel_loop3A_2085 : i32 to index
        %parallel_loop3A_2088 = tpu.vector_load %arg19[%parallel_loop3A_2086, %parallel_loop3A_2087] {strides = array<i32>} : memref<64x272xf32, #tpu.memory_space<vmem>>, vector<16xf32>,
        %parallel_loop3A_2089 = arith.mulf %exp3A_1974, %parallel_loop3A_2088 : vector<16xf32>
        %parallel_loop3A_2090 = arith.constant 64 : i32
        %parallel_loop3A_2091 = arith.addi %and3A_1926, %parallel_loop3A_2090 : i32
        %parallel_loop3A_2092 = arith.index_cast %parallel_loop3A_2065 : i32 to index
        %parallel_loop3A_2093 = arith.index_cast %parallel_loop3A_2091 : i32 to index
        %parallel_loop3A_2094 = tpu.vector_load %arg19[%parallel_loop3A_2092, %parallel_loop3A_2093] {strides = array<i32>} : memref<64x272xf32, #tpu.memory_space<vmem>>, vector<16xf32>,
        %parallel_loop3A_2095 = arith.mulf %exp3A_1986, %parallel_loop3A_2094 : vector<16xf32>
        %parallel_loop3A_2096 = arith.constant 80 : i32
        %parallel_loop3A_2097 = arith.addi %and3A_1926, %parallel_loop3A_2096 : i32
        %parallel_loop3A_2098 = arith.index_cast %parallel_loop3A_2065 : i32 to index
        %parallel_loop3A_2099 = arith.index_cast %parallel_loop3A_2097 : i32 to index
        %parallel_loop3A_2100 = tpu.vector_load %arg19[%parallel_loop3A_2098, %parallel_loop3A_2099] {strides = array<i32>} : memref<64x272xf32, #tpu.memory_space<vmem>>, vector<16xf32>,
        %parallel_loop3A_2101 = arith.mulf %exp3A_1998, %parallel_loop3A_2100 : vector<16xf32>
        %parallel_loop3A_2102 = arith.constant 96 : i32
        %parallel_loop3A_2103 = arith.addi %and3A_1926, %parallel_loop3A_2102 : i32
        %parallel_loop3A_2104 = arith.index_cast %parallel_loop3A_2065 : i32 to index
        %parallel_loop3A_2105 = arith.index_cast %parallel_loop3A_2103 : i32 to index
        %parallel_loop3A_2106 = tpu.vector_load %arg19[%parallel_loop3A_2104, %parallel_loop3A_2105] {strides = array<i32>} : memref<64x272xf32, #tpu.memory_space<vmem>>, vector<16xf32>,
        %parallel_loop3A_2107 = arith.mulf %exp3A_2010, %parallel_loop3A_2106 : vector<16xf32>
        %parallel_loop3A_2108 = arith.constant 112 : i32
        %parallel_loop3A_2109 = arith.addi %and3A_1926, %parallel_loop3A_2108 : i32
        %parallel_loop3A_2110 = arith.index_cast %parallel_loop3A_2065 : i32 to index
        %parallel_loop3A_2111 = arith.index_cast %parallel_loop3A_2109 : i32 to index
        %parallel_loop3A_2112 = tpu.vector_load %arg19[%parallel_loop3A_2110, %parallel_loop3A_2111] {strides = array<i32>} : memref<64x272xf32, #tpu.memory_space<vmem>>, vector<16xf32>,
        %parallel_loop3A_2113 = arith.mulf %exp3A_2022, %parallel_loop3A_2112 : vector<16xf32>
        %parallel_loop3A_2114 = arith.constant 128 : i32
        %parallel_loop3A_2115 = arith.addi %and3A_1926, %parallel_loop3A_2114 : i32
        %parallel_loop3A_2116 = arith.index_cast %parallel_loop3A_2065 : i32 to index
        %parallel_loop3A_2117 = arith.index_cast %parallel_loop3A_2115 : i32 to index
        %parallel_loop3A_2118 = tpu.vector_load %arg19[%parallel_loop3A_2116, %parallel_loop3A_2117] {strides = array<i32>} : memref<64x272xf32, #tpu.memory_space<vmem>>, vector<16xf32>,
        %parallel_loop3A_2119 = arith.mulf %select_n3A_2041, %parallel_loop3A_2118 : vector<16xf32>
        %parallel_loop3A_2120 = arith.addf %parallel_loop3A_2071, %parallel_loop3A_2077 : vector<16xf32>
        %parallel_loop3A_2121 = arith.addf %parallel_loop3A_2083, %parallel_loop3A_2089 : vector<16xf32>
        %parallel_loop3A_2122 = arith.addf %parallel_loop3A_2120, %parallel_loop3A_2121 : vector<16xf32>
        %parallel_loop3A_2123 = arith.addf %parallel_loop3A_2095, %parallel_loop3A_2101 : vector<16xf32>
        %parallel_loop3A_2124 = arith.addf %parallel_loop3A_2107, %parallel_loop3A_2113 : vector<16xf32>
        %parallel_loop3A_2125 = arith.addf %parallel_loop3A_2123, %parallel_loop3A_2124 : vector<16xf32>
        %parallel_loop3A_2126 = arith.addf %parallel_loop3A_2122, %parallel_loop3A_2125 : vector<16xf32>
        %parallel_loop3A_2127 = arith.addf %parallel_loop3A_2126, %parallel_loop3A_2119 : vector<16xf32>
        %parallel_loop3A_2128 = arith.index_cast %parallel_loop3A_2065 : i32 to index
        %parallel_loop3A_2129 = arith.constant 0 : index
        %parallel_loop3A_2130 = tpu.vector_load %arg14[%parallel_loop3A_2128, %parallel_loop3A_2129] {strides = array<i32>} : memref<64x16xf32, #tpu.memory_space<vmem>>, vector<16xf32>,
        tpu.vector_store %arg14[%parallel_loop3A_2128, %parallel_loop3A_2129], %parallel_loop3A_2127 {strides = array<i32>} : memref<64x16xf32, #tpu.memory_space<vmem>>, vector<16xf32>,
      } {sc.loop_unroll_factor = 4 : i64, sc.parallel_access}
      %parallel_loop3A_2057 = arith.constant 0 : i32
      %parallel_loop3A_2058 = arith.constant 4 : i32
      %parallel_loop3A_2059 = arith.constant 1 : i32
      scf.for %parallel_loop3A_2065 = %parallel_loop3A_2057 to %parallel_loop3A_2058 step %parallel_loop3A_2059  : i32 {
        %parallel_loop3A_2066 = arith.constant 16 : i32
        %parallel_loop3A_2067 = arith.muli %parallel_loop3A_2065, %parallel_loop3A_2066 : i32
        %parallel_loop3A_2068 = vector.broadcast %parallel_loop3A_2067 : i32 to vector<16xi32>
        %parallel_loop3A_2069 = arith.addi %iota3A, %parallel_loop3A_2068 : vector<16xi32>
        %parallel_loop3A_2070 = arith.constant 0 : i32
        %parallel_loop3A_2071 = vector.broadcast %parallel_loop3A_2070 : i32 to vector<16xi32>
        %parallel_loop3A_2072 = tpu.vector_load_idx %arg14[%parallel_loop3A_2069, %parallel_loop3A_2071] : memref<64x16xf32, #tpu.memory_space<vmem>>[vector<16xi32>, vector<16xi32>], vector<16xf32>,
        %parallel_loop3A_2073 = arith.constant 1 : i32
        %parallel_loop3A_2074 = vector.broadcast %parallel_loop3A_2073 : i32 to vector<16xi32>
        %parallel_loop3A_2075 = tpu.vector_load_idx %arg14[%parallel_loop3A_2069, %parallel_loop3A_2074] : memref<64x16xf32, #tpu.memory_space<vmem>>[vector<16xi32>, vector<16xi32>], vector<16xf32>,
        %parallel_loop3A_2076 = arith.constant 2 : i32
        %parallel_loop3A_2077 = vector.broadcast %parallel_loop3A_2076 : i32 to vector<16xi32>
        %parallel_loop3A_2078 = tpu.vector_load_idx %arg14[%parallel_loop3A_2069, %parallel_loop3A_2077] : memref<64x16xf32, #tpu.memory_space<vmem>>[vector<16xi32>, vector<16xi32>], vector<16xf32>,
        %parallel_loop3A_2079 = arith.constant 3 : i32
        %parallel_loop3A_2080 = vector.broadcast %parallel_loop3A_2079 : i32 to vector<16xi32>
        %parallel_loop3A_2081 = tpu.vector_load_idx %arg14[%parallel_loop3A_2069, %parallel_loop3A_2080] : memref<64x16xf32, #tpu.memory_space<vmem>>[vector<16xi32>, vector<16xi32>], vector<16xf32>,
        %parallel_loop3A_2082 = arith.constant 4 : i32
        %parallel_loop3A_2083 = vector.broadcast %parallel_loop3A_2082 : i32 to vector<16xi32>
        %parallel_loop3A_2084 = tpu.vector_load_idx %arg14[%parallel_loop3A_2069, %parallel_loop3A_2083] : memref<64x16xf32, #tpu.memory_space<vmem>>[vector<16xi32>, vector<16xi32>], vector<16xf32>,
        %parallel_loop3A_2085 = arith.constant 5 : i32
        %parallel_loop3A_2086 = vector.broadcast %parallel_loop3A_2085 : i32 to vector<16xi32>
        %parallel_loop3A_2087 = tpu.vector_load_idx %arg14[%parallel_loop3A_2069, %parallel_loop3A_2086] : memref<64x16xf32, #tpu.memory_space<vmem>>[vector<16xi32>, vector<16xi32>], vector<16xf32>,
        %parallel_loop3A_2088 = arith.constant 6 : i32
        %parallel_loop3A_2089 = vector.broadcast %parallel_loop3A_2088 : i32 to vector<16xi32>
        %parallel_loop3A_2090 = tpu.vector_load_idx %arg14[%parallel_loop3A_2069, %parallel_loop3A_2089] : memref<64x16xf32, #tpu.memory_space<vmem>>[vector<16xi32>, vector<16xi32>], vector<16xf32>,
        %parallel_loop3A_2091 = arith.constant 7 : i32
        %parallel_loop3A_2092 = vector.broadcast %parallel_loop3A_2091 : i32 to vector<16xi32>
        %parallel_loop3A_2093 = tpu.vector_load_idx %arg14[%parallel_loop3A_2069, %parallel_loop3A_2092] : memref<64x16xf32, #tpu.memory_space<vmem>>[vector<16xi32>, vector<16xi32>], vector<16xf32>,
        %parallel_loop3A_2094 = arith.constant 8 : i32
        %parallel_loop3A_2095 = vector.broadcast %parallel_loop3A_2094 : i32 to vector<16xi32>
        %parallel_loop3A_2096 = tpu.vector_load_idx %arg14[%parallel_loop3A_2069, %parallel_loop3A_2095] : memref<64x16xf32, #tpu.memory_space<vmem>>[vector<16xi32>, vector<16xi32>], vector<16xf32>,
        %parallel_loop3A_2097 = arith.constant 9 : i32
        %parallel_loop3A_2098 = vector.broadcast %parallel_loop3A_2097 : i32 to vector<16xi32>
        %parallel_loop3A_2099 = tpu.vector_load_idx %arg14[%parallel_loop3A_2069, %parallel_loop3A_2098] : memref<64x16xf32, #tpu.memory_space<vmem>>[vector<16xi32>, vector<16xi32>], vector<16xf32>,
        %parallel_loop3A_2100 = arith.constant 10 : i32
        %parallel_loop3A_2101 = vector.broadcast %parallel_loop3A_2100 : i32 to vector<16xi32>
        %parallel_loop3A_2102 = tpu.vector_load_idx %arg14[%parallel_loop3A_2069, %parallel_loop3A_2101] : memref<64x16xf32, #tpu.memory_space<vmem>>[vector<16xi32>, vector<16xi32>], vector<16xf32>,
        %parallel_loop3A_2103 = arith.constant 11 : i32
        %parallel_loop3A_2104 = vector.broadcast %parallel_loop3A_2103 : i32 to vector<16xi32>
        %parallel_loop3A_2105 = tpu.vector_load_idx %arg14[%parallel_loop3A_2069, %parallel_loop3A_2104] : memref<64x16xf32, #tpu.memory_space<vmem>>[vector<16xi32>, vector<16xi32>], vector<16xf32>,
        %parallel_loop3A_2106 = arith.constant 12 : i32
        %parallel_loop3A_2107 = vector.broadcast %parallel_loop3A_2106 : i32 to vector<16xi32>
        %parallel_loop3A_2108 = tpu.vector_load_idx %arg14[%parallel_loop3A_2069, %parallel_loop3A_2107] : memref<64x16xf32, #tpu.memory_space<vmem>>[vector<16xi32>, vector<16xi32>], vector<16xf32>,
        %parallel_loop3A_2109 = arith.constant 13 : i32
        %parallel_loop3A_2110 = vector.broadcast %parallel_loop3A_2109 : i32 to vector<16xi32>
        %parallel_loop3A_2111 = tpu.vector_load_idx %arg14[%parallel_loop3A_2069, %parallel_loop3A_2110] : memref<64x16xf32, #tpu.memory_space<vmem>>[vector<16xi32>, vector<16xi32>], vector<16xf32>,
        %parallel_loop3A_2112 = arith.constant 14 : i32
        %parallel_loop3A_2113 = vector.broadcast %parallel_loop3A_2112 : i32 to vector<16xi32>
        %parallel_loop3A_2114 = tpu.vector_load_idx %arg14[%parallel_loop3A_2069, %parallel_loop3A_2113] : memref<64x16xf32, #tpu.memory_space<vmem>>[vector<16xi32>, vector<16xi32>], vector<16xf32>,
        %parallel_loop3A_2115 = arith.constant 15 : i32
        %parallel_loop3A_2116 = vector.broadcast %parallel_loop3A_2115 : i32 to vector<16xi32>
        %parallel_loop3A_2117 = tpu.vector_load_idx %arg14[%parallel_loop3A_2069, %parallel_loop3A_2116] : memref<64x16xf32, #tpu.memory_space<vmem>>[vector<16xi32>, vector<16xi32>], vector<16xf32>,
        %parallel_loop3A_2118 = arith.addf %parallel_loop3A_2072, %parallel_loop3A_2075 : vector<16xf32>
        %parallel_loop3A_2119 = arith.addf %parallel_loop3A_2078, %parallel_loop3A_2081 : vector<16xf32>
        %parallel_loop3A_2120 = arith.addf %parallel_loop3A_2118, %parallel_loop3A_2119 : vector<16xf32>
        %parallel_loop3A_2121 = arith.addf %parallel_loop3A_2084, %parallel_loop3A_2087 : vector<16xf32>
        %parallel_loop3A_2122 = arith.addf %parallel_loop3A_2090, %parallel_loop3A_2093 : vector<16xf32>
        %parallel_loop3A_2123 = arith.addf %parallel_loop3A_2121, %parallel_loop3A_2122 : vector<16xf32>
        %parallel_loop3A_2124 = arith.addf %parallel_loop3A_2096, %parallel_loop3A_2099 : vector<16xf32>
        %parallel_loop3A_2125 = arith.addf %parallel_loop3A_2102, %parallel_loop3A_2105 : vector<16xf32>
        %parallel_loop3A_2126 = arith.addf %parallel_loop3A_2124, %parallel_loop3A_2125 : vector<16xf32>
        %parallel_loop3A_2127 = arith.addf %parallel_loop3A_2108, %parallel_loop3A_2111 : vector<16xf32>
        %parallel_loop3A_2128 = arith.addf %parallel_loop3A_2114, %parallel_loop3A_2117 : vector<16xf32>
        %parallel_loop3A_2129 = arith.addf %parallel_loop3A_2127, %parallel_loop3A_2128 : vector<16xf32>
        %parallel_loop3A_2130 = arith.addf %parallel_loop3A_2120, %parallel_loop3A_2123 : vector<16xf32>
        %parallel_loop3A_2131 = arith.addf %parallel_loop3A_2126, %parallel_loop3A_2129 : vector<16xf32>
        %parallel_loop3A_2132 = arith.addf %parallel_loop3A_2130, %parallel_loop3A_2131 : vector<16xf32>
        %parallel_loop3A_2133 = arith.mulf %parallel_loop3A_2132, %div3A_2053 : vector<16xf32>
        %parallel_loop3A_2134 = arith.constant 16 : i32
        %parallel_loop3A_2135 = arith.muli %parallel_loop3A_2065, %parallel_loop3A_2134 : i32
        %parallel_loop3A_2136 = arith.index_cast %add3A_1901 : i32 to index
        %parallel_loop3A_2137 = arith.index_cast %parallel_loop3A_2135 : i32 to index
        %parallel_loop3A_2138 = tpu.vector_load %arg15[%parallel_loop3A_2136, %parallel_loop3A_2137] {strides = array<i32>} : memref<128x64xf32, #tpu.memory_space<vmem>>, vector<16xf32>,
        tpu.vector_store %arg15[%parallel_loop3A_2136, %parallel_loop3A_2137], %parallel_loop3A_2133 {strides = array<i32>} : memref<128x64xf32, #tpu.memory_space<vmem>>, vector<16xf32>,
      } {sc.loop_unroll_factor = 4 : i64, sc.parallel_access}
      %lt3A_2060 = arith.constant 31 : i32
      %lt3A_2061 = arith.cmpi slt, %scan3A_1401, %lt3A_2060 : i32
      %convert_element_type3A_2062 = arith.extui %lt3A_2061 : i1 to i32
      %cond3A_2063 = arith.constant 0 : i32
      %cond3A_2064 = arith.cmpi ne, %convert_element_type3A_2062, %cond3A_2063 : i32
      scf.if %cond3A_2064 {
        %add3A_2065 = arith.constant 4 : i32
        %add3A_2066 = arith.addi %add3A_1901, %add3A_2065 : i32
        %get3A_2067 = arith.index_cast %add3A_2066 : i32 to index
        %get3A_2068 = tpu.vector_load %arg11[%get3A_2067] {strides = array<i32>} : memref<144xi32, #tpu.memory_space<vmem>>, vector<16xi32>,
        %slice3A_2069 = vector.extract_strided_slice %get3A_2068 {offsets = [0], sizes = [1], strides = [1]} : vector<16xi32> to vector<1xi32>
        %squeeze3A_2070 = vector.extract %slice3A_2069[0] : i32 from vector<1xi32>
        %eq3A_2071 = arith.constant 999744 : i32
        %eq3A_2072 = arith.cmpi eq, %squeeze3A_2070, %eq3A_2071 : i32
        %not3A_2073 = arith.constant true
        %not3A_2074 = arith.xori %eq3A_2072, %not3A_2073 : i1
        %convert_element_type3A_2075 = arith.extui %not3A_2074 : i1 to i32
        %cond3A_2076 = arith.constant 0 : i32
        %cond3A_2077 = arith.cmpi ne, %convert_element_type3A_2075, %cond3A_2076 : i32
        scf.if %cond3A_2077 {
          %multiple_of3A = tpu.assume_multiple %squeeze3A_2070, 128 : i32
          %dma_start3A = arith.constant 0 : i32
          %dma_start3A_2081 = arith.constant 0 : i32
          %dma_start3A_2082 = tpu.memref_slice %arg19[%dma_start3A, %dma_start3A_2081] : memref<64x272xf32, #tpu.memory_space<vmem>> -> memref<64x256xf32, #tpu.memory_space<vmem>>
          %dma_start3A_2083 = arith.constant 0 : i32
          %dma_start3A_2084 = tpu.memref_slice %arg4[%dma_start3A_2083, %multiple_of3A] : memref<64x1000000xf32, #tpu.memory_space<hbm>> -> memref<64x256xf32, #tpu.memory_space<hbm>>
          %dma_start3A_2085 = arith.constant 0 : i32
          %dma_start3A_2086 = arith.constant 0 : i32
          %dma_start3A_2087 = tpu.memref_slice %arg19[%dma_start3A_2085, %dma_start3A_2086] : memref<64x272xf32, #tpu.memory_space<vmem>> -> memref<64x256xf32, #tpu.memory_space<vmem>>
          %dma_start3A_2088 = arith.constant 0 : i32
          %dma_start3A_2089 = tpu.memref_slice %arg4[%dma_start3A_2088, %multiple_of3A] : memref<64x1000000xf32, #tpu.memory_space<hbm>> -> memref<64x256xf32, #tpu.memory_space<hbm>>
          tpu.enqueue_dma source(%dma_start3A_2089 : memref<64x256xf32, #tpu.memory_space<hbm>>) target(%dma_start3A_2087 : memref<64x256xf32, #tpu.memory_space<vmem>>) target_semaphore(%arg23 : memref<!tpu.dma_semaphore, #tpu.memory_space<semaphore_mem>>)
        } else {
        }
        %convert_element_type3A_2078 = arith.extui %eq3A_2072 : i1 to i32
        %cond3A_2079 = arith.constant 0 : i32
        %cond3A_2080 = arith.cmpi ne, %convert_element_type3A_2078, %cond3A_2079 : i32
        scf.if %cond3A_2080 {
          %dma_start3A = arith.constant 0 : i32
          %dma_start3A_2081 = arith.constant 0 : i32
          %dma_start3A_2082 = tpu.memref_slice %arg19[%dma_start3A, %dma_start3A_2081] : memref<64x272xf32, #tpu.memory_space<vmem>> -> memref<64x256xf32, #tpu.memory_space<vmem>>
          %dma_start3A_2083 = arith.constant 0 : i32
          %dma_start3A_2084 = arith.constant 0 : i32
          %dma_start3A_2085 = tpu.memref_slice %arg19[%dma_start3A_2083, %dma_start3A_2084] : memref<64x272xf32, #tpu.memory_space<vmem>> -> memref<64x256xf32, #tpu.memory_space<vmem>>
          tpu.enqueue_dma source(%arg5 : memref<64x256xf32, #tpu.memory_space<hbm>>) target(%dma_start3A_2085 : memref<64x256xf32, #tpu.memory_space<vmem>>) target_semaphore(%arg23 : memref<!tpu.dma_semaphore, #tpu.memory_space<semaphore_mem>>)
        } else {
        }
      } else {
      }
    }
    %scan3A_1400 = arith.constant 32 : i32
    "tpu.region"() ({
      %run_scoped3A = tpu.sem_alloc : memref<!tpu.dma_semaphore, #tpu.memory_space<semaphore_mem>>
      %dma_start3A = arith.constant 0 : i32
      %dma_start3A_1401 = tpu.memref_slice %arg6[%mul3A_2, %dma_start3A] : memref<4096x64xf32, #tpu.memory_space<hbm>> -> memref<128x64xf32, #tpu.memory_space<hbm>>
      %dma_start3A_1402 = arith.constant 0 : i32
      %dma_start3A_1403 = tpu.memref_slice %arg6[%mul3A_2, %dma_start3A_1402] : memref<4096x64xf32, #tpu.memory_space<hbm>> -> memref<128x64xf32, #tpu.memory_space<hbm>>
      tpu.enqueue_dma source(%arg15 : memref<128x64xf32, #tpu.memory_space<vmem>>) target(%dma_start3A_1403 : memref<128x64xf32, #tpu.memory_space<hbm>>) target_semaphore(%run_scoped3A : memref<!tpu.dma_semaphore, #tpu.memory_space<semaphore_mem>>)
      %dma_wait3A = arith.constant 0 : i32
      %dma_wait3A_1404 = tpu.memref_slice %arg6[%mul3A_2, %dma_wait3A] : memref<4096x64xf32, #tpu.memory_space<hbm>> -> memref<128x64xf32, #tpu.memory_space<hbm>>
      %dma_wait3A_1405 = arith.constant 0 : i32
      %dma_wait3A_1406 = tpu.memref_slice %arg6[%mul3A_2, %dma_wait3A_1405] : memref<4096x64xf32, #tpu.memory_space<hbm>> -> memref<128x64xf32, #tpu.memory_space<hbm>>
      tpu.wait_dma2 semaphore(%run_scoped3A : memref<!tpu.dma_semaphore, #tpu.memory_space<semaphore_mem>>) src(%arg15 : memref<128x64xf32, #tpu.memory_space<vmem>>) dst(%dma_wait3A_1406 : memref<128x64xf32, #tpu.memory_space<hbm>>)
      tpu.yield
    }) : () -> ()
    return
  }
}

</mosaic_0001>

<sc_bundles>
// kernel: _run.3.cloned.1.call-start
scs
__scs_entry_jumppad:
0x0: {  	(pc) =	sbr.rel $0x88, $3  }
0x1: {  	(tag) =	ssettag $0x0;
	lr =	simm.s32 $0x1  }
0x2: {  	[smem:$0x3F9D] =	sst lr;
	_ =	strace $0xD0000000  }
0x3: {  	_ = 	snop  }
0x4: {  	_ = 	snop  }
0x5: {  	_ = 	snop  }
0x6: {  	_ = 	snop  }
0x7: {  	_ = 	snop  }
__scs_overlays_trampoline_lowered:
0x8: {  	[smem:$0x3FAC] =	sst s0  }
0x9: {  	[smem:$0x3FAD] =	sst s1  }
0xa: {  	[smem:$0x3FAE] =	sst s2  }
0xb: {  	[smem:$0x3FAF] =	sst s3  }
0xc: {  	[smem:$0x3FB0] =	sst s4  }
0xd: {  	[smem:$0x3FB1] =	sst s5  }
0xe: {  	[smem:$0x3FB2] =	sst s6  }
0xf: {  	[smem:$0x3FB3] =	sst s7  }
0x10: {  	[smem:$0x3FB4] =	sst s8  }
0x11: {  	[smem:$0x3FB5] =	sst s9;
	s0 =	simm.s32 @!p0 $0x0  }
0x12: {  	s1 =	sld [smem:$0x3F9B];
	s0 =	simm.s32 @p0 $0x1  }
0x13: {  	[smem:$0x3FB6] =	sst s0;
	s0 =	simm.s32 @!p1 $0x0  }
0x14: {  	s2 =	sld [smem:$0x3F9A];
	s0 =	simm.s32 @p1 $0x1  }
0x15: {  	[smem:$0x3FB7] =	sst s0;
	s0 =	simm.s32 @!p2 $0x0  }
0x16: {  	s3 =	sld [smem:$0x3FDB];
	s0 =	simm.s32 @p2 $0x1  }
0x17: {  	s4 =	simm.s32 $0x1BF5;
	[smem:$0x3FB9] =	sst s0  }
0x18: {  	s0 =	sld [smem:$0x3F9C];
	_ =	swait.ge [sflag:s4], $0x0  }
0x19: {  	s7 =	sld [smem:$0x3F9D]  }
0x1a: {  	s8 =	sadd.s32 $0xFFFFE003, lr  }
0x1b: {  	s9 =	sadd.s32 $0xFFFFFEF7, lr;
	s5 =	simm.s32 $0xFFFFFFFF;
	p2 =	slt.u32 s8, $0xFFFFF086  }
0x1c: {  	p1 =	slt.u32 s9, $0xF7A;
	s5 =	simm.s32 @!p2 $0x0  }
0x1d: {  	s5 =	simm.s32 @p1 $0x1;
	p0 =	seq.s32 s7, s2  }
0x1e: {  	s7 =	smul.u32 @!p0 $0xF7A, s2;
	p2 =	seq.s32 @!p0 s5, $0x0  }
0x1f: {  	s9 =	smul.u32 $0xF7A, s1;
	s8 =	simm.s32 @!p0 $0x1BF5;
	p2 =	por !p2, p0  }
0x20: {  	[sflag:s8] =	ssyncset.s32 @!p0 $0xFFFFF086;
	s6 =	sadd.s32 @!p0 s3, s7;
	s7 =	simm.s32 @!p0 $0x108  }
0x21: {  	s3 =	sadd.s32 s3, s9;
	s6 =	sadd.s32 @!p0 $0x88, s6;
	s7 =	simm.s32 @p2 $0x1082  }
0x22: {  	[simem:s7], [sflag:s8] =	dma.local @!p0 [hbm:s6], $0xF7A  }
0x23: {  	s9 =	sor.u32 $0xD0000000, s2;
	s6 =	simm.s32 $0x108;
	_ =	swait.ge @!p0 [sflag:s8], $0x0  }
0x24: {  	s3 =	sadd.s32 $0x88, s3;
	s6 =	simm.s32 @!p1 $0x1082;
	[sflag:s4] =	ssyncset.s32 $0xFFFFF086  }
0x25: {  	[simem:s6], [sflag:s4] =	dma.local [hbm:s3], $0xF7A  }
0x26: {  	[smem:$0x3F9D] =	sst s1;
	(tag) =	ssettag s2;
	_ =	strace s9  }
0x27: {  	s1 =	sld [smem:$0x3FAD]  }
0x28: {  	s2 =	sld [smem:$0x3FAE]  }
0x29: {  	s4 =	sld [smem:$0x3FB0]  }
0x2a: {  	p0 =	seq.s32 s5, $0x0;
	s5 =	sld [smem:$0x3FB1]  }
0x2b: {  	s6 =	sld [smem:$0x3FB2]  }
0x2c: {  	s7 =	sld [smem:$0x3FB3]  }
0x2d: {  	s3 =	simm.s32 $0x108;
	s8 =	sld [smem:$0x3FB4]  }
0x2e: {  	s3 =	simm.s32 @!p0 $0x1082;
	s9 =	sld [smem:$0x3FB5]  }
0x2f: {  	lr =	sadd.s32 s0, s3;
	s0 =	sld [smem:$0x3FAC]  }
0x30: {  	s3 =	sld [smem:$0x3FAF]  }
0x31: {  	[smem:$0x3FB8] =	sst s10  }
0x32: {  	s10 =	sld [smem:$0x3FB6];
	_ =	sdelay $0x3  }
0x33: {  	p0 =	seq.s32 s10, $0x1;
	s10 =	sld [smem:$0x3FB8];
	_ =	sdelay $0x3  }
0x34: {  	[smem:$0x3FB8] =	sst s10  }
0x35: {  	s10 =	sld [smem:$0x3FB7];
	_ =	sdelay $0x3  }
0x36: {  	p1 =	seq.s32 s10, $0x1;
	s10 =	sld [smem:$0x3FB8];
	_ =	sdelay $0x3  }
0x37: {  	[smem:$0x3FB8] =	sst s10  }
0x38: {  	s10 =	sld [smem:$0x3FB9]  }
0x39: {  	_ = 	snop;
	(pc) =	sbr.ind lr, $3  }
0x3a: {  	_ = 	snop  }
0x3b: {  	_ = 	snop  }
0x3c: {  	p2 =	seq.s32 s10, $0x1;
	s10 =	sld [smem:$0x3FB8]  }
0x3d: {  	_ =	shalt  }
0x3e: {  	_ =	shalt  }
0x3f: {  	_ =	shalt  }
0x40: {  	_ =	shalt  }
0x41: {  	_ =	shalt  }
0x42: {  	_ =	shalt  }
0x43: {  	_ =	shalt  }
0x44: {  	_ =	shalt  }
0x45: {  	_ =	shalt  }
0x46: {  	_ =	shalt  }
0x47: {  	_ =	shalt  }
0x48: {  	_ =	shalt  }
0x49: {  	_ =	shalt  }
0x4a: {  	_ =	shalt  }
0x4b: {  	_ =	shalt  }
0x4c: {  	_ =	shalt  }
0x4d: {  	_ =	shalt  }
0x4e: {  	_ =	shalt  }
0x4f: {  	_ =	shalt  }
0x50: {  	_ =	shalt  }
0x51: {  	_ =	shalt  }
0x52: {  	_ =	shalt  }
0x53: {  	_ =	shalt  }
0x54: {  	_ =	shalt  }
0x55: {  	_ =	shalt  }
0x56: {  	_ =	shalt  }
0x57: {  	_ =	shalt  }
0x58: {  	_ =	shalt  }
0x59: {  	_ =	shalt  }
0x5a: {  	_ =	shalt  }
0x5b: {  	_ =	shalt  }
0x5c: {  	_ =	shalt  }
0x5d: {  	_ =	shalt  }
0x5e: {  	_ =	shalt  }
0x5f: {  	_ =	shalt  }
0x60: {  	_ =	shalt  }
0x61: {  	_ =	shalt  }
0x62: {  	_ =	shalt  }
0x63: {  	_ =	shalt  }
0x64: {  	_ =	shalt  }
0x65: {  	_ =	shalt  }
0x66: {  	_ =	shalt  }
0x67: {  	_ =	shalt  }
0x68: {  	_ =	shalt  }
0x69: {  	_ =	shalt  }
0x6a: {  	_ =	shalt  }
0x6b: {  	_ =	shalt  }
0x6c: {  	_ =	shalt  }
0x6d: {  	_ =	shalt  }
0x6e: {  	_ =	shalt  }
0x6f: {  	_ =	shalt  }
0x70: {  	_ =	shalt  }
0x71: {  	_ =	shalt  }
0x72: {  	_ =	shalt  }
0x73: {  	_ =	shalt  }
0x74: {  	_ =	shalt  }
0x75: {  	_ =	shalt  }
0x76: {  	_ =	shalt  }
0x77: {  	_ =	shalt  }
0x78: {  	_ =	shalt  }
0x79: {  	_ =	shalt  }
0x7a: {  	_ =	shalt  }
0x7b: {  	_ =	shalt  }
0x7c: {  	_ =	shalt  }
0x7d: {  	_ =	shalt  }
0x7e: {  	_ =	shalt  }
0x7f: {  	_ =	shalt  }
0x80: {  	_ =	shalt  }
0x81: {  	_ =	shalt  }
0x82: {  	_ =	shalt  }
0x83: {  	_ =	shalt  }
0x84: {  	_ =	shalt  }
0x85: {  	_ =	shalt  }
0x86: {  	_ =	shalt  }
0x87: {  	_ =	shalt  }
.Lfunc_end0:
.L_simem_size_0:
called_computation_lowered:
.L_overlay_start_0:
0x88: {  	s2 =	sld [smem:$0x3FD9]  }
0x89: {  	s3 =	sld [smem:$0x3FFE];
	_ =	sdelay $0x1  }
0x8a: {  	s1 =	srdreg.scid  }
0x8b: {  	s0 =	sand.u32 $0x1, s1  }
0x8c: {  	s14 =	sshll.u32 s0, $0xA;
	s2 =	sadd.s32 s3, s2  }
0x8d: {  	s2 =	sadd.s32 s2, s14  }
0x8e: {  	[smem:$0x3FC4] =	sst s2  }
0x8f: {  	_ = 	snop  }
0x90: {  	s2 =	sld [smem:$0x3FC9]  }
0x91: {  	s15 =	sld [smem:$0x3FD0]  }
0x92: {  	s4 =	sld [smem:$0x3FC8]  }
0x93: {  	s5 =	sld [smem:$0x3FC7]  }
0x94: {  	s7 =	simm.s32 $0xA;
	s8 =	simm.s32 $0x10;
	s6 =	sld [smem:$0x3FC6]  }
0x95: {  	[smem:s8], [sflag:s7] =	dma.local [hbm:s15], $0x1  }
0x96: {  	_ =	swait.eq [sflag:s7], $0x1  }
0x97: {  	[sflag:s7] =	ssyncset.done $0x0  }
0x98: {  	[sflag:s7] =	ssyncadd.s32 $0xFFFFFFFF  }
0x99: {  	s16 =	sld [smem:$0x11];
	(tm) =	ssettm $0x1  }
0x9a: {  	s17 =	sld [smem:$0x3FFB];
	_ =	sdelay $0x3  }
0x9b: {  	_ =	strace s17  }
0x9c: {  	s7 =	sld [smem:$0x3FFC];
	_ =	sdelay $0x3  }
0x9d: {  	_ =	strace s7  }
0x9e: {  	s7 =	sld [smem:$0x3FFD];
	_ =	sdelay $0x3  }
0x9f: {  	_ =	strace s7  }
0xa0: {  	_ =	strace $0x8FFFFFFF  }
0xa1: {  	s18 =	sld [smem:$0x3FDB];
	_ =	sdelay $0x1  }
0xa2: {  	s19 =	simm.s32 $_scs_section_size  }
0xa3: {  	s9 =	simm.s32 $_size__tile_overlayer_lowered;
	s10 =	simm.s32 $_tile_overlayer_lowered  }
0xa4: {  	s22 =	simm.s32 $0x1BFF;
	s21 =	sshll.u32 s10, $0x1;
	s7 =	sadd.s32 s19, s18  }
0xa5: {  	s11 =	simm.s32 $0x0;
	s20 =	sshll.u32 s9, $0x1;
	s9 =	sadd.s32 s21, s7  }
0xa6: {  	[timem:s11], [sflag:s22] =	dma.local [hbm:s9], s20  }
0xa7: {  	_ =	swait.ge [sflag:s22], s20  }
0xa8: {  	s8 =	ssub.s32 $0x0, s20;
	[sflag:s22] =	ssyncset.done $0x0  }
0xa9: {  	[sflag:s22] =	ssyncadd.s32 s8;
	_ =	sdelay $0x1  }
0xaa: {  	s23 =	simm.s32 $0x1B8B  }
0xab: {  	_ =	swait.ge [sflag:s23], $0x1  }
0xac: {  	[sflag:s23] =	ssyncset.done $0x0  }
0xad: {  	s25 =	simm.s32 $0x1B8E;
	s24 =	sld [smem:$0x3FFE];
	[sflag:s23] =	ssyncadd.s32 $0xFFFFFFFF  }
0xae: {  	s26 =	simm.s32 $execute0_lowered;
	[smem:$0x3FD2] =	sst s25  }
0xaf: {  	s9 =	sshll.u32 s26, $0x1;
	_ =	strace $0x80000046;
	[dreg:$0x1] =	wrdreg $0xFFFFFFFF  }
0xb0: {  	s28 =	simm.s32 $_size_execute0_lowered;
	s7 =	sadd.s32 s7, s9;
	[dreg:$0x0] =	wrdreg $0x0  }
0xb1: {  	s9 =	sshll.u32 s28, $0x1;
	[dreg:$0x2] =	wrdreg s7  }
0xb2: {  	[dreg:$0x3] =	wrdreg s9  }
0xb3: {  	[dreg:$0x4] =	wrdreg $0xC0  }
0xb4: {  	_ =	task [dreg:s11], $0x5FFFF  }
0xb5: {  	[dreg:$0x1] =	wrdreg $0xFFFFFFFF  }
0xb6: {  	[dreg:$0x0] =	wrdreg $0x60  }
0xb7: {  	[dreg:$0x2] =	wrdreg s2  }
0xb8: {  	[dreg:$0x3] =	wrdreg s4  }
0xb9: {  	[dreg:$0x4] =	wrdreg s5  }
0xba: {  	[dreg:$0x5] =	wrdreg s6  }
0xbb: {  	[dreg:$0x6] =	wrdreg s24  }
0xbc: {  	[dreg:$0x7] =	wrdreg s16  }
0xbd: {  	[dreg:$0x8] =	wrdreg $0x9  }
0xbe: {  	_ =	task.clear_ibuf [dreg:s11], $0x9FFFF;
	_ =	strace $0x90000046  }
0xbf: {  	s29 =	simm.s32 $0x9;
	_ =	strace $0x80000048  }
0xc0: {  	_ =	swait.ge [sflag:s29], $0x1  }
0xc1: {  	[sflag:s29] =	ssyncadd.s32 $0xFFFFFFFF  }
0xc2: {  	_ =	strace $0x90000048  }
0xc3: {  	_ =	sfence  }
0xc4: {  	s30 =	sld [smem:$0x0];
	_ =	sdelay $0x2  }
0xc5: {  	s31 =	sshll.u32 s1, $0xD;
	s1 =	sshrl.u32 s1, $0x2  }
0xc6: {  	s3 =	sand.u32 $0x4000, s31;
	s1 =	sadd.s32 s1, s30  }
0xc7: {  	s0 =	sor.u32 s3, s0;
	s1 =	sshll.u32 s1, $0x11  }
0xc8: {  	s0 =	sor.u32 s1, s0  }
0xc9: {  	s0 =	sadd.s32 $0x8F2B, s0  }
0xca: {  	[sflag:s0] =	ssyncadd.remote.s32 $0x1  }
0xcb: {  	_ =	sfence.sel $0xFFFF  }
0xcc: {  	[dreg:$0x0] =	wrdreg $0xFFFFFFFF;
	(pc) =	sbr.abs _section_cstart, $3  }
0xcd: {  	[dreg:$0x1] =	wrdreg $0xFFFFFFFF  }
0xce: {  	_ =	task.clear_ibuf [dreg:s11], $0x2FFFF;
	_ =	strace $0x9FFFFFFF  }
0xcf: {  	(tm) =	ssettm $0x7FFFFFFF  }
tec
execute0_lowered:
.L_overlay_start_1:
0x0: {  	(tag) =	ssettag $0x1  }
0x1: {  	s0 =	rddreg [dreg:$0x0]  }
0x2: {  	s1 =	rddreg [dreg:$0x1]  }
0x3: {  	s7 =	rddreg [dreg:$0x3]  }
0x4: {  	s2 =	rddreg [dreg:$0x4];
	s8 =	simm.s32 $0x0;
	v54 =	vlaneseq.u32  }
0x5: {  	[smem:$0x7FF] =	sst s8;
	v0 =	vor.u32 $0x10, v54  }
0x6: {  	s3 =	rddreg [dreg:$0x5];
	v48 =	vor.u32 $0x20, v54;
	_ =	strace $0x80000047;
	[tilespmem:$0x1FF00] =	vst v0  }
0x7: {  	v49 =	vor.u32 $0x30, v54;
	[tilespmem:$0x1FF10] =	vst v48  }
0x8: {  	s4 =	srdreg.scid;
	v50 =	vor.u32 $0x40, v54;
	[tilespmem:$0x1FF20] =	vst v49  }
0x9: {  	s5 =	stileid.u32;
	s4 =	sand.u32 $0x1, s4;
	s24 =	sadd.s32 $0x100, s7;
	v51 =	vor.u32 $0x50, v54;
	[tilespmem:$0x1FF30] =	vst v50  }
0xa: {  	s5 =	sshll.u32 s5, $0x8;
	s25 =	sadd.s32 $0x200, s7;
	v52 =	vor.u32 $0x60, v54;
	[smem:$0x7F7] =	sst s24;
	[tilespmem:$0x1FF40] =	vst v51  }
0xb: {  	s26 =	sadd.s32 $0x300, s7;
	s28 =	sadd.s32 $0x400, s7;
	v6 =	vmul.u32 $0x80, v54;
	v53 =	vor.u32 $0x70, v54;
	[smem:$0x7F8] =	sst s25;
	[tilespmem:$0x1FF50] =	vst v52  }
0xc: {  	s29 =	sadd.s32 $0x500, s7;
	s30 =	sadd.s32 $0x600, s7;
	v55 =	vor.u32 $0x80, v54;
	[smem:$0x7F9] =	sst s26;
	[tilespmem:$0x1FF60] =	vst v53  }
0xd: {  	s31 =	sadd.s32 $0x700, s7;
	s6 =	sshll.u32 s4, $0x7;
	[smem:$0x7FA] =	sst s28;
	[tilespmem:$0x1FF70] =	vst v55;
	v56 =	vor.u32 $0x1, v6  }
0xe: {  	s4 =	ssub.s32 $0x2, s4;
	[smem:$0x7FB] =	sst s29;
	s5 =	sor.u32 s6, s5;
	v57 =	vor.u32 $0x2, v6;
	[tilespmem:$0x1FF80] =	vst v56  }
0xf: {  	[smem:$0x7FC] =	sst s30;
	v58 =	vor.u32 $0x3, v6;
	s6 =	sshll.u32 s5, $0x4;
	s5 =	sshrl.u32 s5, $0x3;
	[tilespmem:$0x1FF90] =	vst v57  }
0x10: {  	[smem:$0x7FD] =	sst s31;
	s19 =	sshrl.u32 s4, $0x1;
	v59 =	vor.u32 $0x4, v6;
	[tilespmem:$0x1FFA0] =	vst v58;
	s0 =	sadd.s32 s0, s5  }
.Ltmp0:
0x11: {  	v60 =	vor.u32 $0x5, v6;
	[tilespmem:$0x1FFB0] =	vst v59;
	s20 =	sadd.s32 s1, s5;
	[smem:$0x7F2] =	sst s0;
	(pc) =	sbr.rel .LBB2_1-.Ltmp0, $4  }
0x12: {  	v61 =	vor.u32 $0x6, v6;
	s4 =	ssub.s32 s4, s19;
	[tilespmem:$0x1FFC0] =	vst v60;
	s21 =	sadd.s32 s3, s5;
	[smem:$0x7F3] =	sst s20  }
0x13: {  	v62 =	vor.u32 $0x7, v6;
	[tilespmem:$0x1FFD0] =	vst v61;
	s2 =	sadd.s32 s6, s2;
	s23 =	smax.u32 s4, $0x1;
	[smem:$0x7F4] =	sst s21  }
0x14: {  	v63 =	vor.u32 $0x8, v6;
	[tilespmem:$0x1FFE0] =	vst v62;
	s22 =	sadd.s32 $0x800, s2;
	[smem:$0x7F6] =	sst s23  }
0x15: {  	[tilespmem:$0x1FFF0] =	vst v63;
	s1 =	simm.s32 $0x5;
	s2 =	simm.s32 $0x0;
	[smem:$0x7F5] =	sst s22  }
.LBB2_12:
0x16: {  	s0 =	sld [smem:$0x7F5];
	_ =	sdelay $0x1  }
0x17: {  	s8 =	simm.s32 $0x0;
	s1 =	simm.s32 $0x2500  }
0x18: {  	[hbm4b:s0+s8] =	stream.linear.scatter [tilespmem:s1], [sflag:$0x5], $0x4000, $0x38;
	[tilespmem:$0x1E500] =	vst v63  }
0x19: {  	s1 =	simm.s32 $0x5  }
0x1a: {  	_ =	swait.ge [sflag:s1], $0x4000  }
0x1b: {  	s2 =	sld [smem:$0x7F1]  }
0x1c: {  	s31 =	sld [smem:$0x7F6];
	_ =	sdelay $0x1  }
0x1d: {  	s2 =	sadd.s32 $0x1, s2  }
0x1e: {  	p0 =	sne.s32 s2, s31  }
.Ltmp1:
0x1f: {  	_ = 	snop;
	(pc) =	sbr.rel @!p0 .LBB2_13-.Ltmp1, $3  }
0x20: {  	_ =	sdelay $0x1  }
0x21: {  	[sflag:s1] =	ssyncset.done $0x0  }
0x22: {  	[sflag:s1] =	ssyncadd.s32 $0xFFFFC000  }
.LBB2_1:
0x23: {  	s0 =	sld [smem:$0x7F2];
	_ =	sdelay $0x1  }
0x24: {  	[smem:$0x7F1] =	sst s2  }
0x25: {  	[tilespmem:s8], [sflag:$0x5] =	stream.linear.gather [hbm4b:s0+s8], $0x80, $0x38;
	[tilespmem:$0x1E500] =	vst v63  }
0x26: {  	_ =	swait.ge [sflag:s1], $0x80  }
0x27: {  	s23 =	sld [smem:$0x7F3]  }
0x28: {  	[sflag:s1] =	ssyncset.done $0x0  }
0x29: {  	s24 =	simm.s32 $0x80;
	[sflag:s1] =	ssyncadd.s32 $0xFFFFFF80  }
0x2a: {  	[tilespmem:s24], [sflag:$0x5] =	stream.linear.gather [hbm4b:s23+s8], $0x80, $0x38;
	[tilespmem:$0x1E500] =	vst v63  }
0x2b: {  	_ =	swait.ge [sflag:s1], $0x80  }
0x2c: {  	[sflag:s1] =	ssyncset.done $0x0  }
0x2d: {  	[sflag:s1] =	ssyncadd.s32 $0xFFFFFF80  }
0x2e: {  	v1 =	vld [tilespmem:$0x80]  }
0x2f: {  	v0 =	vld [tilespmem:$0x0]  }
0x30: {  	v2 =	vld [tilespmem:$0x10]  }
0x31: {  	v3 =	vld [tilespmem:$0x90]  }
0x32: {  	v24 =	vld [tilespmem:$0x20]  }
0x33: {  	v5 =	vld [tilespmem:$0xA0];
	v1 =	vadd.f32 $9.999999970e-07, v1  }
0x34: {  	v8 =	vld [tilespmem:$0xB0]  }
0x35: {  	v12 =	vld [tilespmem:$0xC0];
	v1 =	vmul.f32 v1, v1  }
0x36: {  	v14 =	vld [tilespmem:$0x40]  }
0x37: {  	v26 =	vld [tilespmem:$0x50];
	(erf) = vrcp.f32 v1  }
0x38: {  	v32 =	vld [tilespmem:$0xE0]  }
0x39: {  	v35 =	vld [tilespmem:$0x60]  }
0x3a: {  	v0 =	vmul.f32 $9.999990000e+05, v0;
	v22 =	vmul.f32 $9.999990000e+05, v2;
	v23 =	vadd.f32 $9.999999970e-07, v3  }
0x3b: {  	v3 =	vmul.f32 $9.999990000e+05, v24;
	v5 =	vadd.f32 $9.999999970e-07, v5;
	v8 =	vadd.f32 $9.999999970e-07, v8  }
0x3c: {  	v12 =	vadd.f32 $9.999999970e-07, v12;
	v29 =	vmul.f32 $9.999990000e+05, v14;
	v31 =	vmul.f32 $9.999990000e+05, v26  }
0x3d: {  	v4 =	vadd.f32 $-6.400000000e+01, v0;
	v7 =	vadd.f32 $-6.400000000e+01, v22;
	v2 =	vmul.f32 v23, v23  }
0x3e: {  	v39 =	vadd.f32 $9.999999970e-07, v32;
	v40 =	vmul.f32 $9.999990000e+05, v35;
	v5 =	vmul.f32 v5, v5  }
0x3f: {  	v25 =	vld [tilespmem:$0x30];
	v4 =	vmax.f32 v4, $0.0e+00;
	v7 =	vmax.f32 v7, $0.0e+00;
	(erf) = vrcp.f32 v2  }
0x40: {  	v4 =	vmin.f32 v4, $9.998720000e+05;
	v10 =	vpop (erf);
	(erf) = vrcp.f32 v5;
	v5 =	vmul.f32 v8, v8  }
0x41: {  	[tilespmem:$0x300] =	vst v0;
	v12 =	vmul.f32 v12, v12;
	v7 =	vmin.f32 v7, $9.998720000e+05;
	v4 =	vtrunc.f32 v4  }
0x42: {  	v11 =	vadd.f32 $-6.400000000e+01, v3;
	[tilespmem:$0x310] =	vst v22;
	v7 =	vtrunc.f32 v7;
	(erf) = vrcp.f32 v5;
	v5 =	vld [tilespmem:$0xD0]  }
0x43: {  	v30 =	vadd.f32 $-6.400000000e+01, v29;
	[tilespmem:$0x320] =	vst v3;
	v4 =	vcvt.f32.s32 v4;
	v7 =	vcvt.f32.s32 v7  }
0x44: {  	v34 =	vadd.f32 $-6.400000000e+01, v31;
	[tilespmem:$0x340] =	vst v29;
	v11 =	vmax.f32 v11, $0.0e+00;
	v2 =	vmul.f32 $9.999990000e+05, v25  }
0x45: {  	v9 =	vand.u32 $0xFFFFFF80, v4;
	v13 =	vand.u32 $0xFFFFFF80, v7;
	[tilespmem:$0x100] =	vst v4;
	v4 =	vmin.f32 v11, $9.998720000e+05  }
0x46: {  	[tilespmem:$0x350] =	vst v31;
	vm0 =	vgt.s32 v9, $0xF4100;
	v4 =	vtrunc.f32 v4;
	v8 =	vadd.f32 $-6.400000000e+01, v2  }
0x47: {  	[tilespmem:$0x360] =	vst v40;
	vm9 =	vgt.s32 v13, $0xF4100;
	v4 =	vcvt.f32.s32 v4;
	v5 =	vadd.f32 $9.999999970e-07, v5  }
0x48: {  	[tilespmem:$0x330] =	vst v2;
	v9 =	vsel vm0, $0xF4140, v9;
	v27 =	vsel vm9, $0xF4140, v13;
	v8 =	vmax.f32 v8, $0.0e+00  }
0x49: {  	[tilespmem:$0x110] =	vst v7;
	v28 =	vpop (erf);
	v8 =	vmin.f32 v8, $9.998720000e+05;
	(erf) = vrcp.f32 v12;
	v5 =	vmul.f32 v5, v5  }
0x4a: {  	[tilespmem:$0x200] =	vst v9;
	v7 =	vand.u32 $0xFFFFFF80, v4;
	v10 =	vmul.f32 $-5.000000000e-01, v10;
	v8 =	vtrunc.f32 v8  }
0x4b: {  	[tilespmem:$0x120] =	vst v4;
	vm10 =	vgt.s32 v7, $0xF4100;
	v8 =	vcvt.f32.s32 v8;
	v4 =	vpop (erf);
	(erf) = vrcp.f32 v5;
	v5 =	vld [tilespmem:$0xF0]  }
0x4c: {  	[tilespmem:$0x210] =	vst v27;
	v9 =	vmax.f32 v30, $0.0e+00;
	v0 =	vmul.f32 $-5.000000000e-01, v28;
	v33 =	vsel vm10, $0xF4140, v7  }
0x4d: {  	[tilespmem:$0x400] =	vst v10;
	v7 =	vand.u32 $0xFFFFFF80, v8;
	v36 =	vmul.f32 $-5.000000000e-01, v4;
	v4 =	vmin.f32 v9, $9.998720000e+05  }
0x4e: {  	[tilespmem:$0x130] =	vst v8;
	v8 =	vld [tilespmem:$0x70];
	vm11 =	vgt.s32 v7, $0xF4100;
	v37 =	vtrunc.f32 v4;
	v4 =	vmax.f32 v34, $0.0e+00  }
0x4f: {  	[tilespmem:$0x220] =	vst v33;
	v7 =	vsel vm11, $0xF4140, v7;
	v9 =	vmul.f32 v39, v39;
	v4 =	vmin.f32 v4, $9.998720000e+05  }
0x50: {  	[tilespmem:$0x410] =	vst v0;
	v38 =	vpop (erf);
	v3 =	vcvt.f32.s32 v37;
	v4 =	vtrunc.f32 v4;
	v5 =	vadd.f32 $9.999999970e-07, v5  }
0x51: {  	[tilespmem:$0x230] =	vst v7;
	v0 =	vmul.f32 $-5.000000000e-01, v38;
	v41 =	vcvt.f32.s32 v4;
	v4 =	vadd.f32 $-6.400000000e+01, v40  }
0x52: {  	[tilespmem:$0x420] =	vst v36;
	v42 =	vpop (erf);
	(erf) = vrcp.f32 v9;
	v5 =	vmul.f32 v5, v5  }
0x53: {  	[tilespmem:$0x430] =	vst v0;
	v0 =	vmul.f32 $-5.000000000e-01, v42;
	v44 =	vmax.f32 v4, $0.0e+00;
	v4 =	vmul.f32 $9.999990000e+05, v8  }
0x54: {  	v7 =	vand.u32 $0xFFFFFF80, v3;
	[tilespmem:$0x140] =	vst v3;
	v3 =	vmin.f32 v44, $9.998720000e+05;
	(erf) = vrcp.f32 v5  }
0x55: {  	vm12 =	vgt.s32 v7, $0xF4100;
	[tilespmem:$0x440] =	vst v0;
	v45 =	vtrunc.f32 v3;
	v46 =	vadd.f32 $-6.400000000e+01, v4  }
0x56: {  	v43 =	vsel vm12, $0xF4140, v7;
	v7 =	vand.u32 $0xFFFFFF80, v41;
	[tilespmem:$0x150] =	vst v41;
	v0 =	vcvt.f32.s32 v45  }
0x57: {  	[tilespmem:$0x240] =	vst v43;
	vm13 =	vgt.s32 v7, $0xF4100;
	v3 =	vmax.f32 v46, $0.0e+00  }
0x58: {  	v47 =	vsel vm13, $0xF4140, v7;
	[tilespmem:$0x370] =	vst v4;
	v49 =	vand.u32 $0xFFFFFF80, v0;
	v3 =	vmin.f32 v3, $9.998720000e+05  }
0x59: {  	[tilespmem:$0x250] =	vst v47;
	v5 =	vpop (erf);
	vm14 =	vgt.s32 v49, $0xF4100;
	v50 =	vtrunc.f32 v3  }
0x5a: {  	[tilespmem:$0x160] =	vst v0;
	v48 =	vmul.f32 $-5.000000000e-01, v5;
	v52 =	vsel vm14, $0xF4140, v49;
	v53 =	vcvt.f32.s32 v50  }
0x5b: {  	v51 =	vpop (erf);
	[tilespmem:$0x260] =	vst v52  }
0x5c: {  	v55 =	vmul.f32 $-5.000000000e-01, v51;
	[tilespmem:$0x450] =	vst v48;
	v2 =	vand.u32 $0xFFFFFF80, v53  }
0x5d: {  	[tilespmem:$0x170] =	vst v53;
	vm15 =	vgt.s32 v2, $0xF4100;
	v57 =	vpop (erf)  }
0x5e: {  	s25 =	sld [smem:$0x7F4];
	[tilespmem:$0x460] =	vst v55;
	v56 =	vsel vm15, $0xF4140, v2;
	v58 =	vmul.f32 $-5.000000000e-01, v57  }
0x5f: {  	[tilespmem:$0x270] =	vst v56  }
0x60: {  	s26 =	simm.s32 $0x100;
	[tilespmem:$0x470] =	vst v58  }
0x61: {  	[hbm4b:s25+s8] =	stream.linear.scatter [tilespmem:s26], [sflag:$0x5], $0x80, $0x38;
	[tilespmem:$0x1E500] =	vst v63  }
0x62: {  	_ =	swait.ge [sflag:s1], $0x80  }
0x63: {  	[sflag:s1] =	ssyncset.done $0x0  }
0x64: {  	[sflag:s1] =	ssyncadd.s32 $0xFFFFFF80  }
0x65: {  	v59 =	vld [tilespmem:$0x200];
	_ =	sdelay $0x4  }
0x66: {  	(v2sf) =	vpush v59, $0x0;
	_ =	sdelay $0xe  }
0x67: {  	s0 =	spop (v2sf)  }
0x68: {  	p0 =	sne.s32 s0, $0xF4140  }
0x69: {  	s4 =	rddreg [dreg:$0x2];
	s0 =	sand.u32 @p0 $0xFFFFF80, s0  }
0x6a: {  	s1 =	simm.s32 @p0 $0x0;
	s2 =	simm.s32 @p0 $0x6500;
	s0 =	sadd.s32 @p0 s4, s0  }
0x6b: {  	[tilespmem:s2], [sflag:$0x1] =	stream.linear.gather @p0 [hbm4b:s0+s1], $0x800, $0x38;
	[tilespmem:$0x1E500] =	vst v63  }
0x6c: {  	s3 =	simm.s32 @p0 $0x7100;
	s2 =	sadd.s32 @p0 $0xF4280, s0  }
0x6d: {  	[tilespmem:s3], [sflag:$0x1] =	stream.linear.gather @p0 [hbm4b:s2+s1], $0x800, $0x38;
	[tilespmem:$0x1E500] =	vst v63  }
0x6e: {  	s2 =	sadd.s32 @p0 $0x1E8500, s0;
	s3 =	simm.s32 @p0 $0x7D00  }
0x6f: {  	[tilespmem:s3], [sflag:$0x1] =	stream.linear.gather @p0 [hbm4b:s2+s1], $0x800, $0x38;
	[tilespmem:$0x1E500] =	vst v63  }
0x70: {  	s2 =	sadd.s32 @p0 $0x2DC780, s0;
	s3 =	simm.s32 @p0 $0x8900  }
0x71: {  	[tilespmem:s3], [sflag:$0x1] =	stream.linear.gather @p0 [hbm4b:s2+s1], $0x800, $0x38;
	[tilespmem:$0x1E500] =	vst v63  }
0x72: {  	s2 =	sadd.s32 @p0 $0x3D0A00, s0;
	s3 =	simm.s32 @p0 $0x9500  }
0x73: {  	[tilespmem:s3], [sflag:$0x1] =	stream.linear.gather @p0 [hbm4b:s2+s1], $0x800, $0x38;
	[tilespmem:$0x1E500] =	vst v63  }
0x74: {  	s6 =	sld [smem:$0x7F7];
	s2 =	sadd.s32 @p0 $0x4C4C80, s0;
	s3 =	simm.s32 @p0 $0xA100  }
0x75: {  	[tilespmem:s3], [sflag:$0x1] =	stream.linear.gather @p0 [hbm4b:s2+s1], $0x800, $0x38;
	[tilespmem:$0x1E500] =	vst v63  }
0x76: {  	s7 =	sld [smem:$0x7F8];
	s2 =	sadd.s32 @p0 $0x5B8F00, s0;
	s3 =	simm.s32 @p0 $0xAD00  }
0x77: {  	[tilespmem:s3], [sflag:$0x1] =	stream.linear.gather @p0 [hbm4b:s2+s1], $0x800, $0x38;
	[tilespmem:$0x1E500] =	vst v63  }
0x78: {  	s5 =	rddreg [dreg:$0x3];
	s1 =	simm.s32 @!p0 $0x0;
	s2 =	simm.s32 @!p0 $0x6500  }
0x79: {  	[tilespmem:s2], [sflag:$0x1] =	stream.linear.gather @!p0 [hbm4b:s5+s1], $0x800, $0x38;
	[tilespmem:$0x1E500] =	vst v63  }
0x7a: {  	s9 =	sld [smem:$0x7F9];
	s2 =	simm.s32 @!p0 $0x7100  }
0x7b: {  	[tilespmem:s2], [sflag:$0x1] =	stream.linear.gather @!p0 [hbm4b:s6+s1], $0x800, $0x38;
	[tilespmem:$0x1E500] =	vst v63  }
0x7c: {  	s10 =	sld [smem:$0x7FA];
	s2 =	simm.s32 @!p0 $0x7D00  }
0x7d: {  	[tilespmem:s2], [sflag:$0x1] =	stream.linear.gather @!p0 [hbm4b:s7+s1], $0x800, $0x38;
	[tilespmem:$0x1E500] =	vst v63  }
0x7e: {  	s11 =	sld [smem:$0x7FB];
	s2 =	simm.s32 @!p0 $0x8900  }
0x7f: {  	[tilespmem:s2], [sflag:$0x1] =	stream.linear.gather @!p0 [hbm4b:s9+s1], $0x800, $0x38;
	[tilespmem:$0x1E500] =	vst v63  }
0x80: {  	s12 =	sld [smem:$0x7FC];
	s2 =	simm.s32 @!p0 $0x9500  }
0x81: {  	[tilespmem:s2], [sflag:$0x1] =	stream.linear.gather @!p0 [hbm4b:s10+s1], $0x800, $0x38;
	[tilespmem:$0x1E500] =	vst v63  }
0x82: {  	s13 =	sld [smem:$0x7FD];
	s2 =	simm.s32 @!p0 $0xA100  }
0x83: {  	[tilespmem:s2], [sflag:$0x1] =	stream.linear.gather @!p0 [hbm4b:s11+s1], $0x800, $0x38;
	[tilespmem:$0x1E500] =	vst v63  }
0x84: {  	s2 =	simm.s32 @!p0 $0xAD00  }
0x85: {  	[tilespmem:s2], [sflag:$0x1] =	stream.linear.gather @!p0 [hbm4b:s12+s1], $0x800, $0x38;
	[tilespmem:$0x1E500] =	vst v63  }
0x86: {  	s0 =	sadd.s32 @p0 $0x6AD180, s0;
	s1 =	smov.u32 s13  }
0x87: {  	s28 =	simm.s32 $0xB900;
	s1 =	smov.u32 @p0 s0  }
0x88: {  	[tilespmem:s28], [sflag:$0x1] =	stream.linear.gather [hbm4b:s1+s8], $0x800, $0x38;
	[tilespmem:$0x1E500] =	vst v63  }
0x89: {  	v60 =	vld [tilespmem:$0x201];
	_ =	sdelay $0x4  }
0x8a: {  	(v2sf) =	vpush v60, $0x0;
	_ =	sdelay $0xe  }
0x8b: {  	s0 =	spop (v2sf)  }
0x8c: {  	p0 =	sne.s32 s0, $0xF4140  }
0x8d: {  	s0 =	sand.u32 @p0 $0xFFFFF80, s0  }
0x8e: {  	s1 =	simm.s32 @p0 $0x0;
	s2 =	simm.s32 @p0 $0xC500;
	s0 =	sadd.s32 @p0 s4, s0  }
0x8f: {  	[tilespmem:s2], [sflag:$0x2] =	stream.linear.gather @p0 [hbm4b:s0+s1], $0x800, $0x38;
	[tilespmem:$0x1E500] =	vst v63  }
0x90: {  	s3 =	simm.s32 @p0 $0xD100;
	s2 =	sadd.s32 @p0 $0xF4280, s0  }
0x91: {  	[tilespmem:s3], [sflag:$0x2] =	stream.linear.gather @p0 [hbm4b:s2+s1], $0x800, $0x38;
	[tilespmem:$0x1E500] =	vst v63  }
0x92: {  	s2 =	sadd.s32 @p0 $0x1E8500, s0;
	s3 =	simm.s32 @p0 $0xDD00  }
0x93: {  	[tilespmem:s3], [sflag:$0x2] =	stream.linear.gather @p0 [hbm4b:s2+s1], $0x800, $0x38;
	[tilespmem:$0x1E500] =	vst v63  }
0x94: {  	s2 =	sadd.s32 @p0 $0x2DC780, s0;
	s3 =	simm.s32 @p0 $0xE900  }
0x95: {  	[tilespmem:s3], [sflag:$0x2] =	stream.linear.gather @p0 [hbm4b:s2+s1], $0x800, $0x38;
	[tilespmem:$0x1E500] =	vst v63  }
0x96: {  	s2 =	sadd.s32 @p0 $0x3D0A00, s0;
	s3 =	simm.s32 @p0 $0xF500  }
0x97: {  	[tilespmem:s3], [sflag:$0x2] =	stream.linear.gather @p0 [hbm4b:s2+s1], $0x800, $0x38;
	[tilespmem:$0x1E500] =	vst v63  }
0x98: {  	s2 =	sadd.s32 @p0 $0x4C4C80, s0;
	s3 =	simm.s32 @p0 $0x10100  }
0x99: {  	[tilespmem:s3], [sflag:$0x2] =	stream.linear.gather @p0 [hbm4b:s2+s1], $0x800, $0x38;
	[tilespmem:$0x1E500] =	vst v63  }
0x9a: {  	s2 =	sadd.s32 @p0 $0x5B8F00, s0;
	s3 =	simm.s32 @p0 $0x10D00  }
0x9b: {  	[tilespmem:s3], [sflag:$0x2] =	stream.linear.gather @p0 [hbm4b:s2+s1], $0x800, $0x38;
	[tilespmem:$0x1E500] =	vst v63  }
0x9c: {  	s1 =	simm.s32 @!p0 $0x0;
	s2 =	simm.s32 @!p0 $0xC500  }
0x9d: {  	[tilespmem:s2], [sflag:$0x2] =	stream.linear.gather @!p0 [hbm4b:s5+s1], $0x800, $0x38;
	[tilespmem:$0x1E500] =	vst v63  }
0x9e: {  	s2 =	simm.s32 @!p0 $0xD100  }
0x9f: {  	[tilespmem:s2], [sflag:$0x2] =	stream.linear.gather @!p0 [hbm4b:s6+s1], $0x800, $0x38;
	[tilespmem:$0x1E500] =	vst v63  }
0xa0: {  	s2 =	simm.s32 @!p0 $0xDD00  }
0xa1: {  	[tilespmem:s2], [sflag:$0x2] =	stream.linear.gather @!p0 [hbm4b:s7+s1], $0x800, $0x38;
	[tilespmem:$0x1E500] =	vst v63  }
0xa2: {  	s2 =	simm.s32 @!p0 $0xE900  }
0xa3: {  	[tilespmem:s2], [sflag:$0x2] =	stream.linear.gather @!p0 [hbm4b:s9+s1], $0x800, $0x38;
	[tilespmem:$0x1E500] =	vst v63  }
0xa4: {  	s2 =	simm.s32 @!p0 $0xF500  }
0xa5: {  	[tilespmem:s2], [sflag:$0x2] =	stream.linear.gather @!p0 [hbm4b:s10+s1], $0x800, $0x38;
	[tilespmem:$0x1E500] =	vst v63  }
0xa6: {  	s2 =	simm.s32 @!p0 $0x10100  }
0xa7: {  	[tilespmem:s2], [sflag:$0x2] =	stream.linear.gather @!p0 [hbm4b:s11+s1], $0x800, $0x38;
	[tilespmem:$0x1E500] =	vst v63  }
0xa8: {  	s2 =	simm.s32 @!p0 $0x10D00  }
0xa9: {  	[tilespmem:s2], [sflag:$0x2] =	stream.linear.gather @!p0 [hbm4b:s12+s1], $0x800, $0x38;
	[tilespmem:$0x1E500] =	vst v63  }
0xaa: {  	s0 =	sadd.s32 @p0 $0x6AD180, s0;
	s1 =	smov.u32 s13  }
0xab: {  	s29 =	simm.s32 $0x11900;
	s1 =	smov.u32 @p0 s0  }
0xac: {  	[tilespmem:s29], [sflag:$0x2] =	stream.linear.gather [hbm4b:s1+s8], $0x800, $0x38;
	[tilespmem:$0x1E500] =	vst v63  }
0xad: {  	v61 =	vld [tilespmem:$0x202];
	_ =	sdelay $0x4  }
0xae: {  	(v2sf) =	vpush v61, $0x0;
	_ =	sdelay $0xe  }
0xaf: {  	s0 =	spop (v2sf)  }
0xb0: {  	p0 =	sne.s32 s0, $0xF4140  }
0xb1: {  	s0 =	sand.u32 @p0 $0xFFFFF80, s0  }
0xb2: {  	s1 =	simm.s32 @p0 $0x0;
	s2 =	simm.s32 @p0 $0x12500;
	s0 =	sadd.s32 @p0 s4, s0  }
0xb3: {  	[tilespmem:s2], [sflag:$0x3] =	stream.linear.gather @p0 [hbm4b:s0+s1], $0x800, $0x38;
	[tilespmem:$0x1E500] =	vst v63  }
0xb4: {  	s3 =	simm.s32 @p0 $0x13100;
	s2 =	sadd.s32 @p0 $0xF4280, s0  }
0xb5: {  	[tilespmem:s3], [sflag:$0x3] =	stream.linear.gather @p0 [hbm4b:s2+s1], $0x800, $0x38;
	[tilespmem:$0x1E500] =	vst v63  }
0xb6: {  	s2 =	sadd.s32 @p0 $0x1E8500, s0;
	s3 =	simm.s32 @p0 $0x13D00  }
0xb7: {  	[tilespmem:s3], [sflag:$0x3] =	stream.linear.gather @p0 [hbm4b:s2+s1], $0x800, $0x38;
	[tilespmem:$0x1E500] =	vst v63  }
0xb8: {  	s2 =	sadd.s32 @p0 $0x2DC780, s0;
	s3 =	simm.s32 @p0 $0x14900  }
0xb9: {  	[tilespmem:s3], [sflag:$0x3] =	stream.linear.gather @p0 [hbm4b:s2+s1], $0x800, $0x38;
	[tilespmem:$0x1E500] =	vst v63  }
0xba: {  	s2 =	sadd.s32 @p0 $0x3D0A00, s0;
	s3 =	simm.s32 @p0 $0x15500  }
0xbb: {  	[tilespmem:s3], [sflag:$0x3] =	stream.linear.gather @p0 [hbm4b:s2+s1], $0x800, $0x38;
	[tilespmem:$0x1E500] =	vst v63  }
0xbc: {  	s2 =	sadd.s32 @p0 $0x4C4C80, s0;
	s3 =	simm.s32 @p0 $0x16100  }
0xbd: {  	[tilespmem:s3], [sflag:$0x3] =	stream.linear.gather @p0 [hbm4b:s2+s1], $0x800, $0x38;
	[tilespmem:$0x1E500] =	vst v63  }
0xbe: {  	s2 =	sadd.s32 @p0 $0x5B8F00, s0;
	s3 =	simm.s32 @p0 $0x16D00  }
0xbf: {  	[tilespmem:s3], [sflag:$0x3] =	stream.linear.gather @p0 [hbm4b:s2+s1], $0x800, $0x38;
	[tilespmem:$0x1E500] =	vst v63  }
0xc0: {  	s1 =	simm.s32 @!p0 $0x0;
	s2 =	simm.s32 @!p0 $0x12500  }
0xc1: {  	[tilespmem:s2], [sflag:$0x3] =	stream.linear.gather @!p0 [hbm4b:s5+s1], $0x800, $0x38;
	[tilespmem:$0x1E500] =	vst v63  }
0xc2: {  	s2 =	simm.s32 @!p0 $0x13100  }
0xc3: {  	[tilespmem:s2], [sflag:$0x3] =	stream.linear.gather @!p0 [hbm4b:s6+s1], $0x800, $0x38;
	[tilespmem:$0x1E500] =	vst v63  }
0xc4: {  	s2 =	simm.s32 @!p0 $0x13D00  }
0xc5: {  	[tilespmem:s2], [sflag:$0x3] =	stream.linear.gather @!p0 [hbm4b:s7+s1], $0x800, $0x38;
	[tilespmem:$0x1E500] =	vst v63  }
0xc6: {  	s2 =	simm.s32 @!p0 $0x14900  }
0xc7: {  	[tilespmem:s2], [sflag:$0x3] =	stream.linear.gather @!p0 [hbm4b:s9+s1], $0x800, $0x38;
	[tilespmem:$0x1E500] =	vst v63  }
0xc8: {  	s2 =	simm.s32 @!p0 $0x15500  }
0xc9: {  	[tilespmem:s2], [sflag:$0x3] =	stream.linear.gather @!p0 [hbm4b:s10+s1], $0x800, $0x38;
	[tilespmem:$0x1E500] =	vst v63  }
0xca: {  	s2 =	simm.s32 @!p0 $0x16100  }
0xcb: {  	[tilespmem:s2], [sflag:$0x3] =	stream.linear.gather @!p0 [hbm4b:s11+s1], $0x800, $0x38;
	[tilespmem:$0x1E500] =	vst v63  }
0xcc: {  	s2 =	simm.s32 @!p0 $0x16D00  }
0xcd: {  	[tilespmem:s2], [sflag:$0x3] =	stream.linear.gather @!p0 [hbm4b:s12+s1], $0x800, $0x38;
	[tilespmem:$0x1E500] =	vst v63  }
0xce: {  	s0 =	sadd.s32 @p0 $0x6AD180, s0;
	s1 =	smov.u32 s13  }
0xcf: {  	s30 =	simm.s32 $0x17900;
	s1 =	smov.u32 @p0 s0  }
0xd0: {  	[tilespmem:s30], [sflag:$0x3] =	stream.linear.gather [hbm4b:s1+s8], $0x800, $0x38;
	[tilespmem:$0x1E500] =	vst v63  }
0xd1: {  	v62 =	vld [tilespmem:$0x203];
	_ =	sdelay $0x4  }
0xd2: {  	(v2sf) =	vpush v62, $0x0;
	_ =	sdelay $0xe  }
0xd3: {  	s0 =	spop (v2sf)  }
0xd4: {  	p0 =	sne.s32 s0, $0xF4140  }
0xd5: {  	s0 =	sand.u32 @p0 $0xFFFFF80, s0  }
0xd6: {  	s1 =	simm.s32 @p0 $0x0;
	s2 =	simm.s32 @p0 $0x18500;
	s0 =	sadd.s32 @p0 s4, s0  }
0xd7: {  	[tilespmem:s2], [sflag:$0x4] =	stream.linear.gather @p0 [hbm4b:s0+s1], $0x800, $0x38;
	[tilespmem:$0x1E500] =	vst v63  }
0xd8: {  	s3 =	simm.s32 @p0 $0x19100;
	s2 =	sadd.s32 @p0 $0xF4280, s0  }
0xd9: {  	[tilespmem:s3], [sflag:$0x4] =	stream.linear.gather @p0 [hbm4b:s2+s1], $0x800, $0x38;
	[tilespmem:$0x1E500] =	vst v63  }
0xda: {  	s2 =	sadd.s32 @p0 $0x1E8500, s0;
	s3 =	simm.s32 @p0 $0x19D00  }
0xdb: {  	[tilespmem:s3], [sflag:$0x4] =	stream.linear.gather @p0 [hbm4b:s2+s1], $0x800, $0x38;
	[tilespmem:$0x1E500] =	vst v63  }
0xdc: {  	s2 =	sadd.s32 @p0 $0x2DC780, s0;
	s3 =	simm.s32 @p0 $0x1A900  }
0xdd: {  	[tilespmem:s3], [sflag:$0x4] =	stream.linear.gather @p0 [hbm4b:s2+s1], $0x800, $0x38;
	[tilespmem:$0x1E500] =	vst v63  }
0xde: {  	s2 =	sadd.s32 @p0 $0x3D0A00, s0;
	s3 =	simm.s32 @p0 $0x1B500  }
0xdf: {  	[tilespmem:s3], [sflag:$0x4] =	stream.linear.gather @p0 [hbm4b:s2+s1], $0x800, $0x38;
	[tilespmem:$0x1E500] =	vst v63  }
0xe0: {  	s2 =	sadd.s32 @p0 $0x4C4C80, s0;
	s3 =	simm.s32 @p0 $0x1C100  }
0xe1: {  	[tilespmem:s3], [sflag:$0x4] =	stream.linear.gather @p0 [hbm4b:s2+s1], $0x800, $0x38;
	[tilespmem:$0x1E500] =	vst v63  }
0xe2: {  	s2 =	sadd.s32 @p0 $0x5B8F00, s0;
	s3 =	simm.s32 @p0 $0x1CD00  }
0xe3: {  	[tilespmem:s3], [sflag:$0x4] =	stream.linear.gather @p0 [hbm4b:s2+s1], $0x800, $0x38;
	[tilespmem:$0x1E500] =	vst v63  }
0xe4: {  	s1 =	simm.s32 @!p0 $0x0;
	s2 =	simm.s32 @!p0 $0x18500  }
0xe5: {  	[tilespmem:s2], [sflag:$0x4] =	stream.linear.gather @!p0 [hbm4b:s5+s1], $0x800, $0x38;
	[tilespmem:$0x1E500] =	vst v63  }
0xe6: {  	s2 =	simm.s32 @!p0 $0x19100  }
0xe7: {  	[tilespmem:s2], [sflag:$0x4] =	stream.linear.gather @!p0 [hbm4b:s6+s1], $0x800, $0x38;
	[tilespmem:$0x1E500] =	vst v63  }
0xe8: {  	s2 =	simm.s32 @!p0 $0x19D00  }
0xe9: {  	[tilespmem:s2], [sflag:$0x4] =	stream.linear.gather @!p0 [hbm4b:s7+s1], $0x800, $0x38;
	[tilespmem:$0x1E500] =	vst v63  }
0xea: {  	s2 =	simm.s32 @!p0 $0x1A900  }
0xeb: {  	[tilespmem:s2], [sflag:$0x4] =	stream.linear.gather @!p0 [hbm4b:s9+s1], $0x800, $0x38;
	[tilespmem:$0x1E500] =	vst v63  }
0xec: {  	s2 =	simm.s32 @!p0 $0x1B500  }
0xed: {  	[tilespmem:s2], [sflag:$0x4] =	stream.linear.gather @!p0 [hbm4b:s10+s1], $0x800, $0x38;
	[tilespmem:$0x1E500] =	vst v63  }
0xee: {  	s2 =	simm.s32 @!p0 $0x1C100  }
0xef: {  	[tilespmem:s2], [sflag:$0x4] =	stream.linear.gather @!p0 [hbm4b:s11+s1], $0x800, $0x38;
	[tilespmem:$0x1E500] =	vst v63  }
0xf0: {  	s2 =	simm.s32 @!p0 $0x1CD00  }
0xf1: {  	[tilespmem:s2], [sflag:$0x4] =	stream.linear.gather @!p0 [hbm4b:s12+s1], $0x800, $0x38;
	[tilespmem:$0x1E500] =	vst v63  }
0xf2: {  	s0 =	sadd.s32 @p0 $0x6AD180, s0;
	s1 =	smov.u32 s13  }
0xf3: {  	s31 =	simm.s32 $0x1D900;
	s1 =	smov.u32 @p0 s0  }
0xf4: {  	v63 =	vimm.f32 $0.0e+00;
	[tilespmem:s31], [sflag:$0x4] =	stream.linear.gather [hbm4b:s1+s8], $0x800, $0x38;
	[tilespmem:$0x1E500] =	vst v63  }
0xf5: {  	[tilespmem:$0x6D00] =	vst v63  }
0xf6: {  	[tilespmem:$0x6D80] =	vst v63  }
0xf7: {  	[tilespmem:$0x6E00] =	vst v63  }
0xf8: {  	[tilespmem:$0x6E80] =	vst v63  }
0xf9: {  	[tilespmem:$0x6F00] =	vst v63  }
0xfa: {  	[tilespmem:$0x6F80] =	vst v63  }
0xfb: {  	[tilespmem:$0x7000] =	vst v63  }
0xfc: {  	[tilespmem:$0x7080] =	vst v63  }
0xfd: {  	[tilespmem:$0x7900] =	vst v63  }
0xfe: {  	[tilespmem:$0x7980] =	vst v63  }
0xff: {  	[tilespmem:$0x7A00] =	vst v63  }
0x100: {  	[tilespmem:$0x7A80] =	vst v63  }
0x101: {  	[tilespmem:$0x7B00] =	vst v63  }
0x102: {  	[tilespmem:$0x7B80] =	vst v63  }
0x103: {  	[tilespmem:$0x7C00] =	vst v63  }
0x104: {  	[tilespmem:$0x7C80] =	vst v63  }
0x105: {  	[tilespmem:$0x8500] =	vst v63  }
0x106: {  	[tilespmem:$0x8580] =	vst v63  }
0x107: {  	[tilespmem:$0x8600] =	vst v63  }
0x108: {  	[tilespmem:$0x8680] =	vst v63  }
0x109: {  	[tilespmem:$0x8700] =	vst v63  }
0x10a: {  	[tilespmem:$0x8780] =	vst v63  }
0x10b: {  	[tilespmem:$0x8800] =	vst v63  }
0x10c: {  	[tilespmem:$0x8880] =	vst v63  }
0x10d: {  	[tilespmem:$0x9100] =	vst v63  }
0x10e: {  	[tilespmem:$0x9180] =	vst v63  }
0x10f: {  	[tilespmem:$0x9200] =	vst v63  }
0x110: {  	[tilespmem:$0x9280] =	vst v63  }
0x111: {  	[tilespmem:$0x9300] =	vst v63  }
0x112: {  	[tilespmem:$0x9380] =	vst v63  }
0x113: {  	[tilespmem:$0x9400] =	vst v63  }
0x114: {  	[tilespmem:$0x9480] =	vst v63  }
0x115: {  	[tilespmem:$0x9D00] =	vst v63  }
0x116: {  	[tilespmem:$0x9D80] =	vst v63  }
0x117: {  	[tilespmem:$0x9E00] =	vst v63  }
0x118: {  	[tilespmem:$0x9E80] =	vst v63  }
0x119: {  	[tilespmem:$0x9F00] =	vst v63  }
0x11a: {  	[tilespmem:$0x9F80] =	vst v63  }
0x11b: {  	[tilespmem:$0xA000] =	vst v63  }
0x11c: {  	[tilespmem:$0xA080] =	vst v63  }
0x11d: {  	[tilespmem:$0xA900] =	vst v63  }
0x11e: {  	[tilespmem:$0xA980] =	vst v63  }
0x11f: {  	[tilespmem:$0xAA00] =	vst v63  }
0x120: {  	[tilespmem:$0xAA80] =	vst v63  }
0x121: {  	[tilespmem:$0xAB00] =	vst v63  }
0x122: {  	[tilespmem:$0xAB80] =	vst v63  }
0x123: {  	[tilespmem:$0xAC00] =	vst v63  }
0x124: {  	[tilespmem:$0xAC80] =	vst v63  }
0x125: {  	[tilespmem:$0xB500] =	vst v63  }
0x126: {  	[tilespmem:$0xB580] =	vst v63  }
0x127: {  	[tilespmem:$0xB600] =	vst v63  }
0x128: {  	[tilespmem:$0xB680] =	vst v63  }
0x129: {  	[tilespmem:$0xB700] =	vst v63  }
0x12a: {  	[tilespmem:$0xB780] =	vst v63  }
0x12b: {  	[tilespmem:$0xB800] =	vst v63  }
0x12c: {  	[tilespmem:$0xB880] =	vst v63  }
0x12d: {  	[tilespmem:$0xC100] =	vst v63  }
0x12e: {  	[tilespmem:$0xC180] =	vst v63  }
0x12f: {  	[tilespmem:$0xC200] =	vst v63  }
0x130: {  	[tilespmem:$0xC280] =	vst v63  }
0x131: {  	[tilespmem:$0xC300] =	vst v63  }
0x132: {  	[tilespmem:$0xC380] =	vst v63  }
0x133: {  	[tilespmem:$0xC400] =	vst v63  }
0x134: {  	[tilespmem:$0xC480] =	vst v63  }
0x135: {  	[tilespmem:$0xCD00] =	vst v63  }
0x136: {  	[tilespmem:$0xCD80] =	vst v63  }
0x137: {  	[tilespmem:$0xCE00] =	vst v63  }
0x138: {  	[tilespmem:$0xCE80] =	vst v63  }
0x139: {  	[tilespmem:$0xCF00] =	vst v63  }
0x13a: {  	[tilespmem:$0xCF80] =	vst v63  }
0x13b: {  	[tilespmem:$0xD000] =	vst v63  }
0x13c: {  	[tilespmem:$0xD080] =	vst v63  }
0x13d: {  	[tilespmem:$0xD900] =	vst v63  }
0x13e: {  	[tilespmem:$0xD980] =	vst v63  }
0x13f: {  	[tilespmem:$0xDA00] =	vst v63  }
0x140: {  	[tilespmem:$0xDA80] =	vst v63  }
0x141: {  	[tilespmem:$0xDB00] =	vst v63  }
0x142: {  	[tilespmem:$0xDB80] =	vst v63  }
0x143: {  	[tilespmem:$0xDC00] =	vst v63  }
0x144: {  	[tilespmem:$0xDC80] =	vst v63  }
0x145: {  	[tilespmem:$0xE500] =	vst v63  }
0x146: {  	[tilespmem:$0xE580] =	vst v63  }
0x147: {  	[tilespmem:$0xE600] =	vst v63  }
0x148: {  	[tilespmem:$0xE680] =	vst v63  }
0x149: {  	[tilespmem:$0xE700] =	vst v63  }
0x14a: {  	[tilespmem:$0xE780] =	vst v63  }
0x14b: {  	[tilespmem:$0xE800] =	vst v63  }
0x14c: {  	[tilespmem:$0xE880] =	vst v63  }
0x14d: {  	[tilespmem:$0xF100] =	vst v63  }
0x14e: {  	[tilespmem:$0xF180] =	vst v63  }
0x14f: {  	[tilespmem:$0xF200] =	vst v63  }
0x150: {  	[tilespmem:$0xF280] =	vst v63  }
0x151: {  	[tilespmem:$0xF300] =	vst v63  }
0x152: {  	[tilespmem:$0xF380] =	vst v63  }
0x153: {  	[tilespmem:$0xF400] =	vst v63  }
0x154: {  	[tilespmem:$0xF480] =	vst v63  }
0x155: {  	[tilespmem:$0xFD00] =	vst v63  }
0x156: {  	[tilespmem:$0xFD80] =	vst v63  }
0x157: {  	[tilespmem:$0xFE00] =	vst v63  }
0x158: {  	[tilespmem:$0xFE80] =	vst v63  }
0x159: {  	[tilespmem:$0xFF00] =	vst v63  }
0x15a: {  	[tilespmem:$0xFF80] =	vst v63  }
0x15b: {  	[tilespmem:$0x10000] =	vst v63  }
0x15c: {  	[tilespmem:$0x10080] =	vst v63  }
0x15d: {  	[tilespmem:$0x10900] =	vst v63  }
0x15e: {  	[tilespmem:$0x10980] =	vst v63  }
0x15f: {  	[tilespmem:$0x10A00] =	vst v63  }
0x160: {  	[tilespmem:$0x10A80] =	vst v63  }
0x161: {  	[tilespmem:$0x10B00] =	vst v63  }
0x162: {  	[tilespmem:$0x10B80] =	vst v63  }
0x163: {  	[tilespmem:$0x10C00] =	vst v63  }
0x164: {  	[tilespmem:$0x10C80] =	vst v63  }
0x165: {  	[tilespmem:$0x11500] =	vst v63  }
0x166: {  	[tilespmem:$0x11580] =	vst v63  }
0x167: {  	[tilespmem:$0x11600] =	vst v63  }
0x168: {  	[tilespmem:$0x11680] =	vst v63  }
0x169: {  	[tilespmem:$0x11700] =	vst v63  }
0x16a: {  	[tilespmem:$0x11780] =	vst v63  }
0x16b: {  	[tilespmem:$0x11800] =	vst v63  }
0x16c: {  	[tilespmem:$0x11880] =	vst v63  }
0x16d: {  	[tilespmem:$0x12100] =	vst v63  }
0x16e: {  	[tilespmem:$0x12180] =	vst v63  }
0x16f: {  	[tilespmem:$0x12200] =	vst v63  }
0x170: {  	[tilespmem:$0x12280] =	vst v63  }
0x171: {  	[tilespmem:$0x12300] =	vst v63  }
0x172: {  	[tilespmem:$0x12380] =	vst v63  }
0x173: {  	[tilespmem:$0x12400] =	vst v63  }
0x174: {  	[tilespmem:$0x12480] =	vst v63  }
0x175: {  	[tilespmem:$0x12D00] =	vst v63  }
0x176: {  	[tilespmem:$0x12D80] =	vst v63  }
0x177: {  	[tilespmem:$0x12E00] =	vst v63  }
0x178: {  	[tilespmem:$0x12E80] =	vst v63  }
0x179: {  	[tilespmem:$0x12F00] =	vst v63  }
0x17a: {  	[tilespmem:$0x12F80] =	vst v63  }
0x17b: {  	[tilespmem:$0x13000] =	vst v63  }
0x17c: {  	[tilespmem:$0x13080] =	vst v63  }
0x17d: {  	[tilespmem:$0x13900] =	vst v63  }
0x17e: {  	[tilespmem:$0x13980] =	vst v63  }
0x17f: {  	[tilespmem:$0x13A00] =	vst v63  }
0x180: {  	[tilespmem:$0x13A80] =	vst v63  }
0x181: {  	[tilespmem:$0x13B00] =	vst v63  }
0x182: {  	[tilespmem:$0x13B80] =	vst v63  }
0x183: {  	[tilespmem:$0x13C00] =	vst v63  }
0x184: {  	[tilespmem:$0x13C80] =	vst v63  }
0x185: {  	[tilespmem:$0x14500] =	vst v63  }
0x186: {  	[tilespmem:$0x14580] =	vst v63  }
0x187: {  	[tilespmem:$0x14600] =	vst v63  }
0x188: {  	[tilespmem:$0x14680] =	vst v63  }
0x189: {  	[tilespmem:$0x14700] =	vst v63  }
0x18a: {  	[tilespmem:$0x14780] =	vst v63  }
0x18b: {  	[tilespmem:$0x14800] =	vst v63  }
0x18c: {  	[tilespmem:$0x14880] =	vst v63  }
0x18d: {  	[tilespmem:$0x15100] =	vst v63  }
0x18e: {  	[tilespmem:$0x15180] =	vst v63  }
0x18f: {  	[tilespmem:$0x15200] =	vst v63  }
0x190: {  	[tilespmem:$0x15280] =	vst v63  }
0x191: {  	[tilespmem:$0x15300] =	vst v63  }
0x192: {  	[tilespmem:$0x15380] =	vst v63  }
0x193: {  	[tilespmem:$0x15400] =	vst v63  }
0x194: {  	[tilespmem:$0x15480] =	vst v63  }
0x195: {  	[tilespmem:$0x15D00] =	vst v63  }
0x196: {  	[tilespmem:$0x15D80] =	vst v63  }
0x197: {  	[tilespmem:$0x15E00] =	vst v63  }
0x198: {  	[tilespmem:$0x15E80] =	vst v63  }
0x199: {  	[tilespmem:$0x15F00] =	vst v63  }
0x19a: {  	[tilespmem:$0x15F80] =	vst v63  }
0x19b: {  	[tilespmem:$0x16000] =	vst v63  }
0x19c: {  	[tilespmem:$0x16080] =	vst v63  }
0x19d: {  	[tilespmem:$0x16900] =	vst v63  }
0x19e: {  	[tilespmem:$0x16980] =	vst v63  }
0x19f: {  	[tilespmem:$0x16A00] =	vst v63  }
0x1a0: {  	[tilespmem:$0x16A80] =	vst v63  }
0x1a1: {  	[tilespmem:$0x16B00] =	vst v63  }
0x1a2: {  	[tilespmem:$0x16B80] =	vst v63  }
0x1a3: {  	[tilespmem:$0x16C00] =	vst v63  }
0x1a4: {  	[tilespmem:$0x16C80] =	vst v63  }
0x1a5: {  	[tilespmem:$0x17500] =	vst v63  }
0x1a6: {  	[tilespmem:$0x17580] =	vst v63  }
0x1a7: {  	[tilespmem:$0x17600] =	vst v63  }
0x1a8: {  	[tilespmem:$0x17680] =	vst v63  }
0x1a9: {  	[tilespmem:$0x17700] =	vst v63  }
0x1aa: {  	[tilespmem:$0x17780] =	vst v63  }
0x1ab: {  	[tilespmem:$0x17800] =	vst v63  }
0x1ac: {  	[tilespmem:$0x17880] =	vst v63  }
0x1ad: {  	[tilespmem:$0x18100] =	vst v63  }
0x1ae: {  	[tilespmem:$0x18180] =	vst v63  }
0x1af: {  	[tilespmem:$0x18200] =	vst v63  }
0x1b0: {  	[tilespmem:$0x18280] =	vst v63  }
0x1b1: {  	[tilespmem:$0x18300] =	vst v63  }
0x1b2: {  	[tilespmem:$0x18380] =	vst v63  }
0x1b3: {  	[tilespmem:$0x18400] =	vst v63  }
0x1b4: {  	[tilespmem:$0x18480] =	vst v63  }
0x1b5: {  	[tilespmem:$0x18D00] =	vst v63  }
0x1b6: {  	[tilespmem:$0x18D80] =	vst v63  }
0x1b7: {  	[tilespmem:$0x18E00] =	vst v63  }
0x1b8: {  	[tilespmem:$0x18E80] =	vst v63  }
0x1b9: {  	[tilespmem:$0x18F00] =	vst v63  }
0x1ba: {  	[tilespmem:$0x18F80] =	vst v63  }
0x1bb: {  	[tilespmem:$0x19000] =	vst v63  }
0x1bc: {  	[tilespmem:$0x19080] =	vst v63  }
0x1bd: {  	[tilespmem:$0x19900] =	vst v63  }
0x1be: {  	[tilespmem:$0x19980] =	vst v63  }
0x1bf: {  	[tilespmem:$0x19A00] =	vst v63  }
0x1c0: {  	[tilespmem:$0x19A80] =	vst v63  }
0x1c1: {  	[tilespmem:$0x19B00] =	vst v63  }
0x1c2: {  	[tilespmem:$0x19B80] =	vst v63  }
0x1c3: {  	[tilespmem:$0x19C00] =	vst v63  }
0x1c4: {  	[tilespmem:$0x19C80] =	vst v63  }
0x1c5: {  	[tilespmem:$0x1A500] =	vst v63  }
0x1c6: {  	[tilespmem:$0x1A580] =	vst v63  }
0x1c7: {  	[tilespmem:$0x1A600] =	vst v63  }
0x1c8: {  	[tilespmem:$0x1A680] =	vst v63  }
0x1c9: {  	[tilespmem:$0x1A700] =	vst v63  }
0x1ca: {  	[tilespmem:$0x1A780] =	vst v63  }
0x1cb: {  	[tilespmem:$0x1A800] =	vst v63  }
0x1cc: {  	[tilespmem:$0x1A880] =	vst v63  }
0x1cd: {  	[tilespmem:$0x1B100] =	vst v63  }
0x1ce: {  	[tilespmem:$0x1B180] =	vst v63  }
0x1cf: {  	[tilespmem:$0x1B200] =	vst v63  }
0x1d0: {  	[tilespmem:$0x1B280] =	vst v63  }
0x1d1: {  	[tilespmem:$0x1B300] =	vst v63  }
0x1d2: {  	[tilespmem:$0x1B380] =	vst v63  }
0x1d3: {  	[tilespmem:$0x1B400] =	vst v63  }
0x1d4: {  	[tilespmem:$0x1B480] =	vst v63  }
0x1d5: {  	[tilespmem:$0x1BD00] =	vst v63  }
0x1d6: {  	[tilespmem:$0x1BD80] =	vst v63  }
0x1d7: {  	[tilespmem:$0x1BE00] =	vst v63  }
0x1d8: {  	[tilespmem:$0x1BE80] =	vst v63  }
0x1d9: {  	[tilespmem:$0x1BF00] =	vst v63  }
0x1da: {  	[tilespmem:$0x1BF80] =	vst v63  }
0x1db: {  	[tilespmem:$0x1C000] =	vst v63  }
0x1dc: {  	[tilespmem:$0x1C080] =	vst v63  }
0x1dd: {  	[tilespmem:$0x1C900] =	vst v63  }
0x1de: {  	[tilespmem:$0x1C980] =	vst v63  }
0x1df: {  	[tilespmem:$0x1CA00] =	vst v63  }
0x1e0: {  	[tilespmem:$0x1CA80] =	vst v63  }
0x1e1: {  	[tilespmem:$0x1CB00] =	vst v63  }
0x1e2: {  	[tilespmem:$0x1CB80] =	vst v63  }
0x1e3: {  	[tilespmem:$0x1CC00] =	vst v63  }
0x1e4: {  	[tilespmem:$0x1CC80] =	vst v63  }
0x1e5: {  	[tilespmem:$0x1D500] =	vst v63  }
0x1e6: {  	[tilespmem:$0x1D580] =	vst v63  }
0x1e7: {  	[tilespmem:$0x1D600] =	vst v63  }
0x1e8: {  	[tilespmem:$0x1D680] =	vst v63  }
0x1e9: {  	[tilespmem:$0x1D700] =	vst v63  }
0x1ea: {  	[tilespmem:$0x1D780] =	vst v63  }
0x1eb: {  	[tilespmem:$0x1D800] =	vst v63  }
0x1ec: {  	[tilespmem:$0x1D880] =	vst v63  }
0x1ed: {  	[tilespmem:$0x1E100] =	vst v63  }
0x1ee: {  	[tilespmem:$0x1E180] =	vst v63  }
0x1ef: {  	[tilespmem:$0x1E200] =	vst v63  }
0x1f0: {  	[tilespmem:$0x1E280] =	vst v63  }
0x1f1: {  	[tilespmem:$0x1E300] =	vst v63  }
0x1f2: {  	[tilespmem:$0x1E380] =	vst v63  }
0x1f3: {  	[tilespmem:$0x1E400] =	vst v63  }
0x1f4: {  	s1 =	simm.s32 $0x0;
	[tilespmem:$0x1E480] =	vst v63  }
.LBB2_2:
0x1f5: {  	s0 =	simm.s32 $0x1  }
0x1f6: {  	_ =	swait.ge [sflag:s0], $0x4000  }
0x1f7: {  	[sflag:s0] =	ssyncset.done $0x0  }
0x1f8: {  	s3 =	sshll.u32 s1, $0x2;
	[sflag:s0] =	ssyncadd.s32 $0xFFFFC000  }
0x1f9: {  	v0 =	vld [tilespmem:s3+$0x200]  }
0x1fa: {  	v1 =	vld [tilespmem:s3+$0x100];
	_ =	sdelay $0x3  }
0x1fb: {  	(v2sf) =	vpush v0, $0x0  }
0x1fc: {  	(v2sf) =	vpush v1, $0x0;
	_ =	sdelay $0xd  }
0x1fd: {  	s0 =	spop (v2sf)  }
0x1fe: {  	s19 =	spop (v2sf)  }
0x1ff: {  	s2 =	ssub.s32 s19, s0  }
0x200: {  	v2 =	vld.msk [tilespmem:s3+$0x300 ss:$0x0], $0xffff;
	s5 =	sand.u32 $0xFFFFFFF0, s2  }
0x201: {  	s4 =	sadd.s32 s0, s5  }
0x202: {  	v3 =	vld [tilespmem:$0x1FF00];
	v0 =	vadd.s32 s4, v54  }
0x203: {  	v4 =	vld [tilespmem:$0x1FF10];
	v0 =	vcvt.s32.f32 v0  }
0x204: {  	v1 =	vld.msk [tilespmem:s3+$0x400 ss:$0x0], $0xffff  }
0x205: {  	v7 =	vld [tilespmem:$0x1FF30];
	v0 =	vsub.f32 v0, v2;
	_ =	sdelay $0x1  }
0x206: {  	v5 =	vld [tilespmem:$0x1FF20];
	v3 =	vadd.s32 s4, v3;
	v0 =	vmul.f32 v0, v0  }
0x207: {  	v4 =	vadd.s32 s4, v4;
	v3 =	vcvt.s32.f32 v3  }
0x208: {  	v4 =	vcvt.s32.f32 v4;
	v0 =	vmul.f32 v0, v1  }
0x209: {  	v7 =	vadd.s32 s4, v7;
	v3 =	vsub.f32 v3, v2  }
0x20a: {  	v7 =	vcvt.s32.f32 v7;
	v4 =	vsub.f32 v4, v2;
	v0 =	vmul.f32 $1.442695020e+00, v0  }
0x20b: {  	v5 =	vadd.s32 s4, v5;
	v3 =	vmul.f32 v3, v3  }
0x20c: {  	(erf) = vpow2.f32 v0;
	v0 =	vmul.f32 v4, v4;
	v4 =	vsub.f32 v7, v2  }
0x20d: {  	v5 =	vcvt.s32.f32 v5;
	v3 =	vmul.f32 v3, v1  }
0x20e: {  	v0 =	vmul.f32 v0, v1;
	v4 =	vmul.f32 v4, v4  }
0x20f: {  	s23 =	simm.s32 $0x0;
	[smem:$0x7EF] =	sst s1;
	v5 =	vsub.f32 v5, v2;
	v3 =	vmul.f32 $1.442695020e+00, v3  }
0x210: {  	s24 =	smul.u32 $0x3000, s23;
	[smem:$0x7F0] =	sst s3;
	s6 =	sshll.u32 s2, $0x3;
	v0 =	vmul.f32 $1.442695020e+00, v0;
	v4 =	vmul.f32 v4, v1  }
0x211: {  	s3 =	sand.u32 $0x70, s2;
	s7 =	sadd.s32 $0x10, s5;
	s9 =	sand.u32 $0xFFFFFC00, s6;
	v5 =	vmul.f32 v5, v5;
	(erf) = vpow2.f32 v3  }
0x212: {  	s12 =	sadd.s32 $0x20, s5;
	s8 =	sadd.s32 $0x30, s5;
	s16 =	sadd.s32 $0x50, s5;
	(erf) = vpow2.f32 v0;
	v0 =	vmul.f32 $1.442695020e+00, v4;
	v4 =	vld [tilespmem:$0x1FF40]  }
0x213: {  	s10 =	sshll.u32 s7, $0x3;
	[dreg:$0x7] =	wrdreg s9;
	s7 =	sand.u32 $0x70, s7  }
0x214: {  	s13 =	sshll.u32 s12, $0x3;
	s6 =	sand.u32 $0x70, s12;
	s14 =	sshll.u32 s8, $0x3;
	v5 =	vmul.f32 v5, v1  }
0x215: {  	s9 =	sadd.s32 $0x40, s5;
	s8 =	sand.u32 $0x70, s8;
	s18 =	sshll.u32 s16, $0x3  }
0x216: {  	s11 =	sand.u32 $0xFFFFFC00, s10;
	s2 =	sand.u32 $0xFFFFFC00, s13;
	s25 =	rddreg [dreg:$0x7];
	v3 =	vmul.f32 $1.442695020e+00, v5  }
0x217: {  	s10 =	sshll.u32 s9, $0x3;
	s9 =	sand.u32 $0x70, s9;
	[dreg:$0x8] =	wrdreg s11;
	v7 =	vld [tilespmem:$0x1FF70];
	v4 =	vadd.s32 s4, v4  }
0x218: {  	[dreg:$0x9] =	wrdreg s2;
	s2 =	sand.u32 $0xFFFFFC00, s14;
	s15 =	sand.u32 $0xFFFFFC00, s10;
	(erf) = vpow2.f32 v3;
	v3 =	vcvt.s32.f32 v4;
	v4 =	vld [tilespmem:$0x1FF50]  }
0x219: {  	s11 =	sadd.s32 $0x60, s5;
	s5 =	sadd.s32 $0x70, s5;
	[dreg:$0xa] =	wrdreg s2;
	v5 =	vld [tilespmem:$0x1FF60]  }
0x21a: {  	s10 =	sand.u32 $0x70, s16;
	[dreg:$0xb] =	wrdreg s15;
	s2 =	sand.u32 $0xFFFFFC00, s18  }
0x21b: {  	s17 =	sshll.u32 s11, $0x3;
	s21 =	sshll.u32 s5, $0x3;
	s28 =	rddreg [dreg:$0x8]  }
0x21c: {  	v11 =	vmov s7;
	s11 =	sand.u32 $0x70, s11;
	s26 =	sand.u32 $0x70, s5;
	s29 =	rddreg [dreg:$0x9];
	(erf) = vpow2.f32 v0;
	v0 =	vmov s3  }
0x21d: {  	v12 =	vmov s6;
	s18 =	simm.s32 $0x180;
	[dreg:$0xc] =	wrdreg s2;
	s2 =	sshra.s32 s24, $0x2;
	v10 =	vadd.s32 s4, v7;
	v4 =	vadd.s32 s4, v4  }
0x21e: {  	s20 =	sand.u32 $0xFFFFFC00, s17;
	s22 =	sand.u32 $0xFFFFFC00, s21;
	s2 =	sadd.s32 $0x6500, s2;
	v5 =	vadd.s32 s4, v5;
	v3 =	vsub.f32 v3, v2;
	v4 =	vcvt.s32.f32 v4  }
0x21f: {  	v13 =	vmov s8;
	[dreg:$0xd] =	wrdreg s20;
	s20 =	sadd.s32 s25, s2;
	v7 =	vcvt.s32.f32 v10;
	v5 =	vcvt.s32.f32 v5;
	s4 =	sand.u32 $0x380, s18  }
0x220: {  	v14 =	vmov s9;
	[dreg:$0xe] =	wrdreg s22;
	s21 =	sadd.s32 s28, s2;
	v3 =	vmul.f32 v3, v3;
	s0 =	sadd.s32 s4, s20;
	v4 =	vsub.f32 v4, v2  }
0x221: {  	v15 =	vmov s10;
	s30 =	rddreg [dreg:$0xa];
	s22 =	sadd.s32 s29, s2;
	v5 =	vsub.f32 v5, v2;
	s9 =	sadd.s32 s4, s21;
	v18 =	vld.idx.msk [tilespmem:v0+s0+$0x0 ss:$0x1], $0xffff;
	v2 =	vsub.f32 v7, v2  }
0x222: {  	s31 =	rddreg [dreg:$0xb];
	v16 =	vmov s11;
	s5 =	sadd.s32 s30, s2;
	s11 =	sadd.s32 s4, s22;
	v3 =	vmul.f32 v3, v1;
	v19 =	vld.idx.msk [tilespmem:v11+s9+$0x0 ss:$0x1], $0xffff;
	v4 =	vmul.f32 v4, v4  }
0x223: {  	v17 =	vmov s26;
	s6 =	sadd.s32 s31, s2;
	s3 =	rddreg [dreg:$0xc];
	v5 =	vmul.f32 v5, v5;
	s13 =	sadd.s32 s4, s5;
	v20 =	vld.idx.msk [tilespmem:v12+s11+$0x0 ss:$0x1], $0xffff;
	v2 =	vmul.f32 v2, v2  }
0x224: {  	s10 =	rddreg [dreg:$0xd];
	s30 =	sadd.s32 s3, s2;
	s14 =	sadd.s32 s4, s6;
	v21 =	vld.idx.msk [tilespmem:v13+s13+$0x0 ss:$0x1], $0xffff;
	v3 =	vmul.f32 $1.442695020e+00, v3;
	v4 =	vmul.f32 v4, v1  }
0x225: {  	s12 =	rddreg [dreg:$0xe];
	s7 =	sadd.s32 s10, s2;
	v5 =	vmul.f32 v5, v1;
	s15 =	sadd.s32 s4, s30;
	v22 =	vld.idx.msk [tilespmem:v14+s14+$0x0 ss:$0x1], $0xffff;
	v1 =	vmul.f32 v2, v1  }
0x226: {  	s16 =	simm.s32 $0x0;
	s8 =	sadd.s32 s12, s2;
	s17 =	sadd.s32 s4, s7;
	v23 =	vld.idx.msk [tilespmem:v15+s15+$0x0 ss:$0x1], $0xffff;
	(erf) = vpow2.f32 v3;
	v4 =	vmul.f32 $1.442695020e+00, v4  }
0x227: {  	s23 =	sadd.s32 s4, s8;
	s9 =	sand.u32 $0x200, s16;
	v24 =	vld.idx.msk [tilespmem:v16+s17+$0x0 ss:$0x1], $0xffff;
	v2 =	vmul.f32 $1.442695020e+00, v5;
	v1 =	vmul.f32 $1.442695020e+00, v1  }
0x228: {  	v25 =	vld.idx.msk [tilespmem:v17+s23+$0x0 ss:$0x1], $0xffff;
	s24 =	sadd.s32 s9, s20;
	(erf) = vpow2.f32 v4  }
0x229: {  	s25 =	sadd.s32 s9, s21;
	v26 =	vld.idx.msk [tilespmem:v0+s24+$0x0 ss:$0x1], $0xffff;
	(erf) = vpow2.f32 v2  }
0x22a: {  	s26 =	sadd.s32 s9, s22;
	v27 =	vld.idx.msk [tilespmem:v11+s25+$0x0 ss:$0x1], $0xffff  }
0x22b: {  	s28 =	sadd.s32 s9, s5;
	v28 =	vld.idx.msk [tilespmem:v12+s26+$0x0 ss:$0x1], $0xffff;
	(erf) = vpow2.f32 v1;
	v1 =	vpop (erf)  }
0x22c: {  	s23 =	sadd.s32 $0x400, s20;
	s29 =	sadd.s32 s9, s6;
	v29 =	vld.idx.msk [tilespmem:v13+s28+$0x0 ss:$0x1], $0xffff;
	v9 =	vpop (erf)  }
0x22d: {  	s31 =	sadd.s32 s4, s23;
	v30 =	vld.idx.msk [tilespmem:v14+s29+$0x0 ss:$0x1], $0xffff;
	v8 =	vpop (erf)  }
0x22e: {  	s0 =	sadd.s32 s9, s30;
	v31 =	vld.idx.msk [tilespmem:v0+s31+$0x0 ss:$0x1], $0xffff;
	v7 =	vpop (erf)  }
0x22f: {  	s3 =	simm.s32 $0x80;
	s4 =	sadd.s32 s9, s7;
	v32 =	vld.idx.msk [tilespmem:v15+s0+$0x0 ss:$0x1], $0xffff;
	v18 =	vmul.f32 v18, v1;
	v3 =	vpop (erf)  }
0x230: {  	s10 =	sadd.s32 s9, s8;
	s24 =	sand.u32 $0x280, s3;
	v33 =	vld.idx.msk [tilespmem:v16+s4+$0x0 ss:$0x1], $0xffff;
	v26 =	vmul.f32 v26, v1;
	v19 =	vmul.f32 v19, v9;
	v2 =	vpop (erf)  }
0x231: {  	v34 =	vld.idx.msk [tilespmem:v17+s10+$0x0 ss:$0x1], $0xffff;
	s12 =	sadd.s32 s24, s20;
	v20 =	vmul.f32 v20, v8;
	v21 =	vmul.f32 v21, v7;
	v4 =	vpop (erf)  }
0x232: {  	s11 =	sadd.s32 $0x80, s19;
	s13 =	sadd.s32 s24, s21;
	v35 =	vld.idx.msk [tilespmem:v0+s12+$0x0 ss:$0x1], $0xffff;
	v22 =	vmul.f32 v22, v3;
	v23 =	vmul.f32 v23, v2;
	v5 =	vpop (erf)  }
0x233: {  	vm0 =	vlt.s32 v10, s11;
	s14 =	sadd.s32 s24, s22;
	v36 =	vld.idx.msk [tilespmem:v11+s13+$0x0 ss:$0x1], $0xffff;
	v24 =	vmul.f32 v24, v4;
	v25 =	vmul.f32 v25, v5  }
0x234: {  	s16 =	sadd.s32 s24, s6;
	v37 =	vld.idx.msk [tilespmem:v12+s14+$0x0 ss:$0x1], $0xffff;
	v18 =	vadd.f32 v19, v18;
	v19 =	vadd.f32 v21, v20;
	v20 =	vmul.f32 v27, v9  }
0x235: {  	s17 =	sadd.s32 s24, s30;
	v38 =	vld.idx.msk [tilespmem:v14+s16+$0x0 ss:$0x1], $0xffff;
	v21 =	vadd.f32 v23, v22;
	v23 =	vmul.f32 v28, v8;
	v22 =	vadd.f32 v25, v24  }
0x236: {  	s25 =	sadd.s32 s24, s7;
	v27 =	vadd.f32 v19, v18;
	v18 =	vld.idx.msk [tilespmem:v15+s17+$0x0 ss:$0x1], $0xffff;
	v28 =	vmul.f32 v32, v2;
	v26 =	vadd.f32 v20, v26  }
0x237: {  	s19 =	simm.s32 $0x100;
	s15 =	sadd.s32 s24, s5;
	v19 =	vld.idx.msk [tilespmem:v16+s25+$0x0 ss:$0x1], $0xffff;
	v10 =	vpop (erf);
	v24 =	vmul.f32 v29, v7;
	v29 =	vmul.f32 v33, v4;
	v21 =	vadd.f32 v22, v21  }
0x238: {  	s1 =	sand.u32 $0x300, s19;
	s26 =	sadd.s32 s24, s8;
	v10 =	vnsel vm0, $0x0, v10;
	v25 =	vld.idx.msk [tilespmem:v13+s15+$0x0 ss:$0x1], $0xffff;
	v22 =	vmul.f32 v30, v3;
	v30 =	vmul.f32 v34, v5  }
0x239: {  	s28 =	sadd.s32 s1, s20;
	v20 =	vld.idx.msk [tilespmem:v17+s26+$0x0 ss:$0x1], $0xffff;
	v24 =	vadd.f32 v24, v23;
	v23 =	vadd.f32 v21, v27;
	v27 =	vmul.f32 v31, v10  }
0x23a: {  	s19 =	simm.s32 $0x600;
	s29 =	sadd.s32 s1, s21;
	s31 =	sadd.s32 s1, s22;
	v28 =	vadd.f32 v28, v22;
	v21 =	vld.idx.msk [tilespmem:v0+s28+$0x0 ss:$0x1], $0xffff;
	v29 =	vadd.f32 v30, v29  }
0x23b: {  	s4 =	sadd.s32 s1, s7;
	s22 =	sadd.s32 s1, s5;
	s21 =	sadd.s32 s1, s30;
	v22 =	vld.idx.msk [tilespmem:v11+s29+$0x0 ss:$0x1], $0xffff;
	v30 =	vmul.f32 v35, v1;
	v31 =	vmul.f32 v36, v9;
	v27 =	vadd.f32 v23, v27  }
0x23c: {  	s8 =	sadd.s32 s1, s8;
	s7 =	sadd.s32 s9, s23;
	s5 =	sadd.s32 s1, s23;
	v24 =	vadd.f32 v24, v26;
	v26 =	vmul.f32 v37, v8;
	v23 =	vld.idx.msk [tilespmem:v12+s31+$0x0 ss:$0x1], $0xffff;
	v28 =	vadd.f32 v29, v28  }
0x23d: {  	s20 =	simm.s32 $0x0;
	s17 =	sadd.s32 s1, s6;
	s6 =	sadd.s32 s24, s23;
	v29 =	vmul.f32 v25, v7;
	v25 =	vadd.f32 v31, v30;
	[tilespmem:s19+$0x80] =	vst v27;
	v27 =	vmul.f32 v38, v3  }
.LBB2_3:
0x23e: {  	s20 =	sadd.s32 $0x4, s20;
	v30 =	vld.idx.msk [tilespmem:v0+s7+$0x0 ss:$0x1], $0xffff  }
0x23f: {  	v24 =	vadd.f32 v28, v24;
	v26 =	vadd.f32 v29, v26;
	v28 =	vld.idx.msk [tilespmem:v13+s22+$0x0 ss:$0x1], $0xffff;
	s1 =	sshrl.u32 s20, $0x3  }
0x240: {  	v29 =	vld.idx.msk [tilespmem:v14+s17+$0x0 ss:$0x1], $0xffff;
	s1 =	smul.u32 $0x3000, s1;
	v18 =	vmul.f32 v18, v2  }
0x241: {  	v25 =	vadd.f32 v26, v25;
	v26 =	vld.idx.msk [tilespmem:v15+s21+$0x0 ss:$0x1], $0xffff;
	v19 =	vmul.f32 v19, v4;
	v20 =	vmul.f32 v20, v5  }
0x242: {  	s1 =	sshra.s32 s1, $0x2;
	v18 =	vadd.f32 v18, v27;
	v27 =	vld.idx.msk [tilespmem:v16+s4+$0x0 ss:$0x1], $0xffff  }
0x243: {  	s2 =	rddreg [dreg:$0x7];
	s18 =	sadd.s32 $0x200, s18;
	s1 =	sadd.s32 $0x6500, s1;
	v19 =	vadd.f32 v20, v19;
	v20 =	vmul.f32 v22, v9;
	v22 =	vld.idx.msk [tilespmem:v17+s8+$0x0 ss:$0x1], $0xffff  }
0x244: {  	s26 =	rddreg [dreg:$0x8];
	v31 =	vld.idx.msk [tilespmem:v0+s6+$0x0 ss:$0x1], $0xffff;
	v21 =	vmul.f32 v21, v1;
	s7 =	sadd.s32 s2, s1;
	s8 =	sand.u32 $0x380, s18  }
0x245: {  	s9 =	rddreg [dreg:$0x9];
	v23 =	vmul.f32 v23, v8;
	s6 =	sadd.s32 s26, s1;
	s29 =	sadd.s32 s8, s7;
	v18 =	vadd.f32 v19, v18;
	v19 =	vmul.f32 v28, v7;
	v28 =	vld.idx.msk [tilespmem:v0+s5+$0x0 ss:$0x1], $0xffff  }
0x246: {  	s28 =	rddreg [dreg:$0xa];
	s30 =	sadd.s32 s8, s6;
	v20 =	vadd.f32 v20, v21;
	v21 =	vmul.f32 v29, v3;
	s5 =	sadd.s32 s9, s1;
	v29 =	vld.idx.msk [tilespmem:v0+s29+$0x0 ss:$0x1], $0xffff  }
0x247: {  	s10 =	rddreg [dreg:$0xb];
	s4 =	sadd.s32 s28, s1;
	s0 =	sadd.s32 s8, s5;
	v18 =	vadd.f32 v18, v25;
	v25 =	vmul.f32 v26, v2;
	v19 =	vadd.f32 v19, v23;
	v23 =	vld.idx.msk [tilespmem:v11+s30+$0x0 ss:$0x1], $0xffff  }
0x248: {  	s11 =	rddreg [dreg:$0xc];
	s12 =	sadd.s32 s8, s4;
	s9 =	sadd.s32 s10, s1;
	v26 =	vmul.f32 v27, v4;
	v27 =	vld.idx.msk [tilespmem:v12+s0+$0x0 ss:$0x1], $0xffff;
	v22 =	vmul.f32 v22, v5  }
0x249: {  	s31 =	rddreg [dreg:$0xd];
	s21 =	sadd.s32 s11, s1;
	s14 =	sadd.s32 s8, s9;
	v19 =	vadd.f32 v19, v20;
	v20 =	vadd.f32 v25, v21;
	v21 =	vld.idx.msk [tilespmem:v13+s12+$0x0 ss:$0x1], $0xffff;
	v25 =	vmul.f32 v30, v10  }
0x24a: {  	s3 =	rddreg [dreg:$0xe];
	s23 =	sadd.s32 s31, s1;
	s16 =	sadd.s32 s8, s21;
	v30 =	vld.idx.msk [tilespmem:v14+s14+$0x0 ss:$0x1], $0xffff  }
0x24b: {  	s13 =	sadd.s32 $0xFFFFFE80, s18;
	v31 =	vmul.f32 v31, v10;
	s24 =	sadd.s32 s3, s1;
	s25 =	sadd.s32 s8, s23;
	v22 =	vadd.f32 v22, v26;
	v26 =	vld.idx.msk [tilespmem:v15+s16+$0x0 ss:$0x1], $0xffff;
	v24 =	vadd.f32 v24, v25  }
0x24c: {  	s26 =	sand.u32 $0x200, s13;
	s28 =	sadd.s32 s8, s24;
	v25 =	vmul.f32 v28, v10;
	v28 =	vld.idx.msk [tilespmem:v16+s25+$0x0 ss:$0x1], $0xffff  }
0x24d: {  	s31 =	sadd.s32 s26, s7;
	v18 =	vadd.f32 v18, v31;
	v20 =	vadd.f32 v22, v20;
	v22 =	vld.idx.msk [tilespmem:v17+s28+$0x0 ss:$0x1], $0xffff;
	[tilespmem:s19+$0xFFFFFF00] =	vst v24  }
0x24e: {  	s0 =	sadd.s32 s26, s6;
	v24 =	vld.idx.msk [tilespmem:v0+s31+$0x0 ss:$0x1], $0xffff  }
0x24f: {  	s17 =	sadd.s32 $0xFFFFFF80, s18;
	s3 =	sadd.s32 s26, s5;
	[tilespmem:s19+$0xFFFFFF80] =	vst v18;
	v18 =	vadd.f32 v20, v19;
	v19 =	vld.idx.msk [tilespmem:v11+s0+$0x0 ss:$0x1], $0xffff  }
0x250: {  	s29 =	sand.u32 $0x300, s17;
	s17 =	sadd.s32 s26, s9;
	v20 =	vld.idx.msk [tilespmem:v12+s3+$0x0 ss:$0x1], $0xffff  }
0x251: {  	s15 =	sadd.s32 $0xFFFFFF00, s18;
	s22 =	sadd.s32 s26, s21;
	v29 =	vmul.f32 v29, v1;
	v23 =	vmul.f32 v23, v9;
	v31 =	vld.idx.msk [tilespmem:v14+s17+$0x0 ss:$0x1], $0xffff  }
0x252: {  	s10 =	sadd.s32 s26, s4;
	s30 =	sand.u32 $0x280, s15;
	v27 =	vmul.f32 v27, v8;
	v21 =	vmul.f32 v21, v7;
	v32 =	vld.idx.msk [tilespmem:v15+s22+$0x0 ss:$0x1], $0xffff  }
0x253: {  	s14 =	sadd.s32 s30, s7;
	v30 =	vmul.f32 v30, v3;
	v18 =	vadd.f32 v18, v25;
	v25 =	vld.idx.msk [tilespmem:v13+s10+$0x0 ss:$0x1], $0xffff  }
0x254: {  	s12 =	sadd.s32 s26, s23;
	s0 =	sadd.s32 $0x400, s7;
	v23 =	vadd.f32 v23, v29;
	v29 =	vld.idx.msk [tilespmem:v0+s14+$0x0 ss:$0x1], $0xffff;
	v26 =	vmul.f32 v26, v2;
	v21 =	vadd.f32 v21, v27  }
0x255: {  	s8 =	sadd.s32 s8, s0;
	v27 =	vld.idx.msk [tilespmem:v16+s12+$0x0 ss:$0x1], $0xffff;
	v22 =	vmul.f32 v22, v5;
	[tilespmem:s19+$0x0] =	vst v18;
	v18 =	vmul.f32 v28, v4  }
0x256: {  	s13 =	sadd.s32 s26, s24;
	v26 =	vadd.f32 v26, v30;
	v28 =	vld.idx.msk [tilespmem:v0+s8+$0x0 ss:$0x1], $0xffff  }
0x257: {  	s3 =	sadd.s32 s30, s4;
	v24 =	vmul.f32 v24, v1;
	v19 =	vmul.f32 v19, v9;
	v18 =	vadd.f32 v22, v18;
	v22 =	vld.idx.msk [tilespmem:v17+s13+$0x0 ss:$0x1], $0xffff  }
0x258: {  	s25 =	sadd.s32 s30, s9;
	v30 =	vld.idx.msk [tilespmem:v13+s3+$0x0 ss:$0x1], $0xffff;
	v20 =	vmul.f32 v20, v8;
	v25 =	vmul.f32 v25, v7  }
0x259: {  	s15 =	sadd.s32 s30, s6;
	v21 =	vadd.f32 v21, v23;
	v23 =	vmul.f32 v31, v3;
	v31 =	vld.idx.msk [tilespmem:v14+s25+$0x0 ss:$0x1], $0xffff;
	v18 =	vadd.f32 v18, v26  }
0x25a: {  	p0 =	slt.u32 s20, $0x3C;
	s16 =	sadd.s32 s30, s5;
	v19 =	vadd.f32 v19, v24;
	v26 =	vld.idx.msk [tilespmem:v11+s15+$0x0 ss:$0x1], $0xffff;
	v20 =	vadd.f32 v25, v20  }
0x25b: {  	s2 =	sadd.s32 s30, s23;
	s1 =	sadd.s32 s30, s24;
	s6 =	sadd.s32 s29, s6;
	v27 =	vmul.f32 v27, v4;
	v25 =	vld.idx.msk [tilespmem:v12+s16+$0x0 ss:$0x1], $0xffff;
	v28 =	vmul.f32 v28, v10;
	v18 =	vadd.f32 v18, v21  }
0x25c: {  	[smem:$0x7EE] =	sst s6;
	s28 =	sadd.s32 s29, s7;
	s10 =	sadd.s32 s30, s21;
	v21 =	vmul.f32 v32, v2;
	v24 =	vadd.f32 v20, v19;
	v22 =	vmul.f32 v22, v5;
	v19 =	vld.idx.msk [tilespmem:v16+s2+$0x0 ss:$0x1], $0xffff  }
.Ltmp2:
0x25d: {  	s6 =	sadd.s32 s30, s0;
	s30 =	sld [smem:$0x7EE];
	v20 =	vadd.f32 v18, v28;
	v18 =	vld.idx.msk [tilespmem:v15+s10+$0x0 ss:$0x1], $0xffff;
	(pc) =	sbr.rel @p0 .LBB2_3-.Ltmp2, $4  }
0x25e: {  	s19 =	sadd.s32 $0x200, s19;
	v23 =	vadd.f32 v21, v23;
	v21 =	vld.idx.msk [tilespmem:v0+s28+$0x0 ss:$0x1], $0xffff;
	v22 =	vadd.f32 v22, v27  }
0x25f: {  	s31 =	sadd.s32 s29, s5;
	s22 =	sadd.s32 s29, s4;
	v63 =	vmul.f32 v29, v1;
	v27 =	vmul.f32 v26, v9;
	[tilespmem:s19+$0x80] =	vst v20;
	v20 =	vld.idx.msk [tilespmem:v17+s1+$0x0 ss:$0x1], $0xffff  }
0x260: {  	s17 =	sadd.s32 s29, s9;
	s4 =	sadd.s32 s29, s23;
	s7 =	sadd.s32 s26, s0;
	v29 =	vmul.f32 v30, v7;
	v28 =	vadd.f32 v22, v23;
	v22 =	vld.idx.msk [tilespmem:v11+s30+$0x0 ss:$0x1], $0xffff  }
0x261: {  	s5 =	sadd.s32 s29, s0;
	s21 =	sadd.s32 s29, s21;
	s8 =	sadd.s32 s29, s24;
	v26 =	vmul.f32 v25, v8;
	v25 =	vadd.f32 v27, v63;
	v27 =	vmul.f32 v31, v3;
	v23 =	vld.idx.msk [tilespmem:v12+s31+$0x0 ss:$0x1], $0xffff  }
0x262: {  	_ =	sdelay $0x3  }
0x263: {  	v11 =	vld.idx.msk [tilespmem:v13+s22+$0x0 ss:$0x1], $0xffff  }
0x264: {  	v12 =	vld.idx.msk [tilespmem:v14+s17+$0x0 ss:$0x1], $0xffff  }
0x265: {  	v13 =	vld.idx.msk [tilespmem:v15+s21+$0x0 ss:$0x1], $0xffff  }
0x266: {  	v14 =	vld.idx.msk [tilespmem:v16+s4+$0x0 ss:$0x1], $0xffff  }
0x267: {  	v15 =	vmul.f32 v18, v2;
	v16 =	vld.idx.msk [tilespmem:v17+s8+$0x0 ss:$0x1], $0xffff  }
0x268: {  	v17 =	vmul.f32 v19, v4;
	v18 =	vmul.f32 v20, v5  }
0x269: {  	v19 =	vadd.f32 v28, v24;
	v20 =	vmul.f32 v21, v1;
	v21 =	vmul.f32 v22, v9  }
0x26a: {  	v15 =	vadd.f32 v15, v27;
	v23 =	vmul.f32 v23, v8;
	v11 =	vmul.f32 v11, v7  }
0x26b: {  	v24 =	vld.idx.msk [tilespmem:v0+s7+$0x0 ss:$0x1], $0xffff;
	v22 =	vadd.f32 v29, v26;
	v12 =	vmul.f32 v12, v3;
	v13 =	vmul.f32 v13, v2  }
0x26c: {  	v17 =	vadd.f32 v18, v17;
	v18 =	vld.idx.msk [tilespmem:v0+s6+$0x0 ss:$0x1], $0xffff;
	v14 =	vmul.f32 v14, v4;
	v16 =	vmul.f32 v16, v5  }
0x26d: {  	v0 =	vld.idx.msk [tilespmem:v0+s5+$0x0 ss:$0x1], $0xffff;
	v20 =	vadd.f32 v21, v20;
	v11 =	vadd.f32 v11, v23  }
0x26e: {  	v12 =	vadd.f32 v13, v12;
	v13 =	vadd.f32 v16, v14  }
0x26f: {  	v15 =	vadd.f32 v17, v15;
	v14 =	vadd.f32 v22, v25  }
0x270: {  	v16 =	vmul.f32 v24, v10;
	v11 =	vadd.f32 v11, v20;
	v12 =	vadd.f32 v13, v12  }
0x271: {  	v13 =	vadd.f32 v15, v14;
	v14 =	vmul.f32 v18, v10  }
0x272: {  	v15 =	vadd.f32 v19, v16;
	v0 =	vmul.f32 v0, v10;
	v11 =	vadd.f32 v12, v11  }
0x273: {  	v12 =	vadd.f32 v13, v14  }
0x274: {  	[tilespmem:s19+$0xFFFFFF00] =	vst v15;
	v0 =	vadd.f32 v11, v0  }
0x275: {  	[tilespmem:s19+$0xFFFFFF80] =	vst v12  }
0x276: {  	s0 =	simm.s32 $0x500;
	[tilespmem:s19+$0x0] =	vst v0  }
0x277: {  	v0 =	vld.idx.msk [tilespmem:v6+s0+$0x0], $0xffff  }
0x278: {  	v11 =	vld [tilespmem:$0x1FF80]  }
0x279: {  	v12 =	vld [tilespmem:$0x1FF90]  }
0x27a: {  	v13 =	vld [tilespmem:$0x1FFA0]  }
0x27b: {  	v19 =	vor.u32 $0x9, v6;
	v14 =	vld [tilespmem:$0x1FFB0]  }
0x27c: {  	v20 =	vor.u32 $0xA, v6;
	v15 =	vld [tilespmem:$0x1FFC0]  }
0x27d: {  	v21 =	vor.u32 $0xB, v6;
	v16 =	vld [tilespmem:$0x1FFD0]  }
0x27e: {  	v22 =	vor.u32 $0xC, v6;
	v17 =	vld [tilespmem:$0x1FFE0]  }
0x27f: {  	v23 =	vor.u32 $0xD, v6;
	v18 =	vld [tilespmem:$0x1FFF0]  }
0x280: {  	v24 =	vor.u32 $0xE, v6;
	[tilespmem:$0x1FCC0] =	vst v19;
	v19 =	vld.idx.msk [tilespmem:v19+s0+$0x0], $0xffff  }
0x281: {  	v25 =	vor.u32 $0xF, v6;
	[tilespmem:$0x1FCD0] =	vst v20;
	v20 =	vld.idx.msk [tilespmem:v20+s0+$0x0], $0xffff  }
0x282: {  	v26 =	vor.u32 $0x800, v6;
	[tilespmem:$0x1FCE0] =	vst v21;
	v21 =	vld.idx.msk [tilespmem:v21+s0+$0x0], $0xffff  }
0x283: {  	v27 =	vor.u32 $0x801, v6;
	[tilespmem:$0x1FCF0] =	vst v22;
	v22 =	vld.idx.msk [tilespmem:v22+s0+$0x0], $0xffff  }
0x284: {  	v28 =	vor.u32 $0x802, v6;
	[tilespmem:$0x1FD00] =	vst v23;
	v23 =	vld.idx.msk [tilespmem:v23+s0+$0x0], $0xffff  }
0x285: {  	v29 =	vor.u32 $0x803, v6;
	[tilespmem:$0x1FD10] =	vst v24;
	v24 =	vld.idx.msk [tilespmem:v24+s0+$0x0], $0xffff  }
0x286: {  	v30 =	vor.u32 $0x804, v6;
	[tilespmem:$0x1FD20] =	vst v25;
	v25 =	vld.idx.msk [tilespmem:v25+s0+$0x0], $0xffff  }
0x287: {  	v31 =	vor.u32 $0x805, v6;
	[tilespmem:$0x1FD30] =	vst v26;
	v26 =	vld.idx.msk [tilespmem:v26+s0+$0x0], $0xffff  }
0x288: {  	v32 =	vor.u32 $0x806, v6;
	[tilespmem:$0x1FD40] =	vst v27;
	v27 =	vld.idx.msk [tilespmem:v27+s0+$0x0], $0xffff  }
0x289: {  	v33 =	vor.u32 $0x807, v6;
	[tilespmem:$0x1FD50] =	vst v28;
	v28 =	vld.idx.msk [tilespmem:v28+s0+$0x0], $0xffff  }
0x28a: {  	v34 =	vor.u32 $0x808, v6;
	[tilespmem:$0x1FD60] =	vst v29;
	v29 =	vld.idx.msk [tilespmem:v29+s0+$0x0], $0xffff  }
0x28b: {  	v35 =	vor.u32 $0x809, v6;
	[tilespmem:$0x1FD70] =	vst v30;
	v30 =	vld.idx.msk [tilespmem:v30+s0+$0x0], $0xffff  }
0x28c: {  	v36 =	vor.u32 $0x80A, v6;
	[tilespmem:$0x1FD80] =	vst v31;
	v31 =	vld.idx.msk [tilespmem:v31+s0+$0x0], $0xffff  }
0x28d: {  	v37 =	vor.u32 $0x80B, v6;
	[tilespmem:$0x1FD90] =	vst v32;
	v32 =	vld.idx.msk [tilespmem:v32+s0+$0x0], $0xffff  }
0x28e: {  	v38 =	vor.u32 $0x80C, v6;
	[tilespmem:$0x1FDA0] =	vst v33;
	v33 =	vld.idx.msk [tilespmem:v33+s0+$0x0], $0xffff  }
0x28f: {  	v39 =	vor.u32 $0x80D, v6;
	[tilespmem:$0x1FDB0] =	vst v34;
	v34 =	vld.idx.msk [tilespmem:v34+s0+$0x0], $0xffff  }
0x290: {  	v40 =	vor.u32 $0x80E, v6;
	[tilespmem:$0x1FDC0] =	vst v35;
	v35 =	vld.idx.msk [tilespmem:v35+s0+$0x0], $0xffff  }
0x291: {  	v41 =	vor.u32 $0x80F, v6;
	[tilespmem:$0x1FDD0] =	vst v36;
	v36 =	vld.idx.msk [tilespmem:v36+s0+$0x0], $0xffff  }
0x292: {  	v42 =	vor.u32 $0x1000, v6;
	[tilespmem:$0x1FDE0] =	vst v37;
	v37 =	vld.idx.msk [tilespmem:v37+s0+$0x0], $0xffff  }
0x293: {  	v55 =	vor.u32 $0x1001, v6;
	v1 =	vadd.f32 v9, v1;
	v9 =	vld.idx.msk [tilespmem:v38+s0+$0x0], $0xffff  }
0x294: {  	v58 =	vor.u32 $0x1002, v6;
	[tilespmem:$0x1FDF0] =	vst v38;
	v38 =	vld.idx.msk [tilespmem:v39+s0+$0x0], $0xffff  }
0x295: {  	v8 =	vadd.f32 v1, v8;
	v1 =	vor.u32 $0x1003, v6;
	[tilespmem:$0x1FE00] =	vst v39;
	v39 =	vld.idx.msk [tilespmem:v40+s0+$0x0], $0xffff  }
0x296: {  	v62 =	vor.u32 $0x1004, v6;
	[tilespmem:$0x1FE10] =	vst v40;
	v40 =	vld.idx.msk [tilespmem:v41+s0+$0x0], $0xffff  }
0x297: {  	v63 =	vor.u32 $0x1005, v6;
	[tilespmem:$0x1FE20] =	vst v41;
	v41 =	vld.idx.msk [tilespmem:v42+s0+$0x0], $0xffff  }
0x298: {  	v59 =	vor.u32 $0x1006, v6;
	[tilespmem:$0x1FE30] =	vst v42;
	v42 =	vld.idx.msk [tilespmem:v55+s0+$0x0], $0xffff  }
0x299: {  	v60 =	vor.u32 $0x1007, v6;
	v43 =	vld.idx.msk [tilespmem:v58+s0+$0x0], $0xffff  }
0x29a: {  	v7 =	vadd.f32 v8, v7;
	v8 =	vor.u32 $0x100A, v6;
	v44 =	vld.idx.msk [tilespmem:v1+s0+$0x0], $0xffff  }
0x29b: {  	v45 =	vld.idx.msk [tilespmem:v62+s0+$0x0], $0xffff  }
0x29c: {  	v46 =	vld.idx.msk [tilespmem:v63+s0+$0x0], $0xffff  }
0x29d: {  	v47 =	vld.idx.msk [tilespmem:v59+s0+$0x0], $0xffff  }
0x29e: {  	v48 =	vld.idx.msk [tilespmem:v60+s0+$0x0], $0xffff  }
0x29f: {  	v51 =	vld.idx.msk [tilespmem:v8+s0+$0x0], $0xffff  }
0x2a0: {  	v3 =	vadd.f32 v7, v3;
	v11 =	vld.idx.msk [tilespmem:v11+s0+$0x0], $0xffff  }
0x2a1: {  	v12 =	vld.idx.msk [tilespmem:v12+s0+$0x0], $0xffff  }
0x2a2: {  	v2 =	vadd.f32 v3, v2;
	v13 =	vld.idx.msk [tilespmem:v13+s0+$0x0], $0xffff  }
0x2a3: {  	v56 =	vor.u32 $0x1008, v6;
	v14 =	vld.idx.msk [tilespmem:v14+s0+$0x0], $0xffff  }
0x2a4: {  	v3 =	vor.u32 $0x1009, v6;
	v2 =	vadd.f32 v2, v4;
	v15 =	vld.idx.msk [tilespmem:v15+s0+$0x0], $0xffff  }
0x2a5: {  	[tilespmem:$0x1FE50] =	vst v8;
	v8 =	vadd.f32 v21, v20;
	v21 =	vor.u32 $0x1802, v6;
	v16 =	vld.idx.msk [tilespmem:v16+s0+$0x0], $0xffff  }
0x2a6: {  	v4 =	vor.u32 $0x100B, v6;
	v2 =	vadd.f32 v2, v5;
	v17 =	vld.idx.msk [tilespmem:v17+s0+$0x0], $0xffff  }
0x2a7: {  	v7 =	vor.u32 $0x100C, v6;
	v18 =	vld.idx.msk [tilespmem:v18+s0+$0x0], $0xffff  }
0x2a8: {  	v61 =	vor.u32 $0x100D, v6;
	v49 =	vld.idx.msk [tilespmem:v56+s0+$0x0], $0xffff;
	v2 =	vadd.f32 v2, v10;
	v10 =	vadd.f32 v23, v22  }
0x2a9: {  	v52 =	vor.u32 $0x100E, v6;
	[tilespmem:$0x1FE40] =	vst v3;
	v50 =	vld.idx.msk [tilespmem:v3+s0+$0x0], $0xffff;
	v20 =	vadd.f32 v33, v32;
	v22 =	vadd.f32 v35, v34  }
0x2aa: {  	v53 =	vor.u32 $0x100F, v6;
	v23 =	vadd.f32 v37, v36;
	[tilespmem:$0x1FED0] =	vst v21;
	v21 =	vld.idx.msk [tilespmem:v21+s0+$0x0], $0xffff;
	v0 =	vadd.f32 v11, v0  }
0x2ab: {  	v54 =	vor.u32 $0x1801, v6;
	[tilespmem:$0x1FE60] =	vst v4;
	v3 =	vadd.f32 v13, v12;
	v11 =	vld.idx.msk [tilespmem:v4+s0+$0x0], $0xffff;
	v4 =	vadd.f32 v15, v14  }
0x2ac: {  	v57 =	vor.u32 $0x1800, v6;
	[tilespmem:$0x1FE70] =	vst v7;
	v5 =	vadd.f32 v17, v16;
	v12 =	vld.idx.msk [tilespmem:v7+s0+$0x0], $0xffff;
	v7 =	vadd.f32 v19, v18  }
0x2ad: {  	v13 =	vld.idx.msk [tilespmem:v61+s0+$0x0], $0xffff;
	v14 =	vadd.f32 v25, v24;
	v24 =	vor.u32 $0x1803, v6;
	v16 =	vadd.f32 v3, v0  }
0x2ae: {  	[tilespmem:$0x1FE80] =	vst v61;
	v15 =	vld.idx.msk [tilespmem:v52+s0+$0x0], $0xffff;
	v61 =	vor.u32 $0x1806, v6;
	v17 =	vadd.f32 v5, v4;
	v7 =	vadd.f32 v8, v7  }
0x2af: {  	(xrf2) =	vadd.scan.msk.f32 $0xffff, v2;
	v2 =	vor.u32 $0x1808, v6;
	v18 =	vld.idx.msk [tilespmem:v53+s0+$0x0], $0xffff;
	v8 =	vadd.f32 v14, v10;
	v4 =	vadd.f32 v27, v26  }
0x2b0: {  	v19 =	vld.idx.msk [tilespmem:v54+s0+$0x0], $0xffff;
	v3 =	vor.u32 $0x1804, v6;
	v5 =	vadd.f32 v29, v28;
	v10 =	vadd.f32 v31, v30  }
0x2b1: {  	[tilespmem:$0x1FEB0] =	vst v57;
	v9 =	vadd.f32 v38, v9;
	v25 =	vadd.f32 v40, v39;
	v14 =	vld.idx.msk [tilespmem:v57+s0+$0x0], $0xffff;
	v57 =	vor.u32 $0x1805, v6  }
0x2b2: {  	[tilespmem:$0x1FEE0] =	vst v24;
	v0 =	vor.u32 $0x1807, v6;
	v27 =	vadd.f32 v5, v4;
	v10 =	vadd.f32 v20, v10;
	v24 =	vld.idx.msk [tilespmem:v24+s0+$0x0], $0xffff  }
0x2b3: {  	v22 =	vadd.f32 v23, v22;
	v4 =	vor.u32 $0x180A, v6;
	v23 =	vld.idx.msk [tilespmem:v61+s0+$0x0], $0xffff  }
0x2b4: {  	v9 =	vadd.f32 v25, v9;
	v5 =	vor.u32 $0x180B, v6;
	v10 =	vadd.f32 v10, v27;
	v27 =	vld.idx.msk [tilespmem:v2+s0+$0x0], $0xffff  }
0x2b5: {  	v16 =	vadd.f32 v17, v16;
	v17 =	vadd.f32 v8, v7;
	v7 =	vor.u32 $0x180C, v6;
	v26 =	vld.idx.msk [tilespmem:v3+s0+$0x0], $0xffff  }
0x2b6: {  	v8 =	vor.u32 $0x180D, v6;
	v20 =	vld.idx.msk [tilespmem:v57+s0+$0x0], $0xffff  }
0x2b7: {  	v46 =	vadd.f32 v46, v45;
	v22 =	vadd.f32 v9, v22;
	v9 =	vor.u32 $0x180E, v6;
	v25 =	vld.idx.msk [tilespmem:v0+s0+$0x0], $0xffff  }
0x2b8: {  	v47 =	vadd.f32 v48, v47;
	v50 =	vadd.f32 v50, v49;
	[tilespmem:$0x1FEF0] =	vst v3;
	v3 =	vor.u32 $0x1809, v6;
	v30 =	vld.idx.msk [tilespmem:v4+s0+$0x0], $0xffff  }
0x2b9: {  	v29, _, _ =	vpop (xrf2);
	v31 =	vadd.f32 v44, v43;
	v22 =	vadd.f32 v22, v10;
	v10 =	vor.u32 $0x180F, v6;
	v44 =	vld.idx.msk [tilespmem:v5+s0+$0x0], $0xffff  }
0x2ba: {  	v28 =	vadd.f32 v42, v41;
	v29 =	vadd.f32 $9.999999970e-07, v29;
	v48 =	vld.idx.msk [tilespmem:v7+s0+$0x0], $0xffff  }
0x2bb: {  	v11 =	vadd.f32 v11, v51;
	v12 =	vadd.f32 v13, v12;
	v51 =	vld.idx.msk [tilespmem:v8+s0+$0x0], $0xffff  }
0x2bc: {  	v29 =	vbroadcast v29, $0xF;
	v13 =	vadd.f32 v18, v15;
	v18 =	vadd.f32 v31, v28;
	v15 =	vld.idx.msk [tilespmem:v9+s0+$0x0], $0xffff  }
0x2bd: {  	v28 =	vadd.f32 v47, v46;
	v16 =	vadd.f32 v17, v16;
	v17 =	vld.idx.msk [tilespmem:v3+s0+$0x0], $0xffff  }
0x2be: {  	(erf) = vrcp.f32 v29;
	v11 =	vadd.f32 v11, v50;
	v12 =	vadd.f32 v13, v12;
	v29 =	vld.idx.msk [tilespmem:v10+s0+$0x0], $0xffff  }
0x2bf: {  	v13 =	vadd.f32 v19, v14;
	v18 =	vadd.f32 v28, v18  }
0x2c0: {  	v11 =	vadd.f32 v12, v11;
	v14 =	vadd.f32 v24, v21  }
0x2c1: {  	v19 =	vadd.f32 v20, v26;
	v20 =	vadd.f32 v25, v23  }
0x2c2: {  	v21 =	vadd.f32 v44, v30;
	v23 =	vadd.f32 v51, v48  }
0x2c3: {  	v17 =	vadd.f32 v17, v27;
	v15 =	vadd.f32 v29, v15  }
0x2c4: {  	v13 =	vadd.f32 v14, v13;
	v14 =	vadd.f32 v20, v19  }
0x2c5: {  	s1 =	sld [smem:$0x7EF];
	v17 =	vadd.f32 v21, v17;
	v15 =	vadd.f32 v15, v23  }
0x2c6: {  	v11 =	vadd.f32 v11, v18  }
0x2c7: {  	v12 =	vpop (erf);
	v13 =	vadd.f32 v14, v13;
	v14 =	vadd.f32 v15, v17  }
0x2c8: {  	s9 =	sshll.u32 s1, $0x9;
	v11 =	vmul.f32 v11, v12  }
0x2c9: {  	s0 =	sand.u32 $0x3FFFFE00, s9;
	v15 =	vmul.f32 v16, v12;
	v13 =	vadd.f32 v14, v13  }
0x2ca: {  	[tilespmem:s0+$0x2520] =	vst v11;
	v16 =	vmul.f32 v22, v12  }
0x2cb: {  	s12 =	sld [smem:$0x7F0];
	[tilespmem:s0+$0x2500] =	vst v15;
	v12 =	vmul.f32 v13, v12  }
0x2cc: {  	[tilespmem:s0+$0x2510] =	vst v16  }
0x2cd: {  	p0 =	seq.s32 s1, $0x1F;
	[tilespmem:s0+$0x2530] =	vst v12  }
0x2ce: {  	v11 =	vld @!p0 [tilespmem:s12+$0x204];
	_ =	sdelay $0x4  }
0x2cf: {  	(v2sf) =	vpush @!p0 v11, $0x0;
	_ =	sdelay $0xe  }
0x2d0: {  	[smem:$0x7EC] =	sst s0;
	s0 =	spop @!p0 (v2sf)  }
0x2d1: {  	p2 =	sne.s32 @!p0 s0, $0xF4140  }
0x2d2: {  	p1 =	por !p2, p0  }
0x2d3: {  	s1 =	rddreg [dreg:$0x2];
	s0 =	sand.u32 @!p1 $0xFFFFF80, s0  }
0x2d4: {  	s2 =	simm.s32 @!p1 $0x6500;
	s0 =	sadd.s32 @!p1 s1, s0;
	s1 =	simm.s32 @!p1 $0x0  }
0x2d5: {  	[tilespmem:s2], [sflag:$0x1] =	stream.linear.gather @!p1 [hbm4b:s0+s1], $0x800, $0x38;
	[tilespmem:$0x1E500] =	vst v63  }
0x2d6: {  	s3 =	simm.s32 @!p1 $0x7100;
	s2 =	sadd.s32 @!p1 $0xF4280, s0  }
0x2d7: {  	[tilespmem:s3], [sflag:$0x1] =	stream.linear.gather @!p1 [hbm4b:s2+s1], $0x800, $0x38;
	[tilespmem:$0x1E500] =	vst v63  }
0x2d8: {  	s2 =	sadd.s32 @!p1 $0x1E8500, s0;
	s3 =	simm.s32 @!p1 $0x7D00  }
0x2d9: {  	[tilespmem:s3], [sflag:$0x1] =	stream.linear.gather @!p1 [hbm4b:s2+s1], $0x800, $0x38;
	[tilespmem:$0x1E500] =	vst v63  }
0x2da: {  	s2 =	sadd.s32 @!p1 $0x2DC780, s0;
	s3 =	simm.s32 @!p1 $0x8900  }
0x2db: {  	[tilespmem:s3], [sflag:$0x1] =	stream.linear.gather @!p1 [hbm4b:s2+s1], $0x800, $0x38;
	[tilespmem:$0x1E500] =	vst v63  }
0x2dc: {  	s2 =	sadd.s32 @!p1 $0x3D0A00, s0;
	s3 =	simm.s32 @!p1 $0x9500  }
0x2dd: {  	[tilespmem:s3], [sflag:$0x1] =	stream.linear.gather @!p1 [hbm4b:s2+s1], $0x800, $0x38;
	[tilespmem:$0x1E500] =	vst v63  }
0x2de: {  	s2 =	sadd.s32 @!p1 $0x4C4C80, s0;
	s3 =	simm.s32 @!p1 $0xA100  }
0x2df: {  	[tilespmem:s3], [sflag:$0x1] =	stream.linear.gather @!p1 [hbm4b:s2+s1], $0x800, $0x38;
	[tilespmem:$0x1E500] =	vst v63  }
0x2e0: {  	p2 =	por p2, p0;
	s2 =	sadd.s32 @!p1 $0x5B8F00, s0;
	s3 =	simm.s32 @!p1 $0xAD00  }
0x2e1: {  	[tilespmem:s3], [sflag:$0x1] =	stream.linear.gather @!p1 [hbm4b:s2+s1], $0x800, $0x38;
	[tilespmem:$0x1E500] =	vst v63  }
0x2e2: {  	s1 =	simm.s32 @!p2 $0x0;
	s2 =	simm.s32 @!p2 $0x6500;
	s3 =	rddreg [dreg:$0x3]  }
0x2e3: {  	[tilespmem:s2], [sflag:$0x1] =	stream.linear.gather @!p2 [hbm4b:s3+s1], $0x800, $0x38;
	[tilespmem:$0x1E500] =	vst v63  }
0x2e4: {  	s3 =	sld [smem:$0x7F7];
	_ =	sdelay $0x1  }
0x2e5: {  	s2 =	simm.s32 @!p2 $0x7100  }
0x2e6: {  	[tilespmem:s2], [sflag:$0x1] =	stream.linear.gather @!p2 [hbm4b:s3+s1], $0x800, $0x38;
	[tilespmem:$0x1E500] =	vst v63  }
0x2e7: {  	s3 =	sld [smem:$0x7F8];
	_ =	sdelay $0x1  }
0x2e8: {  	s2 =	simm.s32 @!p2 $0x7D00  }
0x2e9: {  	[tilespmem:s2], [sflag:$0x1] =	stream.linear.gather @!p2 [hbm4b:s3+s1], $0x800, $0x38;
	[tilespmem:$0x1E500] =	vst v63  }
0x2ea: {  	s3 =	sld [smem:$0x7F9];
	_ =	sdelay $0x1  }
0x2eb: {  	s2 =	simm.s32 @!p2 $0x8900  }
0x2ec: {  	[tilespmem:s2], [sflag:$0x1] =	stream.linear.gather @!p2 [hbm4b:s3+s1], $0x800, $0x38;
	[tilespmem:$0x1E500] =	vst v63  }
0x2ed: {  	s3 =	sld [smem:$0x7FA];
	_ =	sdelay $0x1  }
0x2ee: {  	s2 =	simm.s32 @!p2 $0x9500  }
0x2ef: {  	[tilespmem:s2], [sflag:$0x1] =	stream.linear.gather @!p2 [hbm4b:s3+s1], $0x800, $0x38;
	[tilespmem:$0x1E500] =	vst v63  }
0x2f0: {  	s3 =	sld [smem:$0x7FB];
	_ =	sdelay $0x1  }
0x2f1: {  	s2 =	simm.s32 @!p2 $0xA100  }
0x2f2: {  	[tilespmem:s2], [sflag:$0x1] =	stream.linear.gather @!p2 [hbm4b:s3+s1], $0x800, $0x38;
	[tilespmem:$0x1E500] =	vst v63  }
0x2f3: {  	s3 =	sld [smem:$0x7FC];
	_ =	sdelay $0x1  }
0x2f4: {  	s2 =	simm.s32 @!p2 $0xAD00  }
0x2f5: {  	[tilespmem:s2], [sflag:$0x1] =	stream.linear.gather @!p2 [hbm4b:s3+s1], $0x800, $0x38;
	[tilespmem:$0x1E500] =	vst v63  }
0x2f6: {  	s1 =	sld [smem:$0x7FD]  }
0x2f7: {  	[tilespmem:$0x1FE90] =	vst v52  }
0x2f8: {  	s10 =	simm.s32 $0x2;
	[tilespmem:$0x1FEA0] =	vst v53;
	s0 =	sadd.s32 @!p1 $0x6AD180, s0  }
0x2f9: {  	[tilespmem:$0x1FEC0] =	vst v54;
	s2 =	simm.s32 @!p0 $0xB900;
	s0 =	smov.u32 @p1 s1;
	s1 =	simm.s32 @!p0 $0x0  }
0x2fa: {  	[tilespmem:s2], [sflag:$0x1] =	stream.linear.gather @!p0 [hbm4b:s0+s1], $0x800, $0x38;
	[tilespmem:$0x1E500] =	vst v63  }
0x2fb: {  	_ =	swait.ge [sflag:s10], $0x4000  }
0x2fc: {  	[sflag:s10] =	ssyncset.done $0x0  }
0x2fd: {  	[sflag:s10] =	ssyncadd.s32 $0xFFFFC000  }
0x2fe: {  	v11 =	vld [tilespmem:s12+$0x201]  }
0x2ff: {  	v12 =	vld [tilespmem:s12+$0x101];
	_ =	sdelay $0x3  }
0x300: {  	(v2sf) =	vpush v11, $0x0  }
0x301: {  	(v2sf) =	vpush v12, $0x0;
	_ =	sdelay $0xd  }
0x302: {  	s11 =	spop (v2sf)  }
0x303: {  	v14 =	vld [tilespmem:$0x1FF00];
	s19 =	spop (v2sf)  }
0x304: {  	v15 =	vld [tilespmem:$0x1FF10];
	s13 =	ssub.s32 s19, s11  }
0x305: {  	v13 =	vld.msk [tilespmem:s12+$0x301 ss:$0x0], $0xffff;
	s14 =	sand.u32 $0xFFFFFFF0, s13  }
0x306: {  	v16 =	vld [tilespmem:$0x1FF20];
	v11 =	vlaneseq.u32;
	s5 =	sadd.s32 s11, s14  }
0x307: {  	v11 =	vadd.s32 s5, v11  }
0x308: {  	v17 =	vld [tilespmem:$0x1FF30];
	v14 =	vadd.s32 s5, v14;
	v11 =	vcvt.s32.f32 v11  }
0x309: {  	v12 =	vld.msk [tilespmem:s12+$0x401 ss:$0x0], $0xffff;
	v14 =	vcvt.s32.f32 v14  }
0x30a: {  	v15 =	vadd.s32 s5, v15;
	v11 =	vsub.f32 v11, v13  }
0x30b: {  	v16 =	vadd.s32 s5, v16;
	v15 =	vcvt.s32.f32 v15;
	v14 =	vsub.f32 v14, v13  }
0x30c: {  	v16 =	vcvt.s32.f32 v16;
	v11 =	vmul.f32 v11, v11  }
0x30d: {  	v17 =	vadd.s32 s5, v17;
	v15 =	vsub.f32 v15, v13;
	v14 =	vmul.f32 v14, v14  }
0x30e: {  	v17 =	vcvt.s32.f32 v17;
	v16 =	vsub.f32 v16, v13;
	v11 =	vmul.f32 v11, v12  }
0x30f: {  	v15 =	vmul.f32 v15, v15;
	v14 =	vmul.f32 v14, v12  }
0x310: {  	v16 =	vmul.f32 v16, v16;
	v11 =	vmul.f32 $1.442695020e+00, v11  }
0x311: {  	v15 =	vmul.f32 v15, v12;
	v14 =	vmul.f32 $1.442695020e+00, v14  }
0x312: {  	s15 =	sshll.u32 s13, $0x3;
	s17 =	sand.u32 $0x70, s13;
	s16 =	sadd.s32 $0x10, s14;
	(erf) = vpow2.f32 v11;
	v11 =	vmul.f32 v16, v12;
	v16 =	vsub.f32 v17, v13  }
0x313: {  	s0 =	sand.u32 $0xFFFFFC00, s15;
	s21 =	sadd.s32 $0x20, s14;
	s23 =	sadd.s32 $0x30, s14;
	(erf) = vpow2.f32 v14  }
0x314: {  	s25 =	sadd.s32 $0x40, s14;
	s29 =	sadd.s32 $0x50, s14;
	s9 =	sadd.s32 $0x60, s14;
	v14 =	vmul.f32 $1.442695020e+00, v15;
	v15 =	vmul.f32 v16, v16;
	v16 =	vld [tilespmem:$0x1FF40]  }
0x315: {  	s1 =	sadd.s32 $0x70, s14;
	s14 =	simm.s32 $0x0;
	s18 =	sshll.u32 s16, $0x3  }
0x316: {  	[dreg:$0xf] =	wrdreg s0;
	s3 =	sand.u32 $0x70, s16;
	s22 =	sshll.u32 s21, $0x3;
	v11 =	vmul.f32 $1.442695020e+00, v11  }
0x317: {  	s2 =	sand.u32 $0x70, s21;
	s24 =	sshll.u32 s23, $0x3;
	s6 =	sand.u32 $0x70, s23;
	(erf) = vpow2.f32 v14  }
0x318: {  	s26 =	sshll.u32 s25, $0x3;
	s31 =	sshll.u32 s29, $0x3;
	s20 =	sand.u32 $0xFFFFFC00, s18;
	(erf) = vpow2.f32 v11;
	v11 =	vmul.f32 v15, v12  }
0x319: {  	s10 =	sshll.u32 s9, $0x3;
	s0 =	sand.u32 $0xFFFFFC00, s22;
	[dreg:$0x10] =	wrdreg s20;
	v15 =	vld [tilespmem:$0x1FF50];
	v16 =	vadd.s32 s5, v16  }
0x31a: {  	s11 =	sshll.u32 s1, $0x3;
	s28 =	sand.u32 $0xFFFFFC00, s26;
	[dreg:$0x11] =	wrdreg s0;
	v17 =	vmul.f32 $1.442695020e+00, v11;
	v14 =	vcvt.s32.f32 v16;
	v16 =	vld [tilespmem:$0x1FF60]  }
0x31b: {  	s7 =	sand.u32 $0x70, s25;
	s10 =	sand.u32 $0xFFFFFC00, s10;
	[dreg:$0x13] =	wrdreg s28  }
0x31c: {  	s15 =	smul.u32 $0x3000, s14;
	s13 =	sand.u32 $0xFFFFFC00, s11;
	[dreg:$0x15] =	wrdreg s10;
	(erf) = vpow2.f32 v17;
	v17 =	vld [tilespmem:$0x1FF70]  }
0x31d: {  	s8 =	sand.u32 $0x70, s29;
	v18 =	vmov s3;
	s0 =	sand.u32 $0xFFFFFC00, s24;
	[dreg:$0x16] =	wrdreg s13  }
0x31e: {  	s9 =	sand.u32 $0x70, s9;
	v22 =	vmov s6;
	v23 =	vmov s7;
	[dreg:$0x12] =	wrdreg s0;
	s0 =	sand.u32 $0xFFFFFC00, s31;
	v15 =	vadd.s32 s5, v15  }
0x31f: {  	s1 =	sand.u32 $0x70, s1;
	[dreg:$0x14] =	wrdreg s0;
	s0 =	sshra.s32 s15, $0x2;
	v14 =	vsub.f32 v14, v13;
	v15 =	vcvt.s32.f32 v15;
	v16 =	vadd.s32 s5, v16  }
0x320: {  	v24 =	vmov s8;
	v26 =	vmov s9;
	s20 =	simm.s32 $0x180;
	s21 =	rddreg [dreg:$0x12];
	s0 =	sadd.s32 $0xC500, s0;
	v16 =	vcvt.s32.f32 v16  }
0x321: {  	s4 =	sand.u32 $0x380, s20;
	s23 =	rddreg [dreg:$0x13];
	s6 =	sadd.s32 s21, s0;
	v14 =	vmul.f32 v14, v14;
	v15 =	vsub.f32 v15, v13;
	v25 =	vadd.s32 s5, v17  }
0x322: {  	v21 =	vmov s2;
	s25 =	rddreg [dreg:$0x14];
	s7 =	sadd.s32 s23, s0;
	s11 =	sadd.s32 s4, s6;
	v17 =	vcvt.s32.f32 v25;
	v16 =	vsub.f32 v16, v13  }
0x323: {  	v27 =	vmov s1;
	s28 =	rddreg [dreg:$0x15];
	s9 =	sadd.s32 s25, s0;
	s10 =	sadd.s32 s4, s7;
	v29 =	vld.idx.msk [tilespmem:v22+s11+$0x0 ss:$0x1], $0xffff;
	v14 =	vmul.f32 v14, v12;
	v15 =	vmul.f32 v15, v15  }
0x324: {  	s8 =	sadd.s32 s28, s0;
	s2 =	sadd.s32 s4, s9;
	v30 =	vld.idx.msk [tilespmem:v23+s10+$0x0 ss:$0x1], $0xffff;
	v11 =	vmov s17;
	s17 =	rddreg [dreg:$0x10];
	v13 =	vsub.f32 v17, v13;
	v16 =	vmul.f32 v16, v16  }
0x325: {  	s31 =	rddreg [dreg:$0x16];
	s13 =	sadd.s32 s4, s8;
	v31 =	vld.idx.msk [tilespmem:v24+s2+$0x0 ss:$0x1], $0xffff;
	s30 =	sadd.s32 s17, s0;
	v15 =	vmul.f32 v15, v12;
	v14 =	vmul.f32 $1.442695020e+00, v14  }
0x326: {  	s11 =	simm.s32 $0x0;
	v32 =	vld.idx.msk [tilespmem:v26+s13+$0x0 ss:$0x1], $0xffff;
	s17 =	sadd.s32 s31, s0;
	s26 =	sadd.s32 s4, s30;
	v13 =	vmul.f32 v13, v13;
	v16 =	vmul.f32 v16, v12  }
0x327: {  	s16 =	rddreg [dreg:$0xf];
	s31 =	sand.u32 $0x200, s11;
	s14 =	sadd.s32 s4, s17;
	v20 =	vld.idx.msk [tilespmem:v18+s26+$0x0 ss:$0x1], $0xffff;
	v15 =	vmul.f32 $1.442695020e+00, v15;
	(erf) = vpow2.f32 v14  }
0x328: {  	s22 =	sadd.s32 s16, s0;
	s16 =	sadd.s32 s31, s30;
	v52 =	vld.idx.msk [tilespmem:v27+s14+$0x0 ss:$0x1], $0xffff;
	v13 =	vmul.f32 v13, v12;
	v14 =	vmul.f32 $1.442695020e+00, v16  }
0x329: {  	s21 =	sadd.s32 s31, s6;
	v54 =	vld.idx.msk [tilespmem:v18+s16+$0x0 ss:$0x1], $0xffff;
	(erf) = vpow2.f32 v15  }
0x32a: {  	s18 =	rddreg [dreg:$0x11];
	s23 =	sadd.s32 s31, s7;
	v46 =	vld.idx.msk [tilespmem:v22+s21+$0x0 ss:$0x1], $0xffff;
	v15 =	vmul.f32 $1.442695020e+00, v13;
	(erf) = vpow2.f32 v14  }
0x32b: {  	s24 =	sadd.s32 s4, s22;
	v49 =	vld.idx.msk [tilespmem:v23+s23+$0x0 ss:$0x1], $0xffff;
	s5 =	sadd.s32 s18, s0  }
0x32c: {  	v19 =	vld.idx.msk [tilespmem:v11+s24+$0x0 ss:$0x1], $0xffff;
	s29 =	sadd.s32 s4, s5;
	v12 =	vpop (erf);
	(erf) = vpow2.f32 v15  }
0x32d: {  	s28 =	simm.s32 $0x80;
	s26 =	sadd.s32 s31, s9;
	v28 =	vld.idx.msk [tilespmem:v21+s29+$0x0 ss:$0x1], $0xffff;
	v13 =	vpop (erf)  }
0x32e: {  	s15 =	sadd.s32 s31, s22;
	v51 =	vld.idx.msk [tilespmem:v24+s26+$0x0 ss:$0x1], $0xffff;
	s26 =	sand.u32 $0x280, s28;
	v14 =	vpop (erf)  }
0x32f: {  	v53 =	vld.idx.msk [tilespmem:v11+s15+$0x0 ss:$0x1], $0xffff;
	s24 =	sadd.s32 $0x400, s22;
	s10 =	sadd.s32 s26, s30;
	v15 =	vpop (erf)  }
0x330: {  	s25 =	sadd.s32 s4, s24;
	v34 =	vld.idx.msk [tilespmem:v18+s10+$0x0 ss:$0x1], $0xffff;
	v16 =	vpop (erf)  }
0x331: {  	v50 =	vld.idx.msk [tilespmem:v11+s25+$0x0 ss:$0x1], $0xffff;
	s18 =	sadd.s32 s31, s5;
	v47 =	vmul.f32 v19, v12;
	v48 =	vmul.f32 v20, v13;
	v17 =	vpop (erf)  }
0x332: {  	s13 =	sadd.s32 s26, s6;
	v45 =	vld.idx.msk [tilespmem:v21+s18+$0x0 ss:$0x1], $0xffff;
	v28 =	vmul.f32 v28, v14;
	v29 =	vmul.f32 v29, v15;
	v19 =	vpop (erf)  }
0x333: {  	s3 =	sadd.s32 s31, s17;
	v38 =	vadd.f32 v48, v47;
	v47 =	vld.idx.msk [tilespmem:v22+s13+$0x0 ss:$0x1], $0xffff;
	v30 =	vmul.f32 v30, v16;
	v31 =	vmul.f32 v31, v17;
	v20 =	vpop (erf)  }
0x334: {  	s4 =	sadd.s32 $0x80, s19;
	s29 =	sadd.s32 s31, s8;
	v28 =	vadd.f32 v29, v28;
	v29 =	vld.idx.msk [tilespmem:v27+s3+$0x0 ss:$0x1], $0xffff;
	v32 =	vmul.f32 v32, v19;
	v33 =	vmul.f32 v52, v20  }
0x335: {  	s1 =	sadd.s32 s26, s22;
	vm0 =	vlt.s32 v25, s4;
	v53 =	vmul.f32 v53, v12;
	v37 =	vmul.f32 v46, v15;
	v52 =	vld.idx.msk [tilespmem:v26+s29+$0x0 ss:$0x1], $0xffff;
	v25 =	vpop (erf)  }
0x336: {  	s14 =	sadd.s32 s26, s7;
	v30 =	vadd.f32 v31, v30;
	v25 =	vnsel vm0, $0x0, v25;
	v31 =	vadd.f32 v33, v32;
	v32 =	vld.idx.msk [tilespmem:v11+s1+$0x0 ss:$0x1], $0xffff  }
0x337: {  	s16 =	sor.u32 $0x1, s12;
	s11 =	sadd.s32 s26, s5;
	v46 =	vmul.f32 v49, v16;
	v28 =	vadd.f32 v28, v38;
	v48 =	vmul.f32 v50, v25;
	v50 =	vld.idx.msk [tilespmem:v23+s14+$0x0 ss:$0x1], $0xffff  }
0x338: {  	s19 =	sadd.s32 s26, s8;
	s18 =	simm.s32 $0x100;
	v30 =	vadd.f32 v31, v30;
	v31 =	vmul.f32 v54, v13;
	v54 =	vmul.f32 v45, v14;
	v45 =	vld.idx.msk [tilespmem:v21+s11+$0x0 ss:$0x1], $0xffff;
	[smem:$0x7ED] =	sst s16  }
0x339: {  	s15 =	sadd.s32 s26, s9;
	s0 =	sand.u32 $0x300, s18;
	v49 =	vmul.f32 v51, v17;
	v51 =	vmul.f32 v29, v20;
	v29 =	vld.idx.msk [tilespmem:v26+s19+$0x0 ss:$0x1], $0xffff  }
0x33a: {  	s28 =	sadd.s32 s0, s30;
	v30 =	vadd.f32 v30, v28;
	v33 =	vadd.f32 v31, v53;
	v31 =	vmul.f32 v52, v19;
	v28 =	vld.idx.msk [tilespmem:v24+s15+$0x0 ss:$0x1], $0xffff  }
0x33b: {  	s23 =	sadd.s32 s26, s17;
	v35 =	vadd.f32 v37, v54;
	v54 =	vmul.f32 v34, v13;
	v34 =	vld.idx.msk [tilespmem:v18+s28+$0x0 ss:$0x1], $0xffff  }
0x33c: {  	s21 =	simm.s32 $0x600;
	s25 =	sadd.s32 s0, s22;
	s30 =	sadd.s32 s0, s7;
	v38 =	vadd.f32 v49, v46;
	v53 =	vadd.f32 v51, v31;
	v31 =	vld.idx.msk [tilespmem:v27+s23+$0x0 ss:$0x1], $0xffff  }
0x33d: {  	s9 =	sadd.s32 s0, s9;
	s4 =	sadd.s32 s0, s8;
	s29 =	sadd.s32 s0, s5;
	v32 =	vmul.f32 v32, v12;
	v52 =	vadd.f32 v30, v48;
	v30 =	vadd.f32 v35, v33;
	v33 =	vld.idx.msk [tilespmem:v11+s25+$0x0 ss:$0x1], $0xffff  }
0x33e: {  	s8 =	sadd.s32 s0, s17;
	s7 =	sadd.s32 s31, s24;
	s22 =	simm.s32 $0x0;
	v39 =	vmul.f32 v47, v15;
	v37 =	vmul.f32 v50, v16;
	v35 =	vld.idx.msk [tilespmem:v21+s29+$0x0 ss:$0x1], $0xffff  }
0x33f: {  	s5 =	sadd.s32 s0, s24;
	s23 =	sadd.s32 s0, s6;
	s6 =	sadd.s32 s26, s24;
	v36 =	vmul.f32 v45, v14;
	v32 =	vadd.f32 v54, v32;
	[tilespmem:s21+$0x80] =	vst v52;
	v38 =	vadd.f32 v53, v38  }
.LBB2_5:
0x340: {  	s22 =	sadd.s32 $0x4, s22;
	v45 =	vld.idx.msk [tilespmem:v22+s23+$0x0 ss:$0x1], $0xffff  }
0x341: {  	v46 =	vld.idx.msk [tilespmem:v23+s30+$0x0 ss:$0x1], $0xffff;
	s0 =	sshrl.u32 s22, $0x3  }
0x342: {  	v47 =	vld.idx.msk [tilespmem:v24+s9+$0x0 ss:$0x1], $0xffff;
	s0 =	smul.u32 $0x3000, s0  }
0x343: {  	v48 =	vld.idx.msk [tilespmem:v26+s4+$0x0 ss:$0x1], $0xffff  }
0x344: {  	v49 =	vld.idx.msk [tilespmem:v27+s8+$0x0 ss:$0x1], $0xffff;
	s0 =	sshra.s32 s0, $0x2  }
0x345: {  	s1 =	rddreg [dreg:$0xf];
	v40 =	vld.idx.msk [tilespmem:v11+s7+$0x0 ss:$0x1], $0xffff;
	s20 =	sadd.s32 $0x200, s20;
	s0 =	sadd.s32 $0xC500, s0  }
0x346: {  	s2 =	rddreg [dreg:$0x10];
	v41 =	vld.idx.msk [tilespmem:v11+s6+$0x0 ss:$0x1], $0xffff;
	s8 =	sand.u32 $0x380, s20;
	v28 =	vmul.f32 v28, v17;
	s7 =	sadd.s32 s1, s0  }
0x347: {  	s3 =	rddreg [dreg:$0x11];
	v51 =	vld.idx.msk [tilespmem:v11+s5+$0x0 ss:$0x1], $0xffff;
	v29 =	vmul.f32 v29, v19;
	v31 =	vmul.f32 v31, v20;
	s6 =	sadd.s32 s2, s0;
	s18 =	sadd.s32 s8, s7  }
0x348: {  	s16 =	rddreg [dreg:$0x12];
	v36 =	vadd.f32 v39, v36;
	s5 =	sadd.s32 s3, s0;
	s23 =	sadd.s32 s8, s6;
	v39 =	vld.idx.msk [tilespmem:v11+s18+$0x0 ss:$0x1], $0xffff  }
0x349: {  	s17 =	rddreg [dreg:$0x13];
	v28 =	vadd.f32 v28, v37;
	v29 =	vadd.f32 v31, v29;
	s4 =	sadd.s32 s16, s0;
	s10 =	sadd.s32 s8, s5;
	v53 =	vld.idx.msk [tilespmem:v18+s23+$0x0 ss:$0x1], $0xffff  }
0x34a: {  	s19 =	rddreg [dreg:$0x14];
	v30 =	vadd.f32 v38, v30;
	v50 =	vmul.f32 v46, v16;
	v46 =	vmul.f32 v40, v25;
	s9 =	sadd.s32 s17, s0;
	s26 =	sadd.s32 s8, s4;
	v44 =	vld.idx.msk [tilespmem:v21+s10+$0x0 ss:$0x1], $0xffff  }
0x34b: {  	s25 =	rddreg [dreg:$0x16];
	v33 =	vmul.f32 v33, v12;
	s17 =	sadd.s32 s19, s0;
	s28 =	sadd.s32 s8, s9;
	v28 =	vadd.f32 v29, v28;
	v29 =	vmul.f32 v45, v15;
	v45 =	vld.idx.msk [tilespmem:v22+s26+$0x0 ss:$0x1], $0xffff  }
0x34c: {  	s11 =	sadd.s32 $0xFFFFFE80, s20;
	v35 =	vmul.f32 v35, v14;
	v52 =	vmul.f32 v47, v17;
	s31 =	sadd.s32 s8, s17;
	v30 =	vadd.f32 v30, v46;
	v47 =	vld.idx.msk [tilespmem:v23+s28+$0x0 ss:$0x1], $0xffff;
	s26 =	sadd.s32 s25, s0  }
0x34d: {  	v32 =	vadd.f32 v36, v32;
	v54 =	vmul.f32 v48, v19;
	v31 =	vmul.f32 v34, v13;
	v48 =	vld.idx.msk [tilespmem:v24+s31+$0x0 ss:$0x1], $0xffff;
	s31 =	sand.u32 $0x200, s11;
	s13 =	sadd.s32 s8, s26  }
0x34e: {  	s24 =	rddreg [dreg:$0x15];
	v34 =	vmul.f32 v49, v20;
	v49 =	vmul.f32 v51, v25;
	s14 =	sadd.s32 s31, s7;
	[tilespmem:s21+$0xFFFFFF00] =	vst v30;
	v51 =	vld.idx.msk [tilespmem:v27+s13+$0x0 ss:$0x1], $0xffff  }
0x34f: {  	s24 =	sadd.s32 s24, s0;
	v31 =	vadd.f32 v31, v33;
	s23 =	sadd.s32 s31, s17;
	v29 =	vadd.f32 v29, v35;
	v30 =	vld.idx.msk [tilespmem:v11+s14+$0x0 ss:$0x1], $0xffff  }
0x350: {  	s12 =	sadd.s32 s8, s24;
	v34 =	vadd.f32 v34, v54;
	v28 =	vadd.f32 v28, v32;
	v42 =	vld.idx.msk [tilespmem:v24+s23+$0x0 ss:$0x1], $0xffff  }
0x351: {  	v41 =	vmul.f32 v41, v25;
	s18 =	sadd.s32 s31, s4;
	v29 =	vadd.f32 v29, v31;
	v31 =	vadd.f32 v52, v50;
	v50 =	vld.idx.msk [tilespmem:v26+s12+$0x0 ss:$0x1], $0xffff  }
0x352: {  	s19 =	sadd.s32 s31, s9;
	v52 =	vld.idx.msk [tilespmem:v22+s18+$0x0 ss:$0x1], $0xffff  }
0x353: {  	v28 =	vadd.f32 v28, v41;
	s12 =	sadd.s32 s31, s24;
	v35 =	vmul.f32 v53, v13;
	v53 =	vld.idx.msk [tilespmem:v23+s19+$0x0 ss:$0x1], $0xffff;
	v31 =	vadd.f32 v34, v31  }
0x354: {  	s13 =	sadd.s32 s31, s26;
	v37 =	vmul.f32 v44, v14;
	v44 =	vld.idx.msk [tilespmem:v26+s12+$0x0 ss:$0x1], $0xffff  }
0x355: {  	s29 =	sadd.s32 $0xFFFFFF00, s20;
	s15 =	sadd.s32 s31, s6;
	v32 =	vmul.f32 v45, v15;
	v45 =	vld.idx.msk [tilespmem:v27+s13+$0x0 ss:$0x1], $0xffff;
	[tilespmem:s21+$0xFFFFFF80] =	vst v28;
	v28 =	vadd.f32 v31, v29  }
0x356: {  	s28 =	sand.u32 $0x280, s29;
	s16 =	sadd.s32 s31, s5;
	v29 =	vld.idx.msk [tilespmem:v18+s15+$0x0 ss:$0x1], $0xffff  }
0x357: {  	s0 =	sadd.s32 s28, s7;
	v39 =	vmul.f32 v39, v12;
	v40 =	vmul.f32 v47, v16;
	v31 =	vld.idx.msk [tilespmem:v21+s16+$0x0 ss:$0x1], $0xffff;
	v28 =	vadd.f32 v28, v49  }
0x358: {  	s14 =	sadd.s32 s28, s6;
	v36 =	vmul.f32 v48, v17;
	v34 =	vmul.f32 v51, v20;
	v46 =	vld.idx.msk [tilespmem:v11+s0+$0x0 ss:$0x1], $0xffff;
	s16 =	sadd.s32 $0x400, s7  }
0x359: {  	v35 =	vadd.f32 v35, v39;
	v48 =	vld.idx.msk [tilespmem:v18+s14+$0x0 ss:$0x1], $0xffff;
	s8 =	sadd.s32 s8, s16;
	[tilespmem:s21+$0x0] =	vst v28;
	v28 =	vmul.f32 v50, v19  }
0x35a: {  	s25 =	sadd.s32 s28, s4;
	v30 =	vmul.f32 v30, v12;
	v32 =	vadd.f32 v32, v37;
	v36 =	vadd.f32 v36, v40;
	v54 =	vld.idx.msk [tilespmem:v11+s8+$0x0 ss:$0x1], $0xffff  }
0x35b: {  	s10 =	sadd.s32 $0xFFFFFF80, s20;
	s18 =	sadd.s32 s28, s9;
	v51 =	vld.idx.msk [tilespmem:v22+s25+$0x0 ss:$0x1], $0xffff;
	v33 =	vmul.f32 v52, v15;
	v47 =	vmul.f32 v53, v16;
	v28 =	vadd.f32 v34, v28  }
0x35c: {  	s1 =	sand.u32 $0x300, s10;
	s15 =	sadd.s32 s28, s5;
	v32 =	vadd.f32 v32, v35;
	v52 =	vld.idx.msk [tilespmem:v23+s18+$0x0 ss:$0x1], $0xffff;
	v29 =	vmul.f32 v29, v13;
	v31 =	vmul.f32 v31, v14  }
0x35d: {  	s10 =	sadd.s32 s1, s5;
	v49 =	vld.idx.msk [tilespmem:v21+s15+$0x0 ss:$0x1], $0xffff;
	v37 =	vmul.f32 v44, v19;
	v34 =	vmul.f32 v45, v20;
	v28 =	vadd.f32 v28, v36  }
0x35e: {  	p1 =	slt.u32 s22, $0x3C;
	s2 =	sadd.s32 s1, s7;
	v50 =	vmul.f32 v42, v17;
	v35 =	vld.idx.msk [tilespmem:v21+s10+$0x0 ss:$0x1], $0xffff;
	v29 =	vadd.f32 v29, v30;
	v30 =	vadd.f32 v33, v31  }
.Ltmp3:
0x35f: {  	s11 =	sadd.s32 s28, s24;
	v31 =	vmul.f32 v54, v25;
	v33 =	vld.idx.msk [tilespmem:v11+s2+$0x0 ss:$0x1], $0xffff;
	v34 =	vadd.f32 v34, v37;
	v28 =	vadd.f32 v28, v32;
	(pc) =	sbr.rel @p1 .LBB2_5-.Ltmp3, $4  }
0x360: {  	s3 =	sadd.s32 s28, s17;
	s29 =	sadd.s32 s1, s6;
	s23 =	sadd.s32 s1, s4;
	v30 =	vadd.f32 v30, v29;
	v29 =	vld.idx.msk [tilespmem:v26+s11+$0x0 ss:$0x1], $0xffff;
	v32 =	vadd.f32 v50, v47  }
0x361: {  	s30 =	sadd.s32 s1, s9;
	s4 =	sadd.s32 s1, s24;
	s9 =	sadd.s32 s1, s17;
	v53 =	vmul.f32 v46, v12;
	v54 =	vmul.f32 v48, v13;
	v31 =	vadd.f32 v28, v31;
	v28 =	vld.idx.msk [tilespmem:v24+s3+$0x0 ss:$0x1], $0xffff  }
0x362: {  	s19 =	sadd.s32 s28, s26;
	s7 =	sadd.s32 s31, s16;
	s21 =	sadd.s32 $0x200, s21;
	v39 =	vmul.f32 v51, v15;
	v36 =	vmul.f32 v49, v14;
	v38 =	vadd.f32 v34, v32;
	v34 =	vld.idx.msk [tilespmem:v18+s29+$0x0 ss:$0x1], $0xffff  }
0x363: {  	s6 =	sadd.s32 s28, s16;
	s5 =	sadd.s32 s1, s16;
	s8 =	sadd.s32 s1, s26;
	v37 =	vmul.f32 v52, v16;
	v32 =	vadd.f32 v54, v53;
	[tilespmem:s21+$0x80] =	vst v31;
	v31 =	vld.idx.msk [tilespmem:v27+s19+$0x0 ss:$0x1], $0xffff  }
0x364: {  	_ =	sdelay $0x3  }
0x365: {  	v18 =	vld.idx.msk [tilespmem:v22+s23+$0x0 ss:$0x1], $0xffff  }
0x366: {  	v21 =	vld.idx.msk [tilespmem:v23+s30+$0x0 ss:$0x1], $0xffff  }
0x367: {  	v22 =	vld.idx.msk [tilespmem:v24+s9+$0x0 ss:$0x1], $0xffff  }
0x368: {  	v23 =	vld.idx.msk [tilespmem:v26+s4+$0x0 ss:$0x1], $0xffff  }
0x369: {  	v26 =	vld.idx.msk [tilespmem:v27+s8+$0x0 ss:$0x1], $0xffff;
	v45 =	vmul.f32 v35, v14  }
0x36a: {  	v27 =	vmul.f32 v29, v19;
	v29 =	vadd.f32 v38, v30;
	v30 =	vmul.f32 v33, v12  }
0x36b: {  	v24 =	vmul.f32 v28, v17;
	v28 =	vmul.f32 v31, v20  }
0x36c: {  	v44 =	vadd.f32 v39, v36;
	v31 =	vmul.f32 v34, v13;
	v18 =	vmul.f32 v18, v15  }
0x36d: {  	v46 =	vld.idx.msk [tilespmem:v11+s7+$0x0 ss:$0x1], $0xffff;
	v24 =	vadd.f32 v24, v37;
	v21 =	vmul.f32 v21, v16;
	v22 =	vmul.f32 v22, v17  }
0x36e: {  	v23 =	vmul.f32 v23, v19;
	v26 =	vmul.f32 v26, v20;
	v27 =	vadd.f32 v28, v27;
	v28 =	vld.idx.msk [tilespmem:v11+s6+$0x0 ss:$0x1], $0xffff  }
0x36f: {  	v30 =	vadd.f32 v31, v30;
	v11 =	vld.idx.msk [tilespmem:v11+s5+$0x0 ss:$0x1], $0xffff;
	v18 =	vadd.f32 v18, v45  }
0x370: {  	v21 =	vadd.f32 v22, v21;
	v22 =	vadd.f32 v26, v23  }
0x371: {  	v23 =	vadd.f32 v44, v32;
	v24 =	vadd.f32 v27, v24  }
0x372: {  	v26 =	vmul.f32 v46, v25;
	v18 =	vadd.f32 v18, v30;
	v21 =	vadd.f32 v22, v21  }
0x373: {  	v22 =	vadd.f32 v24, v23;
	v23 =	vmul.f32 v28, v25  }
0x374: {  	v24 =	vadd.f32 v29, v26;
	v11 =	vmul.f32 v11, v25;
	v18 =	vadd.f32 v21, v18  }
0x375: {  	v21 =	vadd.f32 v22, v23  }
0x376: {  	[tilespmem:s21+$0xFFFFFF00] =	vst v24;
	v11 =	vadd.f32 v18, v11  }
0x377: {  	[tilespmem:s21+$0xFFFFFF80] =	vst v21  }
0x378: {  	s0 =	simm.s32 $0x500;
	[tilespmem:s21+$0x0] =	vst v11  }
0x379: {  	v11 =	vld.idx.msk [tilespmem:v6+s0+$0x0], $0xffff  }
0x37a: {  	v18 =	vld [tilespmem:$0x1FF80]  }
0x37b: {  	v21 =	vld [tilespmem:$0x1FF90]  }
0x37c: {  	v22 =	vld [tilespmem:$0x1FFA0]  }
0x37d: {  	v23 =	vld [tilespmem:$0x1FFB0]  }
0x37e: {  	v24 =	vld [tilespmem:$0x1FFC0]  }
0x37f: {  	v26 =	vld [tilespmem:$0x1FFD0]  }
0x380: {  	v27 =	vld [tilespmem:$0x1FFE0]  }
0x381: {  	v28 =	vld [tilespmem:$0x1FFF0]  }
0x382: {  	v29 =	vld [tilespmem:$0x1FCC0]  }
0x383: {  	v30 =	vld [tilespmem:$0x1FCD0]  }
0x384: {  	v31 =	vld [tilespmem:$0x1FCE0]  }
0x385: {  	v47 =	vld [tilespmem:$0x1FCF0]  }
0x386: {  	v48 =	vld [tilespmem:$0x1FD00]  }
0x387: {  	v49 =	vld [tilespmem:$0x1FD10]  }
0x388: {  	v50 =	vld [tilespmem:$0x1FD20]  }
0x389: {  	v51 =	vld [tilespmem:$0x1FD30]  }
0x38a: {  	v52 =	vld [tilespmem:$0x1FD40]  }
0x38b: {  	v53 =	vld [tilespmem:$0x1FD50]  }
0x38c: {  	v54 =	vld [tilespmem:$0x1FD60]  }
0x38d: {  	v12 =	vadd.f32 v13, v12;
	v40 =	vld [tilespmem:$0x1FD70]  }
0x38e: {  	v41 =	vld [tilespmem:$0x1FD80]  }
0x38f: {  	v12 =	vadd.f32 v12, v14;
	v42 =	vld [tilespmem:$0x1FD90]  }
0x390: {  	v43 =	vld [tilespmem:$0x1FDA0]  }
0x391: {  	v12 =	vadd.f32 v12, v15;
	v44 =	vld [tilespmem:$0x1FDB0]  }
0x392: {  	v45 =	vld [tilespmem:$0x1FDC0]  }
0x393: {  	v12 =	vadd.f32 v12, v16;
	v46 =	vld [tilespmem:$0x1FDD0]  }
0x394: {  	v13 =	vld [tilespmem:$0x1FDF0]  }
0x395: {  	v12 =	vadd.f32 v12, v17;
	v14 =	vld [tilespmem:$0x1FE10]  }
0x396: {  	v15 =	vld [tilespmem:$0x1FE30]  }
0x397: {  	v12 =	vadd.f32 v12, v19;
	v16 =	vld.idx.msk [tilespmem:v58+s0+$0x0], $0xffff  }
0x398: {  	v17 =	vld.idx.msk [tilespmem:v62+s0+$0x0], $0xffff  }
0x399: {  	v12 =	vadd.f32 v12, v20;
	v19 =	vld.idx.msk [tilespmem:v59+s0+$0x0], $0xffff  }
0x39a: {  	v20 =	vld.idx.msk [tilespmem:v56+s0+$0x0], $0xffff  }
0x39b: {  	v12 =	vadd.f32 v12, v25;
	v25 =	vld [tilespmem:$0x1FE50]  }
0x39c: {  	v18 =	vld.idx.msk [tilespmem:v18+s0+$0x0], $0xffff  }
0x39d: {  	v21 =	vld.idx.msk [tilespmem:v21+s0+$0x0], $0xffff  }
0x39e: {  	v22 =	vld.idx.msk [tilespmem:v22+s0+$0x0], $0xffff  }
0x39f: {  	v23 =	vld.idx.msk [tilespmem:v23+s0+$0x0], $0xffff  }
0x3a0: {  	v24 =	vld.idx.msk [tilespmem:v24+s0+$0x0], $0xffff  }
0x3a1: {  	v26 =	vld.idx.msk [tilespmem:v26+s0+$0x0], $0xffff  }
0x3a2: {  	v27 =	vld.idx.msk [tilespmem:v27+s0+$0x0], $0xffff  }
0x3a3: {  	v28 =	vld.idx.msk [tilespmem:v28+s0+$0x0], $0xffff  }
0x3a4: {  	v29 =	vld.idx.msk [tilespmem:v29+s0+$0x0], $0xffff  }
0x3a5: {  	v30 =	vld.idx.msk [tilespmem:v30+s0+$0x0], $0xffff  }
0x3a6: {  	v31 =	vld.idx.msk [tilespmem:v31+s0+$0x0], $0xffff  }
0x3a7: {  	v32 =	vld.idx.msk [tilespmem:v47+s0+$0x0], $0xffff  }
0x3a8: {  	v33 =	vld.idx.msk [tilespmem:v48+s0+$0x0], $0xffff  }
0x3a9: {  	v34 =	vld.idx.msk [tilespmem:v49+s0+$0x0], $0xffff  }
0x3aa: {  	v35 =	vld.idx.msk [tilespmem:v50+s0+$0x0], $0xffff  }
0x3ab: {  	v36 =	vld.idx.msk [tilespmem:v51+s0+$0x0], $0xffff  }
0x3ac: {  	v37 =	vld.idx.msk [tilespmem:v52+s0+$0x0], $0xffff  }
0x3ad: {  	v38 =	vld.idx.msk [tilespmem:v53+s0+$0x0], $0xffff  }
0x3ae: {  	v39 =	vld.idx.msk [tilespmem:v54+s0+$0x0], $0xffff  }
0x3af: {  	v40 =	vld.idx.msk [tilespmem:v40+s0+$0x0], $0xffff  }
0x3b0: {  	v41 =	vld.idx.msk [tilespmem:v41+s0+$0x0], $0xffff  }
0x3b1: {  	v42 =	vld.idx.msk [tilespmem:v42+s0+$0x0], $0xffff  }
0x3b2: {  	v43 =	vld.idx.msk [tilespmem:v43+s0+$0x0], $0xffff  }
0x3b3: {  	v44 =	vld.idx.msk [tilespmem:v44+s0+$0x0], $0xffff  }
0x3b4: {  	v45 =	vld.idx.msk [tilespmem:v45+s0+$0x0], $0xffff  }
0x3b5: {  	v46 =	vld.idx.msk [tilespmem:v46+s0+$0x0], $0xffff  }
0x3b6: {  	v47 =	vld [tilespmem:$0x1FDE0]  }
0x3b7: {  	v13 =	vld.idx.msk [tilespmem:v13+s0+$0x0], $0xffff  }
0x3b8: {  	v48 =	vld [tilespmem:$0x1FE00]  }
0x3b9: {  	v14 =	vld.idx.msk [tilespmem:v14+s0+$0x0], $0xffff  }
0x3ba: {  	v49 =	vld [tilespmem:$0x1FE20]  }
0x3bb: {  	v15 =	vld.idx.msk [tilespmem:v15+s0+$0x0], $0xffff  }
0x3bc: {  	v50 =	vld.idx.msk [tilespmem:v55+s0+$0x0], $0xffff  }
0x3bd: {  	v51 =	vld.idx.msk [tilespmem:v1+s0+$0x0], $0xffff  }
0x3be: {  	v52 =	vld.idx.msk [tilespmem:v63+s0+$0x0], $0xffff  }
0x3bf: {  	v53 =	vld.idx.msk [tilespmem:v60+s0+$0x0], $0xffff  }
0x3c0: {  	v54 =	vld [tilespmem:$0x1FE40]  }
0x3c1: {  	v25 =	vld.idx.msk [tilespmem:v25+s0+$0x0], $0xffff  }
0x3c2: {  	v11 =	vadd.f32 v18, v11;
	v18 =	vadd.f32 v22, v21;
	v21 =	vld [tilespmem:$0x1FE60]  }
0x3c3: {  	v22 =	vadd.f32 v24, v23;
	v24 =	vld [tilespmem:$0x1FE70]  }
0x3c4: {  	v23 =	vadd.f32 v27, v26;
	v26 =	vadd.f32 v29, v28;
	v28 =	vld [tilespmem:$0x1FE80]  }
0x3c5: {  	v27 =	vadd.f32 v31, v30;
	v30 =	vld [tilespmem:$0x1FE90]  }
0x3c6: {  	(xrf2) =	vadd.scan.msk.f32 $0xffff, v12;
	v12 =	vadd.f32 v33, v32;
	v31 =	vld [tilespmem:$0x1FEC0];
	v40 =	vadd.f32 v41, v40  }
0x3c7: {  	v41 =	vadd.f32 v43, v42;
	v42 =	vld [tilespmem:$0x1FED0];
	v43 =	vadd.f32 v45, v44  }
0x3c8: {  	v45 =	vld [tilespmem:$0x1FEE0];
	v15 =	vadd.f32 v50, v15;
	v16 =	vadd.f32 v51, v16  }
0x3c9: {  	v17 =	vadd.f32 v52, v17;
	v19 =	vadd.f32 v53, v19;
	v52 =	vld.idx.msk [tilespmem:v7+s0+$0x0], $0xffff  }
0x3ca: {  	v11 =	vadd.f32 v18, v11;
	v18 =	vadd.f32 v23, v22;
	v22 =	vld [tilespmem:$0x1FEA0]  }
0x3cb: {  	v29 =	vadd.f32 v35, v34;
	v23 =	vadd.f32 v27, v26;
	v26 =	vld [tilespmem:$0x1FEB0]  }
0x3cc: {  	v15 =	vadd.f32 v16, v15;
	v16 =	vadd.f32 v19, v17;
	v17 =	vld.idx.msk [tilespmem:v10+s0+$0x0], $0xffff  }
0x3cd: {  	v12 =	vadd.f32 v29, v12;
	v47 =	vld.idx.msk [tilespmem:v47+s0+$0x0], $0xffff  }
0x3ce: {  	v27 =	vadd.f32 v37, v36;
	v29 =	vadd.f32 v39, v38;
	v48 =	vld.idx.msk [tilespmem:v48+s0+$0x0], $0xffff  }
0x3cf: {  	v49 =	vld.idx.msk [tilespmem:v49+s0+$0x0], $0xffff  }
0x3d0: {  	v54 =	vld.idx.msk [tilespmem:v54+s0+$0x0], $0xffff;
	v27 =	vadd.f32 v29, v27;
	v29 =	vadd.f32 v41, v40  }
0x3d1: {  	v11 =	vadd.f32 v18, v11;
	v18 =	vld.idx.msk [tilespmem:v0+s0+$0x0], $0xffff  }
0x3d2: {  	v27 =	vadd.f32 v29, v27;
	v29 =	vld.idx.msk [tilespmem:v2+s0+$0x0], $0xffff  }
0x3d3: {  	v21 =	vld.idx.msk [tilespmem:v21+s0+$0x0], $0xffff  }
0x3d4: {  	v24 =	vld.idx.msk [tilespmem:v24+s0+$0x0], $0xffff  }
0x3d5: {  	v28 =	vld.idx.msk [tilespmem:v28+s0+$0x0], $0xffff  }
0x3d6: {  	v30 =	vld.idx.msk [tilespmem:v30+s0+$0x0], $0xffff  }
0x3d7: {  	v31 =	vld.idx.msk [tilespmem:v31+s0+$0x0], $0xffff  }
0x3d8: {  	v34 =	vld.idx.msk [tilespmem:v42+s0+$0x0], $0xffff  }
0x3d9: {  	v37 =	vld.idx.msk [tilespmem:v45+s0+$0x0], $0xffff  }
0x3da: {  	v44 =	vadd.f32 v47, v46;
	v46 =	vld [tilespmem:$0x1FEF0]  }
0x3db: {  	v47 =	vld.idx.msk [tilespmem:v57+s0+$0x0], $0xffff  }
0x3dc: {  	v13 =	vadd.f32 v48, v13;
	v14 =	vadd.f32 v49, v14;
	v49 =	vld.idx.msk [tilespmem:v3+s0+$0x0], $0xffff  }
0x3dd: {  	v12 =	vadd.f32 v12, v23;
	v22 =	vld.idx.msk [tilespmem:v22+s0+$0x0], $0xffff  }
0x3de: {  	v23, _, _ =	vpop (xrf2);
	v26 =	vld.idx.msk [tilespmem:v26+s0+$0x0], $0xffff;
	v48 =	vadd.f32 v44, v43;
	v13 =	vadd.f32 v14, v13  }
0x3df: {  	v23 =	vadd.f32 $9.999999970e-07, v23;
	v14 =	vld.idx.msk [tilespmem:v61+s0+$0x0], $0xffff  }
0x3e0: {  	v13 =	vadd.f32 v13, v48;
	v21 =	vadd.f32 v21, v25;
	v25 =	vld.idx.msk [tilespmem:v8+s0+$0x0], $0xffff  }
0x3e1: {  	v24 =	vadd.f32 v28, v24;
	v28 =	vld.idx.msk [tilespmem:v9+s0+$0x0], $0xffff  }
0x3e2: {  	v11 =	vadd.f32 v12, v11;
	v23 =	vbroadcast v23, $0xF;
	v12 =	vadd.f32 v13, v27;
	v13 =	vld.idx.msk [tilespmem:v4+s0+$0x0], $0xffff  }
0x3e3: {  	v20 =	vadd.f32 v54, v20;
	v27 =	vld.idx.msk [tilespmem:v5+s0+$0x0], $0xffff  }
0x3e4: {  	(erf) = vrcp.f32 v23;
	v22 =	vadd.f32 v22, v30;
	v38 =	vld.idx.msk [tilespmem:v46+s0+$0x0], $0xffff  }
0x3e5: {  	v19 =	vadd.f32 v21, v20;
	v21 =	vadd.f32 v31, v26  }
0x3e6: {  	v14 =	vadd.f32 v18, v14;
	v18 =	vadd.f32 v49, v29  }
0x3e7: {  	v20 =	vadd.f32 v22, v24;
	v22 =	vadd.f32 v37, v34  }
0x3e8: {  	v24 =	vadd.f32 v25, v52;
	v17 =	vadd.f32 v17, v28  }
0x3e9: {  	v13 =	vadd.f32 v27, v13;
	v23 =	vadd.f32 v47, v38  }
0x3ea: {  	v21 =	vadd.f32 v22, v21;
	v17 =	vadd.f32 v17, v24  }
0x3eb: {  	s9 =	sld [smem:$0x7ED];
	v13 =	vadd.f32 v13, v18;
	v14 =	vadd.f32 v14, v23  }
0x3ec: {  	v15 =	vadd.f32 v16, v15;
	v16 =	vadd.f32 v20, v19  }
0x3ed: {  	v18 =	vpop (erf);
	v13 =	vadd.f32 v17, v13;
	v14 =	vadd.f32 v14, v21  }
0x3ee: {  	s0 =	sshll.u32 s9, $0x7;
	v15 =	vadd.f32 v16, v15;
	v11 =	vmul.f32 v11, v18  }
0x3ef: {  	s0 =	sand.u32 $0x3FFFFF80, s0;
	v12 =	vmul.f32 v12, v18;
	v13 =	vadd.f32 v13, v14  }
0x3f0: {  	[tilespmem:s0+$0x2500] =	vst v11;
	v11 =	vmul.f32 v15, v18  }
0x3f1: {  	s11 =	sld [smem:$0x7F0];
	[tilespmem:s0+$0x2510] =	vst v12;
	v12 =	vmul.f32 v13, v18  }
0x3f2: {  	[tilespmem:s0+$0x2520] =	vst v11  }
0x3f3: {  	[tilespmem:s0+$0x2530] =	vst v12  }
0x3f4: {  	v11 =	vld @!p0 [tilespmem:s11+$0x205];
	_ =	sdelay $0x4  }
0x3f5: {  	(v2sf) =	vpush @!p0 v11, $0x0;
	_ =	sdelay $0xe  }
0x3f6: {  	s0 =	spop @!p0 (v2sf)  }
0x3f7: {  	p2 =	sne.s32 @!p0 s0, $0xF4140  }
0x3f8: {  	p1 =	por !p2, p0  }
0x3f9: {  	s1 =	rddreg [dreg:$0x2];
	s0 =	sand.u32 @!p1 $0xFFFFF80, s0  }
0x3fa: {  	s2 =	simm.s32 @!p1 $0xC500;
	s0 =	sadd.s32 @!p1 s1, s0;
	s1 =	simm.s32 @!p1 $0x0  }
0x3fb: {  	[tilespmem:s2], [sflag:$0x2] =	stream.linear.gather @!p1 [hbm4b:s0+s1], $0x800, $0x38;
	[tilespmem:$0x1E500] =	vst v63  }
0x3fc: {  	s3 =	simm.s32 @!p1 $0xD100;
	s2 =	sadd.s32 @!p1 $0xF4280, s0  }
0x3fd: {  	[tilespmem:s3], [sflag:$0x2] =	stream.linear.gather @!p1 [hbm4b:s2+s1], $0x800, $0x38;
	[tilespmem:$0x1E500] =	vst v63  }
0x3fe: {  	s2 =	sadd.s32 @!p1 $0x1E8500, s0;
	s3 =	simm.s32 @!p1 $0xDD00  }
0x3ff: {  	[tilespmem:s3], [sflag:$0x2] =	stream.linear.gather @!p1 [hbm4b:s2+s1], $0x800, $0x38;
	[tilespmem:$0x1E500] =	vst v63  }
0x400: {  	s2 =	sadd.s32 @!p1 $0x2DC780, s0;
	s3 =	simm.s32 @!p1 $0xE900  }
0x401: {  	[tilespmem:s3], [sflag:$0x2] =	stream.linear.gather @!p1 [hbm4b:s2+s1], $0x800, $0x38;
	[tilespmem:$0x1E500] =	vst v63  }
0x402: {  	s2 =	sadd.s32 @!p1 $0x3D0A00, s0;
	s3 =	simm.s32 @!p1 $0xF500  }
0x403: {  	[tilespmem:s3], [sflag:$0x2] =	stream.linear.gather @!p1 [hbm4b:s2+s1], $0x800, $0x38;
	[tilespmem:$0x1E500] =	vst v63  }
0x404: {  	s2 =	sadd.s32 @!p1 $0x4C4C80, s0;
	s3 =	simm.s32 @!p1 $0x10100  }
0x405: {  	[tilespmem:s3], [sflag:$0x2] =	stream.linear.gather @!p1 [hbm4b:s2+s1], $0x800, $0x38;
	[tilespmem:$0x1E500] =	vst v63  }
0x406: {  	p2 =	por p2, p0;
	s2 =	sadd.s32 @!p1 $0x5B8F00, s0;
	s3 =	simm.s32 @!p1 $0x10D00  }
0x407: {  	[tilespmem:s3], [sflag:$0x2] =	stream.linear.gather @!p1 [hbm4b:s2+s1], $0x800, $0x38;
	[tilespmem:$0x1E500] =	vst v63  }
0x408: {  	s1 =	simm.s32 @!p2 $0x0;
	s2 =	simm.s32 @!p2 $0xC500;
	s3 =	rddreg [dreg:$0x3]  }
0x409: {  	[tilespmem:s2], [sflag:$0x2] =	stream.linear.gather @!p2 [hbm4b:s3+s1], $0x800, $0x38;
	[tilespmem:$0x1E500] =	vst v63  }
0x40a: {  	s3 =	sld [smem:$0x7F7];
	_ =	sdelay $0x1  }
0x40b: {  	s2 =	simm.s32 @!p2 $0xD100  }
0x40c: {  	[tilespmem:s2], [sflag:$0x2] =	stream.linear.gather @!p2 [hbm4b:s3+s1], $0x800, $0x38;
	[tilespmem:$0x1E500] =	vst v63  }
0x40d: {  	s3 =	sld [smem:$0x7F8];
	_ =	sdelay $0x1  }
0x40e: {  	s2 =	simm.s32 @!p2 $0xDD00  }
0x40f: {  	[tilespmem:s2], [sflag:$0x2] =	stream.linear.gather @!p2 [hbm4b:s3+s1], $0x800, $0x38;
	[tilespmem:$0x1E500] =	vst v63  }
0x410: {  	s3 =	sld [smem:$0x7F9];
	_ =	sdelay $0x1  }
0x411: {  	s2 =	simm.s32 @!p2 $0xE900  }
0x412: {  	[tilespmem:s2], [sflag:$0x2] =	stream.linear.gather @!p2 [hbm4b:s3+s1], $0x800, $0x38;
	[tilespmem:$0x1E500] =	vst v63  }
0x413: {  	s3 =	sld [smem:$0x7FA];
	_ =	sdelay $0x1  }
0x414: {  	s2 =	simm.s32 @!p2 $0xF500  }
0x415: {  	[tilespmem:s2], [sflag:$0x2] =	stream.linear.gather @!p2 [hbm4b:s3+s1], $0x800, $0x38;
	[tilespmem:$0x1E500] =	vst v63  }
0x416: {  	s3 =	sld [smem:$0x7FB];
	_ =	sdelay $0x1  }
0x417: {  	s2 =	simm.s32 @!p2 $0x10100  }
0x418: {  	[tilespmem:s2], [sflag:$0x2] =	stream.linear.gather @!p2 [hbm4b:s3+s1], $0x800, $0x38;
	[tilespmem:$0x1E500] =	vst v63  }
0x419: {  	s3 =	sld [smem:$0x7FC];
	_ =	sdelay $0x1  }
0x41a: {  	s2 =	simm.s32 @!p2 $0x10D00  }
0x41b: {  	[tilespmem:s2], [sflag:$0x2] =	stream.linear.gather @!p2 [hbm4b:s3+s1], $0x800, $0x38;
	[tilespmem:$0x1E500] =	vst v63  }
0x41c: {  	s1 =	sld [smem:$0x7FD];
	_ =	sdelay $0x1  }
0x41d: {  	s10 =	simm.s32 $0x3;
	s0 =	sadd.s32 @!p1 $0x6AD180, s0  }
0x41e: {  	s2 =	simm.s32 @!p0 $0x11900;
	s0 =	smov.u32 @p1 s1;
	s1 =	simm.s32 @!p0 $0x0  }
0x41f: {  	[tilespmem:s2], [sflag:$0x2] =	stream.linear.gather @!p0 [hbm4b:s0+s1], $0x800, $0x38;
	[tilespmem:$0x1E500] =	vst v63  }
0x420: {  	_ =	swait.ge [sflag:s10], $0x4000  }
0x421: {  	[sflag:s10] =	ssyncset.done $0x0  }
0x422: {  	[sflag:s10] =	ssyncadd.s32 $0xFFFFC000  }
0x423: {  	v11 =	vld [tilespmem:s11+$0x202]  }
0x424: {  	v12 =	vld [tilespmem:s11+$0x102];
	_ =	sdelay $0x3  }
0x425: {  	(v2sf) =	vpush v11, $0x0  }
0x426: {  	(v2sf) =	vpush v12, $0x0;
	_ =	sdelay $0xd  }
0x427: {  	s12 =	spop (v2sf)  }
0x428: {  	s19 =	spop (v2sf)  }
0x429: {  	s13 =	ssub.s32 s19, s12  }
0x42a: {  	v13 =	vld.msk [tilespmem:s11+$0x302 ss:$0x0], $0xffff;
	s14 =	sand.u32 $0xFFFFFFF0, s13  }
0x42b: {  	v15 =	vld [tilespmem:$0x1FF10];
	v11 =	vlaneseq.u32;
	s5 =	sadd.s32 s12, s14  }
0x42c: {  	v16 =	vld [tilespmem:$0x1FF20];
	v11 =	vadd.s32 s5, v11  }
0x42d: {  	v11 =	vcvt.s32.f32 v11  }
0x42e: {  	v12 =	vld.msk [tilespmem:s11+$0x402 ss:$0x0], $0xffff  }
0x42f: {  	v14 =	vld [tilespmem:$0x1FF00];
	v11 =	vsub.f32 v11, v13;
	_ =	sdelay $0x1  }
0x430: {  	v15 =	vadd.s32 s5, v15;
	v16 =	vadd.s32 s5, v16;
	v11 =	vmul.f32 v11, v11  }
0x431: {  	v15 =	vcvt.s32.f32 v15;
	v16 =	vcvt.s32.f32 v16  }
0x432: {  	v11 =	vmul.f32 v11, v12  }
0x433: {  	v14 =	vadd.s32 s5, v14;
	v15 =	vsub.f32 v15, v13;
	v16 =	vsub.f32 v16, v13  }
0x434: {  	v14 =	vcvt.s32.f32 v14;
	v11 =	vmul.f32 $1.442695020e+00, v11  }
0x435: {  	v15 =	vmul.f32 v15, v15;
	v16 =	vmul.f32 v16, v16  }
0x436: {  	v14 =	vsub.f32 v14, v13;
	(erf) = vpow2.f32 v11  }
0x437: {  	v11 =	vmul.f32 v15, v12;
	v15 =	vmul.f32 v16, v12;
	v16 =	vld [tilespmem:$0x1FF30]  }
0x438: {  	v14 =	vmul.f32 v14, v14;
	_ =	sdelay $0x1  }
0x439: {  	v14 =	vmul.f32 v14, v12;
	_ =	sdelay $0x1  }
0x43a: {  	v14 =	vmul.f32 $1.442695020e+00, v14;
	v16 =	vadd.s32 s5, v16  }
0x43b: {  	v11 =	vmul.f32 $1.442695020e+00, v11;
	v16 =	vcvt.s32.f32 v16  }
0x43c: {  	(erf) = vpow2.f32 v14  }
0x43d: {  	s15 =	sshll.u32 s13, $0x3;
	v14 =	vmul.f32 $1.442695020e+00, v15;
	(erf) = vpow2.f32 v11;
	v11 =	vsub.f32 v16, v13  }
0x43e: {  	s1 =	sand.u32 $0x70, s13;
	s16 =	sadd.s32 $0x10, s14;
	s0 =	sand.u32 $0xFFFFFC00, s15  }
0x43f: {  	s20 =	sadd.s32 $0x20, s14;
	s22 =	sadd.s32 $0x30, s14;
	s24 =	sadd.s32 $0x40, s14;
	(erf) = vpow2.f32 v14;
	v14 =	vmul.f32 v11, v11;
	v11 =	vld [tilespmem:$0x1FF50]  }
0x440: {  	s28 =	sadd.s32 $0x50, s14;
	s31 =	sadd.s32 $0x60, s14;
	s2 =	sadd.s32 $0x70, s14  }
0x441: {  	s14 =	simm.s32 $0x0;
	s17 =	sshll.u32 s16, $0x3;
	[dreg:$0x17] =	wrdreg s0;
	v15 =	vld [tilespmem:$0x1FF40]  }
0x442: {  	s3 =	sand.u32 $0x70, s16;
	s21 =	sshll.u32 s20, $0x3;
	s4 =	sand.u32 $0x70, s20  }
0x443: {  	s23 =	sshll.u32 s22, $0x3;
	s18 =	sand.u32 $0xFFFFFC00, s17;
	s16 =	rddreg [dreg:$0x17]  }
0x444: {  	v19 =	vld [tilespmem:$0x1FF70];
	s25 =	sshll.u32 s24, $0x3;
	s0 =	sand.u32 $0xFFFFFC00, s21;
	[dreg:$0x18] =	wrdreg s18;
	v11 =	vadd.s32 s5, v11  }
0x445: {  	s10 =	sshll.u32 s31, $0x3;
	s26 =	sand.u32 $0xFFFFFC00, s25;
	[dreg:$0x19] =	wrdreg s0;
	v17 =	vcvt.s32.f32 v11;
	v11 =	vld [tilespmem:$0x1FF60]  }
0x446: {  	s12 =	sshll.u32 s2, $0x3;
	s10 =	sand.u32 $0xFFFFFC00, s10;
	[dreg:$0x1b] =	wrdreg s26;
	v15 =	vadd.s32 s5, v15  }
0x447: {  	s6 =	sand.u32 $0x70, s22;
	s13 =	sand.u32 $0xFFFFFC00, s12;
	[dreg:$0x1d] =	wrdreg s10;
	v15 =	vcvt.s32.f32 v15  }
0x448: {  	s29 =	sshll.u32 s28, $0x3;
	s0 =	sand.u32 $0xFFFFFC00, s23;
	[dreg:$0x1e] =	wrdreg s13  }
0x449: {  	s7 =	sand.u32 $0x70, s24;
	s15 =	smul.u32 $0x3000, s14;
	v27 =	vadd.s32 s5, v19;
	[dreg:$0x1a] =	wrdreg s0;
	v15 =	vsub.f32 v15, v13  }
0x44a: {  	s8 =	sand.u32 $0x70, s28;
	s9 =	sand.u32 $0x70, s31;
	v21 =	vmov s4;
	v23 =	vmov s7;
	s17 =	rddreg [dreg:$0x18];
	v16 =	vadd.s32 s5, v11  }
0x44b: {  	s2 =	sand.u32 $0x70, s2;
	v24 =	vmov s8;
	s0 =	sand.u32 $0xFFFFFC00, s29;
	s18 =	rddreg [dreg:$0x19];
	v15 =	vmul.f32 v15, v15;
	v18 =	vcvt.s32.f32 v16  }
0x44c: {  	s20 =	simm.s32 $0x180;
	v20 =	vcvt.s32.f32 v27;
	[dreg:$0x1c] =	wrdreg s0;
	s0 =	sshra.s32 s15, $0x2;
	v14 =	vmul.f32 v14, v12;
	v17 =	vsub.f32 v17, v13  }
0x44d: {  	s14 =	simm.s32 $0x0;
	v25 =	vmov s9;
	s23 =	rddreg [dreg:$0x1b];
	s0 =	sadd.s32 $0x12500, s0;
	v15 =	vmul.f32 v15, v12;
	v18 =	vsub.f32 v18, v13  }
0x44e: {  	s4 =	sand.u32 $0x380, s20;
	v26 =	vmov s2;
	s25 =	rddreg [dreg:$0x1c];
	s7 =	sadd.s32 s23, s0;
	v14 =	vmul.f32 $1.442695020e+00, v14;
	v17 =	vmul.f32 v17, v17  }
0x44f: {  	s28 =	rddreg [dreg:$0x1d];
	s8 =	sadd.s32 s25, s0;
	s12 =	sadd.s32 s4, s7;
	v15 =	vmul.f32 $1.442695020e+00, v15;
	v18 =	vmul.f32 v18, v18  }
0x450: {  	s31 =	rddreg [dreg:$0x1e];
	s9 =	sadd.s32 s28, s0;
	s13 =	sadd.s32 s4, s8;
	v30 =	vld.idx.msk [tilespmem:v23+s12+$0x0 ss:$0x1], $0xffff;
	(erf) = vpow2.f32 v14;
	v17 =	vmul.f32 v17, v12  }
0x451: {  	s30 =	sadd.s32 s17, s0;
	s17 =	sadd.s32 s31, s0;
	s15 =	sadd.s32 s4, s9;
	v31 =	vld.idx.msk [tilespmem:v24+s13+$0x0 ss:$0x1], $0xffff;
	v11 =	vmov s1;
	v13 =	vsub.f32 v20, v13;
	v18 =	vmul.f32 v18, v12  }
0x452: {  	s22 =	sadd.s32 s16, s0;
	s31 =	sand.u32 $0x200, s14;
	s16 =	sadd.s32 s4, s17;
	v32 =	vld.idx.msk [tilespmem:v25+s15+$0x0 ss:$0x1], $0xffff;
	(erf) = vpow2.f32 v15;
	v16 =	vmov s3;
	v14 =	vmul.f32 $1.442695020e+00, v17  }
0x453: {  	v22 =	vmov s6;
	s25 =	sadd.s32 s31, s7;
	v33 =	vld.idx.msk [tilespmem:v26+s16+$0x0 ss:$0x1], $0xffff;
	s5 =	sadd.s32 s18, s0;
	v13 =	vmul.f32 v13, v13;
	v15 =	vmul.f32 $1.442695020e+00, v18  }
0x454: {  	v38 =	vld.idx.msk [tilespmem:v23+s25+$0x0 ss:$0x1], $0xffff;
	s29 =	sadd.s32 s4, s5;
	(erf) = vpow2.f32 v14  }
0x455: {  	s21 =	rddreg [dreg:$0x1a];
	s24 =	sadd.s32 s4, s22;
	v29 =	vld.idx.msk [tilespmem:v21+s29+$0x0 ss:$0x1], $0xffff;
	v14 =	vmul.f32 v13, v12;
	(erf) = vpow2.f32 v15  }
0x456: {  	s6 =	sadd.s32 s21, s0;
	s26 =	sadd.s32 s4, s30;
	v19 =	vld.idx.msk [tilespmem:v11+s24+$0x0 ss:$0x1], $0xffff  }
0x457: {  	s10 =	sadd.s32 s4, s6;
	v28 =	vld.idx.msk [tilespmem:v16+s26+$0x0 ss:$0x1], $0xffff;
	v12 =	vpop (erf);
	v17 =	vmul.f32 $1.442695020e+00, v14  }
0x458: {  	s23 =	sadd.s32 s31, s5;
	v20 =	vld.idx.msk [tilespmem:v22+s10+$0x0 ss:$0x1], $0xffff;
	v13 =	vpop (erf)  }
0x459: {  	s3 =	sadd.s32 s31, s9;
	v36 =	vld.idx.msk [tilespmem:v21+s23+$0x0 ss:$0x1], $0xffff;
	v14 =	vpop (erf)  }
0x45a: {  	s29 =	sadd.s32 s31, s8;
	v51 =	vld.idx.msk [tilespmem:v25+s3+$0x0 ss:$0x1], $0xffff;
	(erf) = vpow2.f32 v17;
	v15 =	vpop (erf)  }
0x45b: {  	s18 =	sadd.s32 s31, s22;
	v49 =	vld.idx.msk [tilespmem:v24+s29+$0x0 ss:$0x1], $0xffff;
	v17 =	vpop (erf)  }
0x45c: {  	s21 =	sadd.s32 s31, s30;
	v53 =	vld.idx.msk [tilespmem:v11+s18+$0x0 ss:$0x1], $0xffff;
	v54 =	vmul.f32 v19, v12;
	v28 =	vmul.f32 v28, v13;
	v18 =	vpop (erf)  }
0x45d: {  	s24 =	sadd.s32 s31, s6;
	v35 =	vld.idx.msk [tilespmem:v16+s21+$0x0 ss:$0x1], $0xffff;
	s26 =	sadd.s32 $0x400, s22;
	v29 =	vmul.f32 v29, v14;
	v50 =	vmul.f32 v20, v15;
	v19 =	vpop (erf)  }
0x45e: {  	s2 =	simm.s32 $0x80;
	v37 =	vld.idx.msk [tilespmem:v22+s24+$0x0 ss:$0x1], $0xffff;
	s28 =	sadd.s32 s4, s26;
	v30 =	vmul.f32 v30, v17;
	v31 =	vmul.f32 v31, v18;
	v20 =	vpop (erf)  }
0x45f: {  	s4 =	sadd.s32 s31, s17;
	v48 =	vld.idx.msk [tilespmem:v11+s28+$0x0 ss:$0x1], $0xffff;
	s28 =	sand.u32 $0x280, s2;
	v32 =	vmul.f32 v32, v19;
	v33 =	vmul.f32 v33, v20  }
0x460: {  	v52 =	vld.idx.msk [tilespmem:v26+s4+$0x0 ss:$0x1], $0xffff;
	s10 =	sadd.s32 s28, s22;
	v28 =	vadd.f32 v28, v54;
	v29 =	vadd.f32 v50, v29  }
0x461: {  	s13 =	sadd.s32 $0x80, s19;
	s12 =	sadd.s32 s28, s30;
	v39 =	vld.idx.msk [tilespmem:v11+s10+$0x0 ss:$0x1], $0xffff;
	v30 =	vadd.f32 v31, v30;
	v31 =	vadd.f32 v33, v32  }
0x462: {  	vm0 =	vlt.s32 v27, s13;
	s14 =	sadd.s32 s28, s5;
	v42 =	vld.idx.msk [tilespmem:v16+s12+$0x0 ss:$0x1], $0xffff;
	v53 =	vmul.f32 v53, v12;
	v54 =	vmul.f32 v36, v14  }
0x463: {  	s15 =	sadd.s32 s28, s6;
	v34 =	vld.idx.msk [tilespmem:v21+s14+$0x0 ss:$0x1], $0xffff;
	v46 =	vmul.f32 v38, v17;
	v28 =	vadd.f32 v29, v28;
	v27 =	vpop (erf);
	v30 =	vadd.f32 v31, v30  }
0x464: {  	s19 =	simm.s32 $0x100;
	s16 =	sadd.s32 s28, s7;
	v45 =	vld.idx.msk [tilespmem:v22+s15+$0x0 ss:$0x1], $0xffff;
	v49 =	vmul.f32 v49, v18;
	v29 =	vmul.f32 v35, v13;
	v27 =	vnsel vm0, $0x0, v27  }
0x465: {  	s0 =	sand.u32 $0x300, s19;
	s21 =	sadd.s32 s28, s9;
	v47 =	vld.idx.msk [tilespmem:v23+s16+$0x0 ss:$0x1], $0xffff;
	v51 =	vmul.f32 v51, v19;
	v48 =	vmul.f32 v48, v27;
	v30 =	vadd.f32 v30, v28  }
0x466: {  	s25 =	sadd.s32 s0, s30;
	s29 =	sadd.s32 s0, s5;
	v50 =	vadd.f32 v29, v53;
	v29 =	vld.idx.msk [tilespmem:v25+s21+$0x0 ss:$0x1], $0xffff;
	v52 =	vmul.f32 v52, v20;
	v31 =	vmul.f32 v37, v15  }
0x467: {  	s24 =	sadd.s32 s0, s22;
	s4 =	sadd.s32 s0, s8;
	s18 =	sadd.s32 s28, s8;
	v35 =	vadd.f32 v49, v46;
	v32 =	vld.idx.msk [tilespmem:v16+s25+$0x0 ss:$0x1], $0xffff;
	v36 =	vadd.f32 v30, v48  }
0x468: {  	s23 =	sadd.s32 s28, s17;
	s8 =	sadd.s32 s0, s9;
	s21 =	simm.s32 $0x600;
	v53 =	vadd.f32 v52, v51;
	v28 =	vld.idx.msk [tilespmem:v24+s18+$0x0 ss:$0x1], $0xffff;
	v33 =	vadd.f32 v31, v54  }
0x469: {  	v39 =	vmul.f32 v39, v12;
	v54 =	vmul.f32 v42, v13;
	v30 =	vld.idx.msk [tilespmem:v11+s24+$0x0 ss:$0x1], $0xffff;
	s24 =	sadd.s32 s0, s6;
	s6 =	sadd.s32 s31, s26;
	s31 =	sor.u32 $0x2, s11;
	[tilespmem:s21+$0x80] =	vst v36  }
0x46a: {  	s5 =	sadd.s32 s28, s26;
	s30 =	sadd.s32 s0, s26;
	v38 =	vadd.f32 v53, v35;
	v37 =	vmul.f32 v47, v17;
	v31 =	vld.idx.msk [tilespmem:v26+s23+$0x0 ss:$0x1], $0xffff;
	v33 =	vadd.f32 v33, v50;
	[smem:$0x7EB] =	sst s31  }
0x46b: {  	s22 =	simm.s32 $0x0;
	s23 =	sadd.s32 s0, s7;
	s7 =	sadd.s32 s0, s17;
	v36 =	vmul.f32 v34, v14;
	v34 =	vadd.f32 v54, v39;
	v39 =	vmul.f32 v45, v15;
	v35 =	vld.idx.msk [tilespmem:v21+s29+$0x0 ss:$0x1], $0xffff  }
.LBB2_7:
0x46c: {  	s22 =	sadd.s32 $0x4, s22;
	v46 =	vld.idx.msk [tilespmem:v22+s24+$0x0 ss:$0x1], $0xffff  }
0x46d: {  	v47 =	vld.idx.msk [tilespmem:v23+s23+$0x0 ss:$0x1], $0xffff;
	s0 =	sshrl.u32 s22, $0x3  }
0x46e: {  	v48 =	vld.idx.msk [tilespmem:v24+s4+$0x0 ss:$0x1], $0xffff;
	s0 =	smul.u32 $0x3000, s0  }
0x46f: {  	v49 =	vld.idx.msk [tilespmem:v25+s8+$0x0 ss:$0x1], $0xffff  }
0x470: {  	s1 =	rddreg [dreg:$0x17];
	v51 =	vld.idx.msk [tilespmem:v11+s30+$0x0 ss:$0x1], $0xffff;
	s0 =	sshra.s32 s0, $0x2  }
0x471: {  	s2 =	rddreg [dreg:$0x18];
	v50 =	vld.idx.msk [tilespmem:v26+s7+$0x0 ss:$0x1], $0xffff;
	s20 =	sadd.s32 $0x200, s20;
	v28 =	vmul.f32 v28, v18;
	s0 =	sadd.s32 $0x12500, s0  }
0x472: {  	s3 =	rddreg [dreg:$0x19];
	v40 =	vld.idx.msk [tilespmem:v11+s6+$0x0 ss:$0x1], $0xffff;
	s7 =	sand.u32 $0x380, s20;
	v29 =	vmul.f32 v29, v19;
	v31 =	vmul.f32 v31, v20;
	s6 =	sadd.s32 s1, s0  }
0x473: {  	s17 =	rddreg [dreg:$0x1a];
	v41 =	vld.idx.msk [tilespmem:v11+s5+$0x0 ss:$0x1], $0xffff;
	v30 =	vmul.f32 v30, v12;
	v35 =	vmul.f32 v35, v14;
	s8 =	sadd.s32 s2, s0;
	s19 =	sadd.s32 s7, s6  }
0x474: {  	s24 =	rddreg [dreg:$0x1d];
	v53 =	vmul.f32 v48, v18;
	v28 =	vadd.f32 v28, v37;
	v29 =	vadd.f32 v31, v29;
	s5 =	sadd.s32 s3, s0;
	s9 =	sadd.s32 s7, s8;
	v52 =	vld.idx.msk [tilespmem:v11+s19+$0x0 ss:$0x1], $0xffff  }
0x475: {  	s25 =	rddreg [dreg:$0x1e];
	v33 =	vadd.f32 v38, v33;
	v44 =	vmul.f32 v49, v19;
	v49 =	vmul.f32 v51, v27;
	s26 =	sadd.s32 s24, s0;
	s10 =	sadd.s32 s7, s5;
	v54 =	vld.idx.msk [tilespmem:v16+s9+$0x0 ss:$0x1], $0xffff  }
0x476: {  	s23 =	rddreg [dreg:$0x1c];
	v31 =	vmul.f32 v32, v13;
	s30 =	sadd.s32 s25, s0;
	s13 =	sadd.s32 s7, s26;
	v28 =	vadd.f32 v29, v28;
	v29 =	vmul.f32 v46, v15;
	v45 =	vld.idx.msk [tilespmem:v21+s10+$0x0 ss:$0x1], $0xffff  }
0x477: {  	v36 =	vadd.f32 v39, v36;
	s4 =	sadd.s32 s17, s0;
	v32 =	vmul.f32 v50, v20;
	s17 =	sadd.s32 s23, s0;
	s14 =	sadd.s32 s7, s30;
	v46 =	vmul.f32 v40, v27;
	v50 =	vld.idx.msk [tilespmem:v25+s13+$0x0 ss:$0x1], $0xffff  }
0x478: {  	s18 =	rddreg [dreg:$0x1b];
	v30 =	vadd.f32 v31, v30;
	v31 =	vmul.f32 v47, v17;
	s10 =	sadd.s32 s7, s17;
	v51 =	vld.idx.msk [tilespmem:v26+s14+$0x0 ss:$0x1], $0xffff;
	v29 =	vadd.f32 v29, v35  }
0x479: {  	s11 =	sadd.s32 $0xFFFFFE80, s20;
	v34 =	vadd.f32 v36, v34;
	s28 =	sadd.s32 s7, s4;
	s9 =	sadd.s32 s18, s0;
	v48 =	vld.idx.msk [tilespmem:v24+s10+$0x0 ss:$0x1], $0xffff;
	v33 =	vadd.f32 v33, v46  }
0x47a: {  	v41 =	vmul.f32 v41, v27;
	s29 =	sadd.s32 s7, s9;
	v29 =	vadd.f32 v29, v30;
	v30 =	vadd.f32 v53, v31;
	v31 =	vld.idx.msk [tilespmem:v22+s28+$0x0 ss:$0x1], $0xffff;
	s28 =	sand.u32 $0x200, s11  }
0x47b: {  	v32 =	vadd.f32 v32, v44;
	v28 =	vadd.f32 v28, v34;
	v47 =	vld.idx.msk [tilespmem:v23+s29+$0x0 ss:$0x1], $0xffff;
	[tilespmem:s21+$0xFFFFFF00] =	vst v33;
	s15 =	sadd.s32 s28, s6  }
0x47c: {  	s19 =	sadd.s32 s28, s4;
	v33 =	vld.idx.msk [tilespmem:v11+s15+$0x0 ss:$0x1], $0xffff  }
0x47d: {  	v28 =	vadd.f32 v28, v41;
	s23 =	sadd.s32 s28, s9;
	v39 =	vmul.f32 v52, v12;
	v30 =	vadd.f32 v32, v30;
	v52 =	vld.idx.msk [tilespmem:v22+s19+$0x0 ss:$0x1], $0xffff  }
0x47e: {  	s24 =	sadd.s32 s28, s17;
	v53 =	vld.idx.msk [tilespmem:v23+s23+$0x0 ss:$0x1], $0xffff  }
0x47f: {  	s16 =	sadd.s32 s28, s8;
	[tilespmem:s21+$0xFFFFFF80] =	vst v28;
	v42 =	vld.idx.msk [tilespmem:v24+s24+$0x0 ss:$0x1], $0xffff;
	v28 =	vadd.f32 v30, v29  }
0x480: {  	s12 =	sadd.s32 $0xFFFFFF80, s20;
	s18 =	sadd.s32 s28, s5;
	v35 =	vmul.f32 v54, v13;
	v29 =	vld.idx.msk [tilespmem:v16+s16+$0x0 ss:$0x1], $0xffff  }
0x481: {  	s1 =	sand.u32 $0x300, s12;
	s12 =	sadd.s32 s28, s26;
	v37 =	vmul.f32 v45, v14;
	v36 =	vmul.f32 v48, v18;
	v30 =	vld.idx.msk [tilespmem:v21+s18+$0x0 ss:$0x1], $0xffff;
	v28 =	vadd.f32 v28, v49  }
0x482: {  	s31 =	sadd.s32 $0xFFFFFF00, s20;
	s13 =	sadd.s32 s28, s30;
	v32 =	vmul.f32 v51, v20;
	v45 =	vld.idx.msk [tilespmem:v25+s12+$0x0 ss:$0x1], $0xffff;
	v40 =	vmul.f32 v47, v17;
	s16 =	sadd.s32 $0x400, s6  }
0x483: {  	s31 =	sand.u32 $0x280, s31;
	v46 =	vld.idx.msk [tilespmem:v26+s13+$0x0 ss:$0x1], $0xffff;
	v31 =	vmul.f32 v31, v15;
	s7 =	sadd.s32 s7, s16;
	[tilespmem:s21+$0x0] =	vst v28;
	v28 =	vmul.f32 v50, v19  }
0x484: {  	s0 =	sadd.s32 s31, s6;
	v35 =	vadd.f32 v35, v39;
	v36 =	vadd.f32 v36, v40;
	v54 =	vld.idx.msk [tilespmem:v11+s7+$0x0 ss:$0x1], $0xffff;
	v33 =	vmul.f32 v33, v12  }
0x485: {  	v47 =	vld.idx.msk [tilespmem:v11+s0+$0x0 ss:$0x1], $0xffff;
	s18 =	sadd.s32 s31, s4;
	v31 =	vadd.f32 v31, v37;
	v34 =	vmul.f32 v52, v15;
	v28 =	vadd.f32 v32, v28  }
0x486: {  	s14 =	sadd.s32 s31, s8;
	v51 =	vld.idx.msk [tilespmem:v22+s18+$0x0 ss:$0x1], $0xffff;
	v29 =	vmul.f32 v29, v13;
	v30 =	vmul.f32 v30, v14  }
0x487: {  	s25 =	sadd.s32 s31, s9;
	v49 =	vld.idx.msk [tilespmem:v16+s14+$0x0 ss:$0x1], $0xffff;
	v31 =	vadd.f32 v31, v35;
	v28 =	vadd.f32 v28, v36  }
0x488: {  	s15 =	sadd.s32 s31, s5;
	v48 =	vmul.f32 v53, v17;
	v52 =	vld.idx.msk [tilespmem:v23+s25+$0x0 ss:$0x1], $0xffff;
	v29 =	vadd.f32 v29, v33;
	v30 =	vadd.f32 v34, v30  }
0x489: {  	s11 =	sadd.s32 s31, s26;
	v37 =	vmul.f32 v45, v19;
	v50 =	vld.idx.msk [tilespmem:v21+s15+$0x0 ss:$0x1], $0xffff;
	v38 =	vmul.f32 v54, v27;
	v28 =	vadd.f32 v28, v31  }
0x48a: {  	p1 =	slt.u32 s22, $0x3C;
	s3 =	sadd.s32 s31, s17;
	v32 =	vmul.f32 v46, v20;
	v33 =	vadd.f32 v30, v29;
	v29 =	vld.idx.msk [tilespmem:v25+s11+$0x0 ss:$0x1], $0xffff;
	v31 =	vmul.f32 v42, v18  }
.Ltmp4:
0x48b: {  	s19 =	sadd.s32 s31, s30;
	v30 =	vadd.f32 v28, v38;
	v28 =	vld.idx.msk [tilespmem:v24+s3+$0x0 ss:$0x1], $0xffff;
	(pc) =	sbr.rel @p1 .LBB2_7-.Ltmp4, $4  }
0x48c: {  	s2 =	sadd.s32 s1, s6;
	s10 =	sadd.s32 s1, s5;
	s21 =	sadd.s32 $0x200, s21;
	v32 =	vadd.f32 v32, v37;
	v35 =	vadd.f32 v31, v48;
	v31 =	vld.idx.msk [tilespmem:v26+s19+$0x0 ss:$0x1], $0xffff  }
0x48d: {  	s29 =	sadd.s32 s1, s8;
	s8 =	sadd.s32 s1, s26;
	s24 =	sadd.s32 s1, s4;
	v53 =	vmul.f32 v47, v12;
	v54 =	vmul.f32 v49, v13;
	[tilespmem:s21+$0x80] =	vst v30;
	v30 =	vld.idx.msk [tilespmem:v11+s2+$0x0 ss:$0x1], $0xffff  }
0x48e: {  	s23 =	sadd.s32 s1, s9;
	s4 =	sadd.s32 s1, s17;
	s6 =	sadd.s32 s28, s16;
	v39 =	vmul.f32 v51, v15;
	v38 =	vadd.f32 v32, v35;
	v32 =	vld.idx.msk [tilespmem:v16+s29+$0x0 ss:$0x1], $0xffff  }
0x48f: {  	s5 =	sadd.s32 s31, s16;
	s7 =	sadd.s32 s1, s30;
	s30 =	sadd.s32 s1, s16;
	v37 =	vmul.f32 v52, v17;
	v36 =	vmul.f32 v50, v14;
	v34 =	vadd.f32 v54, v53;
	v35 =	vld.idx.msk [tilespmem:v21+s10+$0x0 ss:$0x1], $0xffff  }
0x490: {  	_ =	sdelay $0x3  }
0x491: {  	v16 =	vld.idx.msk [tilespmem:v22+s24+$0x0 ss:$0x1], $0xffff  }
0x492: {  	v21 =	vld.idx.msk [tilespmem:v23+s23+$0x0 ss:$0x1], $0xffff  }
0x493: {  	v22 =	vld.idx.msk [tilespmem:v24+s4+$0x0 ss:$0x1], $0xffff  }
0x494: {  	v23 =	vld.idx.msk [tilespmem:v25+s8+$0x0 ss:$0x1], $0xffff  }
0x495: {  	v24 =	vmul.f32 v28, v18;
	v25 =	vld.idx.msk [tilespmem:v26+s7+$0x0 ss:$0x1], $0xffff  }
0x496: {  	v26 =	vmul.f32 v29, v19;
	v28 =	vmul.f32 v31, v20  }
0x497: {  	v29 =	vadd.f32 v38, v33;
	v30 =	vmul.f32 v30, v12;
	v31 =	vmul.f32 v32, v13  }
0x498: {  	v44 =	vadd.f32 v39, v36;
	v45 =	vmul.f32 v35, v14;
	v16 =	vmul.f32 v16, v15  }
0x499: {  	v46 =	vld.idx.msk [tilespmem:v11+s6+$0x0 ss:$0x1], $0xffff;
	v24 =	vadd.f32 v24, v37;
	v21 =	vmul.f32 v21, v17;
	v22 =	vmul.f32 v22, v18  }
0x49a: {  	v26 =	vadd.f32 v28, v26;
	v28 =	vld.idx.msk [tilespmem:v11+s5+$0x0 ss:$0x1], $0xffff;
	v23 =	vmul.f32 v23, v19;
	v25 =	vmul.f32 v25, v20  }
0x49b: {  	v11 =	vld.idx.msk [tilespmem:v11+s30+$0x0 ss:$0x1], $0xffff;
	v30 =	vadd.f32 v31, v30;
	v16 =	vadd.f32 v16, v45  }
0x49c: {  	v21 =	vadd.f32 v22, v21;
	v22 =	vadd.f32 v25, v23  }
0x49d: {  	v24 =	vadd.f32 v26, v24;
	v23 =	vadd.f32 v44, v34  }
0x49e: {  	v25 =	vmul.f32 v46, v27;
	v16 =	vadd.f32 v16, v30;
	v21 =	vadd.f32 v22, v21  }
0x49f: {  	v22 =	vadd.f32 v24, v23;
	v23 =	vmul.f32 v28, v27  }
0x4a0: {  	v11 =	vmul.f32 v11, v27;
	v24 =	vadd.f32 v29, v25;
	v16 =	vadd.f32 v21, v16  }
0x4a1: {  	v21 =	vadd.f32 v22, v23  }
0x4a2: {  	[tilespmem:s21+$0xFFFFFF00] =	vst v24;
	v11 =	vadd.f32 v16, v11  }
0x4a3: {  	[tilespmem:s21+$0xFFFFFF80] =	vst v21  }
0x4a4: {  	s0 =	simm.s32 $0x500;
	[tilespmem:s21+$0x0] =	vst v11  }
0x4a5: {  	v11 =	vld.idx.msk [tilespmem:v6+s0+$0x0], $0xffff  }
0x4a6: {  	v16 =	vld [tilespmem:$0x1FF80]  }
0x4a7: {  	v21 =	vld [tilespmem:$0x1FF90]  }
0x4a8: {  	v22 =	vld [tilespmem:$0x1FFA0]  }
0x4a9: {  	v23 =	vld [tilespmem:$0x1FFB0]  }
0x4aa: {  	v24 =	vld [tilespmem:$0x1FFC0]  }
0x4ab: {  	v25 =	vld [tilespmem:$0x1FFD0]  }
0x4ac: {  	v26 =	vld [tilespmem:$0x1FFE0]  }
0x4ad: {  	v28 =	vld [tilespmem:$0x1FFF0]  }
0x4ae: {  	v29 =	vld [tilespmem:$0x1FCC0]  }
0x4af: {  	v30 =	vld [tilespmem:$0x1FCD0]  }
0x4b0: {  	v31 =	vld [tilespmem:$0x1FCE0]  }
0x4b1: {  	v47 =	vld [tilespmem:$0x1FCF0]  }
0x4b2: {  	v48 =	vld [tilespmem:$0x1FD00]  }
0x4b3: {  	v49 =	vld [tilespmem:$0x1FD10]  }
0x4b4: {  	v50 =	vld [tilespmem:$0x1FD20]  }
0x4b5: {  	v51 =	vld [tilespmem:$0x1FD30]  }
0x4b6: {  	v52 =	vld [tilespmem:$0x1FD40]  }
0x4b7: {  	v53 =	vld [tilespmem:$0x1FD50]  }
0x4b8: {  	v54 =	vld [tilespmem:$0x1FD60]  }
0x4b9: {  	v12 =	vadd.f32 v13, v12;
	v40 =	vld [tilespmem:$0x1FD70]  }
0x4ba: {  	v41 =	vld [tilespmem:$0x1FD80]  }
0x4bb: {  	v12 =	vadd.f32 v12, v14;
	v42 =	vld [tilespmem:$0x1FD90]  }
0x4bc: {  	v43 =	vld [tilespmem:$0x1FDA0]  }
0x4bd: {  	v12 =	vadd.f32 v12, v15;
	v44 =	vld [tilespmem:$0x1FDB0]  }
0x4be: {  	v45 =	vld [tilespmem:$0x1FDC0]  }
0x4bf: {  	v12 =	vadd.f32 v12, v17;
	v46 =	vld [tilespmem:$0x1FDD0]  }
0x4c0: {  	v13 =	vld [tilespmem:$0x1FDF0]  }
0x4c1: {  	v12 =	vadd.f32 v12, v18;
	v14 =	vld [tilespmem:$0x1FE10]  }
0x4c2: {  	v15 =	vld [tilespmem:$0x1FE30]  }
0x4c3: {  	v12 =	vadd.f32 v12, v19;
	v17 =	vld.idx.msk [tilespmem:v58+s0+$0x0], $0xffff  }
0x4c4: {  	v18 =	vld.idx.msk [tilespmem:v62+s0+$0x0], $0xffff  }
0x4c5: {  	v12 =	vadd.f32 v12, v20;
	v19 =	vld.idx.msk [tilespmem:v59+s0+$0x0], $0xffff  }
0x4c6: {  	v20 =	vld.idx.msk [tilespmem:v56+s0+$0x0], $0xffff  }
0x4c7: {  	v12 =	vadd.f32 v12, v27;
	v27 =	vld [tilespmem:$0x1FE50]  }
0x4c8: {  	v16 =	vld.idx.msk [tilespmem:v16+s0+$0x0], $0xffff  }
0x4c9: {  	v21 =	vld.idx.msk [tilespmem:v21+s0+$0x0], $0xffff  }
0x4ca: {  	v22 =	vld.idx.msk [tilespmem:v22+s0+$0x0], $0xffff  }
0x4cb: {  	v23 =	vld.idx.msk [tilespmem:v23+s0+$0x0], $0xffff  }
0x4cc: {  	v24 =	vld.idx.msk [tilespmem:v24+s0+$0x0], $0xffff  }
0x4cd: {  	v25 =	vld.idx.msk [tilespmem:v25+s0+$0x0], $0xffff  }
0x4ce: {  	v26 =	vld.idx.msk [tilespmem:v26+s0+$0x0], $0xffff  }
0x4cf: {  	v28 =	vld.idx.msk [tilespmem:v28+s0+$0x0], $0xffff  }
0x4d0: {  	v29 =	vld.idx.msk [tilespmem:v29+s0+$0x0], $0xffff  }
0x4d1: {  	v30 =	vld.idx.msk [tilespmem:v30+s0+$0x0], $0xffff  }
0x4d2: {  	v31 =	vld.idx.msk [tilespmem:v31+s0+$0x0], $0xffff  }
0x4d3: {  	v32 =	vld.idx.msk [tilespmem:v47+s0+$0x0], $0xffff  }
0x4d4: {  	v33 =	vld.idx.msk [tilespmem:v48+s0+$0x0], $0xffff  }
0x4d5: {  	v34 =	vld.idx.msk [tilespmem:v49+s0+$0x0], $0xffff  }
0x4d6: {  	v35 =	vld.idx.msk [tilespmem:v50+s0+$0x0], $0xffff  }
0x4d7: {  	v36 =	vld.idx.msk [tilespmem:v51+s0+$0x0], $0xffff  }
0x4d8: {  	v37 =	vld.idx.msk [tilespmem:v52+s0+$0x0], $0xffff  }
0x4d9: {  	v38 =	vld.idx.msk [tilespmem:v53+s0+$0x0], $0xffff  }
0x4da: {  	v39 =	vld.idx.msk [tilespmem:v54+s0+$0x0], $0xffff  }
0x4db: {  	v40 =	vld.idx.msk [tilespmem:v40+s0+$0x0], $0xffff  }
0x4dc: {  	v41 =	vld.idx.msk [tilespmem:v41+s0+$0x0], $0xffff  }
0x4dd: {  	v42 =	vld.idx.msk [tilespmem:v42+s0+$0x0], $0xffff  }
0x4de: {  	v43 =	vld.idx.msk [tilespmem:v43+s0+$0x0], $0xffff  }
0x4df: {  	v44 =	vld.idx.msk [tilespmem:v44+s0+$0x0], $0xffff  }
0x4e0: {  	v45 =	vld.idx.msk [tilespmem:v45+s0+$0x0], $0xffff  }
0x4e1: {  	v46 =	vld.idx.msk [tilespmem:v46+s0+$0x0], $0xffff  }
0x4e2: {  	v47 =	vld [tilespmem:$0x1FDE0]  }
0x4e3: {  	v13 =	vld.idx.msk [tilespmem:v13+s0+$0x0], $0xffff  }
0x4e4: {  	v48 =	vld [tilespmem:$0x1FE00]  }
0x4e5: {  	v14 =	vld.idx.msk [tilespmem:v14+s0+$0x0], $0xffff  }
0x4e6: {  	v49 =	vld [tilespmem:$0x1FE20]  }
0x4e7: {  	v15 =	vld.idx.msk [tilespmem:v15+s0+$0x0], $0xffff  }
0x4e8: {  	v50 =	vld.idx.msk [tilespmem:v55+s0+$0x0], $0xffff  }
0x4e9: {  	v51 =	vld.idx.msk [tilespmem:v1+s0+$0x0], $0xffff  }
0x4ea: {  	v52 =	vld.idx.msk [tilespmem:v63+s0+$0x0], $0xffff  }
0x4eb: {  	v53 =	vld.idx.msk [tilespmem:v60+s0+$0x0], $0xffff  }
0x4ec: {  	v54 =	vld [tilespmem:$0x1FE40]  }
0x4ed: {  	v27 =	vld.idx.msk [tilespmem:v27+s0+$0x0], $0xffff  }
0x4ee: {  	v11 =	vadd.f32 v16, v11;
	v16 =	vadd.f32 v22, v21;
	v21 =	vld [tilespmem:$0x1FE60]  }
0x4ef: {  	v22 =	vadd.f32 v24, v23;
	v24 =	vld [tilespmem:$0x1FE70]  }
0x4f0: {  	v23 =	vadd.f32 v26, v25;
	v25 =	vadd.f32 v29, v28;
	v28 =	vld [tilespmem:$0x1FE80]  }
0x4f1: {  	v26 =	vadd.f32 v31, v30;
	v30 =	vld [tilespmem:$0x1FE90]  }
0x4f2: {  	(xrf2) =	vadd.scan.msk.f32 $0xffff, v12;
	v12 =	vadd.f32 v33, v32;
	v31 =	vld [tilespmem:$0x1FEC0];
	v40 =	vadd.f32 v41, v40  }
0x4f3: {  	v41 =	vadd.f32 v43, v42;
	v42 =	vld [tilespmem:$0x1FED0];
	v43 =	vadd.f32 v45, v44  }
0x4f4: {  	v45 =	vld [tilespmem:$0x1FEE0];
	v15 =	vadd.f32 v50, v15;
	v17 =	vadd.f32 v51, v17  }
0x4f5: {  	v18 =	vadd.f32 v52, v18;
	v19 =	vadd.f32 v53, v19;
	v50 =	vld.idx.msk [tilespmem:v7+s0+$0x0], $0xffff  }
0x4f6: {  	v11 =	vadd.f32 v16, v11;
	v16 =	vadd.f32 v23, v22;
	v22 =	vld [tilespmem:$0x1FEA0]  }
0x4f7: {  	v29 =	vadd.f32 v35, v34;
	v23 =	vadd.f32 v26, v25;
	v25 =	vld [tilespmem:$0x1FEB0]  }
0x4f8: {  	v15 =	vadd.f32 v17, v15;
	v17 =	vadd.f32 v19, v18;
	v18 =	vld.idx.msk [tilespmem:v10+s0+$0x0], $0xffff  }
0x4f9: {  	v12 =	vadd.f32 v29, v12;
	v47 =	vld.idx.msk [tilespmem:v47+s0+$0x0], $0xffff  }
0x4fa: {  	v26 =	vadd.f32 v37, v36;
	v29 =	vadd.f32 v39, v38;
	v48 =	vld.idx.msk [tilespmem:v48+s0+$0x0], $0xffff  }
0x4fb: {  	v49 =	vld.idx.msk [tilespmem:v49+s0+$0x0], $0xffff  }
0x4fc: {  	v54 =	vld.idx.msk [tilespmem:v54+s0+$0x0], $0xffff;
	v26 =	vadd.f32 v29, v26;
	v29 =	vadd.f32 v41, v40  }
0x4fd: {  	v11 =	vadd.f32 v16, v11;
	v16 =	vld.idx.msk [tilespmem:v0+s0+$0x0], $0xffff  }
0x4fe: {  	v26 =	vadd.f32 v29, v26;
	v29 =	vld.idx.msk [tilespmem:v2+s0+$0x0], $0xffff  }
0x4ff: {  	v21 =	vld.idx.msk [tilespmem:v21+s0+$0x0], $0xffff  }
0x500: {  	v24 =	vld.idx.msk [tilespmem:v24+s0+$0x0], $0xffff  }
0x501: {  	v28 =	vld.idx.msk [tilespmem:v28+s0+$0x0], $0xffff  }
0x502: {  	v30 =	vld.idx.msk [tilespmem:v30+s0+$0x0], $0xffff  }
0x503: {  	v31 =	vld.idx.msk [tilespmem:v31+s0+$0x0], $0xffff  }
0x504: {  	v34 =	vld.idx.msk [tilespmem:v42+s0+$0x0], $0xffff  }
0x505: {  	v37 =	vld.idx.msk [tilespmem:v45+s0+$0x0], $0xffff  }
0x506: {  	v44 =	vadd.f32 v47, v46;
	v46 =	vld [tilespmem:$0x1FEF0]  }
0x507: {  	v47 =	vld.idx.msk [tilespmem:v57+s0+$0x0], $0xffff  }
0x508: {  	v13 =	vadd.f32 v48, v13;
	v14 =	vadd.f32 v49, v14;
	v49 =	vld.idx.msk [tilespmem:v3+s0+$0x0], $0xffff  }
0x509: {  	v12 =	vadd.f32 v12, v23;
	v22 =	vld.idx.msk [tilespmem:v22+s0+$0x0], $0xffff  }
0x50a: {  	v23, _, _ =	vpop (xrf2);
	v25 =	vld.idx.msk [tilespmem:v25+s0+$0x0], $0xffff;
	v48 =	vadd.f32 v44, v43;
	v13 =	vadd.f32 v14, v13  }
0x50b: {  	v23 =	vadd.f32 $9.999999970e-07, v23;
	v14 =	vld.idx.msk [tilespmem:v61+s0+$0x0], $0xffff  }
0x50c: {  	v13 =	vadd.f32 v13, v48;
	v21 =	vadd.f32 v21, v27;
	v27 =	vld.idx.msk [tilespmem:v8+s0+$0x0], $0xffff  }
0x50d: {  	v24 =	vadd.f32 v28, v24;
	v28 =	vld.idx.msk [tilespmem:v9+s0+$0x0], $0xffff  }
0x50e: {  	v11 =	vadd.f32 v12, v11;
	v23 =	vbroadcast v23, $0xF;
	v12 =	vadd.f32 v13, v26;
	v13 =	vld.idx.msk [tilespmem:v4+s0+$0x0], $0xffff  }
0x50f: {  	v20 =	vadd.f32 v54, v20;
	v26 =	vld.idx.msk [tilespmem:v5+s0+$0x0], $0xffff  }
0x510: {  	(erf) = vrcp.f32 v23;
	v22 =	vadd.f32 v22, v30;
	v38 =	vld.idx.msk [tilespmem:v46+s0+$0x0], $0xffff  }
0x511: {  	v19 =	vadd.f32 v21, v20;
	v21 =	vadd.f32 v31, v25  }
0x512: {  	v14 =	vadd.f32 v16, v14;
	v16 =	vadd.f32 v49, v29  }
0x513: {  	v20 =	vadd.f32 v22, v24;
	v22 =	vadd.f32 v37, v34  }
0x514: {  	v24 =	vadd.f32 v27, v50;
	v13 =	vadd.f32 v26, v13  }
0x515: {  	v18 =	vadd.f32 v18, v28;
	v23 =	vadd.f32 v47, v38  }
0x516: {  	v21 =	vadd.f32 v22, v21;
	v13 =	vadd.f32 v13, v16  }
0x517: {  	s26 =	sld [smem:$0x7EB];
	v16 =	vadd.f32 v18, v24;
	v14 =	vadd.f32 v14, v23  }
0x518: {  	v15 =	vadd.f32 v17, v15;
	v17 =	vadd.f32 v20, v19  }
0x519: {  	v18 =	vpop (erf);
	v13 =	vadd.f32 v16, v13;
	v14 =	vadd.f32 v14, v21  }
0x51a: {  	s0 =	sshll.u32 s26, $0x7;
	v15 =	vadd.f32 v17, v15;
	v11 =	vmul.f32 v11, v18  }
0x51b: {  	s0 =	sand.u32 $0x3FFFFF80, s0;
	v12 =	vmul.f32 v12, v18;
	v13 =	vadd.f32 v13, v14  }
0x51c: {  	[tilespmem:s0+$0x2500] =	vst v11;
	v11 =	vmul.f32 v15, v18  }
0x51d: {  	s4 =	sld [smem:$0x7F0];
	[tilespmem:s0+$0x2510] =	vst v12;
	v12 =	vmul.f32 v13, v18  }
0x51e: {  	[tilespmem:s0+$0x2520] =	vst v11  }
0x51f: {  	[tilespmem:s0+$0x2530] =	vst v12  }
0x520: {  	v11 =	vld @!p0 [tilespmem:s4+$0x206];
	_ =	sdelay $0x4  }
0x521: {  	(v2sf) =	vpush @!p0 v11, $0x0;
	_ =	sdelay $0xe  }
0x522: {  	s0 =	spop @!p0 (v2sf)  }
0x523: {  	p2 =	sne.s32 @!p0 s0, $0xF4140  }
0x524: {  	p1 =	por !p2, p0  }
0x525: {  	s1 =	rddreg [dreg:$0x2];
	s0 =	sand.u32 @!p1 $0xFFFFF80, s0  }
0x526: {  	s2 =	simm.s32 @!p1 $0x12500;
	s0 =	sadd.s32 @!p1 s1, s0;
	s1 =	simm.s32 @!p1 $0x0  }
0x527: {  	[tilespmem:s2], [sflag:$0x3] =	stream.linear.gather @!p1 [hbm4b:s0+s1], $0x800, $0x38;
	[tilespmem:$0x1E500] =	vst v63  }
0x528: {  	s3 =	simm.s32 @!p1 $0x13100;
	s2 =	sadd.s32 @!p1 $0xF4280, s0  }
0x529: {  	[tilespmem:s3], [sflag:$0x3] =	stream.linear.gather @!p1 [hbm4b:s2+s1], $0x800, $0x38;
	[tilespmem:$0x1E500] =	vst v63  }
0x52a: {  	s2 =	sadd.s32 @!p1 $0x1E8500, s0;
	s3 =	simm.s32 @!p1 $0x13D00  }
0x52b: {  	[tilespmem:s3], [sflag:$0x3] =	stream.linear.gather @!p1 [hbm4b:s2+s1], $0x800, $0x38;
	[tilespmem:$0x1E500] =	vst v63  }
0x52c: {  	s2 =	sadd.s32 @!p1 $0x2DC780, s0;
	s3 =	simm.s32 @!p1 $0x14900  }
0x52d: {  	[tilespmem:s3], [sflag:$0x3] =	stream.linear.gather @!p1 [hbm4b:s2+s1], $0x800, $0x38;
	[tilespmem:$0x1E500] =	vst v63  }
0x52e: {  	s2 =	sadd.s32 @!p1 $0x3D0A00, s0;
	s3 =	simm.s32 @!p1 $0x15500  }
0x52f: {  	[tilespmem:s3], [sflag:$0x3] =	stream.linear.gather @!p1 [hbm4b:s2+s1], $0x800, $0x38;
	[tilespmem:$0x1E500] =	vst v63  }
0x530: {  	s2 =	sadd.s32 @!p1 $0x4C4C80, s0;
	s3 =	simm.s32 @!p1 $0x16100  }
0x531: {  	[tilespmem:s3], [sflag:$0x3] =	stream.linear.gather @!p1 [hbm4b:s2+s1], $0x800, $0x38;
	[tilespmem:$0x1E500] =	vst v63  }
0x532: {  	p2 =	por p2, p0;
	s2 =	sadd.s32 @!p1 $0x5B8F00, s0;
	s3 =	simm.s32 @!p1 $0x16D00  }
0x533: {  	[tilespmem:s3], [sflag:$0x3] =	stream.linear.gather @!p1 [hbm4b:s2+s1], $0x800, $0x38;
	[tilespmem:$0x1E500] =	vst v63  }
0x534: {  	s1 =	simm.s32 @!p2 $0x0;
	s2 =	simm.s32 @!p2 $0x12500;
	s3 =	rddreg [dreg:$0x3]  }
0x535: {  	[tilespmem:s2], [sflag:$0x3] =	stream.linear.gather @!p2 [hbm4b:s3+s1], $0x800, $0x38;
	[tilespmem:$0x1E500] =	vst v63  }
0x536: {  	s3 =	sld [smem:$0x7F7];
	_ =	sdelay $0x1  }
0x537: {  	s2 =	simm.s32 @!p2 $0x13100  }
0x538: {  	[tilespmem:s2], [sflag:$0x3] =	stream.linear.gather @!p2 [hbm4b:s3+s1], $0x800, $0x38;
	[tilespmem:$0x1E500] =	vst v63  }
0x539: {  	s3 =	sld [smem:$0x7F8];
	_ =	sdelay $0x1  }
0x53a: {  	s2 =	simm.s32 @!p2 $0x13D00  }
0x53b: {  	[tilespmem:s2], [sflag:$0x3] =	stream.linear.gather @!p2 [hbm4b:s3+s1], $0x800, $0x38;
	[tilespmem:$0x1E500] =	vst v63  }
0x53c: {  	s3 =	sld [smem:$0x7F9];
	_ =	sdelay $0x1  }
0x53d: {  	s2 =	simm.s32 @!p2 $0x14900  }
0x53e: {  	[tilespmem:s2], [sflag:$0x3] =	stream.linear.gather @!p2 [hbm4b:s3+s1], $0x800, $0x38;
	[tilespmem:$0x1E500] =	vst v63  }
0x53f: {  	s3 =	sld [smem:$0x7FA];
	_ =	sdelay $0x1  }
0x540: {  	s2 =	simm.s32 @!p2 $0x15500  }
0x541: {  	[tilespmem:s2], [sflag:$0x3] =	stream.linear.gather @!p2 [hbm4b:s3+s1], $0x800, $0x38;
	[tilespmem:$0x1E500] =	vst v63  }
0x542: {  	s3 =	sld [smem:$0x7FB];
	_ =	sdelay $0x1  }
0x543: {  	s2 =	simm.s32 @!p2 $0x16100  }
0x544: {  	[tilespmem:s2], [sflag:$0x3] =	stream.linear.gather @!p2 [hbm4b:s3+s1], $0x800, $0x38;
	[tilespmem:$0x1E500] =	vst v63  }
0x545: {  	s3 =	sld [smem:$0x7FC];
	_ =	sdelay $0x1  }
0x546: {  	s2 =	simm.s32 @!p2 $0x16D00  }
0x547: {  	[tilespmem:s2], [sflag:$0x3] =	stream.linear.gather @!p2 [hbm4b:s3+s1], $0x800, $0x38;
	[tilespmem:$0x1E500] =	vst v63  }
0x548: {  	s1 =	sld [smem:$0x7FD];
	_ =	sdelay $0x1  }
0x549: {  	s28 =	simm.s32 $0x4;
	s0 =	sadd.s32 @!p1 $0x6AD180, s0  }
0x54a: {  	s2 =	simm.s32 @!p0 $0x17900;
	s0 =	smov.u32 @p1 s1;
	s1 =	simm.s32 @!p0 $0x0  }
0x54b: {  	[tilespmem:s2], [sflag:$0x3] =	stream.linear.gather @!p0 [hbm4b:s0+s1], $0x800, $0x38;
	[tilespmem:$0x1E500] =	vst v63  }
0x54c: {  	_ =	swait.ge [sflag:s28], $0x4000  }
0x54d: {  	[sflag:s28] =	ssyncset.done $0x0  }
0x54e: {  	[sflag:s28] =	ssyncadd.s32 $0xFFFFC000  }
0x54f: {  	v11 =	vld [tilespmem:s4+$0x203]  }
0x550: {  	v12 =	vld [tilespmem:s4+$0x103];
	_ =	sdelay $0x3  }
0x551: {  	(v2sf) =	vpush v11, $0x0  }
0x552: {  	(v2sf) =	vpush v12, $0x0;
	_ =	sdelay $0xd  }
0x553: {  	s29 =	spop (v2sf)  }
0x554: {  	s20 =	spop (v2sf)  }
0x555: {  	s30 =	ssub.s32 s20, s29  }
0x556: {  	v13 =	vld.msk [tilespmem:s4+$0x303 ss:$0x0], $0xffff;
	s31 =	sand.u32 $0xFFFFFFF0, s30  }
0x557: {  	v54 =	vlaneseq.u32;
	v15 =	vld [tilespmem:$0x1FF10];
	s5 =	sadd.s32 s29, s31  }
0x558: {  	v16 =	vld [tilespmem:$0x1FF20];
	v11 =	vadd.s32 s5, v54  }
0x559: {  	v11 =	vcvt.s32.f32 v11  }
0x55a: {  	v12 =	vld.msk [tilespmem:s4+$0x403 ss:$0x0], $0xffff  }
0x55b: {  	v14 =	vld [tilespmem:$0x1FF00];
	v11 =	vsub.f32 v11, v13;
	_ =	sdelay $0x1  }
0x55c: {  	v15 =	vadd.s32 s5, v15;
	v16 =	vadd.s32 s5, v16;
	v11 =	vmul.f32 v11, v11  }
0x55d: {  	v15 =	vcvt.s32.f32 v15;
	v16 =	vcvt.s32.f32 v16  }
0x55e: {  	v11 =	vmul.f32 v11, v12  }
0x55f: {  	v14 =	vadd.s32 s5, v14;
	v15 =	vsub.f32 v15, v13;
	v16 =	vsub.f32 v16, v13  }
0x560: {  	v14 =	vcvt.s32.f32 v14;
	v11 =	vmul.f32 $1.442695020e+00, v11  }
0x561: {  	v15 =	vmul.f32 v15, v15;
	v16 =	vmul.f32 v16, v16  }
0x562: {  	v14 =	vsub.f32 v14, v13;
	(erf) = vpow2.f32 v11  }
0x563: {  	v11 =	vmul.f32 v15, v12;
	v15 =	vmul.f32 v16, v12;
	v16 =	vld [tilespmem:$0x1FF30]  }
0x564: {  	v14 =	vmul.f32 v14, v14;
	_ =	sdelay $0x1  }
0x565: {  	v14 =	vmul.f32 v14, v12;
	_ =	sdelay $0x1  }
0x566: {  	v14 =	vmul.f32 $1.442695020e+00, v14;
	v16 =	vadd.s32 s5, v16  }
0x567: {  	v11 =	vmul.f32 $1.442695020e+00, v11;
	v16 =	vcvt.s32.f32 v16  }
0x568: {  	(erf) = vpow2.f32 v14  }
0x569: {  	s24 =	simm.s32 $0x0;
	v14 =	vmul.f32 $1.442695020e+00, v15;
	(erf) = vpow2.f32 v11;
	v11 =	vsub.f32 v16, v13  }
0x56a: {  	s25 =	smul.u32 $0x3000, s24;
	s7 =	sshll.u32 s30, $0x3;
	s1 =	sand.u32 $0x70, s30  }
0x56b: {  	s8 =	sadd.s32 $0x10, s31;
	s0 =	sand.u32 $0xFFFFFC00, s7;
	s11 =	sadd.s32 $0x20, s31;
	(erf) = vpow2.f32 v14;
	v14 =	vmul.f32 v11, v11;
	v11 =	vld [tilespmem:$0x1FF50]  }
0x56c: {  	s13 =	sadd.s32 $0x30, s31;
	s15 =	sadd.s32 $0x40, s31;
	s18 =	sadd.s32 $0x50, s31  }
0x56d: {  	s2 =	sadd.s32 $0x70, s31;
	s9 =	sshll.u32 s8, $0x3;
	[dreg:$0x1f] =	wrdreg s0  }
0x56e: {  	s3 =	sand.u32 $0x70, s8;
	s12 =	sshll.u32 s11, $0x3;
	s4 =	sand.u32 $0x70, s11;
	v15 =	vld [tilespmem:$0x1FF40]  }
0x56f: {  	s14 =	sshll.u32 s13, $0x3;
	s6 =	sand.u32 $0x70, s13;
	s10 =	sand.u32 $0xFFFFFC00, s9  }
0x570: {  	v19 =	vld [tilespmem:$0x1FF70];
	s16 =	sshll.u32 s15, $0x3;
	s0 =	sand.u32 $0xFFFFFC00, s12;
	[smem:$0x7E4] =	sst s10;
	v11 =	vadd.s32 s5, v11  }
0x571: {  	s22 =	sshll.u32 s2, $0x3;
	s17 =	sand.u32 $0xFFFFFC00, s16;
	[smem:$0x7E5] =	sst s0;
	v17 =	vcvt.s32.f32 v11;
	v11 =	vld [tilespmem:$0x1FF60]  }
0x572: {  	s19 =	sshll.u32 s18, $0x3;
	s23 =	sand.u32 $0xFFFFFC00, s22;
	[smem:$0x7E7] =	sst s17  }
0x573: {  	s7 =	sand.u32 $0x70, s15;
	s0 =	sand.u32 $0xFFFFFC00, s14;
	[smem:$0x7EA] =	sst s23;
	v15 =	vadd.s32 s5, v15  }
0x574: {  	s8 =	sand.u32 $0x70, s18;
	s2 =	sand.u32 $0x70, s2;
	[smem:$0x7E6] =	sst s0;
	v15 =	vcvt.s32.f32 v15  }
0x575: {  	v27 =	vadd.s32 s5, v19;
	s9 =	sadd.s32 $0x60, s31;
	v21 =	vmov s4;
	s0 =	sand.u32 $0xFFFFFC00, s19;
	s31 =	sld [smem:$0x7E7]  }
0x576: {  	s18 =	simm.s32 $0x0;
	v23 =	vmov s7;
	s10 =	sshll.u32 s9, $0x3;
	[smem:$0x7E8] =	sst s0;
	v15 =	vsub.f32 v15, v13;
	v16 =	vadd.s32 s5, v11  }
0x577: {  	v22 =	vmov s6;
	v24 =	vmov s8;
	s21 =	sand.u32 $0xFFFFFC00, s10;
	s0 =	sshra.s32 s25, $0x2;
	s10 =	sld [smem:$0x7E8];
	v18 =	vcvt.s32.f32 v16  }
0x578: {  	v26 =	vmov s2;
	s19 =	simm.s32 $0x180;
	s14 =	sld [smem:$0x7EA];
	s0 =	sadd.s32 $0x18500, s0;
	v15 =	vmul.f32 v15, v15;
	v17 =	vsub.f32 v17, v13  }
0x579: {  	v20 =	vcvt.s32.f32 v27;
	s9 =	sand.u32 $0x70, s9;
	s4 =	sand.u32 $0x380, s19;
	s6 =	sadd.s32 s31, s0;
	v14 =	vmul.f32 v14, v12;
	v18 =	vsub.f32 v18, v13  }
0x57a: {  	[smem:$0x7E9] =	sst s21;
	s16 =	sadd.s32 s4, s6;
	s8 =	sadd.s32 s10, s0;
	v15 =	vmul.f32 v15, v12;
	v17 =	vmul.f32 v17, v17  }
0x57b: {  	s29 =	sld [smem:$0x7E5];
	v25 =	vmov s9;
	s9 =	sadd.s32 s14, s0;
	v30 =	vld.idx.msk [tilespmem:v23+s16+$0x0 ss:$0x1], $0xffff;
	s17 =	sadd.s32 s4, s8;
	v14 =	vmul.f32 $1.442695020e+00, v14;
	v18 =	vmul.f32 v18, v18  }
0x57c: {  	s24 =	sadd.s32 s4, s9;
	v31 =	vld.idx.msk [tilespmem:v24+s17+$0x0 ss:$0x1], $0xffff;
	s17 =	sand.u32 $0x200, s18;
	v15 =	vmul.f32 $1.442695020e+00, v15;
	v11 =	vmov s1;
	v17 =	vmul.f32 v17, v12  }
0x57d: {  	s26 =	rddreg [dreg:$0x1f];
	v33 =	vld.idx.msk [tilespmem:v26+s24+$0x0 ss:$0x1], $0xffff;
	s31 =	sadd.s32 s17, s6;
	(erf) = vpow2.f32 v14;
	v13 =	vsub.f32 v20, v13;
	v18 =	vmul.f32 v18, v12  }
0x57e: {  	s28 =	sld [smem:$0x7E4];
	s2 =	sadd.s32 s17, s8;
	v38 =	vld.idx.msk [tilespmem:v23+s31+$0x0 ss:$0x1], $0xffff;
	(erf) = vpow2.f32 v15;
	s5 =	sadd.s32 s29, s0;
	v16 =	vmov s3;
	v14 =	vmul.f32 $1.442695020e+00, v17  }
0x57f: {  	s30 =	sld [smem:$0x7E6];
	s21 =	sadd.s32 s26, s0;
	v41 =	vld.idx.msk [tilespmem:v24+s2+$0x0 ss:$0x1], $0xffff;
	s13 =	sadd.s32 s4, s5;
	v13 =	vmul.f32 v13, v13;
	v15 =	vmul.f32 $1.442695020e+00, v18  }
0x580: {  	s7 =	sadd.s32 s4, s21;
	v29 =	vld.idx.msk [tilespmem:v21+s13+$0x0 ss:$0x1], $0xffff;
	(erf) = vpow2.f32 v14  }
0x581: {  	s12 =	sld [smem:$0x7E9];
	s22 =	sadd.s32 s28, s0;
	s25 =	sadd.s32 s17, s21;
	v19 =	vld.idx.msk [tilespmem:v11+s7+$0x0 ss:$0x1], $0xffff;
	v14 =	vmul.f32 v13, v12;
	(erf) = vpow2.f32 v15  }
0x582: {  	s11 =	sadd.s32 s4, s22;
	s30 =	sadd.s32 s30, s0;
	v51 =	vld.idx.msk [tilespmem:v11+s25+$0x0 ss:$0x1], $0xffff  }
0x583: {  	s15 =	sadd.s32 s4, s30;
	v28 =	vld.idx.msk [tilespmem:v16+s11+$0x0 ss:$0x1], $0xffff;
	v12 =	vpop (erf);
	v17 =	vmul.f32 $1.442695020e+00, v14  }
0x584: {  	s10 =	sadd.s32 s17, s9;
	v20 =	vld.idx.msk [tilespmem:v22+s15+$0x0 ss:$0x1], $0xffff;
	s7 =	sadd.s32 s12, s0;
	v13 =	vpop (erf)  }
0x585: {  	v44 =	vld.idx.msk [tilespmem:v26+s10+$0x0 ss:$0x1], $0xffff;
	s23 =	sadd.s32 s4, s7;
	v14 =	vpop (erf)  }
0x586: {  	s26 =	sadd.s32 s17, s22;
	v32 =	vld.idx.msk [tilespmem:v25+s23+$0x0 ss:$0x1], $0xffff;
	(erf) = vpow2.f32 v17;
	v15 =	vpop (erf)  }
0x587: {  	s28 =	sadd.s32 s17, s5;
	v52 =	vld.idx.msk [tilespmem:v16+s26+$0x0 ss:$0x1], $0xffff;
	v53 =	vmul.f32 v19, v12;
	v17 =	vpop (erf)  }
0x588: {  	s29 =	sadd.s32 s17, s30;
	s3 =	simm.s32 $0x80;
	v36 =	vld.idx.msk [tilespmem:v21+s28+$0x0 ss:$0x1], $0xffff;
	s26 =	sadd.s32 $0x400, s21;
	v51 =	vmul.f32 v51, v12;
	v28 =	vmul.f32 v28, v13;
	v18 =	vpop (erf)  }
0x589: {  	v37 =	vld.idx.msk [tilespmem:v22+s29+$0x0 ss:$0x1], $0xffff;
	s28 =	sand.u32 $0x280, s3;
	s1 =	sadd.s32 s4, s26;
	s4 =	sadd.s32 s17, s7;
	v29 =	vmul.f32 v29, v14;
	v49 =	vmul.f32 v20, v15;
	v19 =	vpop (erf)  }
0x58a: {  	s14 =	sadd.s32 s28, s5;
	v50 =	vld.idx.msk [tilespmem:v25+s4+$0x0 ss:$0x1], $0xffff;
	v30 =	vmul.f32 v30, v17;
	v31 =	vmul.f32 v31, v18;
	v20 =	vpop (erf)  }
0x58b: {  	v34 =	vld.idx.msk [tilespmem:v21+s14+$0x0 ss:$0x1], $0xffff;
	v32 =	vmul.f32 v32, v19;
	v33 =	vmul.f32 v33, v20  }
0x58c: {  	s16 =	sadd.s32 s28, s6;
	v48 =	vld.idx.msk [tilespmem:v11+s1+$0x0 ss:$0x1], $0xffff;
	v52 =	vmul.f32 v52, v13;
	v28 =	vadd.f32 v28, v53;
	v29 =	vadd.f32 v49, v29  }
0x58d: {  	s13 =	sadd.s32 $0x80, s20;
	v47 =	vld.idx.msk [tilespmem:v23+s16+$0x0 ss:$0x1], $0xffff;
	s11 =	sadd.s32 s28, s21;
	v53 =	vmul.f32 v36, v14;
	v30 =	vadd.f32 v31, v30;
	v31 =	vadd.f32 v33, v32  }
0x58e: {  	vm0 =	vlt.s32 v27, s13;
	s12 =	sadd.s32 s28, s22;
	v39 =	vld.idx.msk [tilespmem:v11+s11+$0x0 ss:$0x1], $0xffff;
	v46 =	vmul.f32 v38, v17;
	v41 =	vmul.f32 v41, v18  }
0x58f: {  	s20 =	simm.s32 $0x100;
	s15 =	sadd.s32 s28, s30;
	v42 =	vld.idx.msk [tilespmem:v16+s12+$0x0 ss:$0x1], $0xffff;
	v50 =	vmul.f32 v50, v19;
	v29 =	vadd.f32 v29, v28;
	v27 =	vpop (erf);
	v30 =	vadd.f32 v31, v30  }
0x590: {  	s18 =	sadd.s32 s28, s8;
	v45 =	vld.idx.msk [tilespmem:v22+s15+$0x0 ss:$0x1], $0xffff;
	s0 =	sand.u32 $0x300, s20;
	v27 =	vnsel vm0, $0x0, v27;
	v33 =	vadd.f32 v52, v51;
	v51 =	vmul.f32 v44, v20  }
0x591: {  	s29 =	sadd.s32 s0, s22;
	v28 =	vld.idx.msk [tilespmem:v24+s18+$0x0 ss:$0x1], $0xffff;
	v48 =	vmul.f32 v48, v27;
	v31 =	vmul.f32 v37, v15;
	v49 =	vadd.f32 v30, v29  }
0x592: {  	s24 =	sadd.s32 s28, s9;
	s23 =	sadd.s32 s28, s7;
	v36 =	vadd.f32 v41, v46;
	v32 =	vld.idx.msk [tilespmem:v16+s29+$0x0 ss:$0x1], $0xffff;
	v52 =	vadd.f32 v51, v50  }
0x593: {  	s20 =	simm.s32 $0x600;
	s25 =	sadd.s32 s0, s21;
	s31 =	sadd.s32 s0, s5;
	v39 =	vmul.f32 v39, v12;
	v29 =	vld.idx.msk [tilespmem:v25+s23+$0x0 ss:$0x1], $0xffff;
	v35 =	vadd.f32 v31, v53;
	v38 =	vadd.f32 v49, v48  }
0x594: {  	s8 =	sadd.s32 s0, s8;
	s21 =	simm.s32 $0x0;
	s5 =	sadd.s32 s28, s26;
	v37 =	vmul.f32 v47, v17;
	v30 =	vld.idx.msk [tilespmem:v26+s24+$0x0 ss:$0x1], $0xffff;
	v53 =	vmul.f32 v42, v13  }
0x595: {  	s22 =	sadd.s32 s0, s26;
	s4 =	sadd.s32 s0, s6;
	s6 =	sadd.s32 s17, s26;
	v31 =	vld.idx.msk [tilespmem:v11+s25+$0x0 ss:$0x1], $0xffff;
	v33 =	vadd.f32 v35, v33;
	[tilespmem:s20+$0x80] =	vst v38;
	v38 =	vadd.f32 v52, v36  }
0x596: {  	s24 =	sadd.s32 s0, s30;
	s23 =	sadd.s32 s0, s7;
	s7 =	sadd.s32 s0, s9;
	v35 =	vld.idx.msk [tilespmem:v21+s31+$0x0 ss:$0x1], $0xffff;
	v36 =	vmul.f32 v34, v14;
	v34 =	vadd.f32 v53, v39;
	v39 =	vmul.f32 v45, v15  }
.LBB2_9:
0x597: {  	s21 =	sadd.s32 $0x4, s21;
	v45 =	vld.idx.msk [tilespmem:v22+s24+$0x0 ss:$0x1], $0xffff  }
0x598: {  	v46 =	vld.idx.msk [tilespmem:v23+s4+$0x0 ss:$0x1], $0xffff;
	s0 =	sshrl.u32 s21, $0x3  }
0x599: {  	v47 =	vld.idx.msk [tilespmem:v24+s8+$0x0 ss:$0x1], $0xffff;
	s1 =	rddreg [dreg:$0x1f];
	s0 =	smul.u32 $0x3000, s0  }
0x59a: {  	v48 =	vld.idx.msk [tilespmem:v25+s23+$0x0 ss:$0x1], $0xffff;
	s2 =	sld [smem:$0x7E4]  }
0x59b: {  	v49 =	vld.idx.msk [tilespmem:v26+s7+$0x0 ss:$0x1], $0xffff;
	s3 =	sld [smem:$0x7E5];
	s0 =	sshra.s32 s0, $0x2  }
0x59c: {  	v40 =	vld.idx.msk [tilespmem:v11+s6+$0x0 ss:$0x1], $0xffff;
	s19 =	sadd.s32 $0x200, s19;
	s17 =	sld [smem:$0x7E6];
	v28 =	vmul.f32 v28, v18;
	s0 =	sadd.s32 $0x18500, s0  }
0x59d: {  	v41 =	vld.idx.msk [tilespmem:v11+s5+$0x0 ss:$0x1], $0xffff;
	s24 =	sld [smem:$0x7E8];
	s7 =	sand.u32 $0x380, s19;
	v29 =	vmul.f32 v29, v19;
	v30 =	vmul.f32 v30, v20;
	s6 =	sadd.s32 s1, s0  }
0x59e: {  	v50 =	vld.idx.msk [tilespmem:v11+s22+$0x0 ss:$0x1], $0xffff;
	s25 =	sld [smem:$0x7E9];
	v36 =	vadd.f32 v39, v36;
	s8 =	sadd.s32 s2, s0;
	s23 =	sadd.s32 s7, s6  }
0x59f: {  	s26 =	sld [smem:$0x7EA];
	v31 =	vmul.f32 v31, v12;
	v28 =	vadd.f32 v28, v37;
	v29 =	vadd.f32 v30, v29;
	s5 =	sadd.s32 s3, s0;
	s9 =	sadd.s32 s7, s8;
	v39 =	vld.idx.msk [tilespmem:v11+s23+$0x0 ss:$0x1], $0xffff  }
0x5a0: {  	v33 =	vadd.f32 v38, v33;
	v35 =	vmul.f32 v35, v14;
	v51 =	vmul.f32 v47, v18;
	s4 =	sadd.s32 s17, s0;
	s17 =	sadd.s32 s24, s0;
	s10 =	sadd.s32 s7, s5;
	v52 =	vld.idx.msk [tilespmem:v16+s9+$0x0 ss:$0x1], $0xffff  }
0x5a1: {  	s18 =	sld [smem:$0x7E7];
	v30 =	vmul.f32 v32, v13;
	s22 =	sadd.s32 s25, s0;
	s31 =	sadd.s32 s7, s17;
	v28 =	vadd.f32 v29, v28;
	v29 =	vmul.f32 v45, v15;
	v44 =	vld.idx.msk [tilespmem:v21+s10+$0x0 ss:$0x1], $0xffff  }
0x5a2: {  	v34 =	vadd.f32 v36, v34;
	v32 =	vmul.f32 v49, v20;
	s26 =	sadd.s32 s26, s0;
	s12 =	sadd.s32 s7, s22;
	v45 =	vmul.f32 v40, v27;
	v47 =	vld.idx.msk [tilespmem:v24+s31+$0x0 ss:$0x1], $0xffff  }
0x5a3: {  	s13 =	sadd.s32 s7, s26;
	v30 =	vadd.f32 v30, v31;
	v31 =	vmul.f32 v46, v17;
	v49 =	vld.idx.msk [tilespmem:v25+s12+$0x0 ss:$0x1], $0xffff;
	v29 =	vadd.f32 v29, v35  }
0x5a4: {  	s11 =	sadd.s32 $0xFFFFFE80, s19;
	v53 =	vmul.f32 v48, v19;
	v48 =	vmul.f32 v50, v27;
	s28 =	sadd.s32 s7, s4;
	s9 =	sadd.s32 s18, s0;
	v50 =	vld.idx.msk [tilespmem:v26+s13+$0x0 ss:$0x1], $0xffff;
	v33 =	vadd.f32 v33, v45  }
0x5a5: {  	v41 =	vmul.f32 v41, v27;
	s29 =	sadd.s32 s7, s9;
	v29 =	vadd.f32 v29, v30;
	v30 =	vadd.f32 v51, v31;
	v31 =	vld.idx.msk [tilespmem:v22+s28+$0x0 ss:$0x1], $0xffff;
	s28 =	sand.u32 $0x200, s11  }
0x5a6: {  	v32 =	vadd.f32 v32, v53;
	v28 =	vadd.f32 v28, v34;
	v46 =	vld.idx.msk [tilespmem:v23+s29+$0x0 ss:$0x1], $0xffff;
	[tilespmem:s20+$0xFFFFFF00] =	vst v33;
	s14 =	sadd.s32 s28, s6  }
0x5a7: {  	s18 =	sadd.s32 s28, s4;
	v33 =	vld.idx.msk [tilespmem:v11+s14+$0x0 ss:$0x1], $0xffff  }
0x5a8: {  	v28 =	vadd.f32 v28, v41;
	s23 =	sadd.s32 s28, s9;
	v30 =	vadd.f32 v32, v30;
	v51 =	vld.idx.msk [tilespmem:v22+s18+$0x0 ss:$0x1], $0xffff  }
0x5a9: {  	s24 =	sadd.s32 s28, s17;
	v35 =	vmul.f32 v52, v13;
	v52 =	vld.idx.msk [tilespmem:v23+s23+$0x0 ss:$0x1], $0xffff  }
0x5aa: {  	s15 =	sadd.s32 s28, s8;
	[tilespmem:s20+$0xFFFFFF80] =	vst v28;
	v42 =	vld.idx.msk [tilespmem:v24+s24+$0x0 ss:$0x1], $0xffff;
	v28 =	vadd.f32 v30, v29  }
0x5ab: {  	s16 =	sadd.s32 s28, s5;
	v39 =	vmul.f32 v39, v12;
	v29 =	vld.idx.msk [tilespmem:v16+s15+$0x0 ss:$0x1], $0xffff  }
0x5ac: {  	s12 =	sadd.s32 s28, s22;
	v37 =	vmul.f32 v44, v14;
	v36 =	vmul.f32 v47, v18;
	v30 =	vld.idx.msk [tilespmem:v21+s16+$0x0 ss:$0x1], $0xffff;
	v28 =	vadd.f32 v28, v48  }
0x5ad: {  	s30 =	sadd.s32 $0xFFFFFF00, s19;
	s13 =	sadd.s32 s28, s26;
	v32 =	vmul.f32 v50, v20;
	v44 =	vld.idx.msk [tilespmem:v25+s12+$0x0 ss:$0x1], $0xffff;
	v40 =	vmul.f32 v46, v17;
	s16 =	sadd.s32 $0x400, s6  }
0x5ae: {  	s30 =	sand.u32 $0x280, s30;
	v45 =	vld.idx.msk [tilespmem:v26+s13+$0x0 ss:$0x1], $0xffff;
	v31 =	vmul.f32 v31, v15;
	s7 =	sadd.s32 s7, s16;
	[tilespmem:s20+$0x0] =	vst v28;
	v28 =	vmul.f32 v49, v19  }
0x5af: {  	s0 =	sadd.s32 s30, s6;
	v35 =	vadd.f32 v35, v39;
	v36 =	vadd.f32 v36, v40;
	v53 =	vld.idx.msk [tilespmem:v11+s7+$0x0 ss:$0x1], $0xffff;
	v33 =	vmul.f32 v33, v12  }
0x5b0: {  	s18 =	sadd.s32 s30, s4;
	v46 =	vld.idx.msk [tilespmem:v11+s0+$0x0 ss:$0x1], $0xffff;
	v31 =	vadd.f32 v31, v37;
	v34 =	vmul.f32 v51, v15;
	v28 =	vadd.f32 v32, v28  }
0x5b1: {  	s14 =	sadd.s32 s30, s8;
	v50 =	vld.idx.msk [tilespmem:v22+s18+$0x0 ss:$0x1], $0xffff;
	v29 =	vmul.f32 v29, v13;
	v30 =	vmul.f32 v30, v14  }
0x5b2: {  	s25 =	sadd.s32 s30, s9;
	v48 =	vld.idx.msk [tilespmem:v16+s14+$0x0 ss:$0x1], $0xffff;
	v31 =	vadd.f32 v31, v35;
	v28 =	vadd.f32 v28, v36  }
0x5b3: {  	s15 =	sadd.s32 s30, s5;
	v47 =	vmul.f32 v52, v17;
	v51 =	vld.idx.msk [tilespmem:v23+s25+$0x0 ss:$0x1], $0xffff;
	v29 =	vadd.f32 v29, v33;
	v30 =	vadd.f32 v34, v30  }
0x5b4: {  	s10 =	sadd.s32 $0xFFFFFF80, s19;
	s11 =	sadd.s32 s30, s22;
	v37 =	vmul.f32 v44, v19;
	v49 =	vld.idx.msk [tilespmem:v21+s15+$0x0 ss:$0x1], $0xffff;
	v38 =	vmul.f32 v53, v27;
	v28 =	vadd.f32 v28, v31  }
0x5b5: {  	p1 =	slt.u32 s21, $0x3C;
	s3 =	sadd.s32 s30, s17;
	s1 =	sand.u32 $0x300, s10;
	v32 =	vmul.f32 v45, v20;
	v33 =	vadd.f32 v30, v29;
	v29 =	vld.idx.msk [tilespmem:v25+s11+$0x0 ss:$0x1], $0xffff;
	v31 =	vmul.f32 v42, v18  }
.Ltmp5:
0x5b6: {  	s2 =	sadd.s32 s1, s6;
	v30 =	vadd.f32 v28, v38;
	v28 =	vld.idx.msk [tilespmem:v24+s3+$0x0 ss:$0x1], $0xffff;
	(pc) =	sbr.rel @p1 .LBB2_9-.Ltmp5, $4  }
0x5b7: {  	s31 =	sadd.s32 s30, s26;
	s29 =	sadd.s32 s1, s8;
	s20 =	sadd.s32 $0x200, s20;
	v32 =	vadd.f32 v32, v37;
	v35 =	vadd.f32 v31, v47;
	v31 =	vld.idx.msk [tilespmem:v11+s2+$0x0 ss:$0x1], $0xffff  }
0x5b8: {  	s10 =	sadd.s32 s1, s5;
	s24 =	sadd.s32 s1, s4;
	s4 =	sadd.s32 s1, s9;
	v52 =	vmul.f32 v46, v12;
	v53 =	vmul.f32 v48, v13;
	[tilespmem:s20+$0x80] =	vst v30;
	v30 =	vld.idx.msk [tilespmem:v26+s31+$0x0 ss:$0x1], $0xffff  }
0x5b9: {  	s8 =	sadd.s32 s1, s17;
	s23 =	sadd.s32 s1, s22;
	s6 =	sadd.s32 s28, s16;
	v39 =	vmul.f32 v50, v15;
	v38 =	vadd.f32 v32, v35;
	v32 =	vld.idx.msk [tilespmem:v16+s29+$0x0 ss:$0x1], $0xffff  }
0x5ba: {  	s5 =	sadd.s32 s30, s16;
	s22 =	sadd.s32 s1, s16;
	s7 =	sadd.s32 s1, s26;
	v37 =	vmul.f32 v51, v17;
	v36 =	vmul.f32 v49, v14;
	v34 =	vadd.f32 v53, v52;
	v35 =	vld.idx.msk [tilespmem:v21+s10+$0x0 ss:$0x1], $0xffff  }
0x5bb: {  	_ =	sdelay $0x3  }
0x5bc: {  	v16 =	vld.idx.msk [tilespmem:v22+s24+$0x0 ss:$0x1], $0xffff  }
0x5bd: {  	v21 =	vld.idx.msk [tilespmem:v23+s4+$0x0 ss:$0x1], $0xffff  }
0x5be: {  	v40 =	vld.idx.msk [tilespmem:v24+s8+$0x0 ss:$0x1], $0xffff  }
0x5bf: {  	v41 =	vld.idx.msk [tilespmem:v25+s23+$0x0 ss:$0x1], $0xffff  }
0x5c0: {  	v42 =	vmul.f32 v28, v18;
	v43 =	vld.idx.msk [tilespmem:v26+s7+$0x0 ss:$0x1], $0xffff  }
0x5c1: {  	v44 =	vmul.f32 v29, v19;
	v47 =	vmul.f32 v31, v12  }
0x5c2: {  	v46 =	vadd.f32 v38, v33;
	v45 =	vmul.f32 v30, v20;
	v48 =	vmul.f32 v32, v13  }
0x5c3: {  	v49 =	vadd.f32 v39, v36;
	v50 =	vmul.f32 v35, v14;
	v16 =	vmul.f32 v16, v15  }
0x5c4: {  	v51 =	vld.idx.msk [tilespmem:v11+s6+$0x0 ss:$0x1], $0xffff;
	v24 =	vadd.f32 v42, v37;
	v21 =	vmul.f32 v21, v17;
	v22 =	vmul.f32 v40, v18  }
0x5c5: {  	v52 =	vld.idx.msk [tilespmem:v11+s5+$0x0 ss:$0x1], $0xffff;
	v26 =	vadd.f32 v45, v44;
	v23 =	vmul.f32 v41, v19;
	v25 =	vmul.f32 v43, v20  }
0x5c6: {  	v53 =	vld.idx.msk [tilespmem:v11+s22+$0x0 ss:$0x1], $0xffff;
	v30 =	vadd.f32 v48, v47;
	v16 =	vadd.f32 v16, v50  }
0x5c7: {  	v21 =	vadd.f32 v22, v21;
	v31 =	vadd.f32 v25, v23  }
0x5c8: {  	v33 =	vadd.f32 v49, v34;
	v24 =	vadd.f32 v26, v24  }
0x5c9: {  	v34 =	vmul.f32 v51, v27;
	v16 =	vadd.f32 v16, v30;
	v21 =	vadd.f32 v31, v21  }
0x5ca: {  	v35 =	vmul.f32 v52, v27;
	v23 =	vadd.f32 v24, v33  }
0x5cb: {  	v11 =	vmul.f32 v53, v27;
	v22 =	vadd.f32 v46, v34;
	v16 =	vadd.f32 v21, v16  }
0x5cc: {  	v36 =	vadd.f32 v23, v35  }
0x5cd: {  	[tilespmem:s20+$0xFFFFFF00] =	vst v22;
	v11 =	vadd.f32 v16, v11  }
0x5ce: {  	[tilespmem:s20+$0xFFFFFF80] =	vst v36  }
0x5cf: {  	[tilespmem:s20+$0x0] =	vst v11  }
0x5d0: {  	v11 =	vld [tilespmem:$0x1FCC0]  }
0x5d1: {  	v37 =	vld [tilespmem:$0x1FCD0]  }
0x5d2: {  	v21 =	vld [tilespmem:$0x1FCE0]  }
0x5d3: {  	v22 =	vld [tilespmem:$0x1FCF0]  }
0x5d4: {  	v38 =	vld [tilespmem:$0x1FD00]  }
0x5d5: {  	v39 =	vld [tilespmem:$0x1FD10]  }
0x5d6: {  	v40 =	vld [tilespmem:$0x1FD20]  }
0x5d7: {  	v41 =	vld [tilespmem:$0x1FD30]  }
0x5d8: {  	v42 =	vld [tilespmem:$0x1FD40]  }
0x5d9: {  	v43 =	vld [tilespmem:$0x1FD50]  }
0x5da: {  	v44 =	vld [tilespmem:$0x1FD60]  }
0x5db: {  	v45 =	vld [tilespmem:$0x1FD70]  }
0x5dc: {  	v46 =	vld [tilespmem:$0x1FD80]  }
0x5dd: {  	v47 =	vld [tilespmem:$0x1FD90]  }
0x5de: {  	v48 =	vld [tilespmem:$0x1FDA0]  }
0x5df: {  	v49 =	vld [tilespmem:$0x1FDB0]  }
0x5e0: {  	v50 =	vld [tilespmem:$0x1FDC0]  }
0x5e1: {  	v51 =	vld [tilespmem:$0x1FDD0]  }
0x5e2: {  	v52 =	vld [tilespmem:$0x1FDE0]  }
0x5e3: {  	s0 =	simm.s32 $0x500;
	v53 =	vld [tilespmem:$0x1FDF0]  }
0x5e4: {  	v1 =	vld.idx.msk [tilespmem:v1+s0+$0x0], $0xffff  }
0x5e5: {  	v2 =	vld.idx.msk [tilespmem:v2+s0+$0x0], $0xffff  }
0x5e6: {  	v3 =	vld.idx.msk [tilespmem:v3+s0+$0x0], $0xffff  }
0x5e7: {  	v4 =	vld.idx.msk [tilespmem:v4+s0+$0x0], $0xffff  }
0x5e8: {  	v5 =	vld.idx.msk [tilespmem:v5+s0+$0x0], $0xffff  }
0x5e9: {  	v7 =	vld.idx.msk [tilespmem:v7+s0+$0x0], $0xffff  }
0x5ea: {  	v8 =	vld.idx.msk [tilespmem:v8+s0+$0x0], $0xffff  }
0x5eb: {  	v9 =	vld.idx.msk [tilespmem:v9+s0+$0x0], $0xffff  }
0x5ec: {  	v11 =	vld.idx.msk [tilespmem:v11+s0+$0x0], $0xffff  }
0x5ed: {  	v16 =	vld.idx.msk [tilespmem:v37+s0+$0x0], $0xffff  }
0x5ee: {  	v21 =	vld.idx.msk [tilespmem:v21+s0+$0x0], $0xffff  }
0x5ef: {  	v22 =	vld.idx.msk [tilespmem:v22+s0+$0x0], $0xffff  }
0x5f0: {  	v23 =	vld.idx.msk [tilespmem:v38+s0+$0x0], $0xffff  }
0x5f1: {  	v24 =	vld.idx.msk [tilespmem:v39+s0+$0x0], $0xffff  }
0x5f2: {  	v25 =	vld.idx.msk [tilespmem:v40+s0+$0x0], $0xffff  }
0x5f3: {  	v26 =	vld.idx.msk [tilespmem:v41+s0+$0x0], $0xffff  }
0x5f4: {  	v28 =	vld.idx.msk [tilespmem:v42+s0+$0x0], $0xffff  }
0x5f5: {  	v29 =	vld.idx.msk [tilespmem:v43+s0+$0x0], $0xffff  }
0x5f6: {  	v30 =	vld.idx.msk [tilespmem:v44+s0+$0x0], $0xffff  }
0x5f7: {  	v31 =	vld.idx.msk [tilespmem:v45+s0+$0x0], $0xffff  }
0x5f8: {  	v32 =	vld.idx.msk [tilespmem:v46+s0+$0x0], $0xffff  }
0x5f9: {  	v33 =	vld.idx.msk [tilespmem:v47+s0+$0x0], $0xffff  }
0x5fa: {  	v34 =	vld.idx.msk [tilespmem:v48+s0+$0x0], $0xffff  }
0x5fb: {  	v35 =	vld.idx.msk [tilespmem:v49+s0+$0x0], $0xffff  }
0x5fc: {  	v36 =	vld.idx.msk [tilespmem:v50+s0+$0x0], $0xffff  }
0x5fd: {  	v37 =	vld.idx.msk [tilespmem:v51+s0+$0x0], $0xffff  }
0x5fe: {  	v38 =	vld.idx.msk [tilespmem:v52+s0+$0x0], $0xffff  }
0x5ff: {  	v39 =	vld.idx.msk [tilespmem:v53+s0+$0x0], $0xffff  }
0x600: {  	v40 =	vld [tilespmem:$0x1FE00]  }
0x601: {  	v41 =	vld [tilespmem:$0x1FE10]  }
0x602: {  	v42 =	vld [tilespmem:$0x1FE20]  }
0x603: {  	v43 =	vld [tilespmem:$0x1FE30]  }
0x604: {  	v44 =	vld.idx.msk [tilespmem:v55+s0+$0x0], $0xffff  }
0x605: {  	v45 =	vld.idx.msk [tilespmem:v58+s0+$0x0], $0xffff  }
0x606: {  	v46 =	vld.idx.msk [tilespmem:v6+s0+$0x0], $0xffff  }
0x607: {  	v55 =	vadd.f32 v13, v12;
	v13 =	vld.idx.msk [tilespmem:v62+s0+$0x0], $0xffff  }
0x608: {  	v47 =	vld [tilespmem:$0x1FF80]  }
0x609: {  	v48 =	vld [tilespmem:$0x1FF90]  }
0x60a: {  	v49 =	vld [tilespmem:$0x1FFA0]  }
0x60b: {  	v50 =	vld [tilespmem:$0x1FFB0]  }
0x60c: {  	v51 =	vld [tilespmem:$0x1FFC0]  }
0x60d: {  	v52 =	vld [tilespmem:$0x1FFE0]  }
0x60e: {  	v58 =	vld [tilespmem:$0x1FFF0]  }
0x60f: {  	v53 =	vld [tilespmem:$0x1FE40]  }
0x610: {  	v62 =	vld [tilespmem:$0x1FE60]  }
0x611: {  	v12 =	vadd.f32 v55, v14;
	v14 =	vld.idx.msk [tilespmem:v63+s0+$0x0], $0xffff  }
0x612: {  	v55 =	vld [tilespmem:$0x1FE80]  }
0x613: {  	v12 =	vadd.f32 v12, v15;
	v15 =	vld.idx.msk [tilespmem:v59+s0+$0x0], $0xffff  }
0x614: {  	v59 =	vld [tilespmem:$0x1FE50]  }
0x615: {  	v12 =	vadd.f32 v12, v17;
	v17 =	vld.idx.msk [tilespmem:v60+s0+$0x0], $0xffff  }
0x616: {  	v40 =	vld.idx.msk [tilespmem:v40+s0+$0x0], $0xffff  }
0x617: {  	v41 =	vld.idx.msk [tilespmem:v41+s0+$0x0], $0xffff  }
0x618: {  	v42 =	vld.idx.msk [tilespmem:v42+s0+$0x0], $0xffff  }
0x619: {  	v43 =	vld.idx.msk [tilespmem:v43+s0+$0x0], $0xffff  }
0x61a: {  	v47 =	vld.idx.msk [tilespmem:v47+s0+$0x0], $0xffff  }
0x61b: {  	v48 =	vld.idx.msk [tilespmem:v48+s0+$0x0], $0xffff  }
0x61c: {  	v12 =	vadd.f32 v12, v18;
	v18 =	vld.idx.msk [tilespmem:v56+s0+$0x0], $0xffff  }
0x61d: {  	v56 =	vld [tilespmem:$0x1FFD0]  }
0x61e: {  	v49 =	vld.idx.msk [tilespmem:v49+s0+$0x0], $0xffff  }
0x61f: {  	v50 =	vld.idx.msk [tilespmem:v50+s0+$0x0], $0xffff  }
0x620: {  	v51 =	vld.idx.msk [tilespmem:v51+s0+$0x0], $0xffff  }
0x621: {  	v52 =	vld.idx.msk [tilespmem:v52+s0+$0x0], $0xffff;
	v12 =	vadd.f32 v12, v19  }
0x622: {  	v53 =	vld.idx.msk [tilespmem:v53+s0+$0x0], $0xffff  }
0x623: {  	v12 =	vadd.f32 v12, v20;
	v20 =	vld.idx.msk [tilespmem:v58+s0+$0x0], $0xffff  }
0x624: {  	v60 =	vadd.f32 v49, v48;
	v48 =	vld.idx.msk [tilespmem:v62+s0+$0x0], $0xffff  }
0x625: {  	v19 =	vld.idx.msk [tilespmem:v56+s0+$0x0], $0xffff  }
0x626: {  	v62 =	vld [tilespmem:$0x1FEB0]  }
0x627: {  	v46 =	vadd.f32 v47, v46;
	v12 =	vadd.f32 v12, v27;
	v27 =	vld.idx.msk [tilespmem:v59+s0+$0x0], $0xffff  }
0x628: {  	v2 =	vadd.f32 v3, v2;
	v59 =	vld [tilespmem:$0x1FE90]  }
0x629: {  	v58 =	vadd.f32 v25, v24;
	v24 =	vadd.f32 v60, v46;
	v60 =	vld [tilespmem:$0x1FEA0]  }
0x62a: {  	v16 =	vadd.f32 v21, v16;
	v19 =	vadd.f32 v52, v19;
	v52 =	vld [tilespmem:$0x1FE70]  }
0x62b: {  	v1 =	vadd.f32 v1, v45;
	v47 =	vld [tilespmem:$0x1FEC0];
	v56 =	vadd.f32 v23, v22  }
0x62c: {  	v13 =	vadd.f32 v14, v13;
	(xrf2) =	vadd.scan.msk.f32 $0xffff, v12;
	v11 =	vadd.f32 v11, v20;
	v20 =	vld.idx.msk [tilespmem:v55+s0+$0x0], $0xffff  }
0x62d: {  	v63 =	vadd.f32 v51, v50;
	v12 =	vadd.f32 v58, v56;
	v58 =	vld [tilespmem:$0x1FEE0]  }
0x62e: {  	v49 =	vadd.f32 v32, v31;
	v11 =	vadd.f32 v16, v11;
	v16 =	vld.idx.msk [tilespmem:v62+s0+$0x0], $0xffff  }
0x62f: {  	v55 =	vadd.f32 v36, v35;
	v56 =	vadd.f32 v38, v37;
	v62 =	vld [tilespmem:$0x1FEF0]  }
0x630: {  	v51 =	vadd.f32 v34, v33;
	v46 =	vadd.f32 v30, v29;
	v23 =	vld.idx.msk [tilespmem:v59+s0+$0x0], $0xffff  }
0x631: {  	v38 =	vadd.f32 v56, v55;
	v11 =	vadd.f32 v12, v11;
	v25 =	vld.idx.msk [tilespmem:v60+s0+$0x0], $0xffff  }
0x632: {  	v19 =	vadd.f32 v19, v63;
	v63 =	vadd.f32 v28, v26;
	v50 =	vld.idx.msk [tilespmem:v52+s0+$0x0], $0xffff  }
0x633: {  	v59 =	vadd.f32 v40, v39;
	v60 =	vadd.f32 v42, v41;
	v52 =	vld [tilespmem:$0x1FED0]  }
0x634: {  	v10 =	vld.idx.msk [tilespmem:v10+s0+$0x0], $0xffff;
	v21 =	vadd.f32 v46, v63;
	v63 =	vadd.f32 v51, v49  }
0x635: {  	v0 =	vld.idx.msk [tilespmem:v0+s0+$0x0], $0xffff;
	v39 =	vadd.f32 v60, v59;
	v19 =	vadd.f32 v19, v24  }
0x636: {  	v26 =	vld.idx.msk [tilespmem:v47+s0+$0x0], $0xffff;
	v46 =	vadd.f32 v44, v43;
	v49 =	vadd.f32 v17, v15;
	v47, _, _ =	vpop (xrf2)  }
0x637: {  	v40 =	vld.idx.msk [tilespmem:v61+s0+$0x0], $0xffff;
	v41 =	vadd.f32 v63, v21;
	v21 =	vadd.f32 $9.999999970e-07, v47  }
0x638: {  	v37 =	vld.idx.msk [tilespmem:v57+s0+$0x0], $0xffff;
	v51 =	vadd.f32 v53, v18;
	v60 =	vadd.f32 v5, v4  }
0x639: {  	v4 =	vadd.f32 v8, v7;
	v5 =	vadd.f32 v10, v9;
	v33 =	vld.idx.msk [tilespmem:v58+s0+$0x0], $0xffff;
	v53 =	vbroadcast v21, $0xF  }
0x63a: {  	v42 =	vadd.f32 v39, v38;
	v11 =	vadd.f32 v11, v19;
	v36 =	vld.idx.msk [tilespmem:v62+s0+$0x0], $0xffff  }
0x63b: {  	v1 =	vadd.f32 v1, v46;
	v13 =	vadd.f32 v49, v13;
	(erf) = vrcp.f32 v53;
	v30 =	vld.idx.msk [tilespmem:v52+s0+$0x0], $0xffff  }
0x63c: {  	v0 =	vadd.f32 v0, v40;
	v2 =	vadd.f32 v60, v2  }
0x63d: {  	v61 =	vadd.f32 v5, v4;
	v55 =	vadd.f32 v25, v23  }
0x63e: {  	v16 =	vadd.f32 v26, v16;
	v12 =	vadd.f32 v42, v41  }
0x63f: {  	v20 =	vadd.f32 v20, v50;
	v52 =	vadd.f32 v48, v27  }
0x640: {  	v59 =	vadd.f32 v37, v36;
	v58 =	vadd.f32 v33, v30  }
0x641: {  	v57 =	vadd.f32 v55, v20;
	v56 =	vadd.f32 v52, v51  }
0x642: {  	v0 =	vadd.f32 v0, v59;
	v7 =	vadd.f32 v58, v16  }
0x643: {  	v1 =	vadd.f32 v13, v1;
	v4 =	vadd.f32 v57, v56  }
0x644: {  	s31 =	sld [smem:$0x7EC];
	v2 =	vadd.f32 v61, v2;
	v62 =	vpop (erf);
	v0 =	vadd.f32 v0, v7  }
0x645: {  	v63 =	vmul.f32 v12, v62;
	v1 =	vadd.f32 v4, v1  }
.Ltmp6:
0x646: {  	v4 =	vmul.f32 v11, v62;
	v0 =	vadd.f32 v2, v0;
	(pc) =	sbr.rel @p0 .LBB2_12-.Ltmp6, $4  }
0x647: {  	[tilespmem:s31+$0x2690] =	vst v63;
	v1 =	vmul.f32 v1, v62  }
0x648: {  	[tilespmem:s31+$0x2680] =	vst v4;
	v0 =	vmul.f32 v0, v62  }
0x649: {  	[tilespmem:s31+$0x26A0] =	vst v1  }
0x64a: {  	[tilespmem:s31+$0x26B0] =	vst v0  }
0x64b: {  	s0 =	sld [smem:$0x7F0];
	_ =	sdelay $0x2  }
0x64c: {  	v0 =	vld [tilespmem:s0+$0x207];
	_ =	sdelay $0x4  }
0x64d: {  	(v2sf) =	vpush v0, $0x0;
	_ =	sdelay $0xe  }
0x64e: {  	s0 =	spop (v2sf)  }
0x64f: {  	p0 =	sne.s32 s0, $0xF4140  }
0x650: {  	s1 =	rddreg [dreg:$0x2];
	s0 =	sand.u32 @p0 $0xFFFFF80, s0  }
0x651: {  	s2 =	simm.s32 @p0 $0x18500;
	s0 =	sadd.s32 @p0 s1, s0;
	s1 =	simm.s32 @p0 $0x0  }
0x652: {  	[tilespmem:s2], [sflag:$0x4] =	stream.linear.gather @p0 [hbm4b:s0+s1], $0x800, $0x38;
	[tilespmem:$0x1E500] =	vst v63  }
0x653: {  	s3 =	simm.s32 @p0 $0x19100;
	s2 =	sadd.s32 @p0 $0xF4280, s0  }
0x654: {  	[tilespmem:s3], [sflag:$0x4] =	stream.linear.gather @p0 [hbm4b:s2+s1], $0x800, $0x38;
	[tilespmem:$0x1E500] =	vst v63  }
0x655: {  	s2 =	sadd.s32 @p0 $0x1E8500, s0;
	s3 =	simm.s32 @p0 $0x19D00  }
0x656: {  	[tilespmem:s3], [sflag:$0x4] =	stream.linear.gather @p0 [hbm4b:s2+s1], $0x800, $0x38;
	[tilespmem:$0x1E500] =	vst v63  }
0x657: {  	s2 =	sadd.s32 @p0 $0x2DC780, s0;
	s3 =	simm.s32 @p0 $0x1A900  }
0x658: {  	[tilespmem:s3], [sflag:$0x4] =	stream.linear.gather @p0 [hbm4b:s2+s1], $0x800, $0x38;
	[tilespmem:$0x1E500] =	vst v63  }
0x659: {  	s2 =	sadd.s32 @p0 $0x3D0A00, s0;
	s3 =	simm.s32 @p0 $0x1B500  }
0x65a: {  	[tilespmem:s3], [sflag:$0x4] =	stream.linear.gather @p0 [hbm4b:s2+s1], $0x800, $0x38;
	[tilespmem:$0x1E500] =	vst v63  }
0x65b: {  	s2 =	sadd.s32 @p0 $0x4C4C80, s0;
	s3 =	simm.s32 @p0 $0x1C100  }
0x65c: {  	[tilespmem:s3], [sflag:$0x4] =	stream.linear.gather @p0 [hbm4b:s2+s1], $0x800, $0x38;
	[tilespmem:$0x1E500] =	vst v63  }
0x65d: {  	s2 =	sadd.s32 @p0 $0x5B8F00, s0;
	s3 =	simm.s32 @p0 $0x1CD00  }
0x65e: {  	[tilespmem:s3], [sflag:$0x4] =	stream.linear.gather @p0 [hbm4b:s2+s1], $0x800, $0x38;
	[tilespmem:$0x1E500] =	vst v63  }
0x65f: {  	s1 =	simm.s32 @!p0 $0x0;
	s2 =	simm.s32 @!p0 $0x18500;
	s3 =	rddreg [dreg:$0x3]  }
0x660: {  	[tilespmem:s2], [sflag:$0x4] =	stream.linear.gather @!p0 [hbm4b:s3+s1], $0x800, $0x38;
	[tilespmem:$0x1E500] =	vst v63  }
0x661: {  	s3 =	sld [smem:$0x7F7];
	_ =	sdelay $0x1  }
0x662: {  	s2 =	simm.s32 @!p0 $0x19100  }
0x663: {  	[tilespmem:s2], [sflag:$0x4] =	stream.linear.gather @!p0 [hbm4b:s3+s1], $0x800, $0x38;
	[tilespmem:$0x1E500] =	vst v63  }
0x664: {  	s3 =	sld [smem:$0x7F8];
	_ =	sdelay $0x1  }
0x665: {  	s2 =	simm.s32 @!p0 $0x19D00  }
0x666: {  	[tilespmem:s2], [sflag:$0x4] =	stream.linear.gather @!p0 [hbm4b:s3+s1], $0x800, $0x38;
	[tilespmem:$0x1E500] =	vst v63  }
0x667: {  	s3 =	sld [smem:$0x7F9];
	_ =	sdelay $0x1  }
0x668: {  	s2 =	simm.s32 @!p0 $0x1A900  }
0x669: {  	[tilespmem:s2], [sflag:$0x4] =	stream.linear.gather @!p0 [hbm4b:s3+s1], $0x800, $0x38;
	[tilespmem:$0x1E500] =	vst v63  }
0x66a: {  	s3 =	sld [smem:$0x7FA];
	_ =	sdelay $0x1  }
0x66b: {  	s2 =	simm.s32 @!p0 $0x1B500  }
0x66c: {  	[tilespmem:s2], [sflag:$0x4] =	stream.linear.gather @!p0 [hbm4b:s3+s1], $0x800, $0x38;
	[tilespmem:$0x1E500] =	vst v63  }
0x66d: {  	s3 =	sld [smem:$0x7FB];
	_ =	sdelay $0x1  }
0x66e: {  	s2 =	simm.s32 @!p0 $0x1C100  }
0x66f: {  	[tilespmem:s2], [sflag:$0x4] =	stream.linear.gather @!p0 [hbm4b:s3+s1], $0x800, $0x38;
	[tilespmem:$0x1E500] =	vst v63  }
0x670: {  	s3 =	sld [smem:$0x7FC];
	_ =	sdelay $0x1  }
0x671: {  	s2 =	simm.s32 @!p0 $0x1CD00  }
0x672: {  	[tilespmem:s2], [sflag:$0x4] =	stream.linear.gather @!p0 [hbm4b:s3+s1], $0x800, $0x38;
	[tilespmem:$0x1E500] =	vst v63  }
0x673: {  	s1 =	sld [smem:$0x7FD]  }
.Ltmp7:
0x674: {  	_ = 	snop;
	(pc) =	sbr.rel .LBB2_2-.Ltmp7, $4  }
0x675: {  	s31 =	sld [smem:$0x7EF];
	s0 =	sadd.s32 @p0 $0x6AD180, s0  }
0x676: {  	s29 =	simm.s32 $0x0;
	s30 =	simm.s32 $0x1D900;
	s1 =	smov.u32 @p0 s0  }
0x677: {  	[tilespmem:s30], [sflag:$0x4] =	stream.linear.gather [hbm4b:s1+s29], $0x800, $0x38;
	[tilespmem:$0x1E500] =	vst v63  }
0x678: {  	s1 =	sadd.s32 $0x1, s31  }
.LBB2_13:
0x679: {  	_ =	sfence.sel $0x180000  }
0x67a: {  	[bflag:$0x0] =	sbarrier.arrive $0xFFFF  }
0x67b: {  	_ =	strace $0x90000047  }
0x67c: {  	s0 =	stileid.u32;
	[bflag:$0x2] =	sbarrier.arrive $0xFFFF  }
0x67d: {  	p0 =	sne.s32 s0, $0x0;
	s0 =	rddreg [dreg:$0x6]  }
0x67e: {  	s0 =	sadd.s32 @!p0 $0x100000, s0  }
0x67f: {  	[sflag:s0] =	ssyncadd.tile.s32 @!p0 $0x1;
	_ =	shalt  }
.Lfunc_end2:
_tile_overlayer_lowered:
.L_overlay_start_2:
0x680: {  	(tag) =	ssettag $0x2  }
0x681: {  	s0 =	rddreg [dreg:$0x0];
	s2 =	stileid.u32  }
0x682: {  	s1 =	rddreg [dreg:$0x1];
	p0 =	sne.s32 s2, $0x0  }
0x683: {  	s3 =	rddreg [dreg:$0x2];
	[bflag:$0x3] =	sbarrier.arrive $0xFFFF;
	s2 =	simm.s32 @!p0 $0x1C05  }
0x684: {  	[timem:s3], [sflag:s2] =	dma.local @!p0 [hbm:s0], s1  }
0x685: {  	s0 =	simm.s32 @!p0 $0x5  }
0x686: {  	_ =	swait.ge @!p0 [sflag:s0], s1  }
0x687: {  	s1 =	ssub.s32 @!p0 $0x0, s1;
	[sflag:s0] =	ssyncset.done @!p0 $0x0  }
0x688: {  	[sflag:s0] =	ssyncadd.s32 @!p0 s1  }
0x689: {  	[bflag:$0x3] =	sbarrier.arrive $0xFFFF  }
0x68a: {  	_ =	shalt  }

</sc_bundles>
